<compile_context>
chip_gen: v7x
topology: tpu7x:2x2x1
jax: 0.10.2.dev20260603
libtpu: 0.0.44.dev20260713+nightly
codegen_flags: <defaults>
</compile_context>

<pallas_src>
import functools

import jax
import jax.numpy as jnp
from jax import lax
from jax.experimental import pallas as pl
from jax.experimental.pallas import tpu as pltpu
from jax.experimental.pallas import tpu_sc as plsc

NUM_CLASS = 100000
BATCH = 1024
CTX_DIM = 512
N_CLS_CTX = 4
PREFIX_LEN = 5
SUFFIX_LEN = 68
CLIP_LEN = 77
MID_START = PREFIX_LEN
SUF_START = PREFIX_LEN + N_CLS_CTX

NC, NS = 2, 16
NW = NC * NS
BPW = BATCH // NW
CHUNK = 16
LANES = 16
NKC = CTX_DIM // LANES

_mesh = plsc.VectorSubcoreMesh(core_axis_name="c", subcore_axis_name="s")


@functools.partial(
    pl.kernel,
    mesh=_mesh,
    out_type=jax.ShapeDtypeStruct((N_CLS_CTX, BATCH, CTX_DIM), jnp.float32),
    scratch_types=[
        pltpu.VMEM((BPW,), jnp.int32),
        pltpu.VMEM((CHUNK, N_CLS_CTX, CTX_DIM), jnp.float32),
        pltpu.VMEM((N_CLS_CTX, CHUNK, CTX_DIM), jnp.float32),
        pltpu.VMEM((N_CLS_CTX, CHUNK, CTX_DIM), jnp.float32),
        pltpu.SemaphoreType.DMA,
        pltpu.SemaphoreType.DMA,
    ],
    compiler_params=pltpu.CompilerParams(use_tc_tiling_on_sc=True),
)
def _sc_gather_t(label_hbm, table_hbm, out_hbm, idx_v, rows_v,
                 mid_a, mid_b, gsem, msem):
    wid = lax.axis_index("s") * NC + lax.axis_index("c")
    base = wid * BPW
    pltpu.sync_copy(label_hbm.at[pl.ds(base, BPW)], idx_v)
    mids = (mid_a, mid_b)
    for c in range(BPW // CHUNK):
        pltpu.async_copy(
            table_hbm.at[idx_v.at[pl.ds(c * CHUNK, CHUNK)]], rows_v,
            gsem).wait()
        midp = mids[c]

        def transpose_row(j, _, _midp=midp):
            for m in range(N_CLS_CTX):
                for k in range(NKC):
                    sl = pl.ds(k * LANES, LANES)
                    _midp[m, j, sl] = rows_v[j, m, sl]
            return ()
        lax.fori_loop(0, CHUNK, transpose_row, ())

        for m in range(N_CLS_CTX):
            pltpu.async_copy(
                midp.at[m], out_hbm.at[m, pl.ds(base + c * CHUNK, CHUNK)],
                msem)
    for c in range(BPW // CHUNK):
        for m in range(N_CLS_CTX):
            pltpu.make_async_copy(
                mids[c].at[m], out_hbm.at[m, pl.ds(base, CHUNK)], msem).wait()


N_BCAST = CLIP_LEN - N_CLS_CTX


TPB = 7


def _tc_broadcast_body(tok_ref, o_ref):
    o_ref[...] = jnp.broadcast_to(tok_ref[...], (TPB, BATCH, CTX_DIM))


def _tc_broadcast(token_prefix, token_suffix):
    tokvec = jnp.concatenate(
        [token_prefix[0],
         jnp.broadcast_to(token_prefix[0, :N_CLS_CTX], (N_CLS_CTX, CTX_DIM)),
         token_suffix[0]], axis=0).reshape(CLIP_LEN, 1, CTX_DIM)
    return pl.pallas_call(
        _tc_broadcast_body,
        grid=(CLIP_LEN // TPB,),
        in_specs=[pl.BlockSpec((TPB, 1, CTX_DIM), lambda t: (t, 0, 0))],
        out_specs=pl.BlockSpec((TPB, BATCH, CTX_DIM), lambda t: (t, 0, 0)),
        out_shape=jax.ShapeDtypeStruct((CLIP_LEN, BATCH, CTX_DIM), jnp.float32),
    )(tokvec)


def _tc_splice_body(g_ref, bc_ref, o_ref):
    del bc_ref
    o_ref[0] = g_ref[0]


def _tc_splice(gathered_t, bc):
    return pl.pallas_call(
        _tc_splice_body,
        grid=(N_CLS_CTX,),
        in_specs=[
            pl.BlockSpec((1, BATCH, CTX_DIM), lambda m: (m, 0, 0)),
            pl.BlockSpec(memory_space=pl.ANY),
        ],
        out_specs=pl.BlockSpec((1, BATCH, CTX_DIM),
                               lambda m: (m + MID_START, 0, 0)),
        out_shape=jax.ShapeDtypeStruct((CLIP_LEN, BATCH, CTX_DIM), jnp.float32),
        input_output_aliases={1: 0},
    )(gathered_t, bc)


def kernel(label, cls_ctx, token_prefix, token_suffix):
    gathered_t = _sc_gather_t(label.astype(jnp.int32), cls_ctx)
    bc = _tc_broadcast(token_prefix, token_suffix)
    out = _tc_splice(gathered_t, bc)
    return out.transpose(1, 0, 2)

# --- scband reference (transcript-rebuilt; emitter-appended) ---
"""Pipeline reference for scband-prompt-learner-55336358642784 (READ-ONLY COPY).

The authoritative reference and input builder live on the scoring server;
editing this copy changes nothing except your own understanding.
"""

import jax, jax.numpy as jnp
import numpy as np

NUM_CLASS = 100000
BATCH = 1024
CTX_DIM = 512
N_CTX = 4
N_CLS_CTX = 4
CLIP_LEN = 77
PREFIX_LEN = N_CTX + 1          # 5
SUFFIX_LEN = CLIP_LEN - (N_CTX + 1 + N_CLS_CTX)  # 68


def setup_inputs(seed: int = 0) -> dict:
    key = jax.random.key(seed)
    k1, k2, k3, k4 = jax.random.split(key, 4)
    label = jax.random.randint(k1, (BATCH,), 0, NUM_CLASS, dtype=jnp.int64 if jax.config.jax_enable_x64 else jnp.int32)
    # learned class-specific context vectors (nn.Parameter, init normal std=0.02)
    cls_ctx = 0.02 * jax.random.normal(k2, (NUM_CLASS, N_CLS_CTX, CTX_DIM), dtype=jnp.float32)
    # frozen token-embedding slices registered as buffers (prefix / suffix of the tokenized prompt)
    token_prefix = 0.02 * jax.random.normal(k3, (1, PREFIX_LEN, CTX_DIM), dtype=jnp.float32)
    token_suffix = 0.02 * jax.random.normal(k4, (1, SUFFIX_LEN, CTX_DIM), dtype=jnp.float32)
    return {"label": label, "cls_ctx": cls_ctx, "token_prefix": token_prefix, "token_suffix": token_suffix}


def reference(label, cls_ctx, token_prefix, token_suffix):
    # cls_ctx = self.cls_ctx[label]
    gathered = jnp.take(cls_ctx, label, axis=0)            # [B, n_cls_ctx, ctx_dim]
    b = label.shape[0]
    prefix = jnp.broadcast_to(token_prefix, (b, token_prefix.shape[1], token_prefix.shape[2]))
    suffix = jnp.broadcast_to(token_suffix, (b, token_suffix.shape[1], token_suffix.shape[2]))
    prompts = jnp.concatenate([prefix, gathered, suffix], axis=1)  # [B, 77, ctx_dim]
    return prompts

if __name__ == "__main__":
    import jax
    _d = setup_inputs()
    print(jax.jit(kernel)(*tuple(_d.values())))

</pallas_src>

<mosaic_0001>
#map = affine_map<(d0, d1) -> (0)>
#map1 = affine_map<(d0, d1) -> (0, 0, 0)>
module attributes {stable_mosaic.version = 14 : i64} {
  func.func @_sc_gather_t(%arg0: i32, %arg1: i32, %arg2: memref<1024xi32, #tpu.memory_space<hbm>>, %arg3: memref<100000x4x512xf32, #tpu.memory_space<hbm>>, %arg4: memref<4x1024x512xf32, #tpu.memory_space<hbm>>, %arg5: memref<32xi32, #tpu.memory_space<vmem>>, %arg6: memref<16x4x512xf32, #tpu.memory_space<vmem>>, %arg7: memref<4x16x512xf32, #tpu.memory_space<vmem>>, %arg8: memref<4x16x512xf32, #tpu.memory_space<vmem>>, %arg9: memref<!tpu.dma_semaphore, #tpu.memory_space<semaphore_mem>>, %arg10: memref<!tpu.dma_semaphore, #tpu.memory_space<semaphore_mem>>) attributes {dimension_semantics = [#tpu.dimension_semantics<core_parallel>, #tpu.dimension_semantics<subcore_parallel>], iteration_bounds = array<i64: 2, 16>, scalar_prefetch = 0 : i64, scratch_operands = 6 : i64, tpu.core_type = #tpu.core_type<sc_vector_subcore>, window_params = [{transform_indices = #map}, {transform_indices = #map1}, {transform_indices = #map1}]} {
    %mul3A = arith.constant 2 : i32
    %mul3A_0 = arith.muli %arg1, %mul3A : i32
    %add3A = arith.addi %mul3A_0, %arg0 : i32
    %mul3A_1 = arith.constant 32 : i32
    %mul3A_2 = arith.muli %add3A, %mul3A_1 : i32
    "tpu.region"() ({
      %run_scoped3A = tpu.sem_alloc : memref<!tpu.dma_semaphore, #tpu.memory_space<semaphore_mem>>
      %dma_start3A_306 = tpu.memref_slice %arg2[%mul3A_2] : memref<1024xi32, #tpu.memory_space<hbm>> -> memref<32xi32, #tpu.memory_space<hbm>>
      %dma_start3A_307 = tpu.memref_slice %arg2[%mul3A_2] : memref<1024xi32, #tpu.memory_space<hbm>> -> memref<32xi32, #tpu.memory_space<hbm>>
      tpu.enqueue_dma source(%dma_start3A_307 : memref<32xi32, #tpu.memory_space<hbm>>) target(%arg5 : memref<32xi32, #tpu.memory_space<vmem>>) target_semaphore(%run_scoped3A : memref<!tpu.dma_semaphore, #tpu.memory_space<semaphore_mem>>)
      %dma_wait3A_308 = tpu.memref_slice %arg2[%mul3A_2] : memref<1024xi32, #tpu.memory_space<hbm>> -> memref<32xi32, #tpu.memory_space<hbm>>
      %dma_wait3A_309 = tpu.memref_slice %arg2[%mul3A_2] : memref<1024xi32, #tpu.memory_space<hbm>> -> memref<32xi32, #tpu.memory_space<hbm>>
      tpu.wait_dma2 semaphore(%run_scoped3A : memref<!tpu.dma_semaphore, #tpu.memory_space<semaphore_mem>>) src(%dma_wait3A_309 : memref<32xi32, #tpu.memory_space<hbm>>) dst(%arg5 : memref<32xi32, #tpu.memory_space<vmem>>)
      tpu.yield
    }) : () -> ()
    %dma_start3A = arith.constant 0 : i32
    %dma_start3A_3 = tpu.memref_slice %arg5[%dma_start3A] : memref<32xi32, #tpu.memory_space<vmem>> -> memref<16xi32, #tpu.memory_space<vmem>>
    %dma_start3A_4 = arith.constant 0 : i32
    %dma_start3A_5 = arith.constant 0 : i32
    %dma_start3A_6 = arith.constant 0 : i32
    %dma_start3A_7 = tpu.memref_slice %arg3[%dma_start3A_4, %dma_start3A_5, %dma_start3A_6] : memref<100000x4x512xf32, #tpu.memory_space<hbm>> -> memref<100000x4x512xf32, #tpu.memory_space<hbm>>
    tpu.enqueue_indirect_dma source(%dma_start3A_7 : memref<100000x4x512xf32, #tpu.memory_space<hbm>>) target(%arg6 : memref<16x4x512xf32, #tpu.memory_space<vmem>>) offsets(%dma_start3A_3 : memref<16xi32, #tpu.memory_space<vmem>>) semaphore(%arg9 : memref<!tpu.dma_semaphore, #tpu.memory_space<semaphore_mem>>)
    %dma_wait3A = arith.constant 0 : i32
    %dma_wait3A_8 = tpu.memref_slice %arg5[%dma_wait3A] : memref<32xi32, #tpu.memory_space<vmem>> -> memref<16xi32, #tpu.memory_space<vmem>>
    %dma_wait3A_9 = arith.constant 0 : i32
    %dma_wait3A_10 = arith.constant 0 : i32
    %dma_wait3A_11 = arith.constant 0 : i32
    %dma_wait3A_12 = tpu.memref_slice %arg3[%dma_wait3A_9, %dma_wait3A_10, %dma_wait3A_11] : memref<100000x4x512xf32, #tpu.memory_space<hbm>> -> memref<100000x4x512xf32, #tpu.memory_space<hbm>>
    tpu.wait_indirect_dma semaphore(%arg9 : memref<!tpu.dma_semaphore, #tpu.memory_space<semaphore_mem>>) src(%dma_wait3A_12 : memref<100000x4x512xf32, #tpu.memory_space<hbm>>) dst(%arg6 : memref<16x4x512xf32, #tpu.memory_space<vmem>>)
    %scan3A = arith.constant 0 : i32
    %scan3A_13 = arith.constant 16 : i32
    %scan3A_14 = arith.addi %scan3A, %scan3A_13 : i32
    %scan3A_15 = arith.constant 1 : i32
    scf.for %scan3A_306 = %scan3A to %scan3A_14 step %scan3A_15  : i32 {
      %get3A = arith.constant 0 : i32
      %get3A_307 = arith.index_cast %scan3A_306 : i32 to index
      %get3A_308 = arith.index_cast %get3A : i32 to index
      %get3A_309 = arith.constant 0 : index
      %get3A_310 = tpu.vector_load %arg6[%get3A_307, %get3A_308, %get3A_309] {strides = array<i32>} : memref<16x4x512xf32, #tpu.memory_space<vmem>>, vector<1x1x16xf32>,
      %get3A_311 = vector.shape_cast %get3A_310 : vector<1x1x16xf32> to vector<16xf32>
      %swap3A = arith.constant 0 : i32
      %swap3A_312 = arith.index_cast %swap3A : i32 to index
      %swap3A_313 = arith.index_cast %scan3A_306 : i32 to index
      %swap3A_314 = arith.constant 0 : index
      %swap3A_315 = tpu.vector_load %arg7[%swap3A_312, %swap3A_313, %swap3A_314] {strides = array<i32>} : memref<4x16x512xf32, #tpu.memory_space<vmem>>, vector<1x1x16xf32>,
      %swap3A_316 = vector.shape_cast %swap3A_315 : vector<1x1x16xf32> to vector<16xf32>
      %swap3A_317 = vector.shape_cast %get3A_311 : vector<16xf32> to vector<1x1x16xf32>
      tpu.vector_store %arg7[%swap3A_312, %swap3A_313, %swap3A_314], %swap3A_317 {strides = array<i32>} : memref<4x16x512xf32, #tpu.memory_space<vmem>>, vector<1x1x16xf32>,
      %get3A_318 = arith.constant 0 : i32
      %get3A_319 = arith.index_cast %scan3A_306 : i32 to index
      %get3A_320 = arith.index_cast %get3A_318 : i32 to index
      %get3A_321 = arith.constant 16 : index
      %get3A_322 = tpu.vector_load %arg6[%get3A_319, %get3A_320, %get3A_321] {strides = array<i32>} : memref<16x4x512xf32, #tpu.memory_space<vmem>>, vector<1x1x16xf32>,
      %get3A_323 = vector.shape_cast %get3A_322 : vector<1x1x16xf32> to vector<16xf32>
      %swap3A_324 = arith.constant 0 : i32
      %swap3A_325 = arith.index_cast %swap3A_324 : i32 to index
      %swap3A_326 = arith.index_cast %scan3A_306 : i32 to index
      %swap3A_327 = arith.constant 16 : index
      %swap3A_328 = tpu.vector_load %arg7[%swap3A_325, %swap3A_326, %swap3A_327] {strides = array<i32>} : memref<4x16x512xf32, #tpu.memory_space<vmem>>, vector<1x1x16xf32>,
      %swap3A_329 = vector.shape_cast %swap3A_328 : vector<1x1x16xf32> to vector<16xf32>
      %swap3A_330 = vector.shape_cast %get3A_323 : vector<16xf32> to vector<1x1x16xf32>
      tpu.vector_store %arg7[%swap3A_325, %swap3A_326, %swap3A_327], %swap3A_330 {strides = array<i32>} : memref<4x16x512xf32, #tpu.memory_space<vmem>>, vector<1x1x16xf32>,
      %get3A_331 = arith.constant 0 : i32
      %get3A_332 = arith.index_cast %scan3A_306 : i32 to index
      %get3A_333 = arith.index_cast %get3A_331 : i32 to index
      %get3A_334 = arith.constant 32 : index
      %get3A_335 = tpu.vector_load %arg6[%get3A_332, %get3A_333, %get3A_334] {strides = array<i32>} : memref<16x4x512xf32, #tpu.memory_space<vmem>>, vector<1x1x16xf32>,
      %get3A_336 = vector.shape_cast %get3A_335 : vector<1x1x16xf32> to vector<16xf32>
      %swap3A_337 = arith.constant 0 : i32
      %swap3A_338 = arith.index_cast %swap3A_337 : i32 to index
      %swap3A_339 = arith.index_cast %scan3A_306 : i32 to index
      %swap3A_340 = arith.constant 32 : index
      %swap3A_341 = tpu.vector_load %arg7[%swap3A_338, %swap3A_339, %swap3A_340] {strides = array<i32>} : memref<4x16x512xf32, #tpu.memory_space<vmem>>, vector<1x1x16xf32>,
      %swap3A_342 = vector.shape_cast %swap3A_341 : vector<1x1x16xf32> to vector<16xf32>
      %swap3A_343 = vector.shape_cast %get3A_336 : vector<16xf32> to vector<1x1x16xf32>
      tpu.vector_store %arg7[%swap3A_338, %swap3A_339, %swap3A_340], %swap3A_343 {strides = array<i32>} : memref<4x16x512xf32, #tpu.memory_space<vmem>>, vector<1x1x16xf32>,
      %get3A_344 = arith.constant 0 : i32
      %get3A_345 = arith.index_cast %scan3A_306 : i32 to index
      %get3A_346 = arith.index_cast %get3A_344 : i32 to index
      %get3A_347 = arith.constant 48 : index
      %get3A_348 = tpu.vector_load %arg6[%get3A_345, %get3A_346, %get3A_347] {strides = array<i32>} : memref<16x4x512xf32, #tpu.memory_space<vmem>>, vector<1x1x16xf32>,
      %get3A_349 = vector.shape_cast %get3A_348 : vector<1x1x16xf32> to vector<16xf32>
      %swap3A_350 = arith.constant 0 : i32
      %swap3A_351 = arith.index_cast %swap3A_350 : i32 to index
      %swap3A_352 = arith.index_cast %scan3A_306 : i32 to index
      %swap3A_353 = arith.constant 48 : index
      %swap3A_354 = tpu.vector_load %arg7[%swap3A_351, %swap3A_352, %swap3A_353] {strides = array<i32>} : memref<4x16x512xf32, #tpu.memory_space<vmem>>, vector<1x1x16xf32>,
      %swap3A_355 = vector.shape_cast %swap3A_354 : vector<1x1x16xf32> to vector<16xf32>
      %swap3A_356 = vector.shape_cast %get3A_349 : vector<16xf32> to vector<1x1x16xf32>
      tpu.vector_store %arg7[%swap3A_351, %swap3A_352, %swap3A_353], %swap3A_356 {strides = array<i32>} : memref<4x16x512xf32, #tpu.memory_space<vmem>>, vector<1x1x16xf32>,
      %get3A_357 = arith.constant 0 : i32
      %get3A_358 = arith.index_cast %scan3A_306 : i32 to index
      %get3A_359 = arith.index_cast %get3A_357 : i32 to index
      %get3A_360 = arith.constant 64 : index
      %get3A_361 = tpu.vector_load %arg6[%get3A_358, %get3A_359, %get3A_360] {strides = array<i32>} : memref<16x4x512xf32, #tpu.memory_space<vmem>>, vector<1x1x16xf32>,
      %get3A_362 = vector.shape_cast %get3A_361 : vector<1x1x16xf32> to vector<16xf32>
      %swap3A_363 = arith.constant 0 : i32
      %swap3A_364 = arith.index_cast %swap3A_363 : i32 to index
      %swap3A_365 = arith.index_cast %scan3A_306 : i32 to index
      %swap3A_366 = arith.constant 64 : index
      %swap3A_367 = tpu.vector_load %arg7[%swap3A_364, %swap3A_365, %swap3A_366] {strides = array<i32>} : memref<4x16x512xf32, #tpu.memory_space<vmem>>, vector<1x1x16xf32>,
      %swap3A_368 = vector.shape_cast %swap3A_367 : vector<1x1x16xf32> to vector<16xf32>
      %swap3A_369 = vector.shape_cast %get3A_362 : vector<16xf32> to vector<1x1x16xf32>
      tpu.vector_store %arg7[%swap3A_364, %swap3A_365, %swap3A_366], %swap3A_369 {strides = array<i32>} : memref<4x16x512xf32, #tpu.memory_space<vmem>>, vector<1x1x16xf32>,
      %get3A_370 = arith.constant 0 : i32
      %get3A_371 = arith.index_cast %scan3A_306 : i32 to index
      %get3A_372 = arith.index_cast %get3A_370 : i32 to index
      %get3A_373 = arith.constant 80 : index
      %get3A_374 = tpu.vector_load %arg6[%get3A_371, %get3A_372, %get3A_373] {strides = array<i32>} : memref<16x4x512xf32, #tpu.memory_space<vmem>>, vector<1x1x16xf32>,
      %get3A_375 = vector.shape_cast %get3A_374 : vector<1x1x16xf32> to vector<16xf32>
      %swap3A_376 = arith.constant 0 : i32
      %swap3A_377 = arith.index_cast %swap3A_376 : i32 to index
      %swap3A_378 = arith.index_cast %scan3A_306 : i32 to index
      %swap3A_379 = arith.constant 80 : index
      %swap3A_380 = tpu.vector_load %arg7[%swap3A_377, %swap3A_378, %swap3A_379] {strides = array<i32>} : memref<4x16x512xf32, #tpu.memory_space<vmem>>, vector<1x1x16xf32>,
      %swap3A_381 = vector.shape_cast %swap3A_380 : vector<1x1x16xf32> to vector<16xf32>
      %swap3A_382 = vector.shape_cast %get3A_375 : vector<16xf32> to vector<1x1x16xf32>
      tpu.vector_store %arg7[%swap3A_377, %swap3A_378, %swap3A_379], %swap3A_382 {strides = array<i32>} : memref<4x16x512xf32, #tpu.memory_space<vmem>>, vector<1x1x16xf32>,
      %get3A_383 = arith.constant 0 : i32
      %get3A_384 = arith.index_cast %scan3A_306 : i32 to index
      %get3A_385 = arith.index_cast %get3A_383 : i32 to index
      %get3A_386 = arith.constant 96 : index
      %get3A_387 = tpu.vector_load %arg6[%get3A_384, %get3A_385, %get3A_386] {strides = array<i32>} : memref<16x4x512xf32, #tpu.memory_space<vmem>>, vector<1x1x16xf32>,
      %get3A_388 = vector.shape_cast %get3A_387 : vector<1x1x16xf32> to vector<16xf32>
      %swap3A_389 = arith.constant 0 : i32
      %swap3A_390 = arith.index_cast %swap3A_389 : i32 to index
      %swap3A_391 = arith.index_cast %scan3A_306 : i32 to index
      %swap3A_392 = arith.constant 96 : index
      %swap3A_393 = tpu.vector_load %arg7[%swap3A_390, %swap3A_391, %swap3A_392] {strides = array<i32>} : memref<4x16x512xf32, #tpu.memory_space<vmem>>, vector<1x1x16xf32>,
      %swap3A_394 = vector.shape_cast %swap3A_393 : vector<1x1x16xf32> to vector<16xf32>
      %swap3A_395 = vector.shape_cast %get3A_388 : vector<16xf32> to vector<1x1x16xf32>
      tpu.vector_store %arg7[%swap3A_390, %swap3A_391, %swap3A_392], %swap3A_395 {strides = array<i32>} : memref<4x16x512xf32, #tpu.memory_space<vmem>>, vector<1x1x16xf32>,
      %get3A_396 = arith.constant 0 : i32
      %get3A_397 = arith.index_cast %scan3A_306 : i32 to index
      %get3A_398 = arith.index_cast %get3A_396 : i32 to index
      %get3A_399 = arith.constant 112 : index
      %get3A_400 = tpu.vector_load %arg6[%get3A_397, %get3A_398, %get3A_399] {strides = array<i32>} : memref<16x4x512xf32, #tpu.memory_space<vmem>>, vector<1x1x16xf32>,
      %get3A_401 = vector.shape_cast %get3A_400 : vector<1x1x16xf32> to vector<16xf32>
      %swap3A_402 = arith.constant 0 : i32
      %swap3A_403 = arith.index_cast %swap3A_402 : i32 to index
      %swap3A_404 = arith.index_cast %scan3A_306 : i32 to index
      %swap3A_405 = arith.constant 112 : index
      %swap3A_406 = tpu.vector_load %arg7[%swap3A_403, %swap3A_404, %swap3A_405] {strides = array<i32>} : memref<4x16x512xf32, #tpu.memory_space<vmem>>, vector<1x1x16xf32>,
      %swap3A_407 = vector.shape_cast %swap3A_406 : vector<1x1x16xf32> to vector<16xf32>
      %swap3A_408 = vector.shape_cast %get3A_401 : vector<16xf32> to vector<1x1x16xf32>
      tpu.vector_store %arg7[%swap3A_403, %swap3A_404, %swap3A_405], %swap3A_408 {strides = array<i32>} : memref<4x16x512xf32, #tpu.memory_space<vmem>>, vector<1x1x16xf32>,
      %get3A_409 = arith.constant 0 : i32
      %get3A_410 = arith.index_cast %scan3A_306 : i32 to index
      %get3A_411 = arith.index_cast %get3A_409 : i32 to index
      %get3A_412 = arith.constant 128 : index
      %get3A_413 = tpu.vector_load %arg6[%get3A_410, %get3A_411, %get3A_412] {strides = array<i32>} : memref<16x4x512xf32, #tpu.memory_space<vmem>>, vector<1x1x16xf32>,
      %get3A_414 = vector.shape_cast %get3A_413 : vector<1x1x16xf32> to vector<16xf32>
      %swap3A_415 = arith.constant 0 : i32
      %swap3A_416 = arith.index_cast %swap3A_415 : i32 to index
      %swap3A_417 = arith.index_cast %scan3A_306 : i32 to index
      %swap3A_418 = arith.constant 128 : index
      %swap3A_419 = tpu.vector_load %arg7[%swap3A_416, %swap3A_417, %swap3A_418] {strides = array<i32>} : memref<4x16x512xf32, #tpu.memory_space<vmem>>, vector<1x1x16xf32>,
      %swap3A_420 = vector.shape_cast %swap3A_419 : vector<1x1x16xf32> to vector<16xf32>
      %swap3A_421 = vector.shape_cast %get3A_414 : vector<16xf32> to vector<1x1x16xf32>
      tpu.vector_store %arg7[%swap3A_416, %swap3A_417, %swap3A_418], %swap3A_421 {strides = array<i32>} : memref<4x16x512xf32, #tpu.memory_space<vmem>>, vector<1x1x16xf32>,
      %get3A_422 = arith.constant 0 : i32
      %get3A_423 = arith.index_cast %scan3A_306 : i32 to index
      %get3A_424 = arith.index_cast %get3A_422 : i32 to index
      %get3A_425 = arith.constant 144 : index
      %get3A_426 = tpu.vector_load %arg6[%get3A_423, %get3A_424, %get3A_425] {strides = array<i32>} : memref<16x4x512xf32, #tpu.memory_space<vmem>>, vector<1x1x16xf32>,
      %get3A_427 = vector.shape_cast %get3A_426 : vector<1x1x16xf32> to vector<16xf32>
      %swap3A_428 = arith.constant 0 : i32
      %swap3A_429 = arith.index_cast %swap3A_428 : i32 to index
      %swap3A_430 = arith.index_cast %scan3A_306 : i32 to index
      %swap3A_431 = arith.constant 144 : index
      %swap3A_432 = tpu.vector_load %arg7[%swap3A_429, %swap3A_430, %swap3A_431] {strides = array<i32>} : memref<4x16x512xf32, #tpu.memory_space<vmem>>, vector<1x1x16xf32>,
      %swap3A_433 = vector.shape_cast %swap3A_432 : vector<1x1x16xf32> to vector<16xf32>
      %swap3A_434 = vector.shape_cast %get3A_427 : vector<16xf32> to vector<1x1x16xf32>
      tpu.vector_store %arg7[%swap3A_429, %swap3A_430, %swap3A_431], %swap3A_434 {strides = array<i32>} : memref<4x16x512xf32, #tpu.memory_space<vmem>>, vector<1x1x16xf32>,
      %get3A_435 = arith.constant 0 : i32
      %get3A_436 = arith.index_cast %scan3A_306 : i32 to index
      %get3A_437 = arith.index_cast %get3A_435 : i32 to index
      %get3A_438 = arith.constant 160 : index
      %get3A_439 = tpu.vector_load %arg6[%get3A_436, %get3A_437, %get3A_438] {strides = array<i32>} : memref<16x4x512xf32, #tpu.memory_space<vmem>>, vector<1x1x16xf32>,
      %get3A_440 = vector.shape_cast %get3A_439 : vector<1x1x16xf32> to vector<16xf32>
      %swap3A_441 = arith.constant 0 : i32
      %swap3A_442 = arith.index_cast %swap3A_441 : i32 to index
      %swap3A_443 = arith.index_cast %scan3A_306 : i32 to index
      %swap3A_444 = arith.constant 160 : index
      %swap3A_445 = tpu.vector_load %arg7[%swap3A_442, %swap3A_443, %swap3A_444] {strides = array<i32>} : memref<4x16x512xf32, #tpu.memory_space<vmem>>, vector<1x1x16xf32>,
      %swap3A_446 = vector.shape_cast %swap3A_445 : vector<1x1x16xf32> to vector<16xf32>
      %swap3A_447 = vector.shape_cast %get3A_440 : vector<16xf32> to vector<1x1x16xf32>
      tpu.vector_store %arg7[%swap3A_442, %swap3A_443, %swap3A_444], %swap3A_447 {strides = array<i32>} : memref<4x16x512xf32, #tpu.memory_space<vmem>>, vector<1x1x16xf32>,
      %get3A_448 = arith.constant 0 : i32
      %get3A_449 = arith.index_cast %scan3A_306 : i32 to index
      %get3A_450 = arith.index_cast %get3A_448 : i32 to index
      %get3A_451 = arith.constant 176 : index
      %get3A_452 = tpu.vector_load %arg6[%get3A_449, %get3A_450, %get3A_451] {strides = array<i32>} : memref<16x4x512xf32, #tpu.memory_space<vmem>>, vector<1x1x16xf32>,
      %get3A_453 = vector.shape_cast %get3A_452 : vector<1x1x16xf32> to vector<16xf32>
      %swap3A_454 = arith.constant 0 : i32
      %swap3A_455 = arith.index_cast %swap3A_454 : i32 to index
      %swap3A_456 = arith.index_cast %scan3A_306 : i32 to index
      %swap3A_457 = arith.constant 176 : index
      %swap3A_458 = tpu.vector_load %arg7[%swap3A_455, %swap3A_456, %swap3A_457] {strides = array<i32>} : memref<4x16x512xf32, #tpu.memory_space<vmem>>, vector<1x1x16xf32>,
      %swap3A_459 = vector.shape_cast %swap3A_458 : vector<1x1x16xf32> to vector<16xf32>
      %swap3A_460 = vector.shape_cast %get3A_453 : vector<16xf32> to vector<1x1x16xf32>
      tpu.vector_store %arg7[%swap3A_455, %swap3A_456, %swap3A_457], %swap3A_460 {strides = array<i32>} : memref<4x16x512xf32, #tpu.memory_space<vmem>>, vector<1x1x16xf32>,
      %get3A_461 = arith.constant 0 : i32
      %get3A_462 = arith.index_cast %scan3A_306 : i32 to index
      %get3A_463 = arith.index_cast %get3A_461 : i32 to index
      %get3A_464 = arith.constant 192 : index
      %get3A_465 = tpu.vector_load %arg6[%get3A_462, %get3A_463, %get3A_464] {strides = array<i32>} : memref<16x4x512xf32, #tpu.memory_space<vmem>>, vector<1x1x16xf32>,
      %get3A_466 = vector.shape_cast %get3A_465 : vector<1x1x16xf32> to vector<16xf32>
      %swap3A_467 = arith.constant 0 : i32
      %swap3A_468 = arith.index_cast %swap3A_467 : i32 to index
      %swap3A_469 = arith.index_cast %scan3A_306 : i32 to index
      %swap3A_470 = arith.constant 192 : index
      %swap3A_471 = tpu.vector_load %arg7[%swap3A_468, %swap3A_469, %swap3A_470] {strides = array<i32>} : memref<4x16x512xf32, #tpu.memory_space<vmem>>, vector<1x1x16xf32>,
      %swap3A_472 = vector.shape_cast %swap3A_471 : vector<1x1x16xf32> to vector<16xf32>
      %swap3A_473 = vector.shape_cast %get3A_466 : vector<16xf32> to vector<1x1x16xf32>
      tpu.vector_store %arg7[%swap3A_468, %swap3A_469, %swap3A_470], %swap3A_473 {strides = array<i32>} : memref<4x16x512xf32, #tpu.memory_space<vmem>>, vector<1x1x16xf32>,
      %get3A_474 = arith.constant 0 : i32
      %get3A_475 = arith.index_cast %scan3A_306 : i32 to index
      %get3A_476 = arith.index_cast %get3A_474 : i32 to index
      %get3A_477 = arith.constant 208 : index
      %get3A_478 = tpu.vector_load %arg6[%get3A_475, %get3A_476, %get3A_477] {strides = array<i32>} : memref<16x4x512xf32, #tpu.memory_space<vmem>>, vector<1x1x16xf32>,
      %get3A_479 = vector.shape_cast %get3A_478 : vector<1x1x16xf32> to vector<16xf32>
      %swap3A_480 = arith.constant 0 : i32
      %swap3A_481 = arith.index_cast %swap3A_480 : i32 to index
      %swap3A_482 = arith.index_cast %scan3A_306 : i32 to index
      %swap3A_483 = arith.constant 208 : index
      %swap3A_484 = tpu.vector_load %arg7[%swap3A_481, %swap3A_482, %swap3A_483] {strides = array<i32>} : memref<4x16x512xf32, #tpu.memory_space<vmem>>, vector<1x1x16xf32>,
      %swap3A_485 = vector.shape_cast %swap3A_484 : vector<1x1x16xf32> to vector<16xf32>
      %swap3A_486 = vector.shape_cast %get3A_479 : vector<16xf32> to vector<1x1x16xf32>
      tpu.vector_store %arg7[%swap3A_481, %swap3A_482, %swap3A_483], %swap3A_486 {strides = array<i32>} : memref<4x16x512xf32, #tpu.memory_space<vmem>>, vector<1x1x16xf32>,
      %get3A_487 = arith.constant 0 : i32
      %get3A_488 = arith.index_cast %scan3A_306 : i32 to index
      %get3A_489 = arith.index_cast %get3A_487 : i32 to index
      %get3A_490 = arith.constant 224 : index
      %get3A_491 = tpu.vector_load %arg6[%get3A_488, %get3A_489, %get3A_490] {strides = array<i32>} : memref<16x4x512xf32, #tpu.memory_space<vmem>>, vector<1x1x16xf32>,
      %get3A_492 = vector.shape_cast %get3A_491 : vector<1x1x16xf32> to vector<16xf32>
      %swap3A_493 = arith.constant 0 : i32
      %swap3A_494 = arith.index_cast %swap3A_493 : i32 to index
      %swap3A_495 = arith.index_cast %scan3A_306 : i32 to index
      %swap3A_496 = arith.constant 224 : index
      %swap3A_497 = tpu.vector_load %arg7[%swap3A_494, %swap3A_495, %swap3A_496] {strides = array<i32>} : memref<4x16x512xf32, #tpu.memory_space<vmem>>, vector<1x1x16xf32>,
      %swap3A_498 = vector.shape_cast %swap3A_497 : vector<1x1x16xf32> to vector<16xf32>
      %swap3A_499 = vector.shape_cast %get3A_492 : vector<16xf32> to vector<1x1x16xf32>
      tpu.vector_store %arg7[%swap3A_494, %swap3A_495, %swap3A_496], %swap3A_499 {strides = array<i32>} : memref<4x16x512xf32, #tpu.memory_space<vmem>>, vector<1x1x16xf32>,
      %get3A_500 = arith.constant 0 : i32
      %get3A_501 = arith.index_cast %scan3A_306 : i32 to index
      %get3A_502 = arith.index_cast %get3A_500 : i32 to index
      %get3A_503 = arith.constant 240 : index
      %get3A_504 = tpu.vector_load %arg6[%get3A_501, %get3A_502, %get3A_503] {strides = array<i32>} : memref<16x4x512xf32, #tpu.memory_space<vmem>>, vector<1x1x16xf32>,
      %get3A_505 = vector.shape_cast %get3A_504 : vector<1x1x16xf32> to vector<16xf32>
      %swap3A_506 = arith.constant 0 : i32
      %swap3A_507 = arith.index_cast %swap3A_506 : i32 to index
      %swap3A_508 = arith.index_cast %scan3A_306 : i32 to index
      %swap3A_509 = arith.constant 240 : index
      %swap3A_510 = tpu.vector_load %arg7[%swap3A_507, %swap3A_508, %swap3A_509] {strides = array<i32>} : memref<4x16x512xf32, #tpu.memory_space<vmem>>, vector<1x1x16xf32>,
      %swap3A_511 = vector.shape_cast %swap3A_510 : vector<1x1x16xf32> to vector<16xf32>
      %swap3A_512 = vector.shape_cast %get3A_505 : vector<16xf32> to vector<1x1x16xf32>
      tpu.vector_store %arg7[%swap3A_507, %swap3A_508, %swap3A_509], %swap3A_512 {strides = array<i32>} : memref<4x16x512xf32, #tpu.memory_space<vmem>>, vector<1x1x16xf32>,
      %get3A_513 = arith.constant 0 : i32
      %get3A_514 = arith.index_cast %scan3A_306 : i32 to index
      %get3A_515 = arith.index_cast %get3A_513 : i32 to index
      %get3A_516 = arith.constant 256 : index
      %get3A_517 = tpu.vector_load %arg6[%get3A_514, %get3A_515, %get3A_516] {strides = array<i32>} : memref<16x4x512xf32, #tpu.memory_space<vmem>>, vector<1x1x16xf32>,
      %get3A_518 = vector.shape_cast %get3A_517 : vector<1x1x16xf32> to vector<16xf32>
      %swap3A_519 = arith.constant 0 : i32
      %swap3A_520 = arith.index_cast %swap3A_519 : i32 to index
      %swap3A_521 = arith.index_cast %scan3A_306 : i32 to index
      %swap3A_522 = arith.constant 256 : index
      %swap3A_523 = tpu.vector_load %arg7[%swap3A_520, %swap3A_521, %swap3A_522] {strides = array<i32>} : memref<4x16x512xf32, #tpu.memory_space<vmem>>, vector<1x1x16xf32>,
      %swap3A_524 = vector.shape_cast %swap3A_523 : vector<1x1x16xf32> to vector<16xf32>
      %swap3A_525 = vector.shape_cast %get3A_518 : vector<16xf32> to vector<1x1x16xf32>
      tpu.vector_store %arg7[%swap3A_520, %swap3A_521, %swap3A_522], %swap3A_525 {strides = array<i32>} : memref<4x16x512xf32, #tpu.memory_space<vmem>>, vector<1x1x16xf32>,
      %get3A_526 = arith.constant 0 : i32
      %get3A_527 = arith.index_cast %scan3A_306 : i32 to index
      %get3A_528 = arith.index_cast %get3A_526 : i32 to index
      %get3A_529 = arith.constant 272 : index
      %get3A_530 = tpu.vector_load %arg6[%get3A_527, %get3A_528, %get3A_529] {strides = array<i32>} : memref<16x4x512xf32, #tpu.memory_space<vmem>>, vector<1x1x16xf32>,
      %get3A_531 = vector.shape_cast %get3A_530 : vector<1x1x16xf32> to vector<16xf32>
      %swap3A_532 = arith.constant 0 : i32
      %swap3A_533 = arith.index_cast %swap3A_532 : i32 to index
      %swap3A_534 = arith.index_cast %scan3A_306 : i32 to index
      %swap3A_535 = arith.constant 272 : index
      %swap3A_536 = tpu.vector_load %arg7[%swap3A_533, %swap3A_534, %swap3A_535] {strides = array<i32>} : memref<4x16x512xf32, #tpu.memory_space<vmem>>, vector<1x1x16xf32>,
      %swap3A_537 = vector.shape_cast %swap3A_536 : vector<1x1x16xf32> to vector<16xf32>
      %swap3A_538 = vector.shape_cast %get3A_531 : vector<16xf32> to vector<1x1x16xf32>
      tpu.vector_store %arg7[%swap3A_533, %swap3A_534, %swap3A_535], %swap3A_538 {strides = array<i32>} : memref<4x16x512xf32, #tpu.memory_space<vmem>>, vector<1x1x16xf32>,
      %get3A_539 = arith.constant 0 : i32
      %get3A_540 = arith.index_cast %scan3A_306 : i32 to index
      %get3A_541 = arith.index_cast %get3A_539 : i32 to index
      %get3A_542 = arith.constant 288 : index
      %get3A_543 = tpu.vector_load %arg6[%get3A_540, %get3A_541, %get3A_542] {strides = array<i32>} : memref<16x4x512xf32, #tpu.memory_space<vmem>>, vector<1x1x16xf32>,
      %get3A_544 = vector.shape_cast %get3A_543 : vector<1x1x16xf32> to vector<16xf32>
      %swap3A_545 = arith.constant 0 : i32
      %swap3A_546 = arith.index_cast %swap3A_545 : i32 to index
      %swap3A_547 = arith.index_cast %scan3A_306 : i32 to index
      %swap3A_548 = arith.constant 288 : index
      %swap3A_549 = tpu.vector_load %arg7[%swap3A_546, %swap3A_547, %swap3A_548] {strides = array<i32>} : memref<4x16x512xf32, #tpu.memory_space<vmem>>, vector<1x1x16xf32>,
      %swap3A_550 = vector.shape_cast %swap3A_549 : vector<1x1x16xf32> to vector<16xf32>
      %swap3A_551 = vector.shape_cast %get3A_544 : vector<16xf32> to vector<1x1x16xf32>
      tpu.vector_store %arg7[%swap3A_546, %swap3A_547, %swap3A_548], %swap3A_551 {strides = array<i32>} : memref<4x16x512xf32, #tpu.memory_space<vmem>>, vector<1x1x16xf32>,
      %get3A_552 = arith.constant 0 : i32
      %get3A_553 = arith.index_cast %scan3A_306 : i32 to index
      %get3A_554 = arith.index_cast %get3A_552 : i32 to index
      %get3A_555 = arith.constant 304 : index
      %get3A_556 = tpu.vector_load %arg6[%get3A_553, %get3A_554, %get3A_555] {strides = array<i32>} : memref<16x4x512xf32, #tpu.memory_space<vmem>>, vector<1x1x16xf32>,
      %get3A_557 = vector.shape_cast %get3A_556 : vector<1x1x16xf32> to vector<16xf32>
      %swap3A_558 = arith.constant 0 : i32
      %swap3A_559 = arith.index_cast %swap3A_558 : i32 to index
      %swap3A_560 = arith.index_cast %scan3A_306 : i32 to index
      %swap3A_561 = arith.constant 304 : index
      %swap3A_562 = tpu.vector_load %arg7[%swap3A_559, %swap3A_560, %swap3A_561] {strides = array<i32>} : memref<4x16x512xf32, #tpu.memory_space<vmem>>, vector<1x1x16xf32>,
      %swap3A_563 = vector.shape_cast %swap3A_562 : vector<1x1x16xf32> to vector<16xf32>
      %swap3A_564 = vector.shape_cast %get3A_557 : vector<16xf32> to vector<1x1x16xf32>
      tpu.vector_store %arg7[%swap3A_559, %swap3A_560, %swap3A_561], %swap3A_564 {strides = array<i32>} : memref<4x16x512xf32, #tpu.memory_space<vmem>>, vector<1x1x16xf32>,
      %get3A_565 = arith.constant 0 : i32
      %get3A_566 = arith.index_cast %scan3A_306 : i32 to index
      %get3A_567 = arith.index_cast %get3A_565 : i32 to index
      %get3A_568 = arith.constant 320 : index
      %get3A_569 = tpu.vector_load %arg6[%get3A_566, %get3A_567, %get3A_568] {strides = array<i32>} : memref<16x4x512xf32, #tpu.memory_space<vmem>>, vector<1x1x16xf32>,
      %get3A_570 = vector.shape_cast %get3A_569 : vector<1x1x16xf32> to vector<16xf32>
      %swap3A_571 = arith.constant 0 : i32
      %swap3A_572 = arith.index_cast %swap3A_571 : i32 to index
      %swap3A_573 = arith.index_cast %scan3A_306 : i32 to index
      %swap3A_574 = arith.constant 320 : index
      %swap3A_575 = tpu.vector_load %arg7[%swap3A_572, %swap3A_573, %swap3A_574] {strides = array<i32>} : memref<4x16x512xf32, #tpu.memory_space<vmem>>, vector<1x1x16xf32>,
      %swap3A_576 = vector.shape_cast %swap3A_575 : vector<1x1x16xf32> to vector<16xf32>
      %swap3A_577 = vector.shape_cast %get3A_570 : vector<16xf32> to vector<1x1x16xf32>
      tpu.vector_store %arg7[%swap3A_572, %swap3A_573, %swap3A_574], %swap3A_577 {strides = array<i32>} : memref<4x16x512xf32, #tpu.memory_space<vmem>>, vector<1x1x16xf32>,
      %get3A_578 = arith.constant 0 : i32
      %get3A_579 = arith.index_cast %scan3A_306 : i32 to index
      %get3A_580 = arith.index_cast %get3A_578 : i32 to index
      %get3A_581 = arith.constant 336 : index
      %get3A_582 = tpu.vector_load %arg6[%get3A_579, %get3A_580, %get3A_581] {strides = array<i32>} : memref<16x4x512xf32, #tpu.memory_space<vmem>>, vector<1x1x16xf32>,
      %get3A_583 = vector.shape_cast %get3A_582 : vector<1x1x16xf32> to vector<16xf32>
      %swap3A_584 = arith.constant 0 : i32
      %swap3A_585 = arith.index_cast %swap3A_584 : i32 to index
      %swap3A_586 = arith.index_cast %scan3A_306 : i32 to index
      %swap3A_587 = arith.constant 336 : index
      %swap3A_588 = tpu.vector_load %arg7[%swap3A_585, %swap3A_586, %swap3A_587] {strides = array<i32>} : memref<4x16x512xf32, #tpu.memory_space<vmem>>, vector<1x1x16xf32>,
      %swap3A_589 = vector.shape_cast %swap3A_588 : vector<1x1x16xf32> to vector<16xf32>
      %swap3A_590 = vector.shape_cast %get3A_583 : vector<16xf32> to vector<1x1x16xf32>
      tpu.vector_store %arg7[%swap3A_585, %swap3A_586, %swap3A_587], %swap3A_590 {strides = array<i32>} : memref<4x16x512xf32, #tpu.memory_space<vmem>>, vector<1x1x16xf32>,
      %get3A_591 = arith.constant 0 : i32
      %get3A_592 = arith.index_cast %scan3A_306 : i32 to index
      %get3A_593 = arith.index_cast %get3A_591 : i32 to index
      %get3A_594 = arith.constant 352 : index
      %get3A_595 = tpu.vector_load %arg6[%get3A_592, %get3A_593, %get3A_594] {strides = array<i32>} : memref<16x4x512xf32, #tpu.memory_space<vmem>>, vector<1x1x16xf32>,
      %get3A_596 = vector.shape_cast %get3A_595 : vector<1x1x16xf32> to vector<16xf32>
      %swap3A_597 = arith.constant 0 : i32
      %swap3A_598 = arith.index_cast %swap3A_597 : i32 to index
      %swap3A_599 = arith.index_cast %scan3A_306 : i32 to index
      %swap3A_600 = arith.constant 352 : index
      %swap3A_601 = tpu.vector_load %arg7[%swap3A_598, %swap3A_599, %swap3A_600] {strides = array<i32>} : memref<4x16x512xf32, #tpu.memory_space<vmem>>, vector<1x1x16xf32>,
      %swap3A_602 = vector.shape_cast %swap3A_601 : vector<1x1x16xf32> to vector<16xf32>
      %swap3A_603 = vector.shape_cast %get3A_596 : vector<16xf32> to vector<1x1x16xf32>
      tpu.vector_store %arg7[%swap3A_598, %swap3A_599, %swap3A_600], %swap3A_603 {strides = array<i32>} : memref<4x16x512xf32, #tpu.memory_space<vmem>>, vector<1x1x16xf32>,
      %get3A_604 = arith.constant 0 : i32
      %get3A_605 = arith.index_cast %scan3A_306 : i32 to index
      %get3A_606 = arith.index_cast %get3A_604 : i32 to index
      %get3A_607 = arith.constant 368 : index
      %get3A_608 = tpu.vector_load %arg6[%get3A_605, %get3A_606, %get3A_607] {strides = array<i32>} : memref<16x4x512xf32, #tpu.memory_space<vmem>>, vector<1x1x16xf32>,
      %get3A_609 = vector.shape_cast %get3A_608 : vector<1x1x16xf32> to vector<16xf32>
      %swap3A_610 = arith.constant 0 : i32
      %swap3A_611 = arith.index_cast %swap3A_610 : i32 to index
      %swap3A_612 = arith.index_cast %scan3A_306 : i32 to index
      %swap3A_613 = arith.constant 368 : index
      %swap3A_614 = tpu.vector_load %arg7[%swap3A_611, %swap3A_612, %swap3A_613] {strides = array<i32>} : memref<4x16x512xf32, #tpu.memory_space<vmem>>, vector<1x1x16xf32>,
      %swap3A_615 = vector.shape_cast %swap3A_614 : vector<1x1x16xf32> to vector<16xf32>
      %swap3A_616 = vector.shape_cast %get3A_609 : vector<16xf32> to vector<1x1x16xf32>
      tpu.vector_store %arg7[%swap3A_611, %swap3A_612, %swap3A_613], %swap3A_616 {strides = array<i32>} : memref<4x16x512xf32, #tpu.memory_space<vmem>>, vector<1x1x16xf32>,
      %get3A_617 = arith.constant 0 : i32
      %get3A_618 = arith.index_cast %scan3A_306 : i32 to index
      %get3A_619 = arith.index_cast %get3A_617 : i32 to index
      %get3A_620 = arith.constant 384 : index
      %get3A_621 = tpu.vector_load %arg6[%get3A_618, %get3A_619, %get3A_620] {strides = array<i32>} : memref<16x4x512xf32, #tpu.memory_space<vmem>>, vector<1x1x16xf32>,
      %get3A_622 = vector.shape_cast %get3A_621 : vector<1x1x16xf32> to vector<16xf32>
      %swap3A_623 = arith.constant 0 : i32
      %swap3A_624 = arith.index_cast %swap3A_623 : i32 to index
      %swap3A_625 = arith.index_cast %scan3A_306 : i32 to index
      %swap3A_626 = arith.constant 384 : index
      %swap3A_627 = tpu.vector_load %arg7[%swap3A_624, %swap3A_625, %swap3A_626] {strides = array<i32>} : memref<4x16x512xf32, #tpu.memory_space<vmem>>, vector<1x1x16xf32>,
      %swap3A_628 = vector.shape_cast %swap3A_627 : vector<1x1x16xf32> to vector<16xf32>
      %swap3A_629 = vector.shape_cast %get3A_622 : vector<16xf32> to vector<1x1x16xf32>
      tpu.vector_store %arg7[%swap3A_624, %swap3A_625, %swap3A_626], %swap3A_629 {strides = array<i32>} : memref<4x16x512xf32, #tpu.memory_space<vmem>>, vector<1x1x16xf32>,
      %get3A_630 = arith.constant 0 : i32
      %get3A_631 = arith.index_cast %scan3A_306 : i32 to index
      %get3A_632 = arith.index_cast %get3A_630 : i32 to index
      %get3A_633 = arith.constant 400 : index
      %get3A_634 = tpu.vector_load %arg6[%get3A_631, %get3A_632, %get3A_633] {strides = array<i32>} : memref<16x4x512xf32, #tpu.memory_space<vmem>>, vector<1x1x16xf32>,
      %get3A_635 = vector.shape_cast %get3A_634 : vector<1x1x16xf32> to vector<16xf32>
      %swap3A_636 = arith.constant 0 : i32
      %swap3A_637 = arith.index_cast %swap3A_636 : i32 to index
      %swap3A_638 = arith.index_cast %scan3A_306 : i32 to index
      %swap3A_639 = arith.constant 400 : index
      %swap3A_640 = tpu.vector_load %arg7[%swap3A_637, %swap3A_638, %swap3A_639] {strides = array<i32>} : memref<4x16x512xf32, #tpu.memory_space<vmem>>, vector<1x1x16xf32>,
      %swap3A_641 = vector.shape_cast %swap3A_640 : vector<1x1x16xf32> to vector<16xf32>
      %swap3A_642 = vector.shape_cast %get3A_635 : vector<16xf32> to vector<1x1x16xf32>
      tpu.vector_store %arg7[%swap3A_637, %swap3A_638, %swap3A_639], %swap3A_642 {strides = array<i32>} : memref<4x16x512xf32, #tpu.memory_space<vmem>>, vector<1x1x16xf32>,
      %get3A_643 = arith.constant 0 : i32
      %get3A_644 = arith.index_cast %scan3A_306 : i32 to index
      %get3A_645 = arith.index_cast %get3A_643 : i32 to index
      %get3A_646 = arith.constant 416 : index
      %get3A_647 = tpu.vector_load %arg6[%get3A_644, %get3A_645, %get3A_646] {strides = array<i32>} : memref<16x4x512xf32, #tpu.memory_space<vmem>>, vector<1x1x16xf32>,
      %get3A_648 = vector.shape_cast %get3A_647 : vector<1x1x16xf32> to vector<16xf32>
      %swap3A_649 = arith.constant 0 : i32
      %swap3A_650 = arith.index_cast %swap3A_649 : i32 to index
      %swap3A_651 = arith.index_cast %scan3A_306 : i32 to index
      %swap3A_652 = arith.constant 416 : index
      %swap3A_653 = tpu.vector_load %arg7[%swap3A_650, %swap3A_651, %swap3A_652] {strides = array<i32>} : memref<4x16x512xf32, #tpu.memory_space<vmem>>, vector<1x1x16xf32>,
      %swap3A_654 = vector.shape_cast %swap3A_653 : vector<1x1x16xf32> to vector<16xf32>
      %swap3A_655 = vector.shape_cast %get3A_648 : vector<16xf32> to vector<1x1x16xf32>
      tpu.vector_store %arg7[%swap3A_650, %swap3A_651, %swap3A_652], %swap3A_655 {strides = array<i32>} : memref<4x16x512xf32, #tpu.memory_space<vmem>>, vector<1x1x16xf32>,
      %get3A_656 = arith.constant 0 : i32
      %get3A_657 = arith.index_cast %scan3A_306 : i32 to index
      %get3A_658 = arith.index_cast %get3A_656 : i32 to index
      %get3A_659 = arith.constant 432 : index
      %get3A_660 = tpu.vector_load %arg6[%get3A_657, %get3A_658, %get3A_659] {strides = array<i32>} : memref<16x4x512xf32, #tpu.memory_space<vmem>>, vector<1x1x16xf32>,
      %get3A_661 = vector.shape_cast %get3A_660 : vector<1x1x16xf32> to vector<16xf32>
      %swap3A_662 = arith.constant 0 : i32
      %swap3A_663 = arith.index_cast %swap3A_662 : i32 to index
      %swap3A_664 = arith.index_cast %scan3A_306 : i32 to index
      %swap3A_665 = arith.constant 432 : index
      %swap3A_666 = tpu.vector_load %arg7[%swap3A_663, %swap3A_664, %swap3A_665] {strides = array<i32>} : memref<4x16x512xf32, #tpu.memory_space<vmem>>, vector<1x1x16xf32>,
      %swap3A_667 = vector.shape_cast %swap3A_666 : vector<1x1x16xf32> to vector<16xf32>
      %swap3A_668 = vector.shape_cast %get3A_661 : vector<16xf32> to vector<1x1x16xf32>
      tpu.vector_store %arg7[%swap3A_663, %swap3A_664, %swap3A_665], %swap3A_668 {strides = array<i32>} : memref<4x16x512xf32, #tpu.memory_space<vmem>>, vector<1x1x16xf32>,
      %get3A_669 = arith.constant 0 : i32
      %get3A_670 = arith.index_cast %scan3A_306 : i32 to index
      %get3A_671 = arith.index_cast %get3A_669 : i32 to index
      %get3A_672 = arith.constant 448 : index
      %get3A_673 = tpu.vector_load %arg6[%get3A_670, %get3A_671, %get3A_672] {strides = array<i32>} : memref<16x4x512xf32, #tpu.memory_space<vmem>>, vector<1x1x16xf32>,
      %get3A_674 = vector.shape_cast %get3A_673 : vector<1x1x16xf32> to vector<16xf32>
      %swap3A_675 = arith.constant 0 : i32
      %swap3A_676 = arith.index_cast %swap3A_675 : i32 to index
      %swap3A_677 = arith.index_cast %scan3A_306 : i32 to index
      %swap3A_678 = arith.constant 448 : index
      %swap3A_679 = tpu.vector_load %arg7[%swap3A_676, %swap3A_677, %swap3A_678] {strides = array<i32>} : memref<4x16x512xf32, #tpu.memory_space<vmem>>, vector<1x1x16xf32>,
      %swap3A_680 = vector.shape_cast %swap3A_679 : vector<1x1x16xf32> to vector<16xf32>
      %swap3A_681 = vector.shape_cast %get3A_674 : vector<16xf32> to vector<1x1x16xf32>
      tpu.vector_store %arg7[%swap3A_676, %swap3A_677, %swap3A_678], %swap3A_681 {strides = array<i32>} : memref<4x16x512xf32, #tpu.memory_space<vmem>>, vector<1x1x16xf32>,
      %get3A_682 = arith.constant 0 : i32
      %get3A_683 = arith.index_cast %scan3A_306 : i32 to index
      %get3A_684 = arith.index_cast %get3A_682 : i32 to index
      %get3A_685 = arith.constant 464 : index
      %get3A_686 = tpu.vector_load %arg6[%get3A_683, %get3A_684, %get3A_685] {strides = array<i32>} : memref<16x4x512xf32, #tpu.memory_space<vmem>>, vector<1x1x16xf32>,
      %get3A_687 = vector.shape_cast %get3A_686 : vector<1x1x16xf32> to vector<16xf32>
      %swap3A_688 = arith.constant 0 : i32
      %swap3A_689 = arith.index_cast %swap3A_688 : i32 to index
      %swap3A_690 = arith.index_cast %scan3A_306 : i32 to index
      %swap3A_691 = arith.constant 464 : index
      %swap3A_692 = tpu.vector_load %arg7[%swap3A_689, %swap3A_690, %swap3A_691] {strides = array<i32>} : memref<4x16x512xf32, #tpu.memory_space<vmem>>, vector<1x1x16xf32>,
      %swap3A_693 = vector.shape_cast %swap3A_692 : vector<1x1x16xf32> to vector<16xf32>
      %swap3A_694 = vector.shape_cast %get3A_687 : vector<16xf32> to vector<1x1x16xf32>
      tpu.vector_store %arg7[%swap3A_689, %swap3A_690, %swap3A_691], %swap3A_694 {strides = array<i32>} : memref<4x16x512xf32, #tpu.memory_space<vmem>>, vector<1x1x16xf32>,
      %get3A_695 = arith.constant 0 : i32
      %get3A_696 = arith.index_cast %scan3A_306 : i32 to index
      %get3A_697 = arith.index_cast %get3A_695 : i32 to index
      %get3A_698 = arith.constant 480 : index
      %get3A_699 = tpu.vector_load %arg6[%get3A_696, %get3A_697, %get3A_698] {strides = array<i32>} : memref<16x4x512xf32, #tpu.memory_space<vmem>>, vector<1x1x16xf32>,
      %get3A_700 = vector.shape_cast %get3A_699 : vector<1x1x16xf32> to vector<16xf32>
      %swap3A_701 = arith.constant 0 : i32
      %swap3A_702 = arith.index_cast %swap3A_701 : i32 to index
      %swap3A_703 = arith.index_cast %scan3A_306 : i32 to index
      %swap3A_704 = arith.constant 480 : index
      %swap3A_705 = tpu.vector_load %arg7[%swap3A_702, %swap3A_703, %swap3A_704] {strides = array<i32>} : memref<4x16x512xf32, #tpu.memory_space<vmem>>, vector<1x1x16xf32>,
      %swap3A_706 = vector.shape_cast %swap3A_705 : vector<1x1x16xf32> to vector<16xf32>
      %swap3A_707 = vector.shape_cast %get3A_700 : vector<16xf32> to vector<1x1x16xf32>
      tpu.vector_store %arg7[%swap3A_702, %swap3A_703, %swap3A_704], %swap3A_707 {strides = array<i32>} : memref<4x16x512xf32, #tpu.memory_space<vmem>>, vector<1x1x16xf32>,
      %get3A_708 = arith.constant 0 : i32
      %get3A_709 = arith.index_cast %scan3A_306 : i32 to index
      %get3A_710 = arith.index_cast %get3A_708 : i32 to index
      %get3A_711 = arith.constant 496 : index
      %get3A_712 = tpu.vector_load %arg6[%get3A_709, %get3A_710, %get3A_711] {strides = array<i32>} : memref<16x4x512xf32, #tpu.memory_space<vmem>>, vector<1x1x16xf32>,
      %get3A_713 = vector.shape_cast %get3A_712 : vector<1x1x16xf32> to vector<16xf32>
      %swap3A_714 = arith.constant 0 : i32
      %swap3A_715 = arith.index_cast %swap3A_714 : i32 to index
      %swap3A_716 = arith.index_cast %scan3A_306 : i32 to index
      %swap3A_717 = arith.constant 496 : index
      %swap3A_718 = tpu.vector_load %arg7[%swap3A_715, %swap3A_716, %swap3A_717] {strides = array<i32>} : memref<4x16x512xf32, #tpu.memory_space<vmem>>, vector<1x1x16xf32>,
      %swap3A_719 = vector.shape_cast %swap3A_718 : vector<1x1x16xf32> to vector<16xf32>
      %swap3A_720 = vector.shape_cast %get3A_713 : vector<16xf32> to vector<1x1x16xf32>
      tpu.vector_store %arg7[%swap3A_715, %swap3A_716, %swap3A_717], %swap3A_720 {strides = array<i32>} : memref<4x16x512xf32, #tpu.memory_space<vmem>>, vector<1x1x16xf32>,
      %get3A_721 = arith.constant 1 : i32
      %get3A_722 = arith.index_cast %scan3A_306 : i32 to index
      %get3A_723 = arith.index_cast %get3A_721 : i32 to index
      %get3A_724 = arith.constant 0 : index
      %get3A_725 = tpu.vector_load %arg6[%get3A_722, %get3A_723, %get3A_724] {strides = array<i32>} : memref<16x4x512xf32, #tpu.memory_space<vmem>>, vector<1x1x16xf32>,
      %get3A_726 = vector.shape_cast %get3A_725 : vector<1x1x16xf32> to vector<16xf32>
      %swap3A_727 = arith.constant 1 : i32
      %swap3A_728 = arith.index_cast %swap3A_727 : i32 to index
      %swap3A_729 = arith.index_cast %scan3A_306 : i32 to index
      %swap3A_730 = arith.constant 0 : index
      %swap3A_731 = tpu.vector_load %arg7[%swap3A_728, %swap3A_729, %swap3A_730] {strides = array<i32>} : memref<4x16x512xf32, #tpu.memory_space<vmem>>, vector<1x1x16xf32>,
      %swap3A_732 = vector.shape_cast %swap3A_731 : vector<1x1x16xf32> to vector<16xf32>
      %swap3A_733 = vector.shape_cast %get3A_726 : vector<16xf32> to vector<1x1x16xf32>
      tpu.vector_store %arg7[%swap3A_728, %swap3A_729, %swap3A_730], %swap3A_733 {strides = array<i32>} : memref<4x16x512xf32, #tpu.memory_space<vmem>>, vector<1x1x16xf32>,
      %get3A_734 = arith.constant 1 : i32
      %get3A_735 = arith.index_cast %scan3A_306 : i32 to index
      %get3A_736 = arith.index_cast %get3A_734 : i32 to index
      %get3A_737 = arith.constant 16 : index
      %get3A_738 = tpu.vector_load %arg6[%get3A_735, %get3A_736, %get3A_737] {strides = array<i32>} : memref<16x4x512xf32, #tpu.memory_space<vmem>>, vector<1x1x16xf32>,
      %get3A_739 = vector.shape_cast %get3A_738 : vector<1x1x16xf32> to vector<16xf32>
      %swap3A_740 = arith.constant 1 : i32
      %swap3A_741 = arith.index_cast %swap3A_740 : i32 to index
      %swap3A_742 = arith.index_cast %scan3A_306 : i32 to index
      %swap3A_743 = arith.constant 16 : index
      %swap3A_744 = tpu.vector_load %arg7[%swap3A_741, %swap3A_742, %swap3A_743] {strides = array<i32>} : memref<4x16x512xf32, #tpu.memory_space<vmem>>, vector<1x1x16xf32>,
      %swap3A_745 = vector.shape_cast %swap3A_744 : vector<1x1x16xf32> to vector<16xf32>
      %swap3A_746 = vector.shape_cast %get3A_739 : vector<16xf32> to vector<1x1x16xf32>
      tpu.vector_store %arg7[%swap3A_741, %swap3A_742, %swap3A_743], %swap3A_746 {strides = array<i32>} : memref<4x16x512xf32, #tpu.memory_space<vmem>>, vector<1x1x16xf32>,
      %get3A_747 = arith.constant 1 : i32
      %get3A_748 = arith.index_cast %scan3A_306 : i32 to index
      %get3A_749 = arith.index_cast %get3A_747 : i32 to index
      %get3A_750 = arith.constant 32 : index
      %get3A_751 = tpu.vector_load %arg6[%get3A_748, %get3A_749, %get3A_750] {strides = array<i32>} : memref<16x4x512xf32, #tpu.memory_space<vmem>>, vector<1x1x16xf32>,
      %get3A_752 = vector.shape_cast %get3A_751 : vector<1x1x16xf32> to vector<16xf32>
      %swap3A_753 = arith.constant 1 : i32
      %swap3A_754 = arith.index_cast %swap3A_753 : i32 to index
      %swap3A_755 = arith.index_cast %scan3A_306 : i32 to index
      %swap3A_756 = arith.constant 32 : index
      %swap3A_757 = tpu.vector_load %arg7[%swap3A_754, %swap3A_755, %swap3A_756] {strides = array<i32>} : memref<4x16x512xf32, #tpu.memory_space<vmem>>, vector<1x1x16xf32>,
      %swap3A_758 = vector.shape_cast %swap3A_757 : vector<1x1x16xf32> to vector<16xf32>
      %swap3A_759 = vector.shape_cast %get3A_752 : vector<16xf32> to vector<1x1x16xf32>
      tpu.vector_store %arg7[%swap3A_754, %swap3A_755, %swap3A_756], %swap3A_759 {strides = array<i32>} : memref<4x16x512xf32, #tpu.memory_space<vmem>>, vector<1x1x16xf32>,
      %get3A_760 = arith.constant 1 : i32
      %get3A_761 = arith.index_cast %scan3A_306 : i32 to index
      %get3A_762 = arith.index_cast %get3A_760 : i32 to index
      %get3A_763 = arith.constant 48 : index
      %get3A_764 = tpu.vector_load %arg6[%get3A_761, %get3A_762, %get3A_763] {strides = array<i32>} : memref<16x4x512xf32, #tpu.memory_space<vmem>>, vector<1x1x16xf32>,
      %get3A_765 = vector.shape_cast %get3A_764 : vector<1x1x16xf32> to vector<16xf32>
      %swap3A_766 = arith.constant 1 : i32
      %swap3A_767 = arith.index_cast %swap3A_766 : i32 to index
      %swap3A_768 = arith.index_cast %scan3A_306 : i32 to index
      %swap3A_769 = arith.constant 48 : index
      %swap3A_770 = tpu.vector_load %arg7[%swap3A_767, %swap3A_768, %swap3A_769] {strides = array<i32>} : memref<4x16x512xf32, #tpu.memory_space<vmem>>, vector<1x1x16xf32>,
      %swap3A_771 = vector.shape_cast %swap3A_770 : vector<1x1x16xf32> to vector<16xf32>
      %swap3A_772 = vector.shape_cast %get3A_765 : vector<16xf32> to vector<1x1x16xf32>
      tpu.vector_store %arg7[%swap3A_767, %swap3A_768, %swap3A_769], %swap3A_772 {strides = array<i32>} : memref<4x16x512xf32, #tpu.memory_space<vmem>>, vector<1x1x16xf32>,
      %get3A_773 = arith.constant 1 : i32
      %get3A_774 = arith.index_cast %scan3A_306 : i32 to index
      %get3A_775 = arith.index_cast %get3A_773 : i32 to index
      %get3A_776 = arith.constant 64 : index
      %get3A_777 = tpu.vector_load %arg6[%get3A_774, %get3A_775, %get3A_776] {strides = array<i32>} : memref<16x4x512xf32, #tpu.memory_space<vmem>>, vector<1x1x16xf32>,
      %get3A_778 = vector.shape_cast %get3A_777 : vector<1x1x16xf32> to vector<16xf32>
      %swap3A_779 = arith.constant 1 : i32
      %swap3A_780 = arith.index_cast %swap3A_779 : i32 to index
      %swap3A_781 = arith.index_cast %scan3A_306 : i32 to index
      %swap3A_782 = arith.constant 64 : index
      %swap3A_783 = tpu.vector_load %arg7[%swap3A_780, %swap3A_781, %swap3A_782] {strides = array<i32>} : memref<4x16x512xf32, #tpu.memory_space<vmem>>, vector<1x1x16xf32>,
      %swap3A_784 = vector.shape_cast %swap3A_783 : vector<1x1x16xf32> to vector<16xf32>
      %swap3A_785 = vector.shape_cast %get3A_778 : vector<16xf32> to vector<1x1x16xf32>
      tpu.vector_store %arg7[%swap3A_780, %swap3A_781, %swap3A_782], %swap3A_785 {strides = array<i32>} : memref<4x16x512xf32, #tpu.memory_space<vmem>>, vector<1x1x16xf32>,
      %get3A_786 = arith.constant 1 : i32
      %get3A_787 = arith.index_cast %scan3A_306 : i32 to index
      %get3A_788 = arith.index_cast %get3A_786 : i32 to index
      %get3A_789 = arith.constant 80 : index
      %get3A_790 = tpu.vector_load %arg6[%get3A_787, %get3A_788, %get3A_789] {strides = array<i32>} : memref<16x4x512xf32, #tpu.memory_space<vmem>>, vector<1x1x16xf32>,
      %get3A_791 = vector.shape_cast %get3A_790 : vector<1x1x16xf32> to vector<16xf32>
      %swap3A_792 = arith.constant 1 : i32
      %swap3A_793 = arith.index_cast %swap3A_792 : i32 to index
      %swap3A_794 = arith.index_cast %scan3A_306 : i32 to index
      %swap3A_795 = arith.constant 80 : index
      %swap3A_796 = tpu.vector_load %arg7[%swap3A_793, %swap3A_794, %swap3A_795] {strides = array<i32>} : memref<4x16x512xf32, #tpu.memory_space<vmem>>, vector<1x1x16xf32>,
      %swap3A_797 = vector.shape_cast %swap3A_796 : vector<1x1x16xf32> to vector<16xf32>
      %swap3A_798 = vector.shape_cast %get3A_791 : vector<16xf32> to vector<1x1x16xf32>
      tpu.vector_store %arg7[%swap3A_793, %swap3A_794, %swap3A_795], %swap3A_798 {strides = array<i32>} : memref<4x16x512xf32, #tpu.memory_space<vmem>>, vector<1x1x16xf32>,
      %get3A_799 = arith.constant 1 : i32
      %get3A_800 = arith.index_cast %scan3A_306 : i32 to index
      %get3A_801 = arith.index_cast %get3A_799 : i32 to index
      %get3A_802 = arith.constant 96 : index
      %get3A_803 = tpu.vector_load %arg6[%get3A_800, %get3A_801, %get3A_802] {strides = array<i32>} : memref<16x4x512xf32, #tpu.memory_space<vmem>>, vector<1x1x16xf32>,
      %get3A_804 = vector.shape_cast %get3A_803 : vector<1x1x16xf32> to vector<16xf32>
      %swap3A_805 = arith.constant 1 : i32
      %swap3A_806 = arith.index_cast %swap3A_805 : i32 to index
      %swap3A_807 = arith.index_cast %scan3A_306 : i32 to index
      %swap3A_808 = arith.constant 96 : index
      %swap3A_809 = tpu.vector_load %arg7[%swap3A_806, %swap3A_807, %swap3A_808] {strides = array<i32>} : memref<4x16x512xf32, #tpu.memory_space<vmem>>, vector<1x1x16xf32>,
      %swap3A_810 = vector.shape_cast %swap3A_809 : vector<1x1x16xf32> to vector<16xf32>
      %swap3A_811 = vector.shape_cast %get3A_804 : vector<16xf32> to vector<1x1x16xf32>
      tpu.vector_store %arg7[%swap3A_806, %swap3A_807, %swap3A_808], %swap3A_811 {strides = array<i32>} : memref<4x16x512xf32, #tpu.memory_space<vmem>>, vector<1x1x16xf32>,
      %get3A_812 = arith.constant 1 : i32
      %get3A_813 = arith.index_cast %scan3A_306 : i32 to index
      %get3A_814 = arith.index_cast %get3A_812 : i32 to index
      %get3A_815 = arith.constant 112 : index
      %get3A_816 = tpu.vector_load %arg6[%get3A_813, %get3A_814, %get3A_815] {strides = array<i32>} : memref<16x4x512xf32, #tpu.memory_space<vmem>>, vector<1x1x16xf32>,
      %get3A_817 = vector.shape_cast %get3A_816 : vector<1x1x16xf32> to vector<16xf32>
      %swap3A_818 = arith.constant 1 : i32
      %swap3A_819 = arith.index_cast %swap3A_818 : i32 to index
      %swap3A_820 = arith.index_cast %scan3A_306 : i32 to index
      %swap3A_821 = arith.constant 112 : index
      %swap3A_822 = tpu.vector_load %arg7[%swap3A_819, %swap3A_820, %swap3A_821] {strides = array<i32>} : memref<4x16x512xf32, #tpu.memory_space<vmem>>, vector<1x1x16xf32>,
      %swap3A_823 = vector.shape_cast %swap3A_822 : vector<1x1x16xf32> to vector<16xf32>
      %swap3A_824 = vector.shape_cast %get3A_817 : vector<16xf32> to vector<1x1x16xf32>
      tpu.vector_store %arg7[%swap3A_819, %swap3A_820, %swap3A_821], %swap3A_824 {strides = array<i32>} : memref<4x16x512xf32, #tpu.memory_space<vmem>>, vector<1x1x16xf32>,
      %get3A_825 = arith.constant 1 : i32
      %get3A_826 = arith.index_cast %scan3A_306 : i32 to index
      %get3A_827 = arith.index_cast %get3A_825 : i32 to index
      %get3A_828 = arith.constant 128 : index
      %get3A_829 = tpu.vector_load %arg6[%get3A_826, %get3A_827, %get3A_828] {strides = array<i32>} : memref<16x4x512xf32, #tpu.memory_space<vmem>>, vector<1x1x16xf32>,
      %get3A_830 = vector.shape_cast %get3A_829 : vector<1x1x16xf32> to vector<16xf32>
      %swap3A_831 = arith.constant 1 : i32
      %swap3A_832 = arith.index_cast %swap3A_831 : i32 to index
      %swap3A_833 = arith.index_cast %scan3A_306 : i32 to index
      %swap3A_834 = arith.constant 128 : index
      %swap3A_835 = tpu.vector_load %arg7[%swap3A_832, %swap3A_833, %swap3A_834] {strides = array<i32>} : memref<4x16x512xf32, #tpu.memory_space<vmem>>, vector<1x1x16xf32>,
      %swap3A_836 = vector.shape_cast %swap3A_835 : vector<1x1x16xf32> to vector<16xf32>
      %swap3A_837 = vector.shape_cast %get3A_830 : vector<16xf32> to vector<1x1x16xf32>
      tpu.vector_store %arg7[%swap3A_832, %swap3A_833, %swap3A_834], %swap3A_837 {strides = array<i32>} : memref<4x16x512xf32, #tpu.memory_space<vmem>>, vector<1x1x16xf32>,
      %get3A_838 = arith.constant 1 : i32
      %get3A_839 = arith.index_cast %scan3A_306 : i32 to index
      %get3A_840 = arith.index_cast %get3A_838 : i32 to index
      %get3A_841 = arith.constant 144 : index
      %get3A_842 = tpu.vector_load %arg6[%get3A_839, %get3A_840, %get3A_841] {strides = array<i32>} : memref<16x4x512xf32, #tpu.memory_space<vmem>>, vector<1x1x16xf32>,
      %get3A_843 = vector.shape_cast %get3A_842 : vector<1x1x16xf32> to vector<16xf32>
      %swap3A_844 = arith.constant 1 : i32
      %swap3A_845 = arith.index_cast %swap3A_844 : i32 to index
      %swap3A_846 = arith.index_cast %scan3A_306 : i32 to index
      %swap3A_847 = arith.constant 144 : index
      %swap3A_848 = tpu.vector_load %arg7[%swap3A_845, %swap3A_846, %swap3A_847] {strides = array<i32>} : memref<4x16x512xf32, #tpu.memory_space<vmem>>, vector<1x1x16xf32>,
      %swap3A_849 = vector.shape_cast %swap3A_848 : vector<1x1x16xf32> to vector<16xf32>
      %swap3A_850 = vector.shape_cast %get3A_843 : vector<16xf32> to vector<1x1x16xf32>
      tpu.vector_store %arg7[%swap3A_845, %swap3A_846, %swap3A_847], %swap3A_850 {strides = array<i32>} : memref<4x16x512xf32, #tpu.memory_space<vmem>>, vector<1x1x16xf32>,
      %get3A_851 = arith.constant 1 : i32
      %get3A_852 = arith.index_cast %scan3A_306 : i32 to index
      %get3A_853 = arith.index_cast %get3A_851 : i32 to index
      %get3A_854 = arith.constant 160 : index
      %get3A_855 = tpu.vector_load %arg6[%get3A_852, %get3A_853, %get3A_854] {strides = array<i32>} : memref<16x4x512xf32, #tpu.memory_space<vmem>>, vector<1x1x16xf32>,
      %get3A_856 = vector.shape_cast %get3A_855 : vector<1x1x16xf32> to vector<16xf32>
      %swap3A_857 = arith.constant 1 : i32
      %swap3A_858 = arith.index_cast %swap3A_857 : i32 to index
      %swap3A_859 = arith.index_cast %scan3A_306 : i32 to index
      %swap3A_860 = arith.constant 160 : index
      %swap3A_861 = tpu.vector_load %arg7[%swap3A_858, %swap3A_859, %swap3A_860] {strides = array<i32>} : memref<4x16x512xf32, #tpu.memory_space<vmem>>, vector<1x1x16xf32>,
      %swap3A_862 = vector.shape_cast %swap3A_861 : vector<1x1x16xf32> to vector<16xf32>
      %swap3A_863 = vector.shape_cast %get3A_856 : vector<16xf32> to vector<1x1x16xf32>
      tpu.vector_store %arg7[%swap3A_858, %swap3A_859, %swap3A_860], %swap3A_863 {strides = array<i32>} : memref<4x16x512xf32, #tpu.memory_space<vmem>>, vector<1x1x16xf32>,
      %get3A_864 = arith.constant 1 : i32
      %get3A_865 = arith.index_cast %scan3A_306 : i32 to index
      %get3A_866 = arith.index_cast %get3A_864 : i32 to index
      %get3A_867 = arith.constant 176 : index
      %get3A_868 = tpu.vector_load %arg6[%get3A_865, %get3A_866, %get3A_867] {strides = array<i32>} : memref<16x4x512xf32, #tpu.memory_space<vmem>>, vector<1x1x16xf32>,
      %get3A_869 = vector.shape_cast %get3A_868 : vector<1x1x16xf32> to vector<16xf32>
      %swap3A_870 = arith.constant 1 : i32
      %swap3A_871 = arith.index_cast %swap3A_870 : i32 to index
      %swap3A_872 = arith.index_cast %scan3A_306 : i32 to index
      %swap3A_873 = arith.constant 176 : index
      %swap3A_874 = tpu.vector_load %arg7[%swap3A_871, %swap3A_872, %swap3A_873] {strides = array<i32>} : memref<4x16x512xf32, #tpu.memory_space<vmem>>, vector<1x1x16xf32>,
      %swap3A_875 = vector.shape_cast %swap3A_874 : vector<1x1x16xf32> to vector<16xf32>
      %swap3A_876 = vector.shape_cast %get3A_869 : vector<16xf32> to vector<1x1x16xf32>
      tpu.vector_store %arg7[%swap3A_871, %swap3A_872, %swap3A_873], %swap3A_876 {strides = array<i32>} : memref<4x16x512xf32, #tpu.memory_space<vmem>>, vector<1x1x16xf32>,
      %get3A_877 = arith.constant 1 : i32
      %get3A_878 = arith.index_cast %scan3A_306 : i32 to index
      %get3A_879 = arith.index_cast %get3A_877 : i32 to index
      %get3A_880 = arith.constant 192 : index
      %get3A_881 = tpu.vector_load %arg6[%get3A_878, %get3A_879, %get3A_880] {strides = array<i32>} : memref<16x4x512xf32, #tpu.memory_space<vmem>>, vector<1x1x16xf32>,
      %get3A_882 = vector.shape_cast %get3A_881 : vector<1x1x16xf32> to vector<16xf32>
      %swap3A_883 = arith.constant 1 : i32
      %swap3A_884 = arith.index_cast %swap3A_883 : i32 to index
      %swap3A_885 = arith.index_cast %scan3A_306 : i32 to index
      %swap3A_886 = arith.constant 192 : index
      %swap3A_887 = tpu.vector_load %arg7[%swap3A_884, %swap3A_885, %swap3A_886] {strides = array<i32>} : memref<4x16x512xf32, #tpu.memory_space<vmem>>, vector<1x1x16xf32>,
      %swap3A_888 = vector.shape_cast %swap3A_887 : vector<1x1x16xf32> to vector<16xf32>
      %swap3A_889 = vector.shape_cast %get3A_882 : vector<16xf32> to vector<1x1x16xf32>
      tpu.vector_store %arg7[%swap3A_884, %swap3A_885, %swap3A_886], %swap3A_889 {strides = array<i32>} : memref<4x16x512xf32, #tpu.memory_space<vmem>>, vector<1x1x16xf32>,
      %get3A_890 = arith.constant 1 : i32
      %get3A_891 = arith.index_cast %scan3A_306 : i32 to index
      %get3A_892 = arith.index_cast %get3A_890 : i32 to index
      %get3A_893 = arith.constant 208 : index
      %get3A_894 = tpu.vector_load %arg6[%get3A_891, %get3A_892, %get3A_893] {strides = array<i32>} : memref<16x4x512xf32, #tpu.memory_space<vmem>>, vector<1x1x16xf32>,
      %get3A_895 = vector.shape_cast %get3A_894 : vector<1x1x16xf32> to vector<16xf32>
      %swap3A_896 = arith.constant 1 : i32
      %swap3A_897 = arith.index_cast %swap3A_896 : i32 to index
      %swap3A_898 = arith.index_cast %scan3A_306 : i32 to index
      %swap3A_899 = arith.constant 208 : index
      %swap3A_900 = tpu.vector_load %arg7[%swap3A_897, %swap3A_898, %swap3A_899] {strides = array<i32>} : memref<4x16x512xf32, #tpu.memory_space<vmem>>, vector<1x1x16xf32>,
      %swap3A_901 = vector.shape_cast %swap3A_900 : vector<1x1x16xf32> to vector<16xf32>
      %swap3A_902 = vector.shape_cast %get3A_895 : vector<16xf32> to vector<1x1x16xf32>
      tpu.vector_store %arg7[%swap3A_897, %swap3A_898, %swap3A_899], %swap3A_902 {strides = array<i32>} : memref<4x16x512xf32, #tpu.memory_space<vmem>>, vector<1x1x16xf32>,
      %get3A_903 = arith.constant 1 : i32
      %get3A_904 = arith.index_cast %scan3A_306 : i32 to index
      %get3A_905 = arith.index_cast %get3A_903 : i32 to index
      %get3A_906 = arith.constant 224 : index
      %get3A_907 = tpu.vector_load %arg6[%get3A_904, %get3A_905, %get3A_906] {strides = array<i32>} : memref<16x4x512xf32, #tpu.memory_space<vmem>>, vector<1x1x16xf32>,
      %get3A_908 = vector.shape_cast %get3A_907 : vector<1x1x16xf32> to vector<16xf32>
      %swap3A_909 = arith.constant 1 : i32
      %swap3A_910 = arith.index_cast %swap3A_909 : i32 to index
      %swap3A_911 = arith.index_cast %scan3A_306 : i32 to index
      %swap3A_912 = arith.constant 224 : index
      %swap3A_913 = tpu.vector_load %arg7[%swap3A_910, %swap3A_911, %swap3A_912] {strides = array<i32>} : memref<4x16x512xf32, #tpu.memory_space<vmem>>, vector<1x1x16xf32>,
      %swap3A_914 = vector.shape_cast %swap3A_913 : vector<1x1x16xf32> to vector<16xf32>
      %swap3A_915 = vector.shape_cast %get3A_908 : vector<16xf32> to vector<1x1x16xf32>
      tpu.vector_store %arg7[%swap3A_910, %swap3A_911, %swap3A_912], %swap3A_915 {strides = array<i32>} : memref<4x16x512xf32, #tpu.memory_space<vmem>>, vector<1x1x16xf32>,
      %get3A_916 = arith.constant 1 : i32
      %get3A_917 = arith.index_cast %scan3A_306 : i32 to index
      %get3A_918 = arith.index_cast %get3A_916 : i32 to index
      %get3A_919 = arith.constant 240 : index
      %get3A_920 = tpu.vector_load %arg6[%get3A_917, %get3A_918, %get3A_919] {strides = array<i32>} : memref<16x4x512xf32, #tpu.memory_space<vmem>>, vector<1x1x16xf32>,
      %get3A_921 = vector.shape_cast %get3A_920 : vector<1x1x16xf32> to vector<16xf32>
      %swap3A_922 = arith.constant 1 : i32
      %swap3A_923 = arith.index_cast %swap3A_922 : i32 to index
      %swap3A_924 = arith.index_cast %scan3A_306 : i32 to index
      %swap3A_925 = arith.constant 240 : index
      %swap3A_926 = tpu.vector_load %arg7[%swap3A_923, %swap3A_924, %swap3A_925] {strides = array<i32>} : memref<4x16x512xf32, #tpu.memory_space<vmem>>, vector<1x1x16xf32>,
      %swap3A_927 = vector.shape_cast %swap3A_926 : vector<1x1x16xf32> to vector<16xf32>
      %swap3A_928 = vector.shape_cast %get3A_921 : vector<16xf32> to vector<1x1x16xf32>
      tpu.vector_store %arg7[%swap3A_923, %swap3A_924, %swap3A_925], %swap3A_928 {strides = array<i32>} : memref<4x16x512xf32, #tpu.memory_space<vmem>>, vector<1x1x16xf32>,
      %get3A_929 = arith.constant 1 : i32
      %get3A_930 = arith.index_cast %scan3A_306 : i32 to index
      %get3A_931 = arith.index_cast %get3A_929 : i32 to index
      %get3A_932 = arith.constant 256 : index
      %get3A_933 = tpu.vector_load %arg6[%get3A_930, %get3A_931, %get3A_932] {strides = array<i32>} : memref<16x4x512xf32, #tpu.memory_space<vmem>>, vector<1x1x16xf32>,
      %get3A_934 = vector.shape_cast %get3A_933 : vector<1x1x16xf32> to vector<16xf32>
      %swap3A_935 = arith.constant 1 : i32
      %swap3A_936 = arith.index_cast %swap3A_935 : i32 to index
      %swap3A_937 = arith.index_cast %scan3A_306 : i32 to index
      %swap3A_938 = arith.constant 256 : index
      %swap3A_939 = tpu.vector_load %arg7[%swap3A_936, %swap3A_937, %swap3A_938] {strides = array<i32>} : memref<4x16x512xf32, #tpu.memory_space<vmem>>, vector<1x1x16xf32>,
      %swap3A_940 = vector.shape_cast %swap3A_939 : vector<1x1x16xf32> to vector<16xf32>
      %swap3A_941 = vector.shape_cast %get3A_934 : vector<16xf32> to vector<1x1x16xf32>
      tpu.vector_store %arg7[%swap3A_936, %swap3A_937, %swap3A_938], %swap3A_941 {strides = array<i32>} : memref<4x16x512xf32, #tpu.memory_space<vmem>>, vector<1x1x16xf32>,
      %get3A_942 = arith.constant 1 : i32
      %get3A_943 = arith.index_cast %scan3A_306 : i32 to index
      %get3A_944 = arith.index_cast %get3A_942 : i32 to index
      %get3A_945 = arith.constant 272 : index
      %get3A_946 = tpu.vector_load %arg6[%get3A_943, %get3A_944, %get3A_945] {strides = array<i32>} : memref<16x4x512xf32, #tpu.memory_space<vmem>>, vector<1x1x16xf32>,
      %get3A_947 = vector.shape_cast %get3A_946 : vector<1x1x16xf32> to vector<16xf32>
      %swap3A_948 = arith.constant 1 : i32
      %swap3A_949 = arith.index_cast %swap3A_948 : i32 to index
      %swap3A_950 = arith.index_cast %scan3A_306 : i32 to index
      %swap3A_951 = arith.constant 272 : index
      %swap3A_952 = tpu.vector_load %arg7[%swap3A_949, %swap3A_950, %swap3A_951] {strides = array<i32>} : memref<4x16x512xf32, #tpu.memory_space<vmem>>, vector<1x1x16xf32>,
      %swap3A_953 = vector.shape_cast %swap3A_952 : vector<1x1x16xf32> to vector<16xf32>
      %swap3A_954 = vector.shape_cast %get3A_947 : vector<16xf32> to vector<1x1x16xf32>
      tpu.vector_store %arg7[%swap3A_949, %swap3A_950, %swap3A_951], %swap3A_954 {strides = array<i32>} : memref<4x16x512xf32, #tpu.memory_space<vmem>>, vector<1x1x16xf32>,
      %get3A_955 = arith.constant 1 : i32
      %get3A_956 = arith.index_cast %scan3A_306 : i32 to index
      %get3A_957 = arith.index_cast %get3A_955 : i32 to index
      %get3A_958 = arith.constant 288 : index
      %get3A_959 = tpu.vector_load %arg6[%get3A_956, %get3A_957, %get3A_958] {strides = array<i32>} : memref<16x4x512xf32, #tpu.memory_space<vmem>>, vector<1x1x16xf32>,
      %get3A_960 = vector.shape_cast %get3A_959 : vector<1x1x16xf32> to vector<16xf32>
      %swap3A_961 = arith.constant 1 : i32
      %swap3A_962 = arith.index_cast %swap3A_961 : i32 to index
      %swap3A_963 = arith.index_cast %scan3A_306 : i32 to index
      %swap3A_964 = arith.constant 288 : index
      %swap3A_965 = tpu.vector_load %arg7[%swap3A_962, %swap3A_963, %swap3A_964] {strides = array<i32>} : memref<4x16x512xf32, #tpu.memory_space<vmem>>, vector<1x1x16xf32>,
      %swap3A_966 = vector.shape_cast %swap3A_965 : vector<1x1x16xf32> to vector<16xf32>
      %swap3A_967 = vector.shape_cast %get3A_960 : vector<16xf32> to vector<1x1x16xf32>
      tpu.vector_store %arg7[%swap3A_962, %swap3A_963, %swap3A_964], %swap3A_967 {strides = array<i32>} : memref<4x16x512xf32, #tpu.memory_space<vmem>>, vector<1x1x16xf32>,
      %get3A_968 = arith.constant 1 : i32
      %get3A_969 = arith.index_cast %scan3A_306 : i32 to index
      %get3A_970 = arith.index_cast %get3A_968 : i32 to index
      %get3A_971 = arith.constant 304 : index
      %get3A_972 = tpu.vector_load %arg6[%get3A_969, %get3A_970, %get3A_971] {strides = array<i32>} : memref<16x4x512xf32, #tpu.memory_space<vmem>>, vector<1x1x16xf32>,
      %get3A_973 = vector.shape_cast %get3A_972 : vector<1x1x16xf32> to vector<16xf32>
      %swap3A_974 = arith.constant 1 : i32
      %swap3A_975 = arith.index_cast %swap3A_974 : i32 to index
      %swap3A_976 = arith.index_cast %scan3A_306 : i32 to index
      %swap3A_977 = arith.constant 304 : index
      %swap3A_978 = tpu.vector_load %arg7[%swap3A_975, %swap3A_976, %swap3A_977] {strides = array<i32>} : memref<4x16x512xf32, #tpu.memory_space<vmem>>, vector<1x1x16xf32>,
      %swap3A_979 = vector.shape_cast %swap3A_978 : vector<1x1x16xf32> to vector<16xf32>
      %swap3A_980 = vector.shape_cast %get3A_973 : vector<16xf32> to vector<1x1x16xf32>
      tpu.vector_store %arg7[%swap3A_975, %swap3A_976, %swap3A_977], %swap3A_980 {strides = array<i32>} : memref<4x16x512xf32, #tpu.memory_space<vmem>>, vector<1x1x16xf32>,
      %get3A_981 = arith.constant 1 : i32
      %get3A_982 = arith.index_cast %scan3A_306 : i32 to index
      %get3A_983 = arith.index_cast %get3A_981 : i32 to index
      %get3A_984 = arith.constant 320 : index
      %get3A_985 = tpu.vector_load %arg6[%get3A_982, %get3A_983, %get3A_984] {strides = array<i32>} : memref<16x4x512xf32, #tpu.memory_space<vmem>>, vector<1x1x16xf32>,
      %get3A_986 = vector.shape_cast %get3A_985 : vector<1x1x16xf32> to vector<16xf32>
      %swap3A_987 = arith.constant 1 : i32
      %swap3A_988 = arith.index_cast %swap3A_987 : i32 to index
      %swap3A_989 = arith.index_cast %scan3A_306 : i32 to index
      %swap3A_990 = arith.constant 320 : index
      %swap3A_991 = tpu.vector_load %arg7[%swap3A_988, %swap3A_989, %swap3A_990] {strides = array<i32>} : memref<4x16x512xf32, #tpu.memory_space<vmem>>, vector<1x1x16xf32>,
      %swap3A_992 = vector.shape_cast %swap3A_991 : vector<1x1x16xf32> to vector<16xf32>
      %swap3A_993 = vector.shape_cast %get3A_986 : vector<16xf32> to vector<1x1x16xf32>
      tpu.vector_store %arg7[%swap3A_988, %swap3A_989, %swap3A_990], %swap3A_993 {strides = array<i32>} : memref<4x16x512xf32, #tpu.memory_space<vmem>>, vector<1x1x16xf32>,
      %get3A_994 = arith.constant 1 : i32
      %get3A_995 = arith.index_cast %scan3A_306 : i32 to index
      %get3A_996 = arith.index_cast %get3A_994 : i32 to index
      %get3A_997 = arith.constant 336 : index
      %get3A_998 = tpu.vector_load %arg6[%get3A_995, %get3A_996, %get3A_997] {strides = array<i32>} : memref<16x4x512xf32, #tpu.memory_space<vmem>>, vector<1x1x16xf32>,
      %get3A_999 = vector.shape_cast %get3A_998 : vector<1x1x16xf32> to vector<16xf32>
      %swap3A_1000 = arith.constant 1 : i32
      %swap3A_1001 = arith.index_cast %swap3A_1000 : i32 to index
      %swap3A_1002 = arith.index_cast %scan3A_306 : i32 to index
      %swap3A_1003 = arith.constant 336 : index
      %swap3A_1004 = tpu.vector_load %arg7[%swap3A_1001, %swap3A_1002, %swap3A_1003] {strides = array<i32>} : memref<4x16x512xf32, #tpu.memory_space<vmem>>, vector<1x1x16xf32>,
      %swap3A_1005 = vector.shape_cast %swap3A_1004 : vector<1x1x16xf32> to vector<16xf32>
      %swap3A_1006 = vector.shape_cast %get3A_999 : vector<16xf32> to vector<1x1x16xf32>
      tpu.vector_store %arg7[%swap3A_1001, %swap3A_1002, %swap3A_1003], %swap3A_1006 {strides = array<i32>} : memref<4x16x512xf32, #tpu.memory_space<vmem>>, vector<1x1x16xf32>,
      %get3A_1007 = arith.constant 1 : i32
      %get3A_1008 = arith.index_cast %scan3A_306 : i32 to index
      %get3A_1009 = arith.index_cast %get3A_1007 : i32 to index
      %get3A_1010 = arith.constant 352 : index
      %get3A_1011 = tpu.vector_load %arg6[%get3A_1008, %get3A_1009, %get3A_1010] {strides = array<i32>} : memref<16x4x512xf32, #tpu.memory_space<vmem>>, vector<1x1x16xf32>,
      %get3A_1012 = vector.shape_cast %get3A_1011 : vector<1x1x16xf32> to vector<16xf32>
      %swap3A_1013 = arith.constant 1 : i32
      %swap3A_1014 = arith.index_cast %swap3A_1013 : i32 to index
      %swap3A_1015 = arith.index_cast %scan3A_306 : i32 to index
      %swap3A_1016 = arith.constant 352 : index
      %swap3A_1017 = tpu.vector_load %arg7[%swap3A_1014, %swap3A_1015, %swap3A_1016] {strides = array<i32>} : memref<4x16x512xf32, #tpu.memory_space<vmem>>, vector<1x1x16xf32>,
      %swap3A_1018 = vector.shape_cast %swap3A_1017 : vector<1x1x16xf32> to vector<16xf32>
      %swap3A_1019 = vector.shape_cast %get3A_1012 : vector<16xf32> to vector<1x1x16xf32>
      tpu.vector_store %arg7[%swap3A_1014, %swap3A_1015, %swap3A_1016], %swap3A_1019 {strides = array<i32>} : memref<4x16x512xf32, #tpu.memory_space<vmem>>, vector<1x1x16xf32>,
      %get3A_1020 = arith.constant 1 : i32
      %get3A_1021 = arith.index_cast %scan3A_306 : i32 to index
      %get3A_1022 = arith.index_cast %get3A_1020 : i32 to index
      %get3A_1023 = arith.constant 368 : index
      %get3A_1024 = tpu.vector_load %arg6[%get3A_1021, %get3A_1022, %get3A_1023] {strides = array<i32>} : memref<16x4x512xf32, #tpu.memory_space<vmem>>, vector<1x1x16xf32>,
      %get3A_1025 = vector.shape_cast %get3A_1024 : vector<1x1x16xf32> to vector<16xf32>
      %swap3A_1026 = arith.constant 1 : i32
      %swap3A_1027 = arith.index_cast %swap3A_1026 : i32 to index
      %swap3A_1028 = arith.index_cast %scan3A_306 : i32 to index
      %swap3A_1029 = arith.constant 368 : index
      %swap3A_1030 = tpu.vector_load %arg7[%swap3A_1027, %swap3A_1028, %swap3A_1029] {strides = array<i32>} : memref<4x16x512xf32, #tpu.memory_space<vmem>>, vector<1x1x16xf32>,
      %swap3A_1031 = vector.shape_cast %swap3A_1030 : vector<1x1x16xf32> to vector<16xf32>
      %swap3A_1032 = vector.shape_cast %get3A_1025 : vector<16xf32> to vector<1x1x16xf32>
      tpu.vector_store %arg7[%swap3A_1027, %swap3A_1028, %swap3A_1029], %swap3A_1032 {strides = array<i32>} : memref<4x16x512xf32, #tpu.memory_space<vmem>>, vector<1x1x16xf32>,
      %get3A_1033 = arith.constant 1 : i32
      %get3A_1034 = arith.index_cast %scan3A_306 : i32 to index
      %get3A_1035 = arith.index_cast %get3A_1033 : i32 to index
      %get3A_1036 = arith.constant 384 : index
      %get3A_1037 = tpu.vector_load %arg6[%get3A_1034, %get3A_1035, %get3A_1036] {strides = array<i32>} : memref<16x4x512xf32, #tpu.memory_space<vmem>>, vector<1x1x16xf32>,
      %get3A_1038 = vector.shape_cast %get3A_1037 : vector<1x1x16xf32> to vector<16xf32>
      %swap3A_1039 = arith.constant 1 : i32
      %swap3A_1040 = arith.index_cast %swap3A_1039 : i32 to index
      %swap3A_1041 = arith.index_cast %scan3A_306 : i32 to index
      %swap3A_1042 = arith.constant 384 : index
      %swap3A_1043 = tpu.vector_load %arg7[%swap3A_1040, %swap3A_1041, %swap3A_1042] {strides = array<i32>} : memref<4x16x512xf32, #tpu.memory_space<vmem>>, vector<1x1x16xf32>,
      %swap3A_1044 = vector.shape_cast %swap3A_1043 : vector<1x1x16xf32> to vector<16xf32>
      %swap3A_1045 = vector.shape_cast %get3A_1038 : vector<16xf32> to vector<1x1x16xf32>
      tpu.vector_store %arg7[%swap3A_1040, %swap3A_1041, %swap3A_1042], %swap3A_1045 {strides = array<i32>} : memref<4x16x512xf32, #tpu.memory_space<vmem>>, vector<1x1x16xf32>,
      %get3A_1046 = arith.constant 1 : i32
      %get3A_1047 = arith.index_cast %scan3A_306 : i32 to index
      %get3A_1048 = arith.index_cast %get3A_1046 : i32 to index
      %get3A_1049 = arith.constant 400 : index
      %get3A_1050 = tpu.vector_load %arg6[%get3A_1047, %get3A_1048, %get3A_1049] {strides = array<i32>} : memref<16x4x512xf32, #tpu.memory_space<vmem>>, vector<1x1x16xf32>,
      %get3A_1051 = vector.shape_cast %get3A_1050 : vector<1x1x16xf32> to vector<16xf32>
      %swap3A_1052 = arith.constant 1 : i32
      %swap3A_1053 = arith.index_cast %swap3A_1052 : i32 to index
      %swap3A_1054 = arith.index_cast %scan3A_306 : i32 to index
      %swap3A_1055 = arith.constant 400 : index
      %swap3A_1056 = tpu.vector_load %arg7[%swap3A_1053, %swap3A_1054, %swap3A_1055] {strides = array<i32>} : memref<4x16x512xf32, #tpu.memory_space<vmem>>, vector<1x1x16xf32>,
      %swap3A_1057 = vector.shape_cast %swap3A_1056 : vector<1x1x16xf32> to vector<16xf32>
      %swap3A_1058 = vector.shape_cast %get3A_1051 : vector<16xf32> to vector<1x1x16xf32>
      tpu.vector_store %arg7[%swap3A_1053, %swap3A_1054, %swap3A_1055], %swap3A_1058 {strides = array<i32>} : memref<4x16x512xf32, #tpu.memory_space<vmem>>, vector<1x1x16xf32>,
      %get3A_1059 = arith.constant 1 : i32
      %get3A_1060 = arith.index_cast %scan3A_306 : i32 to index
      %get3A_1061 = arith.index_cast %get3A_1059 : i32 to index
      %get3A_1062 = arith.constant 416 : index
      %get3A_1063 = tpu.vector_load %arg6[%get3A_1060, %get3A_1061, %get3A_1062] {strides = array<i32>} : memref<16x4x512xf32, #tpu.memory_space<vmem>>, vector<1x1x16xf32>,
      %get3A_1064 = vector.shape_cast %get3A_1063 : vector<1x1x16xf32> to vector<16xf32>
      %swap3A_1065 = arith.constant 1 : i32
      %swap3A_1066 = arith.index_cast %swap3A_1065 : i32 to index
      %swap3A_1067 = arith.index_cast %scan3A_306 : i32 to index
      %swap3A_1068 = arith.constant 416 : index
      %swap3A_1069 = tpu.vector_load %arg7[%swap3A_1066, %swap3A_1067, %swap3A_1068] {strides = array<i32>} : memref<4x16x512xf32, #tpu.memory_space<vmem>>, vector<1x1x16xf32>,
      %swap3A_1070 = vector.shape_cast %swap3A_1069 : vector<1x1x16xf32> to vector<16xf32>
      %swap3A_1071 = vector.shape_cast %get3A_1064 : vector<16xf32> to vector<1x1x16xf32>
      tpu.vector_store %arg7[%swap3A_1066, %swap3A_1067, %swap3A_1068], %swap3A_1071 {strides = array<i32>} : memref<4x16x512xf32, #tpu.memory_space<vmem>>, vector<1x1x16xf32>,
      %get3A_1072 = arith.constant 1 : i32
      %get3A_1073 = arith.index_cast %scan3A_306 : i32 to index
      %get3A_1074 = arith.index_cast %get3A_1072 : i32 to index
      %get3A_1075 = arith.constant 432 : index
      %get3A_1076 = tpu.vector_load %arg6[%get3A_1073, %get3A_1074, %get3A_1075] {strides = array<i32>} : memref<16x4x512xf32, #tpu.memory_space<vmem>>, vector<1x1x16xf32>,
      %get3A_1077 = vector.shape_cast %get3A_1076 : vector<1x1x16xf32> to vector<16xf32>
      %swap3A_1078 = arith.constant 1 : i32
      %swap3A_1079 = arith.index_cast %swap3A_1078 : i32 to index
      %swap3A_1080 = arith.index_cast %scan3A_306 : i32 to index
      %swap3A_1081 = arith.constant 432 : index
      %swap3A_1082 = tpu.vector_load %arg7[%swap3A_1079, %swap3A_1080, %swap3A_1081] {strides = array<i32>} : memref<4x16x512xf32, #tpu.memory_space<vmem>>, vector<1x1x16xf32>,
      %swap3A_1083 = vector.shape_cast %swap3A_1082 : vector<1x1x16xf32> to vector<16xf32>
      %swap3A_1084 = vector.shape_cast %get3A_1077 : vector<16xf32> to vector<1x1x16xf32>
      tpu.vector_store %arg7[%swap3A_1079, %swap3A_1080, %swap3A_1081], %swap3A_1084 {strides = array<i32>} : memref<4x16x512xf32, #tpu.memory_space<vmem>>, vector<1x1x16xf32>,
      %get3A_1085 = arith.constant 1 : i32
      %get3A_1086 = arith.index_cast %scan3A_306 : i32 to index
      %get3A_1087 = arith.index_cast %get3A_1085 : i32 to index
      %get3A_1088 = arith.constant 448 : index
      %get3A_1089 = tpu.vector_load %arg6[%get3A_1086, %get3A_1087, %get3A_1088] {strides = array<i32>} : memref<16x4x512xf32, #tpu.memory_space<vmem>>, vector<1x1x16xf32>,
      %get3A_1090 = vector.shape_cast %get3A_1089 : vector<1x1x16xf32> to vector<16xf32>
      %swap3A_1091 = arith.constant 1 : i32
      %swap3A_1092 = arith.index_cast %swap3A_1091 : i32 to index
      %swap3A_1093 = arith.index_cast %scan3A_306 : i32 to index
      %swap3A_1094 = arith.constant 448 : index
      %swap3A_1095 = tpu.vector_load %arg7[%swap3A_1092, %swap3A_1093, %swap3A_1094] {strides = array<i32>} : memref<4x16x512xf32, #tpu.memory_space<vmem>>, vector<1x1x16xf32>,
      %swap3A_1096 = vector.shape_cast %swap3A_1095 : vector<1x1x16xf32> to vector<16xf32>
      %swap3A_1097 = vector.shape_cast %get3A_1090 : vector<16xf32> to vector<1x1x16xf32>
      tpu.vector_store %arg7[%swap3A_1092, %swap3A_1093, %swap3A_1094], %swap3A_1097 {strides = array<i32>} : memref<4x16x512xf32, #tpu.memory_space<vmem>>, vector<1x1x16xf32>,
      %get3A_1098 = arith.constant 1 : i32
      %get3A_1099 = arith.index_cast %scan3A_306 : i32 to index
      %get3A_1100 = arith.index_cast %get3A_1098 : i32 to index
      %get3A_1101 = arith.constant 464 : index
      %get3A_1102 = tpu.vector_load %arg6[%get3A_1099, %get3A_1100, %get3A_1101] {strides = array<i32>} : memref<16x4x512xf32, #tpu.memory_space<vmem>>, vector<1x1x16xf32>,
      %get3A_1103 = vector.shape_cast %get3A_1102 : vector<1x1x16xf32> to vector<16xf32>
      %swap3A_1104 = arith.constant 1 : i32
      %swap3A_1105 = arith.index_cast %swap3A_1104 : i32 to index
      %swap3A_1106 = arith.index_cast %scan3A_306 : i32 to index
      %swap3A_1107 = arith.constant 464 : index
      %swap3A_1108 = tpu.vector_load %arg7[%swap3A_1105, %swap3A_1106, %swap3A_1107] {strides = array<i32>} : memref<4x16x512xf32, #tpu.memory_space<vmem>>, vector<1x1x16xf32>,
      %swap3A_1109 = vector.shape_cast %swap3A_1108 : vector<1x1x16xf32> to vector<16xf32>
      %swap3A_1110 = vector.shape_cast %get3A_1103 : vector<16xf32> to vector<1x1x16xf32>
      tpu.vector_store %arg7[%swap3A_1105, %swap3A_1106, %swap3A_1107], %swap3A_1110 {strides = array<i32>} : memref<4x16x512xf32, #tpu.memory_space<vmem>>, vector<1x1x16xf32>,
      %get3A_1111 = arith.constant 1 : i32
      %get3A_1112 = arith.index_cast %scan3A_306 : i32 to index
      %get3A_1113 = arith.index_cast %get3A_1111 : i32 to index
      %get3A_1114 = arith.constant 480 : index
      %get3A_1115 = tpu.vector_load %arg6[%get3A_1112, %get3A_1113, %get3A_1114] {strides = array<i32>} : memref<16x4x512xf32, #tpu.memory_space<vmem>>, vector<1x1x16xf32>,
      %get3A_1116 = vector.shape_cast %get3A_1115 : vector<1x1x16xf32> to vector<16xf32>
      %swap3A_1117 = arith.constant 1 : i32
      %swap3A_1118 = arith.index_cast %swap3A_1117 : i32 to index
      %swap3A_1119 = arith.index_cast %scan3A_306 : i32 to index
      %swap3A_1120 = arith.constant 480 : index
      %swap3A_1121 = tpu.vector_load %arg7[%swap3A_1118, %swap3A_1119, %swap3A_1120] {strides = array<i32>} : memref<4x16x512xf32, #tpu.memory_space<vmem>>, vector<1x1x16xf32>,
      %swap3A_1122 = vector.shape_cast %swap3A_1121 : vector<1x1x16xf32> to vector<16xf32>
      %swap3A_1123 = vector.shape_cast %get3A_1116 : vector<16xf32> to vector<1x1x16xf32>
      tpu.vector_store %arg7[%swap3A_1118, %swap3A_1119, %swap3A_1120], %swap3A_1123 {strides = array<i32>} : memref<4x16x512xf32, #tpu.memory_space<vmem>>, vector<1x1x16xf32>,
      %get3A_1124 = arith.constant 1 : i32
      %get3A_1125 = arith.index_cast %scan3A_306 : i32 to index
      %get3A_1126 = arith.index_cast %get3A_1124 : i32 to index
      %get3A_1127 = arith.constant 496 : index
      %get3A_1128 = tpu.vector_load %arg6[%get3A_1125, %get3A_1126, %get3A_1127] {strides = array<i32>} : memref<16x4x512xf32, #tpu.memory_space<vmem>>, vector<1x1x16xf32>,
      %get3A_1129 = vector.shape_cast %get3A_1128 : vector<1x1x16xf32> to vector<16xf32>
      %swap3A_1130 = arith.constant 1 : i32
      %swap3A_1131 = arith.index_cast %swap3A_1130 : i32 to index
      %swap3A_1132 = arith.index_cast %scan3A_306 : i32 to index
      %swap3A_1133 = arith.constant 496 : index
      %swap3A_1134 = tpu.vector_load %arg7[%swap3A_1131, %swap3A_1132, %swap3A_1133] {strides = array<i32>} : memref<4x16x512xf32, #tpu.memory_space<vmem>>, vector<1x1x16xf32>,
      %swap3A_1135 = vector.shape_cast %swap3A_1134 : vector<1x1x16xf32> to vector<16xf32>
      %swap3A_1136 = vector.shape_cast %get3A_1129 : vector<16xf32> to vector<1x1x16xf32>
      tpu.vector_store %arg7[%swap3A_1131, %swap3A_1132, %swap3A_1133], %swap3A_1136 {strides = array<i32>} : memref<4x16x512xf32, #tpu.memory_space<vmem>>, vector<1x1x16xf32>,
      %get3A_1137 = arith.constant 2 : i32
      %get3A_1138 = arith.index_cast %scan3A_306 : i32 to index
      %get3A_1139 = arith.index_cast %get3A_1137 : i32 to index
      %get3A_1140 = arith.constant 0 : index
      %get3A_1141 = tpu.vector_load %arg6[%get3A_1138, %get3A_1139, %get3A_1140] {strides = array<i32>} : memref<16x4x512xf32, #tpu.memory_space<vmem>>, vector<1x1x16xf32>,
      %get3A_1142 = vector.shape_cast %get3A_1141 : vector<1x1x16xf32> to vector<16xf32>
      %swap3A_1143 = arith.constant 2 : i32
      %swap3A_1144 = arith.index_cast %swap3A_1143 : i32 to index
      %swap3A_1145 = arith.index_cast %scan3A_306 : i32 to index
      %swap3A_1146 = arith.constant 0 : index
      %swap3A_1147 = tpu.vector_load %arg7[%swap3A_1144, %swap3A_1145, %swap3A_1146] {strides = array<i32>} : memref<4x16x512xf32, #tpu.memory_space<vmem>>, vector<1x1x16xf32>,
      %swap3A_1148 = vector.shape_cast %swap3A_1147 : vector<1x1x16xf32> to vector<16xf32>
      %swap3A_1149 = vector.shape_cast %get3A_1142 : vector<16xf32> to vector<1x1x16xf32>
      tpu.vector_store %arg7[%swap3A_1144, %swap3A_1145, %swap3A_1146], %swap3A_1149 {strides = array<i32>} : memref<4x16x512xf32, #tpu.memory_space<vmem>>, vector<1x1x16xf32>,
      %get3A_1150 = arith.constant 2 : i32
      %get3A_1151 = arith.index_cast %scan3A_306 : i32 to index
      %get3A_1152 = arith.index_cast %get3A_1150 : i32 to index
      %get3A_1153 = arith.constant 16 : index
      %get3A_1154 = tpu.vector_load %arg6[%get3A_1151, %get3A_1152, %get3A_1153] {strides = array<i32>} : memref<16x4x512xf32, #tpu.memory_space<vmem>>, vector<1x1x16xf32>,
      %get3A_1155 = vector.shape_cast %get3A_1154 : vector<1x1x16xf32> to vector<16xf32>
      %swap3A_1156 = arith.constant 2 : i32
      %swap3A_1157 = arith.index_cast %swap3A_1156 : i32 to index
      %swap3A_1158 = arith.index_cast %scan3A_306 : i32 to index
      %swap3A_1159 = arith.constant 16 : index
      %swap3A_1160 = tpu.vector_load %arg7[%swap3A_1157, %swap3A_1158, %swap3A_1159] {strides = array<i32>} : memref<4x16x512xf32, #tpu.memory_space<vmem>>, vector<1x1x16xf32>,
      %swap3A_1161 = vector.shape_cast %swap3A_1160 : vector<1x1x16xf32> to vector<16xf32>
      %swap3A_1162 = vector.shape_cast %get3A_1155 : vector<16xf32> to vector<1x1x16xf32>
      tpu.vector_store %arg7[%swap3A_1157, %swap3A_1158, %swap3A_1159], %swap3A_1162 {strides = array<i32>} : memref<4x16x512xf32, #tpu.memory_space<vmem>>, vector<1x1x16xf32>,
      %get3A_1163 = arith.constant 2 : i32
      %get3A_1164 = arith.index_cast %scan3A_306 : i32 to index
      %get3A_1165 = arith.index_cast %get3A_1163 : i32 to index
      %get3A_1166 = arith.constant 32 : index
      %get3A_1167 = tpu.vector_load %arg6[%get3A_1164, %get3A_1165, %get3A_1166] {strides = array<i32>} : memref<16x4x512xf32, #tpu.memory_space<vmem>>, vector<1x1x16xf32>,
      %get3A_1168 = vector.shape_cast %get3A_1167 : vector<1x1x16xf32> to vector<16xf32>
      %swap3A_1169 = arith.constant 2 : i32
      %swap3A_1170 = arith.index_cast %swap3A_1169 : i32 to index
      %swap3A_1171 = arith.index_cast %scan3A_306 : i32 to index
      %swap3A_1172 = arith.constant 32 : index
      %swap3A_1173 = tpu.vector_load %arg7[%swap3A_1170, %swap3A_1171, %swap3A_1172] {strides = array<i32>} : memref<4x16x512xf32, #tpu.memory_space<vmem>>, vector<1x1x16xf32>,
      %swap3A_1174 = vector.shape_cast %swap3A_1173 : vector<1x1x16xf32> to vector<16xf32>
      %swap3A_1175 = vector.shape_cast %get3A_1168 : vector<16xf32> to vector<1x1x16xf32>
      tpu.vector_store %arg7[%swap3A_1170, %swap3A_1171, %swap3A_1172], %swap3A_1175 {strides = array<i32>} : memref<4x16x512xf32, #tpu.memory_space<vmem>>, vector<1x1x16xf32>,
      %get3A_1176 = arith.constant 2 : i32
      %get3A_1177 = arith.index_cast %scan3A_306 : i32 to index
      %get3A_1178 = arith.index_cast %get3A_1176 : i32 to index
      %get3A_1179 = arith.constant 48 : index
      %get3A_1180 = tpu.vector_load %arg6[%get3A_1177, %get3A_1178, %get3A_1179] {strides = array<i32>} : memref<16x4x512xf32, #tpu.memory_space<vmem>>, vector<1x1x16xf32>,
      %get3A_1181 = vector.shape_cast %get3A_1180 : vector<1x1x16xf32> to vector<16xf32>
      %swap3A_1182 = arith.constant 2 : i32
      %swap3A_1183 = arith.index_cast %swap3A_1182 : i32 to index
      %swap3A_1184 = arith.index_cast %scan3A_306 : i32 to index
      %swap3A_1185 = arith.constant 48 : index
      %swap3A_1186 = tpu.vector_load %arg7[%swap3A_1183, %swap3A_1184, %swap3A_1185] {strides = array<i32>} : memref<4x16x512xf32, #tpu.memory_space<vmem>>, vector<1x1x16xf32>,
      %swap3A_1187 = vector.shape_cast %swap3A_1186 : vector<1x1x16xf32> to vector<16xf32>
      %swap3A_1188 = vector.shape_cast %get3A_1181 : vector<16xf32> to vector<1x1x16xf32>
      tpu.vector_store %arg7[%swap3A_1183, %swap3A_1184, %swap3A_1185], %swap3A_1188 {strides = array<i32>} : memref<4x16x512xf32, #tpu.memory_space<vmem>>, vector<1x1x16xf32>,
      %get3A_1189 = arith.constant 2 : i32
      %get3A_1190 = arith.index_cast %scan3A_306 : i32 to index
      %get3A_1191 = arith.index_cast %get3A_1189 : i32 to index
      %get3A_1192 = arith.constant 64 : index
      %get3A_1193 = tpu.vector_load %arg6[%get3A_1190, %get3A_1191, %get3A_1192] {strides = array<i32>} : memref<16x4x512xf32, #tpu.memory_space<vmem>>, vector<1x1x16xf32>,
      %get3A_1194 = vector.shape_cast %get3A_1193 : vector<1x1x16xf32> to vector<16xf32>
      %swap3A_1195 = arith.constant 2 : i32
      %swap3A_1196 = arith.index_cast %swap3A_1195 : i32 to index
      %swap3A_1197 = arith.index_cast %scan3A_306 : i32 to index
      %swap3A_1198 = arith.constant 64 : index
      %swap3A_1199 = tpu.vector_load %arg7[%swap3A_1196, %swap3A_1197, %swap3A_1198] {strides = array<i32>} : memref<4x16x512xf32, #tpu.memory_space<vmem>>, vector<1x1x16xf32>,
      %swap3A_1200 = vector.shape_cast %swap3A_1199 : vector<1x1x16xf32> to vector<16xf32>
      %swap3A_1201 = vector.shape_cast %get3A_1194 : vector<16xf32> to vector<1x1x16xf32>
      tpu.vector_store %arg7[%swap3A_1196, %swap3A_1197, %swap3A_1198], %swap3A_1201 {strides = array<i32>} : memref<4x16x512xf32, #tpu.memory_space<vmem>>, vector<1x1x16xf32>,
      %get3A_1202 = arith.constant 2 : i32
      %get3A_1203 = arith.index_cast %scan3A_306 : i32 to index
      %get3A_1204 = arith.index_cast %get3A_1202 : i32 to index
      %get3A_1205 = arith.constant 80 : index
      %get3A_1206 = tpu.vector_load %arg6[%get3A_1203, %get3A_1204, %get3A_1205] {strides = array<i32>} : memref<16x4x512xf32, #tpu.memory_space<vmem>>, vector<1x1x16xf32>,
      %get3A_1207 = vector.shape_cast %get3A_1206 : vector<1x1x16xf32> to vector<16xf32>
      %swap3A_1208 = arith.constant 2 : i32
      %swap3A_1209 = arith.index_cast %swap3A_1208 : i32 to index
      %swap3A_1210 = arith.index_cast %scan3A_306 : i32 to index
      %swap3A_1211 = arith.constant 80 : index
      %swap3A_1212 = tpu.vector_load %arg7[%swap3A_1209, %swap3A_1210, %swap3A_1211] {strides = array<i32>} : memref<4x16x512xf32, #tpu.memory_space<vmem>>, vector<1x1x16xf32>,
      %swap3A_1213 = vector.shape_cast %swap3A_1212 : vector<1x1x16xf32> to vector<16xf32>
      %swap3A_1214 = vector.shape_cast %get3A_1207 : vector<16xf32> to vector<1x1x16xf32>
      tpu.vector_store %arg7[%swap3A_1209, %swap3A_1210, %swap3A_1211], %swap3A_1214 {strides = array<i32>} : memref<4x16x512xf32, #tpu.memory_space<vmem>>, vector<1x1x16xf32>,
      %get3A_1215 = arith.constant 2 : i32
      %get3A_1216 = arith.index_cast %scan3A_306 : i32 to index
      %get3A_1217 = arith.index_cast %get3A_1215 : i32 to index
      %get3A_1218 = arith.constant 96 : index
      %get3A_1219 = tpu.vector_load %arg6[%get3A_1216, %get3A_1217, %get3A_1218] {strides = array<i32>} : memref<16x4x512xf32, #tpu.memory_space<vmem>>, vector<1x1x16xf32>,
      %get3A_1220 = vector.shape_cast %get3A_1219 : vector<1x1x16xf32> to vector<16xf32>
      %swap3A_1221 = arith.constant 2 : i32
      %swap3A_1222 = arith.index_cast %swap3A_1221 : i32 to index
      %swap3A_1223 = arith.index_cast %scan3A_306 : i32 to index
      %swap3A_1224 = arith.constant 96 : index
      %swap3A_1225 = tpu.vector_load %arg7[%swap3A_1222, %swap3A_1223, %swap3A_1224] {strides = array<i32>} : memref<4x16x512xf32, #tpu.memory_space<vmem>>, vector<1x1x16xf32>,
      %swap3A_1226 = vector.shape_cast %swap3A_1225 : vector<1x1x16xf32> to vector<16xf32>
      %swap3A_1227 = vector.shape_cast %get3A_1220 : vector<16xf32> to vector<1x1x16xf32>
      tpu.vector_store %arg7[%swap3A_1222, %swap3A_1223, %swap3A_1224], %swap3A_1227 {strides = array<i32>} : memref<4x16x512xf32, #tpu.memory_space<vmem>>, vector<1x1x16xf32>,
      %get3A_1228 = arith.constant 2 : i32
      %get3A_1229 = arith.index_cast %scan3A_306 : i32 to index
      %get3A_1230 = arith.index_cast %get3A_1228 : i32 to index
      %get3A_1231 = arith.constant 112 : index
      %get3A_1232 = tpu.vector_load %arg6[%get3A_1229, %get3A_1230, %get3A_1231] {strides = array<i32>} : memref<16x4x512xf32, #tpu.memory_space<vmem>>, vector<1x1x16xf32>,
      %get3A_1233 = vector.shape_cast %get3A_1232 : vector<1x1x16xf32> to vector<16xf32>
      %swap3A_1234 = arith.constant 2 : i32
      %swap3A_1235 = arith.index_cast %swap3A_1234 : i32 to index
      %swap3A_1236 = arith.index_cast %scan3A_306 : i32 to index
      %swap3A_1237 = arith.constant 112 : index
      %swap3A_1238 = tpu.vector_load %arg7[%swap3A_1235, %swap3A_1236, %swap3A_1237] {strides = array<i32>} : memref<4x16x512xf32, #tpu.memory_space<vmem>>, vector<1x1x16xf32>,
      %swap3A_1239 = vector.shape_cast %swap3A_1238 : vector<1x1x16xf32> to vector<16xf32>
      %swap3A_1240 = vector.shape_cast %get3A_1233 : vector<16xf32> to vector<1x1x16xf32>
      tpu.vector_store %arg7[%swap3A_1235, %swap3A_1236, %swap3A_1237], %swap3A_1240 {strides = array<i32>} : memref<4x16x512xf32, #tpu.memory_space<vmem>>, vector<1x1x16xf32>,
      %get3A_1241 = arith.constant 2 : i32
      %get3A_1242 = arith.index_cast %scan3A_306 : i32 to index
      %get3A_1243 = arith.index_cast %get3A_1241 : i32 to index
      %get3A_1244 = arith.constant 128 : index
      %get3A_1245 = tpu.vector_load %arg6[%get3A_1242, %get3A_1243, %get3A_1244] {strides = array<i32>} : memref<16x4x512xf32, #tpu.memory_space<vmem>>, vector<1x1x16xf32>,
      %get3A_1246 = vector.shape_cast %get3A_1245 : vector<1x1x16xf32> to vector<16xf32>
      %swap3A_1247 = arith.constant 2 : i32
      %swap3A_1248 = arith.index_cast %swap3A_1247 : i32 to index
      %swap3A_1249 = arith.index_cast %scan3A_306 : i32 to index
      %swap3A_1250 = arith.constant 128 : index
      %swap3A_1251 = tpu.vector_load %arg7[%swap3A_1248, %swap3A_1249, %swap3A_1250] {strides = array<i32>} : memref<4x16x512xf32, #tpu.memory_space<vmem>>, vector<1x1x16xf32>,
      %swap3A_1252 = vector.shape_cast %swap3A_1251 : vector<1x1x16xf32> to vector<16xf32>
      %swap3A_1253 = vector.shape_cast %get3A_1246 : vector<16xf32> to vector<1x1x16xf32>
      tpu.vector_store %arg7[%swap3A_1248, %swap3A_1249, %swap3A_1250], %swap3A_1253 {strides = array<i32>} : memref<4x16x512xf32, #tpu.memory_space<vmem>>, vector<1x1x16xf32>,
      %get3A_1254 = arith.constant 2 : i32
      %get3A_1255 = arith.index_cast %scan3A_306 : i32 to index
      %get3A_1256 = arith.index_cast %get3A_1254 : i32 to index
      %get3A_1257 = arith.constant 144 : index
      %get3A_1258 = tpu.vector_load %arg6[%get3A_1255, %get3A_1256, %get3A_1257] {strides = array<i32>} : memref<16x4x512xf32, #tpu.memory_space<vmem>>, vector<1x1x16xf32>,
      %get3A_1259 = vector.shape_cast %get3A_1258 : vector<1x1x16xf32> to vector<16xf32>
      %swap3A_1260 = arith.constant 2 : i32
      %swap3A_1261 = arith.index_cast %swap3A_1260 : i32 to index
      %swap3A_1262 = arith.index_cast %scan3A_306 : i32 to index
      %swap3A_1263 = arith.constant 144 : index
      %swap3A_1264 = tpu.vector_load %arg7[%swap3A_1261, %swap3A_1262, %swap3A_1263] {strides = array<i32>} : memref<4x16x512xf32, #tpu.memory_space<vmem>>, vector<1x1x16xf32>,
      %swap3A_1265 = vector.shape_cast %swap3A_1264 : vector<1x1x16xf32> to vector<16xf32>
      %swap3A_1266 = vector.shape_cast %get3A_1259 : vector<16xf32> to vector<1x1x16xf32>
      tpu.vector_store %arg7[%swap3A_1261, %swap3A_1262, %swap3A_1263], %swap3A_1266 {strides = array<i32>} : memref<4x16x512xf32, #tpu.memory_space<vmem>>, vector<1x1x16xf32>,
      %get3A_1267 = arith.constant 2 : i32
      %get3A_1268 = arith.index_cast %scan3A_306 : i32 to index
      %get3A_1269 = arith.index_cast %get3A_1267 : i32 to index
      %get3A_1270 = arith.constant 160 : index
      %get3A_1271 = tpu.vector_load %arg6[%get3A_1268, %get3A_1269, %get3A_1270] {strides = array<i32>} : memref<16x4x512xf32, #tpu.memory_space<vmem>>, vector<1x1x16xf32>,
      %get3A_1272 = vector.shape_cast %get3A_1271 : vector<1x1x16xf32> to vector<16xf32>
      %swap3A_1273 = arith.constant 2 : i32
      %swap3A_1274 = arith.index_cast %swap3A_1273 : i32 to index
      %swap3A_1275 = arith.index_cast %scan3A_306 : i32 to index
      %swap3A_1276 = arith.constant 160 : index
      %swap3A_1277 = tpu.vector_load %arg7[%swap3A_1274, %swap3A_1275, %swap3A_1276] {strides = array<i32>} : memref<4x16x512xf32, #tpu.memory_space<vmem>>, vector<1x1x16xf32>,
      %swap3A_1278 = vector.shape_cast %swap3A_1277 : vector<1x1x16xf32> to vector<16xf32>
      %swap3A_1279 = vector.shape_cast %get3A_1272 : vector<16xf32> to vector<1x1x16xf32>
      tpu.vector_store %arg7[%swap3A_1274, %swap3A_1275, %swap3A_1276], %swap3A_1279 {strides = array<i32>} : memref<4x16x512xf32, #tpu.memory_space<vmem>>, vector<1x1x16xf32>,
      %get3A_1280 = arith.constant 2 : i32
      %get3A_1281 = arith.index_cast %scan3A_306 : i32 to index
      %get3A_1282 = arith.index_cast %get3A_1280 : i32 to index
      %get3A_1283 = arith.constant 176 : index
      %get3A_1284 = tpu.vector_load %arg6[%get3A_1281, %get3A_1282, %get3A_1283] {strides = array<i32>} : memref<16x4x512xf32, #tpu.memory_space<vmem>>, vector<1x1x16xf32>,
      %get3A_1285 = vector.shape_cast %get3A_1284 : vector<1x1x16xf32> to vector<16xf32>
      %swap3A_1286 = arith.constant 2 : i32
      %swap3A_1287 = arith.index_cast %swap3A_1286 : i32 to index
      %swap3A_1288 = arith.index_cast %scan3A_306 : i32 to index
      %swap3A_1289 = arith.constant 176 : index
      %swap3A_1290 = tpu.vector_load %arg7[%swap3A_1287, %swap3A_1288, %swap3A_1289] {strides = array<i32>} : memref<4x16x512xf32, #tpu.memory_space<vmem>>, vector<1x1x16xf32>,
      %swap3A_1291 = vector.shape_cast %swap3A_1290 : vector<1x1x16xf32> to vector<16xf32>
      %swap3A_1292 = vector.shape_cast %get3A_1285 : vector<16xf32> to vector<1x1x16xf32>
      tpu.vector_store %arg7[%swap3A_1287, %swap3A_1288, %swap3A_1289], %swap3A_1292 {strides = array<i32>} : memref<4x16x512xf32, #tpu.memory_space<vmem>>, vector<1x1x16xf32>,
      %get3A_1293 = arith.constant 2 : i32
      %get3A_1294 = arith.index_cast %scan3A_306 : i32 to index
      %get3A_1295 = arith.index_cast %get3A_1293 : i32 to index
      %get3A_1296 = arith.constant 192 : index
      %get3A_1297 = tpu.vector_load %arg6[%get3A_1294, %get3A_1295, %get3A_1296] {strides = array<i32>} : memref<16x4x512xf32, #tpu.memory_space<vmem>>, vector<1x1x16xf32>,
      %get3A_1298 = vector.shape_cast %get3A_1297 : vector<1x1x16xf32> to vector<16xf32>
      %swap3A_1299 = arith.constant 2 : i32
      %swap3A_1300 = arith.index_cast %swap3A_1299 : i32 to index
      %swap3A_1301 = arith.index_cast %scan3A_306 : i32 to index
      %swap3A_1302 = arith.constant 192 : index
      %swap3A_1303 = tpu.vector_load %arg7[%swap3A_1300, %swap3A_1301, %swap3A_1302] {strides = array<i32>} : memref<4x16x512xf32, #tpu.memory_space<vmem>>, vector<1x1x16xf32>,
      %swap3A_1304 = vector.shape_cast %swap3A_1303 : vector<1x1x16xf32> to vector<16xf32>
      %swap3A_1305 = vector.shape_cast %get3A_1298 : vector<16xf32> to vector<1x1x16xf32>
      tpu.vector_store %arg7[%swap3A_1300, %swap3A_1301, %swap3A_1302], %swap3A_1305 {strides = array<i32>} : memref<4x16x512xf32, #tpu.memory_space<vmem>>, vector<1x1x16xf32>,
      %get3A_1306 = arith.constant 2 : i32
      %get3A_1307 = arith.index_cast %scan3A_306 : i32 to index
      %get3A_1308 = arith.index_cast %get3A_1306 : i32 to index
      %get3A_1309 = arith.constant 208 : index
      %get3A_1310 = tpu.vector_load %arg6[%get3A_1307, %get3A_1308, %get3A_1309] {strides = array<i32>} : memref<16x4x512xf32, #tpu.memory_space<vmem>>, vector<1x1x16xf32>,
      %get3A_1311 = vector.shape_cast %get3A_1310 : vector<1x1x16xf32> to vector<16xf32>
      %swap3A_1312 = arith.constant 2 : i32
      %swap3A_1313 = arith.index_cast %swap3A_1312 : i32 to index
      %swap3A_1314 = arith.index_cast %scan3A_306 : i32 to index
      %swap3A_1315 = arith.constant 208 : index
      %swap3A_1316 = tpu.vector_load %arg7[%swap3A_1313, %swap3A_1314, %swap3A_1315] {strides = array<i32>} : memref<4x16x512xf32, #tpu.memory_space<vmem>>, vector<1x1x16xf32>,
      %swap3A_1317 = vector.shape_cast %swap3A_1316 : vector<1x1x16xf32> to vector<16xf32>
      %swap3A_1318 = vector.shape_cast %get3A_1311 : vector<16xf32> to vector<1x1x16xf32>
      tpu.vector_store %arg7[%swap3A_1313, %swap3A_1314, %swap3A_1315], %swap3A_1318 {strides = array<i32>} : memref<4x16x512xf32, #tpu.memory_space<vmem>>, vector<1x1x16xf32>,
      %get3A_1319 = arith.constant 2 : i32
      %get3A_1320 = arith.index_cast %scan3A_306 : i32 to index
      %get3A_1321 = arith.index_cast %get3A_1319 : i32 to index
      %get3A_1322 = arith.constant 224 : index
      %get3A_1323 = tpu.vector_load %arg6[%get3A_1320, %get3A_1321, %get3A_1322] {strides = array<i32>} : memref<16x4x512xf32, #tpu.memory_space<vmem>>, vector<1x1x16xf32>,
      %get3A_1324 = vector.shape_cast %get3A_1323 : vector<1x1x16xf32> to vector<16xf32>
      %swap3A_1325 = arith.constant 2 : i32
      %swap3A_1326 = arith.index_cast %swap3A_1325 : i32 to index
      %swap3A_1327 = arith.index_cast %scan3A_306 : i32 to index
      %swap3A_1328 = arith.constant 224 : index
      %swap3A_1329 = tpu.vector_load %arg7[%swap3A_1326, %swap3A_1327, %swap3A_1328] {strides = array<i32>} : memref<4x16x512xf32, #tpu.memory_space<vmem>>, vector<1x1x16xf32>,
      %swap3A_1330 = vector.shape_cast %swap3A_1329 : vector<1x1x16xf32> to vector<16xf32>
      %swap3A_1331 = vector.shape_cast %get3A_1324 : vector<16xf32> to vector<1x1x16xf32>
      tpu.vector_store %arg7[%swap3A_1326, %swap3A_1327, %swap3A_1328], %swap3A_1331 {strides = array<i32>} : memref<4x16x512xf32, #tpu.memory_space<vmem>>, vector<1x1x16xf32>,
      %get3A_1332 = arith.constant 2 : i32
      %get3A_1333 = arith.index_cast %scan3A_306 : i32 to index
      %get3A_1334 = arith.index_cast %get3A_1332 : i32 to index
      %get3A_1335 = arith.constant 240 : index
      %get3A_1336 = tpu.vector_load %arg6[%get3A_1333, %get3A_1334, %get3A_1335] {strides = array<i32>} : memref<16x4x512xf32, #tpu.memory_space<vmem>>, vector<1x1x16xf32>,
      %get3A_1337 = vector.shape_cast %get3A_1336 : vector<1x1x16xf32> to vector<16xf32>
      %swap3A_1338 = arith.constant 2 : i32
      %swap3A_1339 = arith.index_cast %swap3A_1338 : i32 to index
      %swap3A_1340 = arith.index_cast %scan3A_306 : i32 to index
      %swap3A_1341 = arith.constant 240 : index
      %swap3A_1342 = tpu.vector_load %arg7[%swap3A_1339, %swap3A_1340, %swap3A_1341] {strides = array<i32>} : memref<4x16x512xf32, #tpu.memory_space<vmem>>, vector<1x1x16xf32>,
      %swap3A_1343 = vector.shape_cast %swap3A_1342 : vector<1x1x16xf32> to vector<16xf32>
      %swap3A_1344 = vector.shape_cast %get3A_1337 : vector<16xf32> to vector<1x1x16xf32>
      tpu.vector_store %arg7[%swap3A_1339, %swap3A_1340, %swap3A_1341], %swap3A_1344 {strides = array<i32>} : memref<4x16x512xf32, #tpu.memory_space<vmem>>, vector<1x1x16xf32>,
      %get3A_1345 = arith.constant 2 : i32
      %get3A_1346 = arith.index_cast %scan3A_306 : i32 to index
      %get3A_1347 = arith.index_cast %get3A_1345 : i32 to index
      %get3A_1348 = arith.constant 256 : index
      %get3A_1349 = tpu.vector_load %arg6[%get3A_1346, %get3A_1347, %get3A_1348] {strides = array<i32>} : memref<16x4x512xf32, #tpu.memory_space<vmem>>, vector<1x1x16xf32>,
      %get3A_1350 = vector.shape_cast %get3A_1349 : vector<1x1x16xf32> to vector<16xf32>
      %swap3A_1351 = arith.constant 2 : i32
      %swap3A_1352 = arith.index_cast %swap3A_1351 : i32 to index
      %swap3A_1353 = arith.index_cast %scan3A_306 : i32 to index
      %swap3A_1354 = arith.constant 256 : index
      %swap3A_1355 = tpu.vector_load %arg7[%swap3A_1352, %swap3A_1353, %swap3A_1354] {strides = array<i32>} : memref<4x16x512xf32, #tpu.memory_space<vmem>>, vector<1x1x16xf32>,
      %swap3A_1356 = vector.shape_cast %swap3A_1355 : vector<1x1x16xf32> to vector<16xf32>
      %swap3A_1357 = vector.shape_cast %get3A_1350 : vector<16xf32> to vector<1x1x16xf32>
      tpu.vector_store %arg7[%swap3A_1352, %swap3A_1353, %swap3A_1354], %swap3A_1357 {strides = array<i32>} : memref<4x16x512xf32, #tpu.memory_space<vmem>>, vector<1x1x16xf32>,
      %get3A_1358 = arith.constant 2 : i32
      %get3A_1359 = arith.index_cast %scan3A_306 : i32 to index
      %get3A_1360 = arith.index_cast %get3A_1358 : i32 to index
      %get3A_1361 = arith.constant 272 : index
      %get3A_1362 = tpu.vector_load %arg6[%get3A_1359, %get3A_1360, %get3A_1361] {strides = array<i32>} : memref<16x4x512xf32, #tpu.memory_space<vmem>>, vector<1x1x16xf32>,
      %get3A_1363 = vector.shape_cast %get3A_1362 : vector<1x1x16xf32> to vector<16xf32>
      %swap3A_1364 = arith.constant 2 : i32
      %swap3A_1365 = arith.index_cast %swap3A_1364 : i32 to index
      %swap3A_1366 = arith.index_cast %scan3A_306 : i32 to index
      %swap3A_1367 = arith.constant 272 : index
      %swap3A_1368 = tpu.vector_load %arg7[%swap3A_1365, %swap3A_1366, %swap3A_1367] {strides = array<i32>} : memref<4x16x512xf32, #tpu.memory_space<vmem>>, vector<1x1x16xf32>,
      %swap3A_1369 = vector.shape_cast %swap3A_1368 : vector<1x1x16xf32> to vector<16xf32>
      %swap3A_1370 = vector.shape_cast %get3A_1363 : vector<16xf32> to vector<1x1x16xf32>
      tpu.vector_store %arg7[%swap3A_1365, %swap3A_1366, %swap3A_1367], %swap3A_1370 {strides = array<i32>} : memref<4x16x512xf32, #tpu.memory_space<vmem>>, vector<1x1x16xf32>,
      %get3A_1371 = arith.constant 2 : i32
      %get3A_1372 = arith.index_cast %scan3A_306 : i32 to index
      %get3A_1373 = arith.index_cast %get3A_1371 : i32 to index
      %get3A_1374 = arith.constant 288 : index
      %get3A_1375 = tpu.vector_load %arg6[%get3A_1372, %get3A_1373, %get3A_1374] {strides = array<i32>} : memref<16x4x512xf32, #tpu.memory_space<vmem>>, vector<1x1x16xf32>,
      %get3A_1376 = vector.shape_cast %get3A_1375 : vector<1x1x16xf32> to vector<16xf32>
      %swap3A_1377 = arith.constant 2 : i32
      %swap3A_1378 = arith.index_cast %swap3A_1377 : i32 to index
      %swap3A_1379 = arith.index_cast %scan3A_306 : i32 to index
      %swap3A_1380 = arith.constant 288 : index
      %swap3A_1381 = tpu.vector_load %arg7[%swap3A_1378, %swap3A_1379, %swap3A_1380] {strides = array<i32>} : memref<4x16x512xf32, #tpu.memory_space<vmem>>, vector<1x1x16xf32>,
      %swap3A_1382 = vector.shape_cast %swap3A_1381 : vector<1x1x16xf32> to vector<16xf32>
      %swap3A_1383 = vector.shape_cast %get3A_1376 : vector<16xf32> to vector<1x1x16xf32>
      tpu.vector_store %arg7[%swap3A_1378, %swap3A_1379, %swap3A_1380], %swap3A_1383 {strides = array<i32>} : memref<4x16x512xf32, #tpu.memory_space<vmem>>, vector<1x1x16xf32>,
      %get3A_1384 = arith.constant 2 : i32
      %get3A_1385 = arith.index_cast %scan3A_306 : i32 to index
      %get3A_1386 = arith.index_cast %get3A_1384 : i32 to index
      %get3A_1387 = arith.constant 304 : index
      %get3A_1388 = tpu.vector_load %arg6[%get3A_1385, %get3A_1386, %get3A_1387] {strides = array<i32>} : memref<16x4x512xf32, #tpu.memory_space<vmem>>, vector<1x1x16xf32>,
      %get3A_1389 = vector.shape_cast %get3A_1388 : vector<1x1x16xf32> to vector<16xf32>
      %swap3A_1390 = arith.constant 2 : i32
      %swap3A_1391 = arith.index_cast %swap3A_1390 : i32 to index
      %swap3A_1392 = arith.index_cast %scan3A_306 : i32 to index
      %swap3A_1393 = arith.constant 304 : index
      %swap3A_1394 = tpu.vector_load %arg7[%swap3A_1391, %swap3A_1392, %swap3A_1393] {strides = array<i32>} : memref<4x16x512xf32, #tpu.memory_space<vmem>>, vector<1x1x16xf32>,
      %swap3A_1395 = vector.shape_cast %swap3A_1394 : vector<1x1x16xf32> to vector<16xf32>
      %swap3A_1396 = vector.shape_cast %get3A_1389 : vector<16xf32> to vector<1x1x16xf32>
      tpu.vector_store %arg7[%swap3A_1391, %swap3A_1392, %swap3A_1393], %swap3A_1396 {strides = array<i32>} : memref<4x16x512xf32, #tpu.memory_space<vmem>>, vector<1x1x16xf32>,
      %get3A_1397 = arith.constant 2 : i32
      %get3A_1398 = arith.index_cast %scan3A_306 : i32 to index
      %get3A_1399 = arith.index_cast %get3A_1397 : i32 to index
      %get3A_1400 = arith.constant 320 : index
      %get3A_1401 = tpu.vector_load %arg6[%get3A_1398, %get3A_1399, %get3A_1400] {strides = array<i32>} : memref<16x4x512xf32, #tpu.memory_space<vmem>>, vector<1x1x16xf32>,
      %get3A_1402 = vector.shape_cast %get3A_1401 : vector<1x1x16xf32> to vector<16xf32>
      %swap3A_1403 = arith.constant 2 : i32
      %swap3A_1404 = arith.index_cast %swap3A_1403 : i32 to index
      %swap3A_1405 = arith.index_cast %scan3A_306 : i32 to index
      %swap3A_1406 = arith.constant 320 : index
      %swap3A_1407 = tpu.vector_load %arg7[%swap3A_1404, %swap3A_1405, %swap3A_1406] {strides = array<i32>} : memref<4x16x512xf32, #tpu.memory_space<vmem>>, vector<1x1x16xf32>,
      %swap3A_1408 = vector.shape_cast %swap3A_1407 : vector<1x1x16xf32> to vector<16xf32>
      %swap3A_1409 = vector.shape_cast %get3A_1402 : vector<16xf32> to vector<1x1x16xf32>
      tpu.vector_store %arg7[%swap3A_1404, %swap3A_1405, %swap3A_1406], %swap3A_1409 {strides = array<i32>} : memref<4x16x512xf32, #tpu.memory_space<vmem>>, vector<1x1x16xf32>,
      %get3A_1410 = arith.constant 2 : i32
      %get3A_1411 = arith.index_cast %scan3A_306 : i32 to index
      %get3A_1412 = arith.index_cast %get3A_1410 : i32 to index
      %get3A_1413 = arith.constant 336 : index
      %get3A_1414 = tpu.vector_load %arg6[%get3A_1411, %get3A_1412, %get3A_1413] {strides = array<i32>} : memref<16x4x512xf32, #tpu.memory_space<vmem>>, vector<1x1x16xf32>,
      %get3A_1415 = vector.shape_cast %get3A_1414 : vector<1x1x16xf32> to vector<16xf32>
      %swap3A_1416 = arith.constant 2 : i32
      %swap3A_1417 = arith.index_cast %swap3A_1416 : i32 to index
      %swap3A_1418 = arith.index_cast %scan3A_306 : i32 to index
      %swap3A_1419 = arith.constant 336 : index
      %swap3A_1420 = tpu.vector_load %arg7[%swap3A_1417, %swap3A_1418, %swap3A_1419] {strides = array<i32>} : memref<4x16x512xf32, #tpu.memory_space<vmem>>, vector<1x1x16xf32>,
      %swap3A_1421 = vector.shape_cast %swap3A_1420 : vector<1x1x16xf32> to vector<16xf32>
      %swap3A_1422 = vector.shape_cast %get3A_1415 : vector<16xf32> to vector<1x1x16xf32>
      tpu.vector_store %arg7[%swap3A_1417, %swap3A_1418, %swap3A_1419], %swap3A_1422 {strides = array<i32>} : memref<4x16x512xf32, #tpu.memory_space<vmem>>, vector<1x1x16xf32>,
      %get3A_1423 = arith.constant 2 : i32
      %get3A_1424 = arith.index_cast %scan3A_306 : i32 to index
      %get3A_1425 = arith.index_cast %get3A_1423 : i32 to index
      %get3A_1426 = arith.constant 352 : index
      %get3A_1427 = tpu.vector_load %arg6[%get3A_1424, %get3A_1425, %get3A_1426] {strides = array<i32>} : memref<16x4x512xf32, #tpu.memory_space<vmem>>, vector<1x1x16xf32>,
      %get3A_1428 = vector.shape_cast %get3A_1427 : vector<1x1x16xf32> to vector<16xf32>
      %swap3A_1429 = arith.constant 2 : i32
      %swap3A_1430 = arith.index_cast %swap3A_1429 : i32 to index
      %swap3A_1431 = arith.index_cast %scan3A_306 : i32 to index
      %swap3A_1432 = arith.constant 352 : index
      %swap3A_1433 = tpu.vector_load %arg7[%swap3A_1430, %swap3A_1431, %swap3A_1432] {strides = array<i32>} : memref<4x16x512xf32, #tpu.memory_space<vmem>>, vector<1x1x16xf32>,
      %swap3A_1434 = vector.shape_cast %swap3A_1433 : vector<1x1x16xf32> to vector<16xf32>
      %swap3A_1435 = vector.shape_cast %get3A_1428 : vector<16xf32> to vector<1x1x16xf32>
      tpu.vector_store %arg7[%swap3A_1430, %swap3A_1431, %swap3A_1432], %swap3A_1435 {strides = array<i32>} : memref<4x16x512xf32, #tpu.memory_space<vmem>>, vector<1x1x16xf32>,
      %get3A_1436 = arith.constant 2 : i32
      %get3A_1437 = arith.index_cast %scan3A_306 : i32 to index
      %get3A_1438 = arith.index_cast %get3A_1436 : i32 to index
      %get3A_1439 = arith.constant 368 : index
      %get3A_1440 = tpu.vector_load %arg6[%get3A_1437, %get3A_1438, %get3A_1439] {strides = array<i32>} : memref<16x4x512xf32, #tpu.memory_space<vmem>>, vector<1x1x16xf32>,
      %get3A_1441 = vector.shape_cast %get3A_1440 : vector<1x1x16xf32> to vector<16xf32>
      %swap3A_1442 = arith.constant 2 : i32
      %swap3A_1443 = arith.index_cast %swap3A_1442 : i32 to index
      %swap3A_1444 = arith.index_cast %scan3A_306 : i32 to index
      %swap3A_1445 = arith.constant 368 : index
      %swap3A_1446 = tpu.vector_load %arg7[%swap3A_1443, %swap3A_1444, %swap3A_1445] {strides = array<i32>} : memref<4x16x512xf32, #tpu.memory_space<vmem>>, vector<1x1x16xf32>,
      %swap3A_1447 = vector.shape_cast %swap3A_1446 : vector<1x1x16xf32> to vector<16xf32>
      %swap3A_1448 = vector.shape_cast %get3A_1441 : vector<16xf32> to vector<1x1x16xf32>
      tpu.vector_store %arg7[%swap3A_1443, %swap3A_1444, %swap3A_1445], %swap3A_1448 {strides = array<i32>} : memref<4x16x512xf32, #tpu.memory_space<vmem>>, vector<1x1x16xf32>,
      %get3A_1449 = arith.constant 2 : i32
      %get3A_1450 = arith.index_cast %scan3A_306 : i32 to index
      %get3A_1451 = arith.index_cast %get3A_1449 : i32 to index
      %get3A_1452 = arith.constant 384 : index
      %get3A_1453 = tpu.vector_load %arg6[%get3A_1450, %get3A_1451, %get3A_1452] {strides = array<i32>} : memref<16x4x512xf32, #tpu.memory_space<vmem>>, vector<1x1x16xf32>,
      %get3A_1454 = vector.shape_cast %get3A_1453 : vector<1x1x16xf32> to vector<16xf32>
      %swap3A_1455 = arith.constant 2 : i32
      %swap3A_1456 = arith.index_cast %swap3A_1455 : i32 to index
      %swap3A_1457 = arith.index_cast %scan3A_306 : i32 to index
      %swap3A_1458 = arith.constant 384 : index
      %swap3A_1459 = tpu.vector_load %arg7[%swap3A_1456, %swap3A_1457, %swap3A_1458] {strides = array<i32>} : memref<4x16x512xf32, #tpu.memory_space<vmem>>, vector<1x1x16xf32>,
      %swap3A_1460 = vector.shape_cast %swap3A_1459 : vector<1x1x16xf32> to vector<16xf32>
      %swap3A_1461 = vector.shape_cast %get3A_1454 : vector<16xf32> to vector<1x1x16xf32>
      tpu.vector_store %arg7[%swap3A_1456, %swap3A_1457, %swap3A_1458], %swap3A_1461 {strides = array<i32>} : memref<4x16x512xf32, #tpu.memory_space<vmem>>, vector<1x1x16xf32>,
      %get3A_1462 = arith.constant 2 : i32
      %get3A_1463 = arith.index_cast %scan3A_306 : i32 to index
      %get3A_1464 = arith.index_cast %get3A_1462 : i32 to index
      %get3A_1465 = arith.constant 400 : index
      %get3A_1466 = tpu.vector_load %arg6[%get3A_1463, %get3A_1464, %get3A_1465] {strides = array<i32>} : memref<16x4x512xf32, #tpu.memory_space<vmem>>, vector<1x1x16xf32>,
      %get3A_1467 = vector.shape_cast %get3A_1466 : vector<1x1x16xf32> to vector<16xf32>
      %swap3A_1468 = arith.constant 2 : i32
      %swap3A_1469 = arith.index_cast %swap3A_1468 : i32 to index
      %swap3A_1470 = arith.index_cast %scan3A_306 : i32 to index
      %swap3A_1471 = arith.constant 400 : index
      %swap3A_1472 = tpu.vector_load %arg7[%swap3A_1469, %swap3A_1470, %swap3A_1471] {strides = array<i32>} : memref<4x16x512xf32, #tpu.memory_space<vmem>>, vector<1x1x16xf32>,
      %swap3A_1473 = vector.shape_cast %swap3A_1472 : vector<1x1x16xf32> to vector<16xf32>
      %swap3A_1474 = vector.shape_cast %get3A_1467 : vector<16xf32> to vector<1x1x16xf32>
      tpu.vector_store %arg7[%swap3A_1469, %swap3A_1470, %swap3A_1471], %swap3A_1474 {strides = array<i32>} : memref<4x16x512xf32, #tpu.memory_space<vmem>>, vector<1x1x16xf32>,
      %get3A_1475 = arith.constant 2 : i32
      %get3A_1476 = arith.index_cast %scan3A_306 : i32 to index
      %get3A_1477 = arith.index_cast %get3A_1475 : i32 to index
      %get3A_1478 = arith.constant 416 : index
      %get3A_1479 = tpu.vector_load %arg6[%get3A_1476, %get3A_1477, %get3A_1478] {strides = array<i32>} : memref<16x4x512xf32, #tpu.memory_space<vmem>>, vector<1x1x16xf32>,
      %get3A_1480 = vector.shape_cast %get3A_1479 : vector<1x1x16xf32> to vector<16xf32>
      %swap3A_1481 = arith.constant 2 : i32
      %swap3A_1482 = arith.index_cast %swap3A_1481 : i32 to index
      %swap3A_1483 = arith.index_cast %scan3A_306 : i32 to index
      %swap3A_1484 = arith.constant 416 : index
      %swap3A_1485 = tpu.vector_load %arg7[%swap3A_1482, %swap3A_1483, %swap3A_1484] {strides = array<i32>} : memref<4x16x512xf32, #tpu.memory_space<vmem>>, vector<1x1x16xf32>,
      %swap3A_1486 = vector.shape_cast %swap3A_1485 : vector<1x1x16xf32> to vector<16xf32>
      %swap3A_1487 = vector.shape_cast %get3A_1480 : vector<16xf32> to vector<1x1x16xf32>
      tpu.vector_store %arg7[%swap3A_1482, %swap3A_1483, %swap3A_1484], %swap3A_1487 {strides = array<i32>} : memref<4x16x512xf32, #tpu.memory_space<vmem>>, vector<1x1x16xf32>,
      %get3A_1488 = arith.constant 2 : i32
      %get3A_1489 = arith.index_cast %scan3A_306 : i32 to index
      %get3A_1490 = arith.index_cast %get3A_1488 : i32 to index
      %get3A_1491 = arith.constant 432 : index
      %get3A_1492 = tpu.vector_load %arg6[%get3A_1489, %get3A_1490, %get3A_1491] {strides = array<i32>} : memref<16x4x512xf32, #tpu.memory_space<vmem>>, vector<1x1x16xf32>,
      %get3A_1493 = vector.shape_cast %get3A_1492 : vector<1x1x16xf32> to vector<16xf32>
      %swap3A_1494 = arith.constant 2 : i32
      %swap3A_1495 = arith.index_cast %swap3A_1494 : i32 to index
      %swap3A_1496 = arith.index_cast %scan3A_306 : i32 to index
      %swap3A_1497 = arith.constant 432 : index
      %swap3A_1498 = tpu.vector_load %arg7[%swap3A_1495, %swap3A_1496, %swap3A_1497] {strides = array<i32>} : memref<4x16x512xf32, #tpu.memory_space<vmem>>, vector<1x1x16xf32>,
      %swap3A_1499 = vector.shape_cast %swap3A_1498 : vector<1x1x16xf32> to vector<16xf32>
      %swap3A_1500 = vector.shape_cast %get3A_1493 : vector<16xf32> to vector<1x1x16xf32>
      tpu.vector_store %arg7[%swap3A_1495, %swap3A_1496, %swap3A_1497], %swap3A_1500 {strides = array<i32>} : memref<4x16x512xf32, #tpu.memory_space<vmem>>, vector<1x1x16xf32>,
      %get3A_1501 = arith.constant 2 : i32
      %get3A_1502 = arith.index_cast %scan3A_306 : i32 to index
      %get3A_1503 = arith.index_cast %get3A_1501 : i32 to index
      %get3A_1504 = arith.constant 448 : index
      %get3A_1505 = tpu.vector_load %arg6[%get3A_1502, %get3A_1503, %get3A_1504] {strides = array<i32>} : memref<16x4x512xf32, #tpu.memory_space<vmem>>, vector<1x1x16xf32>,
      %get3A_1506 = vector.shape_cast %get3A_1505 : vector<1x1x16xf32> to vector<16xf32>
      %swap3A_1507 = arith.constant 2 : i32
      %swap3A_1508 = arith.index_cast %swap3A_1507 : i32 to index
      %swap3A_1509 = arith.index_cast %scan3A_306 : i32 to index
      %swap3A_1510 = arith.constant 448 : index
      %swap3A_1511 = tpu.vector_load %arg7[%swap3A_1508, %swap3A_1509, %swap3A_1510] {strides = array<i32>} : memref<4x16x512xf32, #tpu.memory_space<vmem>>, vector<1x1x16xf32>,
      %swap3A_1512 = vector.shape_cast %swap3A_1511 : vector<1x1x16xf32> to vector<16xf32>
      %swap3A_1513 = vector.shape_cast %get3A_1506 : vector<16xf32> to vector<1x1x16xf32>
      tpu.vector_store %arg7[%swap3A_1508, %swap3A_1509, %swap3A_1510], %swap3A_1513 {strides = array<i32>} : memref<4x16x512xf32, #tpu.memory_space<vmem>>, vector<1x1x16xf32>,
      %get3A_1514 = arith.constant 2 : i32
      %get3A_1515 = arith.index_cast %scan3A_306 : i32 to index
      %get3A_1516 = arith.index_cast %get3A_1514 : i32 to index
      %get3A_1517 = arith.constant 464 : index
      %get3A_1518 = tpu.vector_load %arg6[%get3A_1515, %get3A_1516, %get3A_1517] {strides = array<i32>} : memref<16x4x512xf32, #tpu.memory_space<vmem>>, vector<1x1x16xf32>,
      %get3A_1519 = vector.shape_cast %get3A_1518 : vector<1x1x16xf32> to vector<16xf32>
      %swap3A_1520 = arith.constant 2 : i32
      %swap3A_1521 = arith.index_cast %swap3A_1520 : i32 to index
      %swap3A_1522 = arith.index_cast %scan3A_306 : i32 to index
      %swap3A_1523 = arith.constant 464 : index
      %swap3A_1524 = tpu.vector_load %arg7[%swap3A_1521, %swap3A_1522, %swap3A_1523] {strides = array<i32>} : memref<4x16x512xf32, #tpu.memory_space<vmem>>, vector<1x1x16xf32>,
      %swap3A_1525 = vector.shape_cast %swap3A_1524 : vector<1x1x16xf32> to vector<16xf32>
      %swap3A_1526 = vector.shape_cast %get3A_1519 : vector<16xf32> to vector<1x1x16xf32>
      tpu.vector_store %arg7[%swap3A_1521, %swap3A_1522, %swap3A_1523], %swap3A_1526 {strides = array<i32>} : memref<4x16x512xf32, #tpu.memory_space<vmem>>, vector<1x1x16xf32>,
      %get3A_1527 = arith.constant 2 : i32
      %get3A_1528 = arith.index_cast %scan3A_306 : i32 to index
      %get3A_1529 = arith.index_cast %get3A_1527 : i32 to index
      %get3A_1530 = arith.constant 480 : index
      %get3A_1531 = tpu.vector_load %arg6[%get3A_1528, %get3A_1529, %get3A_1530] {strides = array<i32>} : memref<16x4x512xf32, #tpu.memory_space<vmem>>, vector<1x1x16xf32>,
      %get3A_1532 = vector.shape_cast %get3A_1531 : vector<1x1x16xf32> to vector<16xf32>
      %swap3A_1533 = arith.constant 2 : i32
      %swap3A_1534 = arith.index_cast %swap3A_1533 : i32 to index
      %swap3A_1535 = arith.index_cast %scan3A_306 : i32 to index
      %swap3A_1536 = arith.constant 480 : index
      %swap3A_1537 = tpu.vector_load %arg7[%swap3A_1534, %swap3A_1535, %swap3A_1536] {strides = array<i32>} : memref<4x16x512xf32, #tpu.memory_space<vmem>>, vector<1x1x16xf32>,
      %swap3A_1538 = vector.shape_cast %swap3A_1537 : vector<1x1x16xf32> to vector<16xf32>
      %swap3A_1539 = vector.shape_cast %get3A_1532 : vector<16xf32> to vector<1x1x16xf32>
      tpu.vector_store %arg7[%swap3A_1534, %swap3A_1535, %swap3A_1536], %swap3A_1539 {strides = array<i32>} : memref<4x16x512xf32, #tpu.memory_space<vmem>>, vector<1x1x16xf32>,
      %get3A_1540 = arith.constant 2 : i32
      %get3A_1541 = arith.index_cast %scan3A_306 : i32 to index
      %get3A_1542 = arith.index_cast %get3A_1540 : i32 to index
      %get3A_1543 = arith.constant 496 : index
      %get3A_1544 = tpu.vector_load %arg6[%get3A_1541, %get3A_1542, %get3A_1543] {strides = array<i32>} : memref<16x4x512xf32, #tpu.memory_space<vmem>>, vector<1x1x16xf32>,
      %get3A_1545 = vector.shape_cast %get3A_1544 : vector<1x1x16xf32> to vector<16xf32>
      %swap3A_1546 = arith.constant 2 : i32
      %swap3A_1547 = arith.index_cast %swap3A_1546 : i32 to index
      %swap3A_1548 = arith.index_cast %scan3A_306 : i32 to index
      %swap3A_1549 = arith.constant 496 : index
      %swap3A_1550 = tpu.vector_load %arg7[%swap3A_1547, %swap3A_1548, %swap3A_1549] {strides = array<i32>} : memref<4x16x512xf32, #tpu.memory_space<vmem>>, vector<1x1x16xf32>,
      %swap3A_1551 = vector.shape_cast %swap3A_1550 : vector<1x1x16xf32> to vector<16xf32>
      %swap3A_1552 = vector.shape_cast %get3A_1545 : vector<16xf32> to vector<1x1x16xf32>
      tpu.vector_store %arg7[%swap3A_1547, %swap3A_1548, %swap3A_1549], %swap3A_1552 {strides = array<i32>} : memref<4x16x512xf32, #tpu.memory_space<vmem>>, vector<1x1x16xf32>,
      %get3A_1553 = arith.constant 3 : i32
      %get3A_1554 = arith.index_cast %scan3A_306 : i32 to index
      %get3A_1555 = arith.index_cast %get3A_1553 : i32 to index
      %get3A_1556 = arith.constant 0 : index
      %get3A_1557 = tpu.vector_load %arg6[%get3A_1554, %get3A_1555, %get3A_1556] {strides = array<i32>} : memref<16x4x512xf32, #tpu.memory_space<vmem>>, vector<1x1x16xf32>,
      %get3A_1558 = vector.shape_cast %get3A_1557 : vector<1x1x16xf32> to vector<16xf32>
      %swap3A_1559 = arith.constant 3 : i32
      %swap3A_1560 = arith.index_cast %swap3A_1559 : i32 to index
      %swap3A_1561 = arith.index_cast %scan3A_306 : i32 to index
      %swap3A_1562 = arith.constant 0 : index
      %swap3A_1563 = tpu.vector_load %arg7[%swap3A_1560, %swap3A_1561, %swap3A_1562] {strides = array<i32>} : memref<4x16x512xf32, #tpu.memory_space<vmem>>, vector<1x1x16xf32>,
      %swap3A_1564 = vector.shape_cast %swap3A_1563 : vector<1x1x16xf32> to vector<16xf32>
      %swap3A_1565 = vector.shape_cast %get3A_1558 : vector<16xf32> to vector<1x1x16xf32>
      tpu.vector_store %arg7[%swap3A_1560, %swap3A_1561, %swap3A_1562], %swap3A_1565 {strides = array<i32>} : memref<4x16x512xf32, #tpu.memory_space<vmem>>, vector<1x1x16xf32>,
      %get3A_1566 = arith.constant 3 : i32
      %get3A_1567 = arith.index_cast %scan3A_306 : i32 to index
      %get3A_1568 = arith.index_cast %get3A_1566 : i32 to index
      %get3A_1569 = arith.constant 16 : index
      %get3A_1570 = tpu.vector_load %arg6[%get3A_1567, %get3A_1568, %get3A_1569] {strides = array<i32>} : memref<16x4x512xf32, #tpu.memory_space<vmem>>, vector<1x1x16xf32>,
      %get3A_1571 = vector.shape_cast %get3A_1570 : vector<1x1x16xf32> to vector<16xf32>
      %swap3A_1572 = arith.constant 3 : i32
      %swap3A_1573 = arith.index_cast %swap3A_1572 : i32 to index
      %swap3A_1574 = arith.index_cast %scan3A_306 : i32 to index
      %swap3A_1575 = arith.constant 16 : index
      %swap3A_1576 = tpu.vector_load %arg7[%swap3A_1573, %swap3A_1574, %swap3A_1575] {strides = array<i32>} : memref<4x16x512xf32, #tpu.memory_space<vmem>>, vector<1x1x16xf32>,
      %swap3A_1577 = vector.shape_cast %swap3A_1576 : vector<1x1x16xf32> to vector<16xf32>
      %swap3A_1578 = vector.shape_cast %get3A_1571 : vector<16xf32> to vector<1x1x16xf32>
      tpu.vector_store %arg7[%swap3A_1573, %swap3A_1574, %swap3A_1575], %swap3A_1578 {strides = array<i32>} : memref<4x16x512xf32, #tpu.memory_space<vmem>>, vector<1x1x16xf32>,
      %get3A_1579 = arith.constant 3 : i32
      %get3A_1580 = arith.index_cast %scan3A_306 : i32 to index
      %get3A_1581 = arith.index_cast %get3A_1579 : i32 to index
      %get3A_1582 = arith.constant 32 : index
      %get3A_1583 = tpu.vector_load %arg6[%get3A_1580, %get3A_1581, %get3A_1582] {strides = array<i32>} : memref<16x4x512xf32, #tpu.memory_space<vmem>>, vector<1x1x16xf32>,
      %get3A_1584 = vector.shape_cast %get3A_1583 : vector<1x1x16xf32> to vector<16xf32>
      %swap3A_1585 = arith.constant 3 : i32
      %swap3A_1586 = arith.index_cast %swap3A_1585 : i32 to index
      %swap3A_1587 = arith.index_cast %scan3A_306 : i32 to index
      %swap3A_1588 = arith.constant 32 : index
      %swap3A_1589 = tpu.vector_load %arg7[%swap3A_1586, %swap3A_1587, %swap3A_1588] {strides = array<i32>} : memref<4x16x512xf32, #tpu.memory_space<vmem>>, vector<1x1x16xf32>,
      %swap3A_1590 = vector.shape_cast %swap3A_1589 : vector<1x1x16xf32> to vector<16xf32>
      %swap3A_1591 = vector.shape_cast %get3A_1584 : vector<16xf32> to vector<1x1x16xf32>
      tpu.vector_store %arg7[%swap3A_1586, %swap3A_1587, %swap3A_1588], %swap3A_1591 {strides = array<i32>} : memref<4x16x512xf32, #tpu.memory_space<vmem>>, vector<1x1x16xf32>,
      %get3A_1592 = arith.constant 3 : i32
      %get3A_1593 = arith.index_cast %scan3A_306 : i32 to index
      %get3A_1594 = arith.index_cast %get3A_1592 : i32 to index
      %get3A_1595 = arith.constant 48 : index
      %get3A_1596 = tpu.vector_load %arg6[%get3A_1593, %get3A_1594, %get3A_1595] {strides = array<i32>} : memref<16x4x512xf32, #tpu.memory_space<vmem>>, vector<1x1x16xf32>,
      %get3A_1597 = vector.shape_cast %get3A_1596 : vector<1x1x16xf32> to vector<16xf32>
      %swap3A_1598 = arith.constant 3 : i32
      %swap3A_1599 = arith.index_cast %swap3A_1598 : i32 to index
      %swap3A_1600 = arith.index_cast %scan3A_306 : i32 to index
      %swap3A_1601 = arith.constant 48 : index
      %swap3A_1602 = tpu.vector_load %arg7[%swap3A_1599, %swap3A_1600, %swap3A_1601] {strides = array<i32>} : memref<4x16x512xf32, #tpu.memory_space<vmem>>, vector<1x1x16xf32>,
      %swap3A_1603 = vector.shape_cast %swap3A_1602 : vector<1x1x16xf32> to vector<16xf32>
      %swap3A_1604 = vector.shape_cast %get3A_1597 : vector<16xf32> to vector<1x1x16xf32>
      tpu.vector_store %arg7[%swap3A_1599, %swap3A_1600, %swap3A_1601], %swap3A_1604 {strides = array<i32>} : memref<4x16x512xf32, #tpu.memory_space<vmem>>, vector<1x1x16xf32>,
      %get3A_1605 = arith.constant 3 : i32
      %get3A_1606 = arith.index_cast %scan3A_306 : i32 to index
      %get3A_1607 = arith.index_cast %get3A_1605 : i32 to index
      %get3A_1608 = arith.constant 64 : index
      %get3A_1609 = tpu.vector_load %arg6[%get3A_1606, %get3A_1607, %get3A_1608] {strides = array<i32>} : memref<16x4x512xf32, #tpu.memory_space<vmem>>, vector<1x1x16xf32>,
      %get3A_1610 = vector.shape_cast %get3A_1609 : vector<1x1x16xf32> to vector<16xf32>
      %swap3A_1611 = arith.constant 3 : i32
      %swap3A_1612 = arith.index_cast %swap3A_1611 : i32 to index
      %swap3A_1613 = arith.index_cast %scan3A_306 : i32 to index
      %swap3A_1614 = arith.constant 64 : index
      %swap3A_1615 = tpu.vector_load %arg7[%swap3A_1612, %swap3A_1613, %swap3A_1614] {strides = array<i32>} : memref<4x16x512xf32, #tpu.memory_space<vmem>>, vector<1x1x16xf32>,
      %swap3A_1616 = vector.shape_cast %swap3A_1615 : vector<1x1x16xf32> to vector<16xf32>
      %swap3A_1617 = vector.shape_cast %get3A_1610 : vector<16xf32> to vector<1x1x16xf32>
      tpu.vector_store %arg7[%swap3A_1612, %swap3A_1613, %swap3A_1614], %swap3A_1617 {strides = array<i32>} : memref<4x16x512xf32, #tpu.memory_space<vmem>>, vector<1x1x16xf32>,
      %get3A_1618 = arith.constant 3 : i32
      %get3A_1619 = arith.index_cast %scan3A_306 : i32 to index
      %get3A_1620 = arith.index_cast %get3A_1618 : i32 to index
      %get3A_1621 = arith.constant 80 : index
      %get3A_1622 = tpu.vector_load %arg6[%get3A_1619, %get3A_1620, %get3A_1621] {strides = array<i32>} : memref<16x4x512xf32, #tpu.memory_space<vmem>>, vector<1x1x16xf32>,
      %get3A_1623 = vector.shape_cast %get3A_1622 : vector<1x1x16xf32> to vector<16xf32>
      %swap3A_1624 = arith.constant 3 : i32
      %swap3A_1625 = arith.index_cast %swap3A_1624 : i32 to index
      %swap3A_1626 = arith.index_cast %scan3A_306 : i32 to index
      %swap3A_1627 = arith.constant 80 : index
      %swap3A_1628 = tpu.vector_load %arg7[%swap3A_1625, %swap3A_1626, %swap3A_1627] {strides = array<i32>} : memref<4x16x512xf32, #tpu.memory_space<vmem>>, vector<1x1x16xf32>,
      %swap3A_1629 = vector.shape_cast %swap3A_1628 : vector<1x1x16xf32> to vector<16xf32>
      %swap3A_1630 = vector.shape_cast %get3A_1623 : vector<16xf32> to vector<1x1x16xf32>
      tpu.vector_store %arg7[%swap3A_1625, %swap3A_1626, %swap3A_1627], %swap3A_1630 {strides = array<i32>} : memref<4x16x512xf32, #tpu.memory_space<vmem>>, vector<1x1x16xf32>,
      %get3A_1631 = arith.constant 3 : i32
      %get3A_1632 = arith.index_cast %scan3A_306 : i32 to index
      %get3A_1633 = arith.index_cast %get3A_1631 : i32 to index
      %get3A_1634 = arith.constant 96 : index
      %get3A_1635 = tpu.vector_load %arg6[%get3A_1632, %get3A_1633, %get3A_1634] {strides = array<i32>} : memref<16x4x512xf32, #tpu.memory_space<vmem>>, vector<1x1x16xf32>,
      %get3A_1636 = vector.shape_cast %get3A_1635 : vector<1x1x16xf32> to vector<16xf32>
      %swap3A_1637 = arith.constant 3 : i32
      %swap3A_1638 = arith.index_cast %swap3A_1637 : i32 to index
      %swap3A_1639 = arith.index_cast %scan3A_306 : i32 to index
      %swap3A_1640 = arith.constant 96 : index
      %swap3A_1641 = tpu.vector_load %arg7[%swap3A_1638, %swap3A_1639, %swap3A_1640] {strides = array<i32>} : memref<4x16x512xf32, #tpu.memory_space<vmem>>, vector<1x1x16xf32>,
      %swap3A_1642 = vector.shape_cast %swap3A_1641 : vector<1x1x16xf32> to vector<16xf32>
      %swap3A_1643 = vector.shape_cast %get3A_1636 : vector<16xf32> to vector<1x1x16xf32>
      tpu.vector_store %arg7[%swap3A_1638, %swap3A_1639, %swap3A_1640], %swap3A_1643 {strides = array<i32>} : memref<4x16x512xf32, #tpu.memory_space<vmem>>, vector<1x1x16xf32>,
      %get3A_1644 = arith.constant 3 : i32
      %get3A_1645 = arith.index_cast %scan3A_306 : i32 to index
      %get3A_1646 = arith.index_cast %get3A_1644 : i32 to index
      %get3A_1647 = arith.constant 112 : index
      %get3A_1648 = tpu.vector_load %arg6[%get3A_1645, %get3A_1646, %get3A_1647] {strides = array<i32>} : memref<16x4x512xf32, #tpu.memory_space<vmem>>, vector<1x1x16xf32>,
      %get3A_1649 = vector.shape_cast %get3A_1648 : vector<1x1x16xf32> to vector<16xf32>
      %swap3A_1650 = arith.constant 3 : i32
      %swap3A_1651 = arith.index_cast %swap3A_1650 : i32 to index
      %swap3A_1652 = arith.index_cast %scan3A_306 : i32 to index
      %swap3A_1653 = arith.constant 112 : index
      %swap3A_1654 = tpu.vector_load %arg7[%swap3A_1651, %swap3A_1652, %swap3A_1653] {strides = array<i32>} : memref<4x16x512xf32, #tpu.memory_space<vmem>>, vector<1x1x16xf32>,
      %swap3A_1655 = vector.shape_cast %swap3A_1654 : vector<1x1x16xf32> to vector<16xf32>
      %swap3A_1656 = vector.shape_cast %get3A_1649 : vector<16xf32> to vector<1x1x16xf32>
      tpu.vector_store %arg7[%swap3A_1651, %swap3A_1652, %swap3A_1653], %swap3A_1656 {strides = array<i32>} : memref<4x16x512xf32, #tpu.memory_space<vmem>>, vector<1x1x16xf32>,
      %get3A_1657 = arith.constant 3 : i32
      %get3A_1658 = arith.index_cast %scan3A_306 : i32 to index
      %get3A_1659 = arith.index_cast %get3A_1657 : i32 to index
      %get3A_1660 = arith.constant 128 : index
      %get3A_1661 = tpu.vector_load %arg6[%get3A_1658, %get3A_1659, %get3A_1660] {strides = array<i32>} : memref<16x4x512xf32, #tpu.memory_space<vmem>>, vector<1x1x16xf32>,
      %get3A_1662 = vector.shape_cast %get3A_1661 : vector<1x1x16xf32> to vector<16xf32>
      %swap3A_1663 = arith.constant 3 : i32
      %swap3A_1664 = arith.index_cast %swap3A_1663 : i32 to index
      %swap3A_1665 = arith.index_cast %scan3A_306 : i32 to index
      %swap3A_1666 = arith.constant 128 : index
      %swap3A_1667 = tpu.vector_load %arg7[%swap3A_1664, %swap3A_1665, %swap3A_1666] {strides = array<i32>} : memref<4x16x512xf32, #tpu.memory_space<vmem>>, vector<1x1x16xf32>,
      %swap3A_1668 = vector.shape_cast %swap3A_1667 : vector<1x1x16xf32> to vector<16xf32>
      %swap3A_1669 = vector.shape_cast %get3A_1662 : vector<16xf32> to vector<1x1x16xf32>
      tpu.vector_store %arg7[%swap3A_1664, %swap3A_1665, %swap3A_1666], %swap3A_1669 {strides = array<i32>} : memref<4x16x512xf32, #tpu.memory_space<vmem>>, vector<1x1x16xf32>,
      %get3A_1670 = arith.constant 3 : i32
      %get3A_1671 = arith.index_cast %scan3A_306 : i32 to index
      %get3A_1672 = arith.index_cast %get3A_1670 : i32 to index
      %get3A_1673 = arith.constant 144 : index
      %get3A_1674 = tpu.vector_load %arg6[%get3A_1671, %get3A_1672, %get3A_1673] {strides = array<i32>} : memref<16x4x512xf32, #tpu.memory_space<vmem>>, vector<1x1x16xf32>,
      %get3A_1675 = vector.shape_cast %get3A_1674 : vector<1x1x16xf32> to vector<16xf32>
      %swap3A_1676 = arith.constant 3 : i32
      %swap3A_1677 = arith.index_cast %swap3A_1676 : i32 to index
      %swap3A_1678 = arith.index_cast %scan3A_306 : i32 to index
      %swap3A_1679 = arith.constant 144 : index
      %swap3A_1680 = tpu.vector_load %arg7[%swap3A_1677, %swap3A_1678, %swap3A_1679] {strides = array<i32>} : memref<4x16x512xf32, #tpu.memory_space<vmem>>, vector<1x1x16xf32>,
      %swap3A_1681 = vector.shape_cast %swap3A_1680 : vector<1x1x16xf32> to vector<16xf32>
      %swap3A_1682 = vector.shape_cast %get3A_1675 : vector<16xf32> to vector<1x1x16xf32>
      tpu.vector_store %arg7[%swap3A_1677, %swap3A_1678, %swap3A_1679], %swap3A_1682 {strides = array<i32>} : memref<4x16x512xf32, #tpu.memory_space<vmem>>, vector<1x1x16xf32>,
      %get3A_1683 = arith.constant 3 : i32
      %get3A_1684 = arith.index_cast %scan3A_306 : i32 to index
      %get3A_1685 = arith.index_cast %get3A_1683 : i32 to index
      %get3A_1686 = arith.constant 160 : index
      %get3A_1687 = tpu.vector_load %arg6[%get3A_1684, %get3A_1685, %get3A_1686] {strides = array<i32>} : memref<16x4x512xf32, #tpu.memory_space<vmem>>, vector<1x1x16xf32>,
      %get3A_1688 = vector.shape_cast %get3A_1687 : vector<1x1x16xf32> to vector<16xf32>
      %swap3A_1689 = arith.constant 3 : i32
      %swap3A_1690 = arith.index_cast %swap3A_1689 : i32 to index
      %swap3A_1691 = arith.index_cast %scan3A_306 : i32 to index
      %swap3A_1692 = arith.constant 160 : index
      %swap3A_1693 = tpu.vector_load %arg7[%swap3A_1690, %swap3A_1691, %swap3A_1692] {strides = array<i32>} : memref<4x16x512xf32, #tpu.memory_space<vmem>>, vector<1x1x16xf32>,
      %swap3A_1694 = vector.shape_cast %swap3A_1693 : vector<1x1x16xf32> to vector<16xf32>
      %swap3A_1695 = vector.shape_cast %get3A_1688 : vector<16xf32> to vector<1x1x16xf32>
      tpu.vector_store %arg7[%swap3A_1690, %swap3A_1691, %swap3A_1692], %swap3A_1695 {strides = array<i32>} : memref<4x16x512xf32, #tpu.memory_space<vmem>>, vector<1x1x16xf32>,
      %get3A_1696 = arith.constant 3 : i32
      %get3A_1697 = arith.index_cast %scan3A_306 : i32 to index
      %get3A_1698 = arith.index_cast %get3A_1696 : i32 to index
      %get3A_1699 = arith.constant 176 : index
      %get3A_1700 = tpu.vector_load %arg6[%get3A_1697, %get3A_1698, %get3A_1699] {strides = array<i32>} : memref<16x4x512xf32, #tpu.memory_space<vmem>>, vector<1x1x16xf32>,
      %get3A_1701 = vector.shape_cast %get3A_1700 : vector<1x1x16xf32> to vector<16xf32>
      %swap3A_1702 = arith.constant 3 : i32
      %swap3A_1703 = arith.index_cast %swap3A_1702 : i32 to index
      %swap3A_1704 = arith.index_cast %scan3A_306 : i32 to index
      %swap3A_1705 = arith.constant 176 : index
      %swap3A_1706 = tpu.vector_load %arg7[%swap3A_1703, %swap3A_1704, %swap3A_1705] {strides = array<i32>} : memref<4x16x512xf32, #tpu.memory_space<vmem>>, vector<1x1x16xf32>,
      %swap3A_1707 = vector.shape_cast %swap3A_1706 : vector<1x1x16xf32> to vector<16xf32>
      %swap3A_1708 = vector.shape_cast %get3A_1701 : vector<16xf32> to vector<1x1x16xf32>
      tpu.vector_store %arg7[%swap3A_1703, %swap3A_1704, %swap3A_1705], %swap3A_1708 {strides = array<i32>} : memref<4x16x512xf32, #tpu.memory_space<vmem>>, vector<1x1x16xf32>,
      %get3A_1709 = arith.constant 3 : i32
      %get3A_1710 = arith.index_cast %scan3A_306 : i32 to index
      %get3A_1711 = arith.index_cast %get3A_1709 : i32 to index
      %get3A_1712 = arith.constant 192 : index
      %get3A_1713 = tpu.vector_load %arg6[%get3A_1710, %get3A_1711, %get3A_1712] {strides = array<i32>} : memref<16x4x512xf32, #tpu.memory_space<vmem>>, vector<1x1x16xf32>,
      %get3A_1714 = vector.shape_cast %get3A_1713 : vector<1x1x16xf32> to vector<16xf32>
      %swap3A_1715 = arith.constant 3 : i32
      %swap3A_1716 = arith.index_cast %swap3A_1715 : i32 to index
      %swap3A_1717 = arith.index_cast %scan3A_306 : i32 to index
      %swap3A_1718 = arith.constant 192 : index
      %swap3A_1719 = tpu.vector_load %arg7[%swap3A_1716, %swap3A_1717, %swap3A_1718] {strides = array<i32>} : memref<4x16x512xf32, #tpu.memory_space<vmem>>, vector<1x1x16xf32>,
      %swap3A_1720 = vector.shape_cast %swap3A_1719 : vector<1x1x16xf32> to vector<16xf32>
      %swap3A_1721 = vector.shape_cast %get3A_1714 : vector<16xf32> to vector<1x1x16xf32>
      tpu.vector_store %arg7[%swap3A_1716, %swap3A_1717, %swap3A_1718], %swap3A_1721 {strides = array<i32>} : memref<4x16x512xf32, #tpu.memory_space<vmem>>, vector<1x1x16xf32>,
      %get3A_1722 = arith.constant 3 : i32
      %get3A_1723 = arith.index_cast %scan3A_306 : i32 to index
      %get3A_1724 = arith.index_cast %get3A_1722 : i32 to index
      %get3A_1725 = arith.constant 208 : index
      %get3A_1726 = tpu.vector_load %arg6[%get3A_1723, %get3A_1724, %get3A_1725] {strides = array<i32>} : memref<16x4x512xf32, #tpu.memory_space<vmem>>, vector<1x1x16xf32>,
      %get3A_1727 = vector.shape_cast %get3A_1726 : vector<1x1x16xf32> to vector<16xf32>
      %swap3A_1728 = arith.constant 3 : i32
      %swap3A_1729 = arith.index_cast %swap3A_1728 : i32 to index
      %swap3A_1730 = arith.index_cast %scan3A_306 : i32 to index
      %swap3A_1731 = arith.constant 208 : index
      %swap3A_1732 = tpu.vector_load %arg7[%swap3A_1729, %swap3A_1730, %swap3A_1731] {strides = array<i32>} : memref<4x16x512xf32, #tpu.memory_space<vmem>>, vector<1x1x16xf32>,
      %swap3A_1733 = vector.shape_cast %swap3A_1732 : vector<1x1x16xf32> to vector<16xf32>
      %swap3A_1734 = vector.shape_cast %get3A_1727 : vector<16xf32> to vector<1x1x16xf32>
      tpu.vector_store %arg7[%swap3A_1729, %swap3A_1730, %swap3A_1731], %swap3A_1734 {strides = array<i32>} : memref<4x16x512xf32, #tpu.memory_space<vmem>>, vector<1x1x16xf32>,
      %get3A_1735 = arith.constant 3 : i32
      %get3A_1736 = arith.index_cast %scan3A_306 : i32 to index
      %get3A_1737 = arith.index_cast %get3A_1735 : i32 to index
      %get3A_1738 = arith.constant 224 : index
      %get3A_1739 = tpu.vector_load %arg6[%get3A_1736, %get3A_1737, %get3A_1738] {strides = array<i32>} : memref<16x4x512xf32, #tpu.memory_space<vmem>>, vector<1x1x16xf32>,
      %get3A_1740 = vector.shape_cast %get3A_1739 : vector<1x1x16xf32> to vector<16xf32>
      %swap3A_1741 = arith.constant 3 : i32
      %swap3A_1742 = arith.index_cast %swap3A_1741 : i32 to index
      %swap3A_1743 = arith.index_cast %scan3A_306 : i32 to index
      %swap3A_1744 = arith.constant 224 : index
      %swap3A_1745 = tpu.vector_load %arg7[%swap3A_1742, %swap3A_1743, %swap3A_1744] {strides = array<i32>} : memref<4x16x512xf32, #tpu.memory_space<vmem>>, vector<1x1x16xf32>,
      %swap3A_1746 = vector.shape_cast %swap3A_1745 : vector<1x1x16xf32> to vector<16xf32>
      %swap3A_1747 = vector.shape_cast %get3A_1740 : vector<16xf32> to vector<1x1x16xf32>
      tpu.vector_store %arg7[%swap3A_1742, %swap3A_1743, %swap3A_1744], %swap3A_1747 {strides = array<i32>} : memref<4x16x512xf32, #tpu.memory_space<vmem>>, vector<1x1x16xf32>,
      %get3A_1748 = arith.constant 3 : i32
      %get3A_1749 = arith.index_cast %scan3A_306 : i32 to index
      %get3A_1750 = arith.index_cast %get3A_1748 : i32 to index
      %get3A_1751 = arith.constant 240 : index
      %get3A_1752 = tpu.vector_load %arg6[%get3A_1749, %get3A_1750, %get3A_1751] {strides = array<i32>} : memref<16x4x512xf32, #tpu.memory_space<vmem>>, vector<1x1x16xf32>,
      %get3A_1753 = vector.shape_cast %get3A_1752 : vector<1x1x16xf32> to vector<16xf32>
      %swap3A_1754 = arith.constant 3 : i32
      %swap3A_1755 = arith.index_cast %swap3A_1754 : i32 to index
      %swap3A_1756 = arith.index_cast %scan3A_306 : i32 to index
      %swap3A_1757 = arith.constant 240 : index
      %swap3A_1758 = tpu.vector_load %arg7[%swap3A_1755, %swap3A_1756, %swap3A_1757] {strides = array<i32>} : memref<4x16x512xf32, #tpu.memory_space<vmem>>, vector<1x1x16xf32>,
      %swap3A_1759 = vector.shape_cast %swap3A_1758 : vector<1x1x16xf32> to vector<16xf32>
      %swap3A_1760 = vector.shape_cast %get3A_1753 : vector<16xf32> to vector<1x1x16xf32>
      tpu.vector_store %arg7[%swap3A_1755, %swap3A_1756, %swap3A_1757], %swap3A_1760 {strides = array<i32>} : memref<4x16x512xf32, #tpu.memory_space<vmem>>, vector<1x1x16xf32>,
      %get3A_1761 = arith.constant 3 : i32
      %get3A_1762 = arith.index_cast %scan3A_306 : i32 to index
      %get3A_1763 = arith.index_cast %get3A_1761 : i32 to index
      %get3A_1764 = arith.constant 256 : index
      %get3A_1765 = tpu.vector_load %arg6[%get3A_1762, %get3A_1763, %get3A_1764] {strides = array<i32>} : memref<16x4x512xf32, #tpu.memory_space<vmem>>, vector<1x1x16xf32>,
      %get3A_1766 = vector.shape_cast %get3A_1765 : vector<1x1x16xf32> to vector<16xf32>
      %swap3A_1767 = arith.constant 3 : i32
      %swap3A_1768 = arith.index_cast %swap3A_1767 : i32 to index
      %swap3A_1769 = arith.index_cast %scan3A_306 : i32 to index
      %swap3A_1770 = arith.constant 256 : index
      %swap3A_1771 = tpu.vector_load %arg7[%swap3A_1768, %swap3A_1769, %swap3A_1770] {strides = array<i32>} : memref<4x16x512xf32, #tpu.memory_space<vmem>>, vector<1x1x16xf32>,
      %swap3A_1772 = vector.shape_cast %swap3A_1771 : vector<1x1x16xf32> to vector<16xf32>
      %swap3A_1773 = vector.shape_cast %get3A_1766 : vector<16xf32> to vector<1x1x16xf32>
      tpu.vector_store %arg7[%swap3A_1768, %swap3A_1769, %swap3A_1770], %swap3A_1773 {strides = array<i32>} : memref<4x16x512xf32, #tpu.memory_space<vmem>>, vector<1x1x16xf32>,
      %get3A_1774 = arith.constant 3 : i32
      %get3A_1775 = arith.index_cast %scan3A_306 : i32 to index
      %get3A_1776 = arith.index_cast %get3A_1774 : i32 to index
      %get3A_1777 = arith.constant 272 : index
      %get3A_1778 = tpu.vector_load %arg6[%get3A_1775, %get3A_1776, %get3A_1777] {strides = array<i32>} : memref<16x4x512xf32, #tpu.memory_space<vmem>>, vector<1x1x16xf32>,
      %get3A_1779 = vector.shape_cast %get3A_1778 : vector<1x1x16xf32> to vector<16xf32>
      %swap3A_1780 = arith.constant 3 : i32
      %swap3A_1781 = arith.index_cast %swap3A_1780 : i32 to index
      %swap3A_1782 = arith.index_cast %scan3A_306 : i32 to index
      %swap3A_1783 = arith.constant 272 : index
      %swap3A_1784 = tpu.vector_load %arg7[%swap3A_1781, %swap3A_1782, %swap3A_1783] {strides = array<i32>} : memref<4x16x512xf32, #tpu.memory_space<vmem>>, vector<1x1x16xf32>,
      %swap3A_1785 = vector.shape_cast %swap3A_1784 : vector<1x1x16xf32> to vector<16xf32>
      %swap3A_1786 = vector.shape_cast %get3A_1779 : vector<16xf32> to vector<1x1x16xf32>
      tpu.vector_store %arg7[%swap3A_1781, %swap3A_1782, %swap3A_1783], %swap3A_1786 {strides = array<i32>} : memref<4x16x512xf32, #tpu.memory_space<vmem>>, vector<1x1x16xf32>,
      %get3A_1787 = arith.constant 3 : i32
      %get3A_1788 = arith.index_cast %scan3A_306 : i32 to index
      %get3A_1789 = arith.index_cast %get3A_1787 : i32 to index
      %get3A_1790 = arith.constant 288 : index
      %get3A_1791 = tpu.vector_load %arg6[%get3A_1788, %get3A_1789, %get3A_1790] {strides = array<i32>} : memref<16x4x512xf32, #tpu.memory_space<vmem>>, vector<1x1x16xf32>,
      %get3A_1792 = vector.shape_cast %get3A_1791 : vector<1x1x16xf32> to vector<16xf32>
      %swap3A_1793 = arith.constant 3 : i32
      %swap3A_1794 = arith.index_cast %swap3A_1793 : i32 to index
      %swap3A_1795 = arith.index_cast %scan3A_306 : i32 to index
      %swap3A_1796 = arith.constant 288 : index
      %swap3A_1797 = tpu.vector_load %arg7[%swap3A_1794, %swap3A_1795, %swap3A_1796] {strides = array<i32>} : memref<4x16x512xf32, #tpu.memory_space<vmem>>, vector<1x1x16xf32>,
      %swap3A_1798 = vector.shape_cast %swap3A_1797 : vector<1x1x16xf32> to vector<16xf32>
      %swap3A_1799 = vector.shape_cast %get3A_1792 : vector<16xf32> to vector<1x1x16xf32>
      tpu.vector_store %arg7[%swap3A_1794, %swap3A_1795, %swap3A_1796], %swap3A_1799 {strides = array<i32>} : memref<4x16x512xf32, #tpu.memory_space<vmem>>, vector<1x1x16xf32>,
      %get3A_1800 = arith.constant 3 : i32
      %get3A_1801 = arith.index_cast %scan3A_306 : i32 to index
      %get3A_1802 = arith.index_cast %get3A_1800 : i32 to index
      %get3A_1803 = arith.constant 304 : index
      %get3A_1804 = tpu.vector_load %arg6[%get3A_1801, %get3A_1802, %get3A_1803] {strides = array<i32>} : memref<16x4x512xf32, #tpu.memory_space<vmem>>, vector<1x1x16xf32>,
      %get3A_1805 = vector.shape_cast %get3A_1804 : vector<1x1x16xf32> to vector<16xf32>
      %swap3A_1806 = arith.constant 3 : i32
      %swap3A_1807 = arith.index_cast %swap3A_1806 : i32 to index
      %swap3A_1808 = arith.index_cast %scan3A_306 : i32 to index
      %swap3A_1809 = arith.constant 304 : index
      %swap3A_1810 = tpu.vector_load %arg7[%swap3A_1807, %swap3A_1808, %swap3A_1809] {strides = array<i32>} : memref<4x16x512xf32, #tpu.memory_space<vmem>>, vector<1x1x16xf32>,
      %swap3A_1811 = vector.shape_cast %swap3A_1810 : vector<1x1x16xf32> to vector<16xf32>
      %swap3A_1812 = vector.shape_cast %get3A_1805 : vector<16xf32> to vector<1x1x16xf32>
      tpu.vector_store %arg7[%swap3A_1807, %swap3A_1808, %swap3A_1809], %swap3A_1812 {strides = array<i32>} : memref<4x16x512xf32, #tpu.memory_space<vmem>>, vector<1x1x16xf32>,
      %get3A_1813 = arith.constant 3 : i32
      %get3A_1814 = arith.index_cast %scan3A_306 : i32 to index
      %get3A_1815 = arith.index_cast %get3A_1813 : i32 to index
      %get3A_1816 = arith.constant 320 : index
      %get3A_1817 = tpu.vector_load %arg6[%get3A_1814, %get3A_1815, %get3A_1816] {strides = array<i32>} : memref<16x4x512xf32, #tpu.memory_space<vmem>>, vector<1x1x16xf32>,
      %get3A_1818 = vector.shape_cast %get3A_1817 : vector<1x1x16xf32> to vector<16xf32>
      %swap3A_1819 = arith.constant 3 : i32
      %swap3A_1820 = arith.index_cast %swap3A_1819 : i32 to index
      %swap3A_1821 = arith.index_cast %scan3A_306 : i32 to index
      %swap3A_1822 = arith.constant 320 : index
      %swap3A_1823 = tpu.vector_load %arg7[%swap3A_1820, %swap3A_1821, %swap3A_1822] {strides = array<i32>} : memref<4x16x512xf32, #tpu.memory_space<vmem>>, vector<1x1x16xf32>,
      %swap3A_1824 = vector.shape_cast %swap3A_1823 : vector<1x1x16xf32> to vector<16xf32>
      %swap3A_1825 = vector.shape_cast %get3A_1818 : vector<16xf32> to vector<1x1x16xf32>
      tpu.vector_store %arg7[%swap3A_1820, %swap3A_1821, %swap3A_1822], %swap3A_1825 {strides = array<i32>} : memref<4x16x512xf32, #tpu.memory_space<vmem>>, vector<1x1x16xf32>,
      %get3A_1826 = arith.constant 3 : i32
      %get3A_1827 = arith.index_cast %scan3A_306 : i32 to index
      %get3A_1828 = arith.index_cast %get3A_1826 : i32 to index
      %get3A_1829 = arith.constant 336 : index
      %get3A_1830 = tpu.vector_load %arg6[%get3A_1827, %get3A_1828, %get3A_1829] {strides = array<i32>} : memref<16x4x512xf32, #tpu.memory_space<vmem>>, vector<1x1x16xf32>,
      %get3A_1831 = vector.shape_cast %get3A_1830 : vector<1x1x16xf32> to vector<16xf32>
      %swap3A_1832 = arith.constant 3 : i32
      %swap3A_1833 = arith.index_cast %swap3A_1832 : i32 to index
      %swap3A_1834 = arith.index_cast %scan3A_306 : i32 to index
      %swap3A_1835 = arith.constant 336 : index
      %swap3A_1836 = tpu.vector_load %arg7[%swap3A_1833, %swap3A_1834, %swap3A_1835] {strides = array<i32>} : memref<4x16x512xf32, #tpu.memory_space<vmem>>, vector<1x1x16xf32>,
      %swap3A_1837 = vector.shape_cast %swap3A_1836 : vector<1x1x16xf32> to vector<16xf32>
      %swap3A_1838 = vector.shape_cast %get3A_1831 : vector<16xf32> to vector<1x1x16xf32>
      tpu.vector_store %arg7[%swap3A_1833, %swap3A_1834, %swap3A_1835], %swap3A_1838 {strides = array<i32>} : memref<4x16x512xf32, #tpu.memory_space<vmem>>, vector<1x1x16xf32>,
      %get3A_1839 = arith.constant 3 : i32
      %get3A_1840 = arith.index_cast %scan3A_306 : i32 to index
      %get3A_1841 = arith.index_cast %get3A_1839 : i32 to index
      %get3A_1842 = arith.constant 352 : index
      %get3A_1843 = tpu.vector_load %arg6[%get3A_1840, %get3A_1841, %get3A_1842] {strides = array<i32>} : memref<16x4x512xf32, #tpu.memory_space<vmem>>, vector<1x1x16xf32>,
      %get3A_1844 = vector.shape_cast %get3A_1843 : vector<1x1x16xf32> to vector<16xf32>
      %swap3A_1845 = arith.constant 3 : i32
      %swap3A_1846 = arith.index_cast %swap3A_1845 : i32 to index
      %swap3A_1847 = arith.index_cast %scan3A_306 : i32 to index
      %swap3A_1848 = arith.constant 352 : index
      %swap3A_1849 = tpu.vector_load %arg7[%swap3A_1846, %swap3A_1847, %swap3A_1848] {strides = array<i32>} : memref<4x16x512xf32, #tpu.memory_space<vmem>>, vector<1x1x16xf32>,
      %swap3A_1850 = vector.shape_cast %swap3A_1849 : vector<1x1x16xf32> to vector<16xf32>
      %swap3A_1851 = vector.shape_cast %get3A_1844 : vector<16xf32> to vector<1x1x16xf32>
      tpu.vector_store %arg7[%swap3A_1846, %swap3A_1847, %swap3A_1848], %swap3A_1851 {strides = array<i32>} : memref<4x16x512xf32, #tpu.memory_space<vmem>>, vector<1x1x16xf32>,
      %get3A_1852 = arith.constant 3 : i32
      %get3A_1853 = arith.index_cast %scan3A_306 : i32 to index
      %get3A_1854 = arith.index_cast %get3A_1852 : i32 to index
      %get3A_1855 = arith.constant 368 : index
      %get3A_1856 = tpu.vector_load %arg6[%get3A_1853, %get3A_1854, %get3A_1855] {strides = array<i32>} : memref<16x4x512xf32, #tpu.memory_space<vmem>>, vector<1x1x16xf32>,
      %get3A_1857 = vector.shape_cast %get3A_1856 : vector<1x1x16xf32> to vector<16xf32>
      %swap3A_1858 = arith.constant 3 : i32
      %swap3A_1859 = arith.index_cast %swap3A_1858 : i32 to index
      %swap3A_1860 = arith.index_cast %scan3A_306 : i32 to index
      %swap3A_1861 = arith.constant 368 : index
      %swap3A_1862 = tpu.vector_load %arg7[%swap3A_1859, %swap3A_1860, %swap3A_1861] {strides = array<i32>} : memref<4x16x512xf32, #tpu.memory_space<vmem>>, vector<1x1x16xf32>,
      %swap3A_1863 = vector.shape_cast %swap3A_1862 : vector<1x1x16xf32> to vector<16xf32>
      %swap3A_1864 = vector.shape_cast %get3A_1857 : vector<16xf32> to vector<1x1x16xf32>
      tpu.vector_store %arg7[%swap3A_1859, %swap3A_1860, %swap3A_1861], %swap3A_1864 {strides = array<i32>} : memref<4x16x512xf32, #tpu.memory_space<vmem>>, vector<1x1x16xf32>,
      %get3A_1865 = arith.constant 3 : i32
      %get3A_1866 = arith.index_cast %scan3A_306 : i32 to index
      %get3A_1867 = arith.index_cast %get3A_1865 : i32 to index
      %get3A_1868 = arith.constant 384 : index
      %get3A_1869 = tpu.vector_load %arg6[%get3A_1866, %get3A_1867, %get3A_1868] {strides = array<i32>} : memref<16x4x512xf32, #tpu.memory_space<vmem>>, vector<1x1x16xf32>,
      %get3A_1870 = vector.shape_cast %get3A_1869 : vector<1x1x16xf32> to vector<16xf32>
      %swap3A_1871 = arith.constant 3 : i32
      %swap3A_1872 = arith.index_cast %swap3A_1871 : i32 to index
      %swap3A_1873 = arith.index_cast %scan3A_306 : i32 to index
      %swap3A_1874 = arith.constant 384 : index
      %swap3A_1875 = tpu.vector_load %arg7[%swap3A_1872, %swap3A_1873, %swap3A_1874] {strides = array<i32>} : memref<4x16x512xf32, #tpu.memory_space<vmem>>, vector<1x1x16xf32>,
      %swap3A_1876 = vector.shape_cast %swap3A_1875 : vector<1x1x16xf32> to vector<16xf32>
      %swap3A_1877 = vector.shape_cast %get3A_1870 : vector<16xf32> to vector<1x1x16xf32>
      tpu.vector_store %arg7[%swap3A_1872, %swap3A_1873, %swap3A_1874], %swap3A_1877 {strides = array<i32>} : memref<4x16x512xf32, #tpu.memory_space<vmem>>, vector<1x1x16xf32>,
      %get3A_1878 = arith.constant 3 : i32
      %get3A_1879 = arith.index_cast %scan3A_306 : i32 to index
      %get3A_1880 = arith.index_cast %get3A_1878 : i32 to index
      %get3A_1881 = arith.constant 400 : index
      %get3A_1882 = tpu.vector_load %arg6[%get3A_1879, %get3A_1880, %get3A_1881] {strides = array<i32>} : memref<16x4x512xf32, #tpu.memory_space<vmem>>, vector<1x1x16xf32>,
      %get3A_1883 = vector.shape_cast %get3A_1882 : vector<1x1x16xf32> to vector<16xf32>
      %swap3A_1884 = arith.constant 3 : i32
      %swap3A_1885 = arith.index_cast %swap3A_1884 : i32 to index
      %swap3A_1886 = arith.index_cast %scan3A_306 : i32 to index
      %swap3A_1887 = arith.constant 400 : index
      %swap3A_1888 = tpu.vector_load %arg7[%swap3A_1885, %swap3A_1886, %swap3A_1887] {strides = array<i32>} : memref<4x16x512xf32, #tpu.memory_space<vmem>>, vector<1x1x16xf32>,
      %swap3A_1889 = vector.shape_cast %swap3A_1888 : vector<1x1x16xf32> to vector<16xf32>
      %swap3A_1890 = vector.shape_cast %get3A_1883 : vector<16xf32> to vector<1x1x16xf32>
      tpu.vector_store %arg7[%swap3A_1885, %swap3A_1886, %swap3A_1887], %swap3A_1890 {strides = array<i32>} : memref<4x16x512xf32, #tpu.memory_space<vmem>>, vector<1x1x16xf32>,
      %get3A_1891 = arith.constant 3 : i32
      %get3A_1892 = arith.index_cast %scan3A_306 : i32 to index
      %get3A_1893 = arith.index_cast %get3A_1891 : i32 to index
      %get3A_1894 = arith.constant 416 : index
      %get3A_1895 = tpu.vector_load %arg6[%get3A_1892, %get3A_1893, %get3A_1894] {strides = array<i32>} : memref<16x4x512xf32, #tpu.memory_space<vmem>>, vector<1x1x16xf32>,
      %get3A_1896 = vector.shape_cast %get3A_1895 : vector<1x1x16xf32> to vector<16xf32>
      %swap3A_1897 = arith.constant 3 : i32
      %swap3A_1898 = arith.index_cast %swap3A_1897 : i32 to index
      %swap3A_1899 = arith.index_cast %scan3A_306 : i32 to index
      %swap3A_1900 = arith.constant 416 : index
      %swap3A_1901 = tpu.vector_load %arg7[%swap3A_1898, %swap3A_1899, %swap3A_1900] {strides = array<i32>} : memref<4x16x512xf32, #tpu.memory_space<vmem>>, vector<1x1x16xf32>,
      %swap3A_1902 = vector.shape_cast %swap3A_1901 : vector<1x1x16xf32> to vector<16xf32>
      %swap3A_1903 = vector.shape_cast %get3A_1896 : vector<16xf32> to vector<1x1x16xf32>
      tpu.vector_store %arg7[%swap3A_1898, %swap3A_1899, %swap3A_1900], %swap3A_1903 {strides = array<i32>} : memref<4x16x512xf32, #tpu.memory_space<vmem>>, vector<1x1x16xf32>,
      %get3A_1904 = arith.constant 3 : i32
      %get3A_1905 = arith.index_cast %scan3A_306 : i32 to index
      %get3A_1906 = arith.index_cast %get3A_1904 : i32 to index
      %get3A_1907 = arith.constant 432 : index
      %get3A_1908 = tpu.vector_load %arg6[%get3A_1905, %get3A_1906, %get3A_1907] {strides = array<i32>} : memref<16x4x512xf32, #tpu.memory_space<vmem>>, vector<1x1x16xf32>,
      %get3A_1909 = vector.shape_cast %get3A_1908 : vector<1x1x16xf32> to vector<16xf32>
      %swap3A_1910 = arith.constant 3 : i32
      %swap3A_1911 = arith.index_cast %swap3A_1910 : i32 to index
      %swap3A_1912 = arith.index_cast %scan3A_306 : i32 to index
      %swap3A_1913 = arith.constant 432 : index
      %swap3A_1914 = tpu.vector_load %arg7[%swap3A_1911, %swap3A_1912, %swap3A_1913] {strides = array<i32>} : memref<4x16x512xf32, #tpu.memory_space<vmem>>, vector<1x1x16xf32>,
      %swap3A_1915 = vector.shape_cast %swap3A_1914 : vector<1x1x16xf32> to vector<16xf32>
      %swap3A_1916 = vector.shape_cast %get3A_1909 : vector<16xf32> to vector<1x1x16xf32>
      tpu.vector_store %arg7[%swap3A_1911, %swap3A_1912, %swap3A_1913], %swap3A_1916 {strides = array<i32>} : memref<4x16x512xf32, #tpu.memory_space<vmem>>, vector<1x1x16xf32>,
      %get3A_1917 = arith.constant 3 : i32
      %get3A_1918 = arith.index_cast %scan3A_306 : i32 to index
      %get3A_1919 = arith.index_cast %get3A_1917 : i32 to index
      %get3A_1920 = arith.constant 448 : index
      %get3A_1921 = tpu.vector_load %arg6[%get3A_1918, %get3A_1919, %get3A_1920] {strides = array<i32>} : memref<16x4x512xf32, #tpu.memory_space<vmem>>, vector<1x1x16xf32>,
      %get3A_1922 = vector.shape_cast %get3A_1921 : vector<1x1x16xf32> to vector<16xf32>
      %swap3A_1923 = arith.constant 3 : i32
      %swap3A_1924 = arith.index_cast %swap3A_1923 : i32 to index
      %swap3A_1925 = arith.index_cast %scan3A_306 : i32 to index
      %swap3A_1926 = arith.constant 448 : index
      %swap3A_1927 = tpu.vector_load %arg7[%swap3A_1924, %swap3A_1925, %swap3A_1926] {strides = array<i32>} : memref<4x16x512xf32, #tpu.memory_space<vmem>>, vector<1x1x16xf32>,
      %swap3A_1928 = vector.shape_cast %swap3A_1927 : vector<1x1x16xf32> to vector<16xf32>
      %swap3A_1929 = vector.shape_cast %get3A_1922 : vector<16xf32> to vector<1x1x16xf32>
      tpu.vector_store %arg7[%swap3A_1924, %swap3A_1925, %swap3A_1926], %swap3A_1929 {strides = array<i32>} : memref<4x16x512xf32, #tpu.memory_space<vmem>>, vector<1x1x16xf32>,
      %get3A_1930 = arith.constant 3 : i32
      %get3A_1931 = arith.index_cast %scan3A_306 : i32 to index
      %get3A_1932 = arith.index_cast %get3A_1930 : i32 to index
      %get3A_1933 = arith.constant 464 : index
      %get3A_1934 = tpu.vector_load %arg6[%get3A_1931, %get3A_1932, %get3A_1933] {strides = array<i32>} : memref<16x4x512xf32, #tpu.memory_space<vmem>>, vector<1x1x16xf32>,
      %get3A_1935 = vector.shape_cast %get3A_1934 : vector<1x1x16xf32> to vector<16xf32>
      %swap3A_1936 = arith.constant 3 : i32
      %swap3A_1937 = arith.index_cast %swap3A_1936 : i32 to index
      %swap3A_1938 = arith.index_cast %scan3A_306 : i32 to index
      %swap3A_1939 = arith.constant 464 : index
      %swap3A_1940 = tpu.vector_load %arg7[%swap3A_1937, %swap3A_1938, %swap3A_1939] {strides = array<i32>} : memref<4x16x512xf32, #tpu.memory_space<vmem>>, vector<1x1x16xf32>,
      %swap3A_1941 = vector.shape_cast %swap3A_1940 : vector<1x1x16xf32> to vector<16xf32>
      %swap3A_1942 = vector.shape_cast %get3A_1935 : vector<16xf32> to vector<1x1x16xf32>
      tpu.vector_store %arg7[%swap3A_1937, %swap3A_1938, %swap3A_1939], %swap3A_1942 {strides = array<i32>} : memref<4x16x512xf32, #tpu.memory_space<vmem>>, vector<1x1x16xf32>,
      %get3A_1943 = arith.constant 3 : i32
      %get3A_1944 = arith.index_cast %scan3A_306 : i32 to index
      %get3A_1945 = arith.index_cast %get3A_1943 : i32 to index
      %get3A_1946 = arith.constant 480 : index
      %get3A_1947 = tpu.vector_load %arg6[%get3A_1944, %get3A_1945, %get3A_1946] {strides = array<i32>} : memref<16x4x512xf32, #tpu.memory_space<vmem>>, vector<1x1x16xf32>,
      %get3A_1948 = vector.shape_cast %get3A_1947 : vector<1x1x16xf32> to vector<16xf32>
      %swap3A_1949 = arith.constant 3 : i32
      %swap3A_1950 = arith.index_cast %swap3A_1949 : i32 to index
      %swap3A_1951 = arith.index_cast %scan3A_306 : i32 to index
      %swap3A_1952 = arith.constant 480 : index
      %swap3A_1953 = tpu.vector_load %arg7[%swap3A_1950, %swap3A_1951, %swap3A_1952] {strides = array<i32>} : memref<4x16x512xf32, #tpu.memory_space<vmem>>, vector<1x1x16xf32>,
      %swap3A_1954 = vector.shape_cast %swap3A_1953 : vector<1x1x16xf32> to vector<16xf32>
      %swap3A_1955 = vector.shape_cast %get3A_1948 : vector<16xf32> to vector<1x1x16xf32>
      tpu.vector_store %arg7[%swap3A_1950, %swap3A_1951, %swap3A_1952], %swap3A_1955 {strides = array<i32>} : memref<4x16x512xf32, #tpu.memory_space<vmem>>, vector<1x1x16xf32>,
      %get3A_1956 = arith.constant 3 : i32
      %get3A_1957 = arith.index_cast %scan3A_306 : i32 to index
      %get3A_1958 = arith.index_cast %get3A_1956 : i32 to index
      %get3A_1959 = arith.constant 496 : index
      %get3A_1960 = tpu.vector_load %arg6[%get3A_1957, %get3A_1958, %get3A_1959] {strides = array<i32>} : memref<16x4x512xf32, #tpu.memory_space<vmem>>, vector<1x1x16xf32>,
      %get3A_1961 = vector.shape_cast %get3A_1960 : vector<1x1x16xf32> to vector<16xf32>
      %swap3A_1962 = arith.constant 3 : i32
      %swap3A_1963 = arith.index_cast %swap3A_1962 : i32 to index
      %swap3A_1964 = arith.index_cast %scan3A_306 : i32 to index
      %swap3A_1965 = arith.constant 496 : index
      %swap3A_1966 = tpu.vector_load %arg7[%swap3A_1963, %swap3A_1964, %swap3A_1965] {strides = array<i32>} : memref<4x16x512xf32, #tpu.memory_space<vmem>>, vector<1x1x16xf32>,
      %swap3A_1967 = vector.shape_cast %swap3A_1966 : vector<1x1x16xf32> to vector<16xf32>
      %swap3A_1968 = vector.shape_cast %get3A_1961 : vector<16xf32> to vector<1x1x16xf32>
      tpu.vector_store %arg7[%swap3A_1963, %swap3A_1964, %swap3A_1965], %swap3A_1968 {strides = array<i32>} : memref<4x16x512xf32, #tpu.memory_space<vmem>>, vector<1x1x16xf32>,
    }
    %scan3A_16 = arith.constant 16 : i32
    %add3A_17 = arith.constant 0 : i32
    %add3A_18 = arith.addi %mul3A_2, %add3A_17 : i32
    %dma_start3A_19 = arith.constant 0 : i32
    %dma_start3A_20 = arith.constant 0 : i32
    %dma_start3A_21 = arith.constant 0 : i32
    %dma_start3A_22 = arith.constant 0 : i32
    %dma_start3A_23 = tpu.memref_slice %arg7[%dma_start3A_19, %dma_start3A_21, %dma_start3A_22] : memref<4x16x512xf32, #tpu.memory_space<vmem>> -> memref<1x16x512xf32, #tpu.memory_space<vmem>>
    %dma_start3A_24 = tpu.memref_squeeze %dma_start3A_23 : memref<1x16x512xf32, #tpu.memory_space<vmem>> -> memref<16x512xf32, #tpu.memory_space<vmem>>
    %dma_start3A_25 = arith.constant 0 : i32
    %dma_start3A_26 = tpu.memref_slice %arg4[%dma_start3A_20, %add3A_18, %dma_start3A_25] : memref<4x1024x512xf32, #tpu.memory_space<hbm>> -> memref<1x16x512xf32, #tpu.memory_space<hbm>>
    %dma_start3A_27 = tpu.memref_squeeze %dma_start3A_26 : memref<1x16x512xf32, #tpu.memory_space<hbm>> -> memref<16x512xf32, #tpu.memory_space<hbm>>
    %dma_start3A_28 = arith.constant 0 : i32
    %dma_start3A_29 = tpu.memref_slice %arg4[%dma_start3A_20, %add3A_18, %dma_start3A_28] : memref<4x1024x512xf32, #tpu.memory_space<hbm>> -> memref<1x16x512xf32, #tpu.memory_space<hbm>>
    %dma_start3A_30 = tpu.memref_squeeze %dma_start3A_29 : memref<1x16x512xf32, #tpu.memory_space<hbm>> -> memref<16x512xf32, #tpu.memory_space<hbm>>
    %dma_start3A_31 = arith.constant 0 : i32
    %dma_start3A_32 = arith.constant 0 : i32
    %dma_start3A_33 = tpu.memref_slice %arg7[%dma_start3A_19, %dma_start3A_31, %dma_start3A_32] : memref<4x16x512xf32, #tpu.memory_space<vmem>> -> memref<1x16x512xf32, #tpu.memory_space<vmem>>
    %dma_start3A_34 = tpu.memref_squeeze %dma_start3A_33 : memref<1x16x512xf32, #tpu.memory_space<vmem>> -> memref<16x512xf32, #tpu.memory_space<vmem>>
    tpu.enqueue_dma source(%dma_start3A_34 : memref<16x512xf32, #tpu.memory_space<vmem>>) target(%dma_start3A_30 : memref<16x512xf32, #tpu.memory_space<hbm>>) target_semaphore(%arg10 : memref<!tpu.dma_semaphore, #tpu.memory_space<semaphore_mem>>)
    %add3A_35 = arith.constant 0 : i32
    %add3A_36 = arith.addi %mul3A_2, %add3A_35 : i32
    %dma_start3A_37 = arith.constant 1 : i32
    %dma_start3A_38 = arith.constant 1 : i32
    %dma_start3A_39 = arith.constant 0 : i32
    %dma_start3A_40 = arith.constant 0 : i32
    %dma_start3A_41 = tpu.memref_slice %arg7[%dma_start3A_37, %dma_start3A_39, %dma_start3A_40] : memref<4x16x512xf32, #tpu.memory_space<vmem>> -> memref<1x16x512xf32, #tpu.memory_space<vmem>>
    %dma_start3A_42 = tpu.memref_squeeze %dma_start3A_41 : memref<1x16x512xf32, #tpu.memory_space<vmem>> -> memref<16x512xf32, #tpu.memory_space<vmem>>
    %dma_start3A_43 = arith.constant 0 : i32
    %dma_start3A_44 = tpu.memref_slice %arg4[%dma_start3A_38, %add3A_36, %dma_start3A_43] : memref<4x1024x512xf32, #tpu.memory_space<hbm>> -> memref<1x16x512xf32, #tpu.memory_space<hbm>>
    %dma_start3A_45 = tpu.memref_squeeze %dma_start3A_44 : memref<1x16x512xf32, #tpu.memory_space<hbm>> -> memref<16x512xf32, #tpu.memory_space<hbm>>
    %dma_start3A_46 = arith.constant 0 : i32
    %dma_start3A_47 = tpu.memref_slice %arg4[%dma_start3A_38, %add3A_36, %dma_start3A_46] : memref<4x1024x512xf32, #tpu.memory_space<hbm>> -> memref<1x16x512xf32, #tpu.memory_space<hbm>>
    %dma_start3A_48 = tpu.memref_squeeze %dma_start3A_47 : memref<1x16x512xf32, #tpu.memory_space<hbm>> -> memref<16x512xf32, #tpu.memory_space<hbm>>
    %dma_start3A_49 = arith.constant 0 : i32
    %dma_start3A_50 = arith.constant 0 : i32
    %dma_start3A_51 = tpu.memref_slice %arg7[%dma_start3A_37, %dma_start3A_49, %dma_start3A_50] : memref<4x16x512xf32, #tpu.memory_space<vmem>> -> memref<1x16x512xf32, #tpu.memory_space<vmem>>
    %dma_start3A_52 = tpu.memref_squeeze %dma_start3A_51 : memref<1x16x512xf32, #tpu.memory_space<vmem>> -> memref<16x512xf32, #tpu.memory_space<vmem>>
    tpu.enqueue_dma source(%dma_start3A_52 : memref<16x512xf32, #tpu.memory_space<vmem>>) target(%dma_start3A_48 : memref<16x512xf32, #tpu.memory_space<hbm>>) target_semaphore(%arg10 : memref<!tpu.dma_semaphore, #tpu.memory_space<semaphore_mem>>)
    %add3A_53 = arith.constant 0 : i32
    %add3A_54 = arith.addi %mul3A_2, %add3A_53 : i32
    %dma_start3A_55 = arith.constant 2 : i32
    %dma_start3A_56 = arith.constant 2 : i32
    %dma_start3A_57 = arith.constant 0 : i32
    %dma_start3A_58 = arith.constant 0 : i32
    %dma_start3A_59 = tpu.memref_slice %arg7[%dma_start3A_55, %dma_start3A_57, %dma_start3A_58] : memref<4x16x512xf32, #tpu.memory_space<vmem>> -> memref<1x16x512xf32, #tpu.memory_space<vmem>>
    %dma_start3A_60 = tpu.memref_squeeze %dma_start3A_59 : memref<1x16x512xf32, #tpu.memory_space<vmem>> -> memref<16x512xf32, #tpu.memory_space<vmem>>
    %dma_start3A_61 = arith.constant 0 : i32
    %dma_start3A_62 = tpu.memref_slice %arg4[%dma_start3A_56, %add3A_54, %dma_start3A_61] : memref<4x1024x512xf32, #tpu.memory_space<hbm>> -> memref<1x16x512xf32, #tpu.memory_space<hbm>>
    %dma_start3A_63 = tpu.memref_squeeze %dma_start3A_62 : memref<1x16x512xf32, #tpu.memory_space<hbm>> -> memref<16x512xf32, #tpu.memory_space<hbm>>
    %dma_start3A_64 = arith.constant 0 : i32
    %dma_start3A_65 = tpu.memref_slice %arg4[%dma_start3A_56, %add3A_54, %dma_start3A_64] : memref<4x1024x512xf32, #tpu.memory_space<hbm>> -> memref<1x16x512xf32, #tpu.memory_space<hbm>>
    %dma_start3A_66 = tpu.memref_squeeze %dma_start3A_65 : memref<1x16x512xf32, #tpu.memory_space<hbm>> -> memref<16x512xf32, #tpu.memory_space<hbm>>
    %dma_start3A_67 = arith.constant 0 : i32
    %dma_start3A_68 = arith.constant 0 : i32
    %dma_start3A_69 = tpu.memref_slice %arg7[%dma_start3A_55, %dma_start3A_67, %dma_start3A_68] : memref<4x16x512xf32, #tpu.memory_space<vmem>> -> memref<1x16x512xf32, #tpu.memory_space<vmem>>
    %dma_start3A_70 = tpu.memref_squeeze %dma_start3A_69 : memref<1x16x512xf32, #tpu.memory_space<vmem>> -> memref<16x512xf32, #tpu.memory_space<vmem>>
    tpu.enqueue_dma source(%dma_start3A_70 : memref<16x512xf32, #tpu.memory_space<vmem>>) target(%dma_start3A_66 : memref<16x512xf32, #tpu.memory_space<hbm>>) target_semaphore(%arg10 : memref<!tpu.dma_semaphore, #tpu.memory_space<semaphore_mem>>)
    %add3A_71 = arith.constant 0 : i32
    %add3A_72 = arith.addi %mul3A_2, %add3A_71 : i32
    %dma_start3A_73 = arith.constant 3 : i32
    %dma_start3A_74 = arith.constant 3 : i32
    %dma_start3A_75 = arith.constant 0 : i32
    %dma_start3A_76 = arith.constant 0 : i32
    %dma_start3A_77 = tpu.memref_slice %arg7[%dma_start3A_73, %dma_start3A_75, %dma_start3A_76] : memref<4x16x512xf32, #tpu.memory_space<vmem>> -> memref<1x16x512xf32, #tpu.memory_space<vmem>>
    %dma_start3A_78 = tpu.memref_squeeze %dma_start3A_77 : memref<1x16x512xf32, #tpu.memory_space<vmem>> -> memref<16x512xf32, #tpu.memory_space<vmem>>
    %dma_start3A_79 = arith.constant 0 : i32
    %dma_start3A_80 = tpu.memref_slice %arg4[%dma_start3A_74, %add3A_72, %dma_start3A_79] : memref<4x1024x512xf32, #tpu.memory_space<hbm>> -> memref<1x16x512xf32, #tpu.memory_space<hbm>>
    %dma_start3A_81 = tpu.memref_squeeze %dma_start3A_80 : memref<1x16x512xf32, #tpu.memory_space<hbm>> -> memref<16x512xf32, #tpu.memory_space<hbm>>
    %dma_start3A_82 = arith.constant 0 : i32
    %dma_start3A_83 = tpu.memref_slice %arg4[%dma_start3A_74, %add3A_72, %dma_start3A_82] : memref<4x1024x512xf32, #tpu.memory_space<hbm>> -> memref<1x16x512xf32, #tpu.memory_space<hbm>>
    %dma_start3A_84 = tpu.memref_squeeze %dma_start3A_83 : memref<1x16x512xf32, #tpu.memory_space<hbm>> -> memref<16x512xf32, #tpu.memory_space<hbm>>
    %dma_start3A_85 = arith.constant 0 : i32
    %dma_start3A_86 = arith.constant 0 : i32
    %dma_start3A_87 = tpu.memref_slice %arg7[%dma_start3A_73, %dma_start3A_85, %dma_start3A_86] : memref<4x16x512xf32, #tpu.memory_space<vmem>> -> memref<1x16x512xf32, #tpu.memory_space<vmem>>
    %dma_start3A_88 = tpu.memref_squeeze %dma_start3A_87 : memref<1x16x512xf32, #tpu.memory_space<vmem>> -> memref<16x512xf32, #tpu.memory_space<vmem>>
    tpu.enqueue_dma source(%dma_start3A_88 : memref<16x512xf32, #tpu.memory_space<vmem>>) target(%dma_start3A_84 : memref<16x512xf32, #tpu.memory_space<hbm>>) target_semaphore(%arg10 : memref<!tpu.dma_semaphore, #tpu.memory_space<semaphore_mem>>)
    %dma_start3A_89 = arith.constant 16 : i32
    %dma_start3A_90 = tpu.memref_slice %arg5[%dma_start3A_89] : memref<32xi32, #tpu.memory_space<vmem>> -> memref<16xi32, #tpu.memory_space<vmem>>
    %dma_start3A_91 = arith.constant 0 : i32
    %dma_start3A_92 = arith.constant 0 : i32
    %dma_start3A_93 = arith.constant 0 : i32
    %dma_start3A_94 = tpu.memref_slice %arg3[%dma_start3A_91, %dma_start3A_92, %dma_start3A_93] : memref<100000x4x512xf32, #tpu.memory_space<hbm>> -> memref<100000x4x512xf32, #tpu.memory_space<hbm>>
    tpu.enqueue_indirect_dma source(%dma_start3A_94 : memref<100000x4x512xf32, #tpu.memory_space<hbm>>) target(%arg6 : memref<16x4x512xf32, #tpu.memory_space<vmem>>) offsets(%dma_start3A_90 : memref<16xi32, #tpu.memory_space<vmem>>) semaphore(%arg9 : memref<!tpu.dma_semaphore, #tpu.memory_space<semaphore_mem>>)
    %dma_wait3A_95 = arith.constant 16 : i32
    %dma_wait3A_96 = tpu.memref_slice %arg5[%dma_wait3A_95] : memref<32xi32, #tpu.memory_space<vmem>> -> memref<16xi32, #tpu.memory_space<vmem>>
    %dma_wait3A_97 = arith.constant 0 : i32
    %dma_wait3A_98 = arith.constant 0 : i32
    %dma_wait3A_99 = arith.constant 0 : i32
    %dma_wait3A_100 = tpu.memref_slice %arg3[%dma_wait3A_97, %dma_wait3A_98, %dma_wait3A_99] : memref<100000x4x512xf32, #tpu.memory_space<hbm>> -> memref<100000x4x512xf32, #tpu.memory_space<hbm>>
    tpu.wait_indirect_dma semaphore(%arg9 : memref<!tpu.dma_semaphore, #tpu.memory_space<semaphore_mem>>) src(%dma_wait3A_100 : memref<100000x4x512xf32, #tpu.memory_space<hbm>>) dst(%arg6 : memref<16x4x512xf32, #tpu.memory_space<vmem>>)
    %scan3A_101 = arith.constant 0 : i32
    %scan3A_102 = arith.constant 16 : i32
    %scan3A_103 = arith.addi %scan3A_101, %scan3A_102 : i32
    %scan3A_104 = arith.constant 1 : i32
    scf.for %scan3A_306 = %scan3A_101 to %scan3A_103 step %scan3A_104  : i32 {
      %get3A = arith.constant 0 : i32
      %get3A_307 = arith.index_cast %scan3A_306 : i32 to index
      %get3A_308 = arith.index_cast %get3A : i32 to index
      %get3A_309 = arith.constant 0 : index
      %get3A_310 = tpu.vector_load %arg6[%get3A_307, %get3A_308, %get3A_309] {strides = array<i32>} : memref<16x4x512xf32, #tpu.memory_space<vmem>>, vector<1x1x16xf32>,
      %get3A_311 = vector.shape_cast %get3A_310 : vector<1x1x16xf32> to vector<16xf32>
      %swap3A = arith.constant 0 : i32
      %swap3A_312 = arith.index_cast %swap3A : i32 to index
      %swap3A_313 = arith.index_cast %scan3A_306 : i32 to index
      %swap3A_314 = arith.constant 0 : index
      %swap3A_315 = tpu.vector_load %arg8[%swap3A_312, %swap3A_313, %swap3A_314] {strides = array<i32>} : memref<4x16x512xf32, #tpu.memory_space<vmem>>, vector<1x1x16xf32>,
      %swap3A_316 = vector.shape_cast %swap3A_315 : vector<1x1x16xf32> to vector<16xf32>
      %swap3A_317 = vector.shape_cast %get3A_311 : vector<16xf32> to vector<1x1x16xf32>
      tpu.vector_store %arg8[%swap3A_312, %swap3A_313, %swap3A_314], %swap3A_317 {strides = array<i32>} : memref<4x16x512xf32, #tpu.memory_space<vmem>>, vector<1x1x16xf32>,
      %get3A_318 = arith.constant 0 : i32
      %get3A_319 = arith.index_cast %scan3A_306 : i32 to index
      %get3A_320 = arith.index_cast %get3A_318 : i32 to index
      %get3A_321 = arith.constant 16 : index
      %get3A_322 = tpu.vector_load %arg6[%get3A_319, %get3A_320, %get3A_321] {strides = array<i32>} : memref<16x4x512xf32, #tpu.memory_space<vmem>>, vector<1x1x16xf32>,
      %get3A_323 = vector.shape_cast %get3A_322 : vector<1x1x16xf32> to vector<16xf32>
      %swap3A_324 = arith.constant 0 : i32
      %swap3A_325 = arith.index_cast %swap3A_324 : i32 to index
      %swap3A_326 = arith.index_cast %scan3A_306 : i32 to index
      %swap3A_327 = arith.constant 16 : index
      %swap3A_328 = tpu.vector_load %arg8[%swap3A_325, %swap3A_326, %swap3A_327] {strides = array<i32>} : memref<4x16x512xf32, #tpu.memory_space<vmem>>, vector<1x1x16xf32>,
      %swap3A_329 = vector.shape_cast %swap3A_328 : vector<1x1x16xf32> to vector<16xf32>
      %swap3A_330 = vector.shape_cast %get3A_323 : vector<16xf32> to vector<1x1x16xf32>
      tpu.vector_store %arg8[%swap3A_325, %swap3A_326, %swap3A_327], %swap3A_330 {strides = array<i32>} : memref<4x16x512xf32, #tpu.memory_space<vmem>>, vector<1x1x16xf32>,
      %get3A_331 = arith.constant 0 : i32
      %get3A_332 = arith.index_cast %scan3A_306 : i32 to index
      %get3A_333 = arith.index_cast %get3A_331 : i32 to index
      %get3A_334 = arith.constant 32 : index
      %get3A_335 = tpu.vector_load %arg6[%get3A_332, %get3A_333, %get3A_334] {strides = array<i32>} : memref<16x4x512xf32, #tpu.memory_space<vmem>>, vector<1x1x16xf32>,
      %get3A_336 = vector.shape_cast %get3A_335 : vector<1x1x16xf32> to vector<16xf32>
      %swap3A_337 = arith.constant 0 : i32
      %swap3A_338 = arith.index_cast %swap3A_337 : i32 to index
      %swap3A_339 = arith.index_cast %scan3A_306 : i32 to index
      %swap3A_340 = arith.constant 32 : index
      %swap3A_341 = tpu.vector_load %arg8[%swap3A_338, %swap3A_339, %swap3A_340] {strides = array<i32>} : memref<4x16x512xf32, #tpu.memory_space<vmem>>, vector<1x1x16xf32>,
      %swap3A_342 = vector.shape_cast %swap3A_341 : vector<1x1x16xf32> to vector<16xf32>
      %swap3A_343 = vector.shape_cast %get3A_336 : vector<16xf32> to vector<1x1x16xf32>
      tpu.vector_store %arg8[%swap3A_338, %swap3A_339, %swap3A_340], %swap3A_343 {strides = array<i32>} : memref<4x16x512xf32, #tpu.memory_space<vmem>>, vector<1x1x16xf32>,
      %get3A_344 = arith.constant 0 : i32
      %get3A_345 = arith.index_cast %scan3A_306 : i32 to index
      %get3A_346 = arith.index_cast %get3A_344 : i32 to index
      %get3A_347 = arith.constant 48 : index
      %get3A_348 = tpu.vector_load %arg6[%get3A_345, %get3A_346, %get3A_347] {strides = array<i32>} : memref<16x4x512xf32, #tpu.memory_space<vmem>>, vector<1x1x16xf32>,
      %get3A_349 = vector.shape_cast %get3A_348 : vector<1x1x16xf32> to vector<16xf32>
      %swap3A_350 = arith.constant 0 : i32
      %swap3A_351 = arith.index_cast %swap3A_350 : i32 to index
      %swap3A_352 = arith.index_cast %scan3A_306 : i32 to index
      %swap3A_353 = arith.constant 48 : index
      %swap3A_354 = tpu.vector_load %arg8[%swap3A_351, %swap3A_352, %swap3A_353] {strides = array<i32>} : memref<4x16x512xf32, #tpu.memory_space<vmem>>, vector<1x1x16xf32>,
      %swap3A_355 = vector.shape_cast %swap3A_354 : vector<1x1x16xf32> to vector<16xf32>
      %swap3A_356 = vector.shape_cast %get3A_349 : vector<16xf32> to vector<1x1x16xf32>
      tpu.vector_store %arg8[%swap3A_351, %swap3A_352, %swap3A_353], %swap3A_356 {strides = array<i32>} : memref<4x16x512xf32, #tpu.memory_space<vmem>>, vector<1x1x16xf32>,
      %get3A_357 = arith.constant 0 : i32
      %get3A_358 = arith.index_cast %scan3A_306 : i32 to index
      %get3A_359 = arith.index_cast %get3A_357 : i32 to index
      %get3A_360 = arith.constant 64 : index
      %get3A_361 = tpu.vector_load %arg6[%get3A_358, %get3A_359, %get3A_360] {strides = array<i32>} : memref<16x4x512xf32, #tpu.memory_space<vmem>>, vector<1x1x16xf32>,
      %get3A_362 = vector.shape_cast %get3A_361 : vector<1x1x16xf32> to vector<16xf32>
      %swap3A_363 = arith.constant 0 : i32
      %swap3A_364 = arith.index_cast %swap3A_363 : i32 to index
      %swap3A_365 = arith.index_cast %scan3A_306 : i32 to index
      %swap3A_366 = arith.constant 64 : index
      %swap3A_367 = tpu.vector_load %arg8[%swap3A_364, %swap3A_365, %swap3A_366] {strides = array<i32>} : memref<4x16x512xf32, #tpu.memory_space<vmem>>, vector<1x1x16xf32>,
      %swap3A_368 = vector.shape_cast %swap3A_367 : vector<1x1x16xf32> to vector<16xf32>
      %swap3A_369 = vector.shape_cast %get3A_362 : vector<16xf32> to vector<1x1x16xf32>
      tpu.vector_store %arg8[%swap3A_364, %swap3A_365, %swap3A_366], %swap3A_369 {strides = array<i32>} : memref<4x16x512xf32, #tpu.memory_space<vmem>>, vector<1x1x16xf32>,
      %get3A_370 = arith.constant 0 : i32
      %get3A_371 = arith.index_cast %scan3A_306 : i32 to index
      %get3A_372 = arith.index_cast %get3A_370 : i32 to index
      %get3A_373 = arith.constant 80 : index
      %get3A_374 = tpu.vector_load %arg6[%get3A_371, %get3A_372, %get3A_373] {strides = array<i32>} : memref<16x4x512xf32, #tpu.memory_space<vmem>>, vector<1x1x16xf32>,
      %get3A_375 = vector.shape_cast %get3A_374 : vector<1x1x16xf32> to vector<16xf32>
      %swap3A_376 = arith.constant 0 : i32
      %swap3A_377 = arith.index_cast %swap3A_376 : i32 to index
      %swap3A_378 = arith.index_cast %scan3A_306 : i32 to index
      %swap3A_379 = arith.constant 80 : index
      %swap3A_380 = tpu.vector_load %arg8[%swap3A_377, %swap3A_378, %swap3A_379] {strides = array<i32>} : memref<4x16x512xf32, #tpu.memory_space<vmem>>, vector<1x1x16xf32>,
      %swap3A_381 = vector.shape_cast %swap3A_380 : vector<1x1x16xf32> to vector<16xf32>
      %swap3A_382 = vector.shape_cast %get3A_375 : vector<16xf32> to vector<1x1x16xf32>
      tpu.vector_store %arg8[%swap3A_377, %swap3A_378, %swap3A_379], %swap3A_382 {strides = array<i32>} : memref<4x16x512xf32, #tpu.memory_space<vmem>>, vector<1x1x16xf32>,
      %get3A_383 = arith.constant 0 : i32
      %get3A_384 = arith.index_cast %scan3A_306 : i32 to index
      %get3A_385 = arith.index_cast %get3A_383 : i32 to index
      %get3A_386 = arith.constant 96 : index
      %get3A_387 = tpu.vector_load %arg6[%get3A_384, %get3A_385, %get3A_386] {strides = array<i32>} : memref<16x4x512xf32, #tpu.memory_space<vmem>>, vector<1x1x16xf32>,
      %get3A_388 = vector.shape_cast %get3A_387 : vector<1x1x16xf32> to vector<16xf32>
      %swap3A_389 = arith.constant 0 : i32
      %swap3A_390 = arith.index_cast %swap3A_389 : i32 to index
      %swap3A_391 = arith.index_cast %scan3A_306 : i32 to index
      %swap3A_392 = arith.constant 96 : index
      %swap3A_393 = tpu.vector_load %arg8[%swap3A_390, %swap3A_391, %swap3A_392] {strides = array<i32>} : memref<4x16x512xf32, #tpu.memory_space<vmem>>, vector<1x1x16xf32>,
      %swap3A_394 = vector.shape_cast %swap3A_393 : vector<1x1x16xf32> to vector<16xf32>
      %swap3A_395 = vector.shape_cast %get3A_388 : vector<16xf32> to vector<1x1x16xf32>
      tpu.vector_store %arg8[%swap3A_390, %swap3A_391, %swap3A_392], %swap3A_395 {strides = array<i32>} : memref<4x16x512xf32, #tpu.memory_space<vmem>>, vector<1x1x16xf32>,
      %get3A_396 = arith.constant 0 : i32
      %get3A_397 = arith.index_cast %scan3A_306 : i32 to index
      %get3A_398 = arith.index_cast %get3A_396 : i32 to index
      %get3A_399 = arith.constant 112 : index
      %get3A_400 = tpu.vector_load %arg6[%get3A_397, %get3A_398, %get3A_399] {strides = array<i32>} : memref<16x4x512xf32, #tpu.memory_space<vmem>>, vector<1x1x16xf32>,
      %get3A_401 = vector.shape_cast %get3A_400 : vector<1x1x16xf32> to vector<16xf32>
      %swap3A_402 = arith.constant 0 : i32
      %swap3A_403 = arith.index_cast %swap3A_402 : i32 to index
      %swap3A_404 = arith.index_cast %scan3A_306 : i32 to index
      %swap3A_405 = arith.constant 112 : index
      %swap3A_406 = tpu.vector_load %arg8[%swap3A_403, %swap3A_404, %swap3A_405] {strides = array<i32>} : memref<4x16x512xf32, #tpu.memory_space<vmem>>, vector<1x1x16xf32>,
      %swap3A_407 = vector.shape_cast %swap3A_406 : vector<1x1x16xf32> to vector<16xf32>
      %swap3A_408 = vector.shape_cast %get3A_401 : vector<16xf32> to vector<1x1x16xf32>
      tpu.vector_store %arg8[%swap3A_403, %swap3A_404, %swap3A_405], %swap3A_408 {strides = array<i32>} : memref<4x16x512xf32, #tpu.memory_space<vmem>>, vector<1x1x16xf32>,
      %get3A_409 = arith.constant 0 : i32
      %get3A_410 = arith.index_cast %scan3A_306 : i32 to index
      %get3A_411 = arith.index_cast %get3A_409 : i32 to index
      %get3A_412 = arith.constant 128 : index
      %get3A_413 = tpu.vector_load %arg6[%get3A_410, %get3A_411, %get3A_412] {strides = array<i32>} : memref<16x4x512xf32, #tpu.memory_space<vmem>>, vector<1x1x16xf32>,
      %get3A_414 = vector.shape_cast %get3A_413 : vector<1x1x16xf32> to vector<16xf32>
      %swap3A_415 = arith.constant 0 : i32
      %swap3A_416 = arith.index_cast %swap3A_415 : i32 to index
      %swap3A_417 = arith.index_cast %scan3A_306 : i32 to index
      %swap3A_418 = arith.constant 128 : index
      %swap3A_419 = tpu.vector_load %arg8[%swap3A_416, %swap3A_417, %swap3A_418] {strides = array<i32>} : memref<4x16x512xf32, #tpu.memory_space<vmem>>, vector<1x1x16xf32>,
      %swap3A_420 = vector.shape_cast %swap3A_419 : vector<1x1x16xf32> to vector<16xf32>
      %swap3A_421 = vector.shape_cast %get3A_414 : vector<16xf32> to vector<1x1x16xf32>
      tpu.vector_store %arg8[%swap3A_416, %swap3A_417, %swap3A_418], %swap3A_421 {strides = array<i32>} : memref<4x16x512xf32, #tpu.memory_space<vmem>>, vector<1x1x16xf32>,
      %get3A_422 = arith.constant 0 : i32
      %get3A_423 = arith.index_cast %scan3A_306 : i32 to index
      %get3A_424 = arith.index_cast %get3A_422 : i32 to index
      %get3A_425 = arith.constant 144 : index
      %get3A_426 = tpu.vector_load %arg6[%get3A_423, %get3A_424, %get3A_425] {strides = array<i32>} : memref<16x4x512xf32, #tpu.memory_space<vmem>>, vector<1x1x16xf32>,
      %get3A_427 = vector.shape_cast %get3A_426 : vector<1x1x16xf32> to vector<16xf32>
      %swap3A_428 = arith.constant 0 : i32
      %swap3A_429 = arith.index_cast %swap3A_428 : i32 to index
      %swap3A_430 = arith.index_cast %scan3A_306 : i32 to index
      %swap3A_431 = arith.constant 144 : index
      %swap3A_432 = tpu.vector_load %arg8[%swap3A_429, %swap3A_430, %swap3A_431] {strides = array<i32>} : memref<4x16x512xf32, #tpu.memory_space<vmem>>, vector<1x1x16xf32>,
      %swap3A_433 = vector.shape_cast %swap3A_432 : vector<1x1x16xf32> to vector<16xf32>
      %swap3A_434 = vector.shape_cast %get3A_427 : vector<16xf32> to vector<1x1x16xf32>
      tpu.vector_store %arg8[%swap3A_429, %swap3A_430, %swap3A_431], %swap3A_434 {strides = array<i32>} : memref<4x16x512xf32, #tpu.memory_space<vmem>>, vector<1x1x16xf32>,
      %get3A_435 = arith.constant 0 : i32
      %get3A_436 = arith.index_cast %scan3A_306 : i32 to index
      %get3A_437 = arith.index_cast %get3A_435 : i32 to index
      %get3A_438 = arith.constant 160 : index
      %get3A_439 = tpu.vector_load %arg6[%get3A_436, %get3A_437, %get3A_438] {strides = array<i32>} : memref<16x4x512xf32, #tpu.memory_space<vmem>>, vector<1x1x16xf32>,
      %get3A_440 = vector.shape_cast %get3A_439 : vector<1x1x16xf32> to vector<16xf32>
      %swap3A_441 = arith.constant 0 : i32
      %swap3A_442 = arith.index_cast %swap3A_441 : i32 to index
      %swap3A_443 = arith.index_cast %scan3A_306 : i32 to index
      %swap3A_444 = arith.constant 160 : index
      %swap3A_445 = tpu.vector_load %arg8[%swap3A_442, %swap3A_443, %swap3A_444] {strides = array<i32>} : memref<4x16x512xf32, #tpu.memory_space<vmem>>, vector<1x1x16xf32>,
      %swap3A_446 = vector.shape_cast %swap3A_445 : vector<1x1x16xf32> to vector<16xf32>
      %swap3A_447 = vector.shape_cast %get3A_440 : vector<16xf32> to vector<1x1x16xf32>
      tpu.vector_store %arg8[%swap3A_442, %swap3A_443, %swap3A_444], %swap3A_447 {strides = array<i32>} : memref<4x16x512xf32, #tpu.memory_space<vmem>>, vector<1x1x16xf32>,
      %get3A_448 = arith.constant 0 : i32
      %get3A_449 = arith.index_cast %scan3A_306 : i32 to index
      %get3A_450 = arith.index_cast %get3A_448 : i32 to index
      %get3A_451 = arith.constant 176 : index
      %get3A_452 = tpu.vector_load %arg6[%get3A_449, %get3A_450, %get3A_451] {strides = array<i32>} : memref<16x4x512xf32, #tpu.memory_space<vmem>>, vector<1x1x16xf32>,
      %get3A_453 = vector.shape_cast %get3A_452 : vector<1x1x16xf32> to vector<16xf32>
      %swap3A_454 = arith.constant 0 : i32
      %swap3A_455 = arith.index_cast %swap3A_454 : i32 to index
      %swap3A_456 = arith.index_cast %scan3A_306 : i32 to index
      %swap3A_457 = arith.constant 176 : index
      %swap3A_458 = tpu.vector_load %arg8[%swap3A_455, %swap3A_456, %swap3A_457] {strides = array<i32>} : memref<4x16x512xf32, #tpu.memory_space<vmem>>, vector<1x1x16xf32>,
      %swap3A_459 = vector.shape_cast %swap3A_458 : vector<1x1x16xf32> to vector<16xf32>
      %swap3A_460 = vector.shape_cast %get3A_453 : vector<16xf32> to vector<1x1x16xf32>
      tpu.vector_store %arg8[%swap3A_455, %swap3A_456, %swap3A_457], %swap3A_460 {strides = array<i32>} : memref<4x16x512xf32, #tpu.memory_space<vmem>>, vector<1x1x16xf32>,
      %get3A_461 = arith.constant 0 : i32
      %get3A_462 = arith.index_cast %scan3A_306 : i32 to index
      %get3A_463 = arith.index_cast %get3A_461 : i32 to index
      %get3A_464 = arith.constant 192 : index
      %get3A_465 = tpu.vector_load %arg6[%get3A_462, %get3A_463, %get3A_464] {strides = array<i32>} : memref<16x4x512xf32, #tpu.memory_space<vmem>>, vector<1x1x16xf32>,
      %get3A_466 = vector.shape_cast %get3A_465 : vector<1x1x16xf32> to vector<16xf32>
      %swap3A_467 = arith.constant 0 : i32
      %swap3A_468 = arith.index_cast %swap3A_467 : i32 to index
      %swap3A_469 = arith.index_cast %scan3A_306 : i32 to index
      %swap3A_470 = arith.constant 192 : index
      %swap3A_471 = tpu.vector_load %arg8[%swap3A_468, %swap3A_469, %swap3A_470] {strides = array<i32>} : memref<4x16x512xf32, #tpu.memory_space<vmem>>, vector<1x1x16xf32>,
      %swap3A_472 = vector.shape_cast %swap3A_471 : vector<1x1x16xf32> to vector<16xf32>
      %swap3A_473 = vector.shape_cast %get3A_466 : vector<16xf32> to vector<1x1x16xf32>
      tpu.vector_store %arg8[%swap3A_468, %swap3A_469, %swap3A_470], %swap3A_473 {strides = array<i32>} : memref<4x16x512xf32, #tpu.memory_space<vmem>>, vector<1x1x16xf32>,
      %get3A_474 = arith.constant 0 : i32
      %get3A_475 = arith.index_cast %scan3A_306 : i32 to index
      %get3A_476 = arith.index_cast %get3A_474 : i32 to index
      %get3A_477 = arith.constant 208 : index
      %get3A_478 = tpu.vector_load %arg6[%get3A_475, %get3A_476, %get3A_477] {strides = array<i32>} : memref<16x4x512xf32, #tpu.memory_space<vmem>>, vector<1x1x16xf32>,
      %get3A_479 = vector.shape_cast %get3A_478 : vector<1x1x16xf32> to vector<16xf32>
      %swap3A_480 = arith.constant 0 : i32
      %swap3A_481 = arith.index_cast %swap3A_480 : i32 to index
      %swap3A_482 = arith.index_cast %scan3A_306 : i32 to index
      %swap3A_483 = arith.constant 208 : index
      %swap3A_484 = tpu.vector_load %arg8[%swap3A_481, %swap3A_482, %swap3A_483] {strides = array<i32>} : memref<4x16x512xf32, #tpu.memory_space<vmem>>, vector<1x1x16xf32>,
      %swap3A_485 = vector.shape_cast %swap3A_484 : vector<1x1x16xf32> to vector<16xf32>
      %swap3A_486 = vector.shape_cast %get3A_479 : vector<16xf32> to vector<1x1x16xf32>
      tpu.vector_store %arg8[%swap3A_481, %swap3A_482, %swap3A_483], %swap3A_486 {strides = array<i32>} : memref<4x16x512xf32, #tpu.memory_space<vmem>>, vector<1x1x16xf32>,
      %get3A_487 = arith.constant 0 : i32
      %get3A_488 = arith.index_cast %scan3A_306 : i32 to index
      %get3A_489 = arith.index_cast %get3A_487 : i32 to index
      %get3A_490 = arith.constant 224 : index
      %get3A_491 = tpu.vector_load %arg6[%get3A_488, %get3A_489, %get3A_490] {strides = array<i32>} : memref<16x4x512xf32, #tpu.memory_space<vmem>>, vector<1x1x16xf32>,
      %get3A_492 = vector.shape_cast %get3A_491 : vector<1x1x16xf32> to vector<16xf32>
      %swap3A_493 = arith.constant 0 : i32
      %swap3A_494 = arith.index_cast %swap3A_493 : i32 to index
      %swap3A_495 = arith.index_cast %scan3A_306 : i32 to index
      %swap3A_496 = arith.constant 224 : index
      %swap3A_497 = tpu.vector_load %arg8[%swap3A_494, %swap3A_495, %swap3A_496] {strides = array<i32>} : memref<4x16x512xf32, #tpu.memory_space<vmem>>, vector<1x1x16xf32>,
      %swap3A_498 = vector.shape_cast %swap3A_497 : vector<1x1x16xf32> to vector<16xf32>
      %swap3A_499 = vector.shape_cast %get3A_492 : vector<16xf32> to vector<1x1x16xf32>
      tpu.vector_store %arg8[%swap3A_494, %swap3A_495, %swap3A_496], %swap3A_499 {strides = array<i32>} : memref<4x16x512xf32, #tpu.memory_space<vmem>>, vector<1x1x16xf32>,
      %get3A_500 = arith.constant 0 : i32
      %get3A_501 = arith.index_cast %scan3A_306 : i32 to index
      %get3A_502 = arith.index_cast %get3A_500 : i32 to index
      %get3A_503 = arith.constant 240 : index
      %get3A_504 = tpu.vector_load %arg6[%get3A_501, %get3A_502, %get3A_503] {strides = array<i32>} : memref<16x4x512xf32, #tpu.memory_space<vmem>>, vector<1x1x16xf32>,
      %get3A_505 = vector.shape_cast %get3A_504 : vector<1x1x16xf32> to vector<16xf32>
      %swap3A_506 = arith.constant 0 : i32
      %swap3A_507 = arith.index_cast %swap3A_506 : i32 to index
      %swap3A_508 = arith.index_cast %scan3A_306 : i32 to index
      %swap3A_509 = arith.constant 240 : index
      %swap3A_510 = tpu.vector_load %arg8[%swap3A_507, %swap3A_508, %swap3A_509] {strides = array<i32>} : memref<4x16x512xf32, #tpu.memory_space<vmem>>, vector<1x1x16xf32>,
      %swap3A_511 = vector.shape_cast %swap3A_510 : vector<1x1x16xf32> to vector<16xf32>
      %swap3A_512 = vector.shape_cast %get3A_505 : vector<16xf32> to vector<1x1x16xf32>
      tpu.vector_store %arg8[%swap3A_507, %swap3A_508, %swap3A_509], %swap3A_512 {strides = array<i32>} : memref<4x16x512xf32, #tpu.memory_space<vmem>>, vector<1x1x16xf32>,
      %get3A_513 = arith.constant 0 : i32
      %get3A_514 = arith.index_cast %scan3A_306 : i32 to index
      %get3A_515 = arith.index_cast %get3A_513 : i32 to index
      %get3A_516 = arith.constant 256 : index
      %get3A_517 = tpu.vector_load %arg6[%get3A_514, %get3A_515, %get3A_516] {strides = array<i32>} : memref<16x4x512xf32, #tpu.memory_space<vmem>>, vector<1x1x16xf32>,
      %get3A_518 = vector.shape_cast %get3A_517 : vector<1x1x16xf32> to vector<16xf32>
      %swap3A_519 = arith.constant 0 : i32
      %swap3A_520 = arith.index_cast %swap3A_519 : i32 to index
      %swap3A_521 = arith.index_cast %scan3A_306 : i32 to index
      %swap3A_522 = arith.constant 256 : index
      %swap3A_523 = tpu.vector_load %arg8[%swap3A_520, %swap3A_521, %swap3A_522] {strides = array<i32>} : memref<4x16x512xf32, #tpu.memory_space<vmem>>, vector<1x1x16xf32>,
      %swap3A_524 = vector.shape_cast %swap3A_523 : vector<1x1x16xf32> to vector<16xf32>
      %swap3A_525 = vector.shape_cast %get3A_518 : vector<16xf32> to vector<1x1x16xf32>
      tpu.vector_store %arg8[%swap3A_520, %swap3A_521, %swap3A_522], %swap3A_525 {strides = array<i32>} : memref<4x16x512xf32, #tpu.memory_space<vmem>>, vector<1x1x16xf32>,
      %get3A_526 = arith.constant 0 : i32
      %get3A_527 = arith.index_cast %scan3A_306 : i32 to index
      %get3A_528 = arith.index_cast %get3A_526 : i32 to index
      %get3A_529 = arith.constant 272 : index
      %get3A_530 = tpu.vector_load %arg6[%get3A_527, %get3A_528, %get3A_529] {strides = array<i32>} : memref<16x4x512xf32, #tpu.memory_space<vmem>>, vector<1x1x16xf32>,
      %get3A_531 = vector.shape_cast %get3A_530 : vector<1x1x16xf32> to vector<16xf32>
      %swap3A_532 = arith.constant 0 : i32
      %swap3A_533 = arith.index_cast %swap3A_532 : i32 to index
      %swap3A_534 = arith.index_cast %scan3A_306 : i32 to index
      %swap3A_535 = arith.constant 272 : index
      %swap3A_536 = tpu.vector_load %arg8[%swap3A_533, %swap3A_534, %swap3A_535] {strides = array<i32>} : memref<4x16x512xf32, #tpu.memory_space<vmem>>, vector<1x1x16xf32>,
      %swap3A_537 = vector.shape_cast %swap3A_536 : vector<1x1x16xf32> to vector<16xf32>
      %swap3A_538 = vector.shape_cast %get3A_531 : vector<16xf32> to vector<1x1x16xf32>
      tpu.vector_store %arg8[%swap3A_533, %swap3A_534, %swap3A_535], %swap3A_538 {strides = array<i32>} : memref<4x16x512xf32, #tpu.memory_space<vmem>>, vector<1x1x16xf32>,
      %get3A_539 = arith.constant 0 : i32
      %get3A_540 = arith.index_cast %scan3A_306 : i32 to index
      %get3A_541 = arith.index_cast %get3A_539 : i32 to index
      %get3A_542 = arith.constant 288 : index
      %get3A_543 = tpu.vector_load %arg6[%get3A_540, %get3A_541, %get3A_542] {strides = array<i32>} : memref<16x4x512xf32, #tpu.memory_space<vmem>>, vector<1x1x16xf32>,
      %get3A_544 = vector.shape_cast %get3A_543 : vector<1x1x16xf32> to vector<16xf32>
      %swap3A_545 = arith.constant 0 : i32
      %swap3A_546 = arith.index_cast %swap3A_545 : i32 to index
      %swap3A_547 = arith.index_cast %scan3A_306 : i32 to index
      %swap3A_548 = arith.constant 288 : index
      %swap3A_549 = tpu.vector_load %arg8[%swap3A_546, %swap3A_547, %swap3A_548] {strides = array<i32>} : memref<4x16x512xf32, #tpu.memory_space<vmem>>, vector<1x1x16xf32>,
      %swap3A_550 = vector.shape_cast %swap3A_549 : vector<1x1x16xf32> to vector<16xf32>
      %swap3A_551 = vector.shape_cast %get3A_544 : vector<16xf32> to vector<1x1x16xf32>
      tpu.vector_store %arg8[%swap3A_546, %swap3A_547, %swap3A_548], %swap3A_551 {strides = array<i32>} : memref<4x16x512xf32, #tpu.memory_space<vmem>>, vector<1x1x16xf32>,
      %get3A_552 = arith.constant 0 : i32
      %get3A_553 = arith.index_cast %scan3A_306 : i32 to index
      %get3A_554 = arith.index_cast %get3A_552 : i32 to index
      %get3A_555 = arith.constant 304 : index
      %get3A_556 = tpu.vector_load %arg6[%get3A_553, %get3A_554, %get3A_555] {strides = array<i32>} : memref<16x4x512xf32, #tpu.memory_space<vmem>>, vector<1x1x16xf32>,
      %get3A_557 = vector.shape_cast %get3A_556 : vector<1x1x16xf32> to vector<16xf32>
      %swap3A_558 = arith.constant 0 : i32
      %swap3A_559 = arith.index_cast %swap3A_558 : i32 to index
      %swap3A_560 = arith.index_cast %scan3A_306 : i32 to index
      %swap3A_561 = arith.constant 304 : index
      %swap3A_562 = tpu.vector_load %arg8[%swap3A_559, %swap3A_560, %swap3A_561] {strides = array<i32>} : memref<4x16x512xf32, #tpu.memory_space<vmem>>, vector<1x1x16xf32>,
      %swap3A_563 = vector.shape_cast %swap3A_562 : vector<1x1x16xf32> to vector<16xf32>
      %swap3A_564 = vector.shape_cast %get3A_557 : vector<16xf32> to vector<1x1x16xf32>
      tpu.vector_store %arg8[%swap3A_559, %swap3A_560, %swap3A_561], %swap3A_564 {strides = array<i32>} : memref<4x16x512xf32, #tpu.memory_space<vmem>>, vector<1x1x16xf32>,
      %get3A_565 = arith.constant 0 : i32
      %get3A_566 = arith.index_cast %scan3A_306 : i32 to index
      %get3A_567 = arith.index_cast %get3A_565 : i32 to index
      %get3A_568 = arith.constant 320 : index
      %get3A_569 = tpu.vector_load %arg6[%get3A_566, %get3A_567, %get3A_568] {strides = array<i32>} : memref<16x4x512xf32, #tpu.memory_space<vmem>>, vector<1x1x16xf32>,
      %get3A_570 = vector.shape_cast %get3A_569 : vector<1x1x16xf32> to vector<16xf32>
      %swap3A_571 = arith.constant 0 : i32
      %swap3A_572 = arith.index_cast %swap3A_571 : i32 to index
      %swap3A_573 = arith.index_cast %scan3A_306 : i32 to index
      %swap3A_574 = arith.constant 320 : index
      %swap3A_575 = tpu.vector_load %arg8[%swap3A_572, %swap3A_573, %swap3A_574] {strides = array<i32>} : memref<4x16x512xf32, #tpu.memory_space<vmem>>, vector<1x1x16xf32>,
      %swap3A_576 = vector.shape_cast %swap3A_575 : vector<1x1x16xf32> to vector<16xf32>
      %swap3A_577 = vector.shape_cast %get3A_570 : vector<16xf32> to vector<1x1x16xf32>
      tpu.vector_store %arg8[%swap3A_572, %swap3A_573, %swap3A_574], %swap3A_577 {strides = array<i32>} : memref<4x16x512xf32, #tpu.memory_space<vmem>>, vector<1x1x16xf32>,
      %get3A_578 = arith.constant 0 : i32
      %get3A_579 = arith.index_cast %scan3A_306 : i32 to index
      %get3A_580 = arith.index_cast %get3A_578 : i32 to index
      %get3A_581 = arith.constant 336 : index
      %get3A_582 = tpu.vector_load %arg6[%get3A_579, %get3A_580, %get3A_581] {strides = array<i32>} : memref<16x4x512xf32, #tpu.memory_space<vmem>>, vector<1x1x16xf32>,
      %get3A_583 = vector.shape_cast %get3A_582 : vector<1x1x16xf32> to vector<16xf32>
      %swap3A_584 = arith.constant 0 : i32
      %swap3A_585 = arith.index_cast %swap3A_584 : i32 to index
      %swap3A_586 = arith.index_cast %scan3A_306 : i32 to index
      %swap3A_587 = arith.constant 336 : index
      %swap3A_588 = tpu.vector_load %arg8[%swap3A_585, %swap3A_586, %swap3A_587] {strides = array<i32>} : memref<4x16x512xf32, #tpu.memory_space<vmem>>, vector<1x1x16xf32>,
      %swap3A_589 = vector.shape_cast %swap3A_588 : vector<1x1x16xf32> to vector<16xf32>
      %swap3A_590 = vector.shape_cast %get3A_583 : vector<16xf32> to vector<1x1x16xf32>
      tpu.vector_store %arg8[%swap3A_585, %swap3A_586, %swap3A_587], %swap3A_590 {strides = array<i32>} : memref<4x16x512xf32, #tpu.memory_space<vmem>>, vector<1x1x16xf32>,
      %get3A_591 = arith.constant 0 : i32
      %get3A_592 = arith.index_cast %scan3A_306 : i32 to index
      %get3A_593 = arith.index_cast %get3A_591 : i32 to index
      %get3A_594 = arith.constant 352 : index
      %get3A_595 = tpu.vector_load %arg6[%get3A_592, %get3A_593, %get3A_594] {strides = array<i32>} : memref<16x4x512xf32, #tpu.memory_space<vmem>>, vector<1x1x16xf32>,
      %get3A_596 = vector.shape_cast %get3A_595 : vector<1x1x16xf32> to vector<16xf32>
      %swap3A_597 = arith.constant 0 : i32
      %swap3A_598 = arith.index_cast %swap3A_597 : i32 to index
      %swap3A_599 = arith.index_cast %scan3A_306 : i32 to index
      %swap3A_600 = arith.constant 352 : index
      %swap3A_601 = tpu.vector_load %arg8[%swap3A_598, %swap3A_599, %swap3A_600] {strides = array<i32>} : memref<4x16x512xf32, #tpu.memory_space<vmem>>, vector<1x1x16xf32>,
      %swap3A_602 = vector.shape_cast %swap3A_601 : vector<1x1x16xf32> to vector<16xf32>
      %swap3A_603 = vector.shape_cast %get3A_596 : vector<16xf32> to vector<1x1x16xf32>
      tpu.vector_store %arg8[%swap3A_598, %swap3A_599, %swap3A_600], %swap3A_603 {strides = array<i32>} : memref<4x16x512xf32, #tpu.memory_space<vmem>>, vector<1x1x16xf32>,
      %get3A_604 = arith.constant 0 : i32
      %get3A_605 = arith.index_cast %scan3A_306 : i32 to index
      %get3A_606 = arith.index_cast %get3A_604 : i32 to index
      %get3A_607 = arith.constant 368 : index
      %get3A_608 = tpu.vector_load %arg6[%get3A_605, %get3A_606, %get3A_607] {strides = array<i32>} : memref<16x4x512xf32, #tpu.memory_space<vmem>>, vector<1x1x16xf32>,
      %get3A_609 = vector.shape_cast %get3A_608 : vector<1x1x16xf32> to vector<16xf32>
      %swap3A_610 = arith.constant 0 : i32
      %swap3A_611 = arith.index_cast %swap3A_610 : i32 to index
      %swap3A_612 = arith.index_cast %scan3A_306 : i32 to index
      %swap3A_613 = arith.constant 368 : index
      %swap3A_614 = tpu.vector_load %arg8[%swap3A_611, %swap3A_612, %swap3A_613] {strides = array<i32>} : memref<4x16x512xf32, #tpu.memory_space<vmem>>, vector<1x1x16xf32>,
      %swap3A_615 = vector.shape_cast %swap3A_614 : vector<1x1x16xf32> to vector<16xf32>
      %swap3A_616 = vector.shape_cast %get3A_609 : vector<16xf32> to vector<1x1x16xf32>
      tpu.vector_store %arg8[%swap3A_611, %swap3A_612, %swap3A_613], %swap3A_616 {strides = array<i32>} : memref<4x16x512xf32, #tpu.memory_space<vmem>>, vector<1x1x16xf32>,
      %get3A_617 = arith.constant 0 : i32
      %get3A_618 = arith.index_cast %scan3A_306 : i32 to index
      %get3A_619 = arith.index_cast %get3A_617 : i32 to index
      %get3A_620 = arith.constant 384 : index
      %get3A_621 = tpu.vector_load %arg6[%get3A_618, %get3A_619, %get3A_620] {strides = array<i32>} : memref<16x4x512xf32, #tpu.memory_space<vmem>>, vector<1x1x16xf32>,
      %get3A_622 = vector.shape_cast %get3A_621 : vector<1x1x16xf32> to vector<16xf32>
      %swap3A_623 = arith.constant 0 : i32
      %swap3A_624 = arith.index_cast %swap3A_623 : i32 to index
      %swap3A_625 = arith.index_cast %scan3A_306 : i32 to index
      %swap3A_626 = arith.constant 384 : index
      %swap3A_627 = tpu.vector_load %arg8[%swap3A_624, %swap3A_625, %swap3A_626] {strides = array<i32>} : memref<4x16x512xf32, #tpu.memory_space<vmem>>, vector<1x1x16xf32>,
      %swap3A_628 = vector.shape_cast %swap3A_627 : vector<1x1x16xf32> to vector<16xf32>
      %swap3A_629 = vector.shape_cast %get3A_622 : vector<16xf32> to vector<1x1x16xf32>
      tpu.vector_store %arg8[%swap3A_624, %swap3A_625, %swap3A_626], %swap3A_629 {strides = array<i32>} : memref<4x16x512xf32, #tpu.memory_space<vmem>>, vector<1x1x16xf32>,
      %get3A_630 = arith.constant 0 : i32
      %get3A_631 = arith.index_cast %scan3A_306 : i32 to index
      %get3A_632 = arith.index_cast %get3A_630 : i32 to index
      %get3A_633 = arith.constant 400 : index
      %get3A_634 = tpu.vector_load %arg6[%get3A_631, %get3A_632, %get3A_633] {strides = array<i32>} : memref<16x4x512xf32, #tpu.memory_space<vmem>>, vector<1x1x16xf32>,
      %get3A_635 = vector.shape_cast %get3A_634 : vector<1x1x16xf32> to vector<16xf32>
      %swap3A_636 = arith.constant 0 : i32
      %swap3A_637 = arith.index_cast %swap3A_636 : i32 to index
      %swap3A_638 = arith.index_cast %scan3A_306 : i32 to index
      %swap3A_639 = arith.constant 400 : index
      %swap3A_640 = tpu.vector_load %arg8[%swap3A_637, %swap3A_638, %swap3A_639] {strides = array<i32>} : memref<4x16x512xf32, #tpu.memory_space<vmem>>, vector<1x1x16xf32>,
      %swap3A_641 = vector.shape_cast %swap3A_640 : vector<1x1x16xf32> to vector<16xf32>
      %swap3A_642 = vector.shape_cast %get3A_635 : vector<16xf32> to vector<1x1x16xf32>
      tpu.vector_store %arg8[%swap3A_637, %swap3A_638, %swap3A_639], %swap3A_642 {strides = array<i32>} : memref<4x16x512xf32, #tpu.memory_space<vmem>>, vector<1x1x16xf32>,
      %get3A_643 = arith.constant 0 : i32
      %get3A_644 = arith.index_cast %scan3A_306 : i32 to index
      %get3A_645 = arith.index_cast %get3A_643 : i32 to index
      %get3A_646 = arith.constant 416 : index
      %get3A_647 = tpu.vector_load %arg6[%get3A_644, %get3A_645, %get3A_646] {strides = array<i32>} : memref<16x4x512xf32, #tpu.memory_space<vmem>>, vector<1x1x16xf32>,
      %get3A_648 = vector.shape_cast %get3A_647 : vector<1x1x16xf32> to vector<16xf32>
      %swap3A_649 = arith.constant 0 : i32
      %swap3A_650 = arith.index_cast %swap3A_649 : i32 to index
      %swap3A_651 = arith.index_cast %scan3A_306 : i32 to index
      %swap3A_652 = arith.constant 416 : index
      %swap3A_653 = tpu.vector_load %arg8[%swap3A_650, %swap3A_651, %swap3A_652] {strides = array<i32>} : memref<4x16x512xf32, #tpu.memory_space<vmem>>, vector<1x1x16xf32>,
      %swap3A_654 = vector.shape_cast %swap3A_653 : vector<1x1x16xf32> to vector<16xf32>
      %swap3A_655 = vector.shape_cast %get3A_648 : vector<16xf32> to vector<1x1x16xf32>
      tpu.vector_store %arg8[%swap3A_650, %swap3A_651, %swap3A_652], %swap3A_655 {strides = array<i32>} : memref<4x16x512xf32, #tpu.memory_space<vmem>>, vector<1x1x16xf32>,
      %get3A_656 = arith.constant 0 : i32
      %get3A_657 = arith.index_cast %scan3A_306 : i32 to index
      %get3A_658 = arith.index_cast %get3A_656 : i32 to index
      %get3A_659 = arith.constant 432 : index
      %get3A_660 = tpu.vector_load %arg6[%get3A_657, %get3A_658, %get3A_659] {strides = array<i32>} : memref<16x4x512xf32, #tpu.memory_space<vmem>>, vector<1x1x16xf32>,
      %get3A_661 = vector.shape_cast %get3A_660 : vector<1x1x16xf32> to vector<16xf32>
      %swap3A_662 = arith.constant 0 : i32
      %swap3A_663 = arith.index_cast %swap3A_662 : i32 to index
      %swap3A_664 = arith.index_cast %scan3A_306 : i32 to index
      %swap3A_665 = arith.constant 432 : index
      %swap3A_666 = tpu.vector_load %arg8[%swap3A_663, %swap3A_664, %swap3A_665] {strides = array<i32>} : memref<4x16x512xf32, #tpu.memory_space<vmem>>, vector<1x1x16xf32>,
      %swap3A_667 = vector.shape_cast %swap3A_666 : vector<1x1x16xf32> to vector<16xf32>
      %swap3A_668 = vector.shape_cast %get3A_661 : vector<16xf32> to vector<1x1x16xf32>
      tpu.vector_store %arg8[%swap3A_663, %swap3A_664, %swap3A_665], %swap3A_668 {strides = array<i32>} : memref<4x16x512xf32, #tpu.memory_space<vmem>>, vector<1x1x16xf32>,
      %get3A_669 = arith.constant 0 : i32
      %get3A_670 = arith.index_cast %scan3A_306 : i32 to index
      %get3A_671 = arith.index_cast %get3A_669 : i32 to index
      %get3A_672 = arith.constant 448 : index
      %get3A_673 = tpu.vector_load %arg6[%get3A_670, %get3A_671, %get3A_672] {strides = array<i32>} : memref<16x4x512xf32, #tpu.memory_space<vmem>>, vector<1x1x16xf32>,
      %get3A_674 = vector.shape_cast %get3A_673 : vector<1x1x16xf32> to vector<16xf32>
      %swap3A_675 = arith.constant 0 : i32
      %swap3A_676 = arith.index_cast %swap3A_675 : i32 to index
      %swap3A_677 = arith.index_cast %scan3A_306 : i32 to index
      %swap3A_678 = arith.constant 448 : index
      %swap3A_679 = tpu.vector_load %arg8[%swap3A_676, %swap3A_677, %swap3A_678] {strides = array<i32>} : memref<4x16x512xf32, #tpu.memory_space<vmem>>, vector<1x1x16xf32>,
      %swap3A_680 = vector.shape_cast %swap3A_679 : vector<1x1x16xf32> to vector<16xf32>
      %swap3A_681 = vector.shape_cast %get3A_674 : vector<16xf32> to vector<1x1x16xf32>
      tpu.vector_store %arg8[%swap3A_676, %swap3A_677, %swap3A_678], %swap3A_681 {strides = array<i32>} : memref<4x16x512xf32, #tpu.memory_space<vmem>>, vector<1x1x16xf32>,
      %get3A_682 = arith.constant 0 : i32
      %get3A_683 = arith.index_cast %scan3A_306 : i32 to index
      %get3A_684 = arith.index_cast %get3A_682 : i32 to index
      %get3A_685 = arith.constant 464 : index
      %get3A_686 = tpu.vector_load %arg6[%get3A_683, %get3A_684, %get3A_685] {strides = array<i32>} : memref<16x4x512xf32, #tpu.memory_space<vmem>>, vector<1x1x16xf32>,
      %get3A_687 = vector.shape_cast %get3A_686 : vector<1x1x16xf32> to vector<16xf32>
      %swap3A_688 = arith.constant 0 : i32
      %swap3A_689 = arith.index_cast %swap3A_688 : i32 to index
      %swap3A_690 = arith.index_cast %scan3A_306 : i32 to index
      %swap3A_691 = arith.constant 464 : index
      %swap3A_692 = tpu.vector_load %arg8[%swap3A_689, %swap3A_690, %swap3A_691] {strides = array<i32>} : memref<4x16x512xf32, #tpu.memory_space<vmem>>, vector<1x1x16xf32>,
      %swap3A_693 = vector.shape_cast %swap3A_692 : vector<1x1x16xf32> to vector<16xf32>
      %swap3A_694 = vector.shape_cast %get3A_687 : vector<16xf32> to vector<1x1x16xf32>
      tpu.vector_store %arg8[%swap3A_689, %swap3A_690, %swap3A_691], %swap3A_694 {strides = array<i32>} : memref<4x16x512xf32, #tpu.memory_space<vmem>>, vector<1x1x16xf32>,
      %get3A_695 = arith.constant 0 : i32
      %get3A_696 = arith.index_cast %scan3A_306 : i32 to index
      %get3A_697 = arith.index_cast %get3A_695 : i32 to index
      %get3A_698 = arith.constant 480 : index
      %get3A_699 = tpu.vector_load %arg6[%get3A_696, %get3A_697, %get3A_698] {strides = array<i32>} : memref<16x4x512xf32, #tpu.memory_space<vmem>>, vector<1x1x16xf32>,
      %get3A_700 = vector.shape_cast %get3A_699 : vector<1x1x16xf32> to vector<16xf32>
      %swap3A_701 = arith.constant 0 : i32
      %swap3A_702 = arith.index_cast %swap3A_701 : i32 to index
      %swap3A_703 = arith.index_cast %scan3A_306 : i32 to index
      %swap3A_704 = arith.constant 480 : index
      %swap3A_705 = tpu.vector_load %arg8[%swap3A_702, %swap3A_703, %swap3A_704] {strides = array<i32>} : memref<4x16x512xf32, #tpu.memory_space<vmem>>, vector<1x1x16xf32>,
      %swap3A_706 = vector.shape_cast %swap3A_705 : vector<1x1x16xf32> to vector<16xf32>
      %swap3A_707 = vector.shape_cast %get3A_700 : vector<16xf32> to vector<1x1x16xf32>
      tpu.vector_store %arg8[%swap3A_702, %swap3A_703, %swap3A_704], %swap3A_707 {strides = array<i32>} : memref<4x16x512xf32, #tpu.memory_space<vmem>>, vector<1x1x16xf32>,
      %get3A_708 = arith.constant 0 : i32
      %get3A_709 = arith.index_cast %scan3A_306 : i32 to index
      %get3A_710 = arith.index_cast %get3A_708 : i32 to index
      %get3A_711 = arith.constant 496 : index
      %get3A_712 = tpu.vector_load %arg6[%get3A_709, %get3A_710, %get3A_711] {strides = array<i32>} : memref<16x4x512xf32, #tpu.memory_space<vmem>>, vector<1x1x16xf32>,
      %get3A_713 = vector.shape_cast %get3A_712 : vector<1x1x16xf32> to vector<16xf32>
      %swap3A_714 = arith.constant 0 : i32
      %swap3A_715 = arith.index_cast %swap3A_714 : i32 to index
      %swap3A_716 = arith.index_cast %scan3A_306 : i32 to index
      %swap3A_717 = arith.constant 496 : index
      %swap3A_718 = tpu.vector_load %arg8[%swap3A_715, %swap3A_716, %swap3A_717] {strides = array<i32>} : memref<4x16x512xf32, #tpu.memory_space<vmem>>, vector<1x1x16xf32>,
      %swap3A_719 = vector.shape_cast %swap3A_718 : vector<1x1x16xf32> to vector<16xf32>
      %swap3A_720 = vector.shape_cast %get3A_713 : vector<16xf32> to vector<1x1x16xf32>
      tpu.vector_store %arg8[%swap3A_715, %swap3A_716, %swap3A_717], %swap3A_720 {strides = array<i32>} : memref<4x16x512xf32, #tpu.memory_space<vmem>>, vector<1x1x16xf32>,
      %get3A_721 = arith.constant 1 : i32
      %get3A_722 = arith.index_cast %scan3A_306 : i32 to index
      %get3A_723 = arith.index_cast %get3A_721 : i32 to index
      %get3A_724 = arith.constant 0 : index
      %get3A_725 = tpu.vector_load %arg6[%get3A_722, %get3A_723, %get3A_724] {strides = array<i32>} : memref<16x4x512xf32, #tpu.memory_space<vmem>>, vector<1x1x16xf32>,
      %get3A_726 = vector.shape_cast %get3A_725 : vector<1x1x16xf32> to vector<16xf32>
      %swap3A_727 = arith.constant 1 : i32
      %swap3A_728 = arith.index_cast %swap3A_727 : i32 to index
      %swap3A_729 = arith.index_cast %scan3A_306 : i32 to index
      %swap3A_730 = arith.constant 0 : index
      %swap3A_731 = tpu.vector_load %arg8[%swap3A_728, %swap3A_729, %swap3A_730] {strides = array<i32>} : memref<4x16x512xf32, #tpu.memory_space<vmem>>, vector<1x1x16xf32>,
      %swap3A_732 = vector.shape_cast %swap3A_731 : vector<1x1x16xf32> to vector<16xf32>
      %swap3A_733 = vector.shape_cast %get3A_726 : vector<16xf32> to vector<1x1x16xf32>
      tpu.vector_store %arg8[%swap3A_728, %swap3A_729, %swap3A_730], %swap3A_733 {strides = array<i32>} : memref<4x16x512xf32, #tpu.memory_space<vmem>>, vector<1x1x16xf32>,
      %get3A_734 = arith.constant 1 : i32
      %get3A_735 = arith.index_cast %scan3A_306 : i32 to index
      %get3A_736 = arith.index_cast %get3A_734 : i32 to index
      %get3A_737 = arith.constant 16 : index
      %get3A_738 = tpu.vector_load %arg6[%get3A_735, %get3A_736, %get3A_737] {strides = array<i32>} : memref<16x4x512xf32, #tpu.memory_space<vmem>>, vector<1x1x16xf32>,
      %get3A_739 = vector.shape_cast %get3A_738 : vector<1x1x16xf32> to vector<16xf32>
      %swap3A_740 = arith.constant 1 : i32
      %swap3A_741 = arith.index_cast %swap3A_740 : i32 to index
      %swap3A_742 = arith.index_cast %scan3A_306 : i32 to index
      %swap3A_743 = arith.constant 16 : index
      %swap3A_744 = tpu.vector_load %arg8[%swap3A_741, %swap3A_742, %swap3A_743] {strides = array<i32>} : memref<4x16x512xf32, #tpu.memory_space<vmem>>, vector<1x1x16xf32>,
      %swap3A_745 = vector.shape_cast %swap3A_744 : vector<1x1x16xf32> to vector<16xf32>
      %swap3A_746 = vector.shape_cast %get3A_739 : vector<16xf32> to vector<1x1x16xf32>
      tpu.vector_store %arg8[%swap3A_741, %swap3A_742, %swap3A_743], %swap3A_746 {strides = array<i32>} : memref<4x16x512xf32, #tpu.memory_space<vmem>>, vector<1x1x16xf32>,
      %get3A_747 = arith.constant 1 : i32
      %get3A_748 = arith.index_cast %scan3A_306 : i32 to index
      %get3A_749 = arith.index_cast %get3A_747 : i32 to index
      %get3A_750 = arith.constant 32 : index
      %get3A_751 = tpu.vector_load %arg6[%get3A_748, %get3A_749, %get3A_750] {strides = array<i32>} : memref<16x4x512xf32, #tpu.memory_space<vmem>>, vector<1x1x16xf32>,
      %get3A_752 = vector.shape_cast %get3A_751 : vector<1x1x16xf32> to vector<16xf32>
      %swap3A_753 = arith.constant 1 : i32
      %swap3A_754 = arith.index_cast %swap3A_753 : i32 to index
      %swap3A_755 = arith.index_cast %scan3A_306 : i32 to index
      %swap3A_756 = arith.constant 32 : index
      %swap3A_757 = tpu.vector_load %arg8[%swap3A_754, %swap3A_755, %swap3A_756] {strides = array<i32>} : memref<4x16x512xf32, #tpu.memory_space<vmem>>, vector<1x1x16xf32>,
      %swap3A_758 = vector.shape_cast %swap3A_757 : vector<1x1x16xf32> to vector<16xf32>
      %swap3A_759 = vector.shape_cast %get3A_752 : vector<16xf32> to vector<1x1x16xf32>
      tpu.vector_store %arg8[%swap3A_754, %swap3A_755, %swap3A_756], %swap3A_759 {strides = array<i32>} : memref<4x16x512xf32, #tpu.memory_space<vmem>>, vector<1x1x16xf32>,
      %get3A_760 = arith.constant 1 : i32
      %get3A_761 = arith.index_cast %scan3A_306 : i32 to index
      %get3A_762 = arith.index_cast %get3A_760 : i32 to index
      %get3A_763 = arith.constant 48 : index
      %get3A_764 = tpu.vector_load %arg6[%get3A_761, %get3A_762, %get3A_763] {strides = array<i32>} : memref<16x4x512xf32, #tpu.memory_space<vmem>>, vector<1x1x16xf32>,
      %get3A_765 = vector.shape_cast %get3A_764 : vector<1x1x16xf32> to vector<16xf32>
      %swap3A_766 = arith.constant 1 : i32
      %swap3A_767 = arith.index_cast %swap3A_766 : i32 to index
      %swap3A_768 = arith.index_cast %scan3A_306 : i32 to index
      %swap3A_769 = arith.constant 48 : index
      %swap3A_770 = tpu.vector_load %arg8[%swap3A_767, %swap3A_768, %swap3A_769] {strides = array<i32>} : memref<4x16x512xf32, #tpu.memory_space<vmem>>, vector<1x1x16xf32>,
      %swap3A_771 = vector.shape_cast %swap3A_770 : vector<1x1x16xf32> to vector<16xf32>
      %swap3A_772 = vector.shape_cast %get3A_765 : vector<16xf32> to vector<1x1x16xf32>
      tpu.vector_store %arg8[%swap3A_767, %swap3A_768, %swap3A_769], %swap3A_772 {strides = array<i32>} : memref<4x16x512xf32, #tpu.memory_space<vmem>>, vector<1x1x16xf32>,
      %get3A_773 = arith.constant 1 : i32
      %get3A_774 = arith.index_cast %scan3A_306 : i32 to index
      %get3A_775 = arith.index_cast %get3A_773 : i32 to index
      %get3A_776 = arith.constant 64 : index
      %get3A_777 = tpu.vector_load %arg6[%get3A_774, %get3A_775, %get3A_776] {strides = array<i32>} : memref<16x4x512xf32, #tpu.memory_space<vmem>>, vector<1x1x16xf32>,
      %get3A_778 = vector.shape_cast %get3A_777 : vector<1x1x16xf32> to vector<16xf32>
      %swap3A_779 = arith.constant 1 : i32
      %swap3A_780 = arith.index_cast %swap3A_779 : i32 to index
      %swap3A_781 = arith.index_cast %scan3A_306 : i32 to index
      %swap3A_782 = arith.constant 64 : index
      %swap3A_783 = tpu.vector_load %arg8[%swap3A_780, %swap3A_781, %swap3A_782] {strides = array<i32>} : memref<4x16x512xf32, #tpu.memory_space<vmem>>, vector<1x1x16xf32>,
      %swap3A_784 = vector.shape_cast %swap3A_783 : vector<1x1x16xf32> to vector<16xf32>
      %swap3A_785 = vector.shape_cast %get3A_778 : vector<16xf32> to vector<1x1x16xf32>
      tpu.vector_store %arg8[%swap3A_780, %swap3A_781, %swap3A_782], %swap3A_785 {strides = array<i32>} : memref<4x16x512xf32, #tpu.memory_space<vmem>>, vector<1x1x16xf32>,
      %get3A_786 = arith.constant 1 : i32
      %get3A_787 = arith.index_cast %scan3A_306 : i32 to index
      %get3A_788 = arith.index_cast %get3A_786 : i32 to index
      %get3A_789 = arith.constant 80 : index
      %get3A_790 = tpu.vector_load %arg6[%get3A_787, %get3A_788, %get3A_789] {strides = array<i32>} : memref<16x4x512xf32, #tpu.memory_space<vmem>>, vector<1x1x16xf32>,
      %get3A_791 = vector.shape_cast %get3A_790 : vector<1x1x16xf32> to vector<16xf32>
      %swap3A_792 = arith.constant 1 : i32
      %swap3A_793 = arith.index_cast %swap3A_792 : i32 to index
      %swap3A_794 = arith.index_cast %scan3A_306 : i32 to index
      %swap3A_795 = arith.constant 80 : index
      %swap3A_796 = tpu.vector_load %arg8[%swap3A_793, %swap3A_794, %swap3A_795] {strides = array<i32>} : memref<4x16x512xf32, #tpu.memory_space<vmem>>, vector<1x1x16xf32>,
      %swap3A_797 = vector.shape_cast %swap3A_796 : vector<1x1x16xf32> to vector<16xf32>
      %swap3A_798 = vector.shape_cast %get3A_791 : vector<16xf32> to vector<1x1x16xf32>
      tpu.vector_store %arg8[%swap3A_793, %swap3A_794, %swap3A_795], %swap3A_798 {strides = array<i32>} : memref<4x16x512xf32, #tpu.memory_space<vmem>>, vector<1x1x16xf32>,
      %get3A_799 = arith.constant 1 : i32
      %get3A_800 = arith.index_cast %scan3A_306 : i32 to index
      %get3A_801 = arith.index_cast %get3A_799 : i32 to index
      %get3A_802 = arith.constant 96 : index
      %get3A_803 = tpu.vector_load %arg6[%get3A_800, %get3A_801, %get3A_802] {strides = array<i32>} : memref<16x4x512xf32, #tpu.memory_space<vmem>>, vector<1x1x16xf32>,
      %get3A_804 = vector.shape_cast %get3A_803 : vector<1x1x16xf32> to vector<16xf32>
      %swap3A_805 = arith.constant 1 : i32
      %swap3A_806 = arith.index_cast %swap3A_805 : i32 to index
      %swap3A_807 = arith.index_cast %scan3A_306 : i32 to index
      %swap3A_808 = arith.constant 96 : index
      %swap3A_809 = tpu.vector_load %arg8[%swap3A_806, %swap3A_807, %swap3A_808] {strides = array<i32>} : memref<4x16x512xf32, #tpu.memory_space<vmem>>, vector<1x1x16xf32>,
      %swap3A_810 = vector.shape_cast %swap3A_809 : vector<1x1x16xf32> to vector<16xf32>
      %swap3A_811 = vector.shape_cast %get3A_804 : vector<16xf32> to vector<1x1x16xf32>
      tpu.vector_store %arg8[%swap3A_806, %swap3A_807, %swap3A_808], %swap3A_811 {strides = array<i32>} : memref<4x16x512xf32, #tpu.memory_space<vmem>>, vector<1x1x16xf32>,
      %get3A_812 = arith.constant 1 : i32
      %get3A_813 = arith.index_cast %scan3A_306 : i32 to index
      %get3A_814 = arith.index_cast %get3A_812 : i32 to index
      %get3A_815 = arith.constant 112 : index
      %get3A_816 = tpu.vector_load %arg6[%get3A_813, %get3A_814, %get3A_815] {strides = array<i32>} : memref<16x4x512xf32, #tpu.memory_space<vmem>>, vector<1x1x16xf32>,
      %get3A_817 = vector.shape_cast %get3A_816 : vector<1x1x16xf32> to vector<16xf32>
      %swap3A_818 = arith.constant 1 : i32
      %swap3A_819 = arith.index_cast %swap3A_818 : i32 to index
      %swap3A_820 = arith.index_cast %scan3A_306 : i32 to index
      %swap3A_821 = arith.constant 112 : index
      %swap3A_822 = tpu.vector_load %arg8[%swap3A_819, %swap3A_820, %swap3A_821] {strides = array<i32>} : memref<4x16x512xf32, #tpu.memory_space<vmem>>, vector<1x1x16xf32>,
      %swap3A_823 = vector.shape_cast %swap3A_822 : vector<1x1x16xf32> to vector<16xf32>
      %swap3A_824 = vector.shape_cast %get3A_817 : vector<16xf32> to vector<1x1x16xf32>
      tpu.vector_store %arg8[%swap3A_819, %swap3A_820, %swap3A_821], %swap3A_824 {strides = array<i32>} : memref<4x16x512xf32, #tpu.memory_space<vmem>>, vector<1x1x16xf32>,
      %get3A_825 = arith.constant 1 : i32
      %get3A_826 = arith.index_cast %scan3A_306 : i32 to index
      %get3A_827 = arith.index_cast %get3A_825 : i32 to index
      %get3A_828 = arith.constant 128 : index
      %get3A_829 = tpu.vector_load %arg6[%get3A_826, %get3A_827, %get3A_828] {strides = array<i32>} : memref<16x4x512xf32, #tpu.memory_space<vmem>>, vector<1x1x16xf32>,
      %get3A_830 = vector.shape_cast %get3A_829 : vector<1x1x16xf32> to vector<16xf32>
      %swap3A_831 = arith.constant 1 : i32
      %swap3A_832 = arith.index_cast %swap3A_831 : i32 to index
      %swap3A_833 = arith.index_cast %scan3A_306 : i32 to index
      %swap3A_834 = arith.constant 128 : index
      %swap3A_835 = tpu.vector_load %arg8[%swap3A_832, %swap3A_833, %swap3A_834] {strides = array<i32>} : memref<4x16x512xf32, #tpu.memory_space<vmem>>, vector<1x1x16xf32>,
      %swap3A_836 = vector.shape_cast %swap3A_835 : vector<1x1x16xf32> to vector<16xf32>
      %swap3A_837 = vector.shape_cast %get3A_830 : vector<16xf32> to vector<1x1x16xf32>
      tpu.vector_store %arg8[%swap3A_832, %swap3A_833, %swap3A_834], %swap3A_837 {strides = array<i32>} : memref<4x16x512xf32, #tpu.memory_space<vmem>>, vector<1x1x16xf32>,
      %get3A_838 = arith.constant 1 : i32
      %get3A_839 = arith.index_cast %scan3A_306 : i32 to index
      %get3A_840 = arith.index_cast %get3A_838 : i32 to index
      %get3A_841 = arith.constant 144 : index
      %get3A_842 = tpu.vector_load %arg6[%get3A_839, %get3A_840, %get3A_841] {strides = array<i32>} : memref<16x4x512xf32, #tpu.memory_space<vmem>>, vector<1x1x16xf32>,
      %get3A_843 = vector.shape_cast %get3A_842 : vector<1x1x16xf32> to vector<16xf32>
      %swap3A_844 = arith.constant 1 : i32
      %swap3A_845 = arith.index_cast %swap3A_844 : i32 to index
      %swap3A_846 = arith.index_cast %scan3A_306 : i32 to index
      %swap3A_847 = arith.constant 144 : index
      %swap3A_848 = tpu.vector_load %arg8[%swap3A_845, %swap3A_846, %swap3A_847] {strides = array<i32>} : memref<4x16x512xf32, #tpu.memory_space<vmem>>, vector<1x1x16xf32>,
      %swap3A_849 = vector.shape_cast %swap3A_848 : vector<1x1x16xf32> to vector<16xf32>
      %swap3A_850 = vector.shape_cast %get3A_843 : vector<16xf32> to vector<1x1x16xf32>
      tpu.vector_store %arg8[%swap3A_845, %swap3A_846, %swap3A_847], %swap3A_850 {strides = array<i32>} : memref<4x16x512xf32, #tpu.memory_space<vmem>>, vector<1x1x16xf32>,
      %get3A_851 = arith.constant 1 : i32
      %get3A_852 = arith.index_cast %scan3A_306 : i32 to index
      %get3A_853 = arith.index_cast %get3A_851 : i32 to index
      %get3A_854 = arith.constant 160 : index
      %get3A_855 = tpu.vector_load %arg6[%get3A_852, %get3A_853, %get3A_854] {strides = array<i32>} : memref<16x4x512xf32, #tpu.memory_space<vmem>>, vector<1x1x16xf32>,
      %get3A_856 = vector.shape_cast %get3A_855 : vector<1x1x16xf32> to vector<16xf32>
      %swap3A_857 = arith.constant 1 : i32
      %swap3A_858 = arith.index_cast %swap3A_857 : i32 to index
      %swap3A_859 = arith.index_cast %scan3A_306 : i32 to index
      %swap3A_860 = arith.constant 160 : index
      %swap3A_861 = tpu.vector_load %arg8[%swap3A_858, %swap3A_859, %swap3A_860] {strides = array<i32>} : memref<4x16x512xf32, #tpu.memory_space<vmem>>, vector<1x1x16xf32>,
      %swap3A_862 = vector.shape_cast %swap3A_861 : vector<1x1x16xf32> to vector<16xf32>
      %swap3A_863 = vector.shape_cast %get3A_856 : vector<16xf32> to vector<1x1x16xf32>
      tpu.vector_store %arg8[%swap3A_858, %swap3A_859, %swap3A_860], %swap3A_863 {strides = array<i32>} : memref<4x16x512xf32, #tpu.memory_space<vmem>>, vector<1x1x16xf32>,
      %get3A_864 = arith.constant 1 : i32
      %get3A_865 = arith.index_cast %scan3A_306 : i32 to index
      %get3A_866 = arith.index_cast %get3A_864 : i32 to index
      %get3A_867 = arith.constant 176 : index
      %get3A_868 = tpu.vector_load %arg6[%get3A_865, %get3A_866, %get3A_867] {strides = array<i32>} : memref<16x4x512xf32, #tpu.memory_space<vmem>>, vector<1x1x16xf32>,
      %get3A_869 = vector.shape_cast %get3A_868 : vector<1x1x16xf32> to vector<16xf32>
      %swap3A_870 = arith.constant 1 : i32
      %swap3A_871 = arith.index_cast %swap3A_870 : i32 to index
      %swap3A_872 = arith.index_cast %scan3A_306 : i32 to index
      %swap3A_873 = arith.constant 176 : index
      %swap3A_874 = tpu.vector_load %arg8[%swap3A_871, %swap3A_872, %swap3A_873] {strides = array<i32>} : memref<4x16x512xf32, #tpu.memory_space<vmem>>, vector<1x1x16xf32>,
      %swap3A_875 = vector.shape_cast %swap3A_874 : vector<1x1x16xf32> to vector<16xf32>
      %swap3A_876 = vector.shape_cast %get3A_869 : vector<16xf32> to vector<1x1x16xf32>
      tpu.vector_store %arg8[%swap3A_871, %swap3A_872, %swap3A_873], %swap3A_876 {strides = array<i32>} : memref<4x16x512xf32, #tpu.memory_space<vmem>>, vector<1x1x16xf32>,
      %get3A_877 = arith.constant 1 : i32
      %get3A_878 = arith.index_cast %scan3A_306 : i32 to index
      %get3A_879 = arith.index_cast %get3A_877 : i32 to index
      %get3A_880 = arith.constant 192 : index
      %get3A_881 = tpu.vector_load %arg6[%get3A_878, %get3A_879, %get3A_880] {strides = array<i32>} : memref<16x4x512xf32, #tpu.memory_space<vmem>>, vector<1x1x16xf32>,
      %get3A_882 = vector.shape_cast %get3A_881 : vector<1x1x16xf32> to vector<16xf32>
      %swap3A_883 = arith.constant 1 : i32
      %swap3A_884 = arith.index_cast %swap3A_883 : i32 to index
      %swap3A_885 = arith.index_cast %scan3A_306 : i32 to index
      %swap3A_886 = arith.constant 192 : index
      %swap3A_887 = tpu.vector_load %arg8[%swap3A_884, %swap3A_885, %swap3A_886] {strides = array<i32>} : memref<4x16x512xf32, #tpu.memory_space<vmem>>, vector<1x1x16xf32>,
      %swap3A_888 = vector.shape_cast %swap3A_887 : vector<1x1x16xf32> to vector<16xf32>
      %swap3A_889 = vector.shape_cast %get3A_882 : vector<16xf32> to vector<1x1x16xf32>
      tpu.vector_store %arg8[%swap3A_884, %swap3A_885, %swap3A_886], %swap3A_889 {strides = array<i32>} : memref<4x16x512xf32, #tpu.memory_space<vmem>>, vector<1x1x16xf32>,
      %get3A_890 = arith.constant 1 : i32
      %get3A_891 = arith.index_cast %scan3A_306 : i32 to index
      %get3A_892 = arith.index_cast %get3A_890 : i32 to index
      %get3A_893 = arith.constant 208 : index
      %get3A_894 = tpu.vector_load %arg6[%get3A_891, %get3A_892, %get3A_893] {strides = array<i32>} : memref<16x4x512xf32, #tpu.memory_space<vmem>>, vector<1x1x16xf32>,
      %get3A_895 = vector.shape_cast %get3A_894 : vector<1x1x16xf32> to vector<16xf32>
      %swap3A_896 = arith.constant 1 : i32
      %swap3A_897 = arith.index_cast %swap3A_896 : i32 to index
      %swap3A_898 = arith.index_cast %scan3A_306 : i32 to index
      %swap3A_899 = arith.constant 208 : index
      %swap3A_900 = tpu.vector_load %arg8[%swap3A_897, %swap3A_898, %swap3A_899] {strides = array<i32>} : memref<4x16x512xf32, #tpu.memory_space<vmem>>, vector<1x1x16xf32>,
      %swap3A_901 = vector.shape_cast %swap3A_900 : vector<1x1x16xf32> to vector<16xf32>
      %swap3A_902 = vector.shape_cast %get3A_895 : vector<16xf32> to vector<1x1x16xf32>
      tpu.vector_store %arg8[%swap3A_897, %swap3A_898, %swap3A_899], %swap3A_902 {strides = array<i32>} : memref<4x16x512xf32, #tpu.memory_space<vmem>>, vector<1x1x16xf32>,
      %get3A_903 = arith.constant 1 : i32
      %get3A_904 = arith.index_cast %scan3A_306 : i32 to index
      %get3A_905 = arith.index_cast %get3A_903 : i32 to index
      %get3A_906 = arith.constant 224 : index
      %get3A_907 = tpu.vector_load %arg6[%get3A_904, %get3A_905, %get3A_906] {strides = array<i32>} : memref<16x4x512xf32, #tpu.memory_space<vmem>>, vector<1x1x16xf32>,
      %get3A_908 = vector.shape_cast %get3A_907 : vector<1x1x16xf32> to vector<16xf32>
      %swap3A_909 = arith.constant 1 : i32
      %swap3A_910 = arith.index_cast %swap3A_909 : i32 to index
      %swap3A_911 = arith.index_cast %scan3A_306 : i32 to index
      %swap3A_912 = arith.constant 224 : index
      %swap3A_913 = tpu.vector_load %arg8[%swap3A_910, %swap3A_911, %swap3A_912] {strides = array<i32>} : memref<4x16x512xf32, #tpu.memory_space<vmem>>, vector<1x1x16xf32>,
      %swap3A_914 = vector.shape_cast %swap3A_913 : vector<1x1x16xf32> to vector<16xf32>
      %swap3A_915 = vector.shape_cast %get3A_908 : vector<16xf32> to vector<1x1x16xf32>
      tpu.vector_store %arg8[%swap3A_910, %swap3A_911, %swap3A_912], %swap3A_915 {strides = array<i32>} : memref<4x16x512xf32, #tpu.memory_space<vmem>>, vector<1x1x16xf32>,
      %get3A_916 = arith.constant 1 : i32
      %get3A_917 = arith.index_cast %scan3A_306 : i32 to index
      %get3A_918 = arith.index_cast %get3A_916 : i32 to index
      %get3A_919 = arith.constant 240 : index
      %get3A_920 = tpu.vector_load %arg6[%get3A_917, %get3A_918, %get3A_919] {strides = array<i32>} : memref<16x4x512xf32, #tpu.memory_space<vmem>>, vector<1x1x16xf32>,
      %get3A_921 = vector.shape_cast %get3A_920 : vector<1x1x16xf32> to vector<16xf32>
      %swap3A_922 = arith.constant 1 : i32
      %swap3A_923 = arith.index_cast %swap3A_922 : i32 to index
      %swap3A_924 = arith.index_cast %scan3A_306 : i32 to index
      %swap3A_925 = arith.constant 240 : index
      %swap3A_926 = tpu.vector_load %arg8[%swap3A_923, %swap3A_924, %swap3A_925] {strides = array<i32>} : memref<4x16x512xf32, #tpu.memory_space<vmem>>, vector<1x1x16xf32>,
      %swap3A_927 = vector.shape_cast %swap3A_926 : vector<1x1x16xf32> to vector<16xf32>
      %swap3A_928 = vector.shape_cast %get3A_921 : vector<16xf32> to vector<1x1x16xf32>
      tpu.vector_store %arg8[%swap3A_923, %swap3A_924, %swap3A_925], %swap3A_928 {strides = array<i32>} : memref<4x16x512xf32, #tpu.memory_space<vmem>>, vector<1x1x16xf32>,
      %get3A_929 = arith.constant 1 : i32
      %get3A_930 = arith.index_cast %scan3A_306 : i32 to index
      %get3A_931 = arith.index_cast %get3A_929 : i32 to index
      %get3A_932 = arith.constant 256 : index
      %get3A_933 = tpu.vector_load %arg6[%get3A_930, %get3A_931, %get3A_932] {strides = array<i32>} : memref<16x4x512xf32, #tpu.memory_space<vmem>>, vector<1x1x16xf32>,
      %get3A_934 = vector.shape_cast %get3A_933 : vector<1x1x16xf32> to vector<16xf32>
      %swap3A_935 = arith.constant 1 : i32
      %swap3A_936 = arith.index_cast %swap3A_935 : i32 to index
      %swap3A_937 = arith.index_cast %scan3A_306 : i32 to index
      %swap3A_938 = arith.constant 256 : index
      %swap3A_939 = tpu.vector_load %arg8[%swap3A_936, %swap3A_937, %swap3A_938] {strides = array<i32>} : memref<4x16x512xf32, #tpu.memory_space<vmem>>, vector<1x1x16xf32>,
      %swap3A_940 = vector.shape_cast %swap3A_939 : vector<1x1x16xf32> to vector<16xf32>
      %swap3A_941 = vector.shape_cast %get3A_934 : vector<16xf32> to vector<1x1x16xf32>
      tpu.vector_store %arg8[%swap3A_936, %swap3A_937, %swap3A_938], %swap3A_941 {strides = array<i32>} : memref<4x16x512xf32, #tpu.memory_space<vmem>>, vector<1x1x16xf32>,
      %get3A_942 = arith.constant 1 : i32
      %get3A_943 = arith.index_cast %scan3A_306 : i32 to index
      %get3A_944 = arith.index_cast %get3A_942 : i32 to index
      %get3A_945 = arith.constant 272 : index
      %get3A_946 = tpu.vector_load %arg6[%get3A_943, %get3A_944, %get3A_945] {strides = array<i32>} : memref<16x4x512xf32, #tpu.memory_space<vmem>>, vector<1x1x16xf32>,
      %get3A_947 = vector.shape_cast %get3A_946 : vector<1x1x16xf32> to vector<16xf32>
      %swap3A_948 = arith.constant 1 : i32
      %swap3A_949 = arith.index_cast %swap3A_948 : i32 to index
      %swap3A_950 = arith.index_cast %scan3A_306 : i32 to index
      %swap3A_951 = arith.constant 272 : index
      %swap3A_952 = tpu.vector_load %arg8[%swap3A_949, %swap3A_950, %swap3A_951] {strides = array<i32>} : memref<4x16x512xf32, #tpu.memory_space<vmem>>, vector<1x1x16xf32>,
      %swap3A_953 = vector.shape_cast %swap3A_952 : vector<1x1x16xf32> to vector<16xf32>
      %swap3A_954 = vector.shape_cast %get3A_947 : vector<16xf32> to vector<1x1x16xf32>
      tpu.vector_store %arg8[%swap3A_949, %swap3A_950, %swap3A_951], %swap3A_954 {strides = array<i32>} : memref<4x16x512xf32, #tpu.memory_space<vmem>>, vector<1x1x16xf32>,
      %get3A_955 = arith.constant 1 : i32
      %get3A_956 = arith.index_cast %scan3A_306 : i32 to index
      %get3A_957 = arith.index_cast %get3A_955 : i32 to index
      %get3A_958 = arith.constant 288 : index
      %get3A_959 = tpu.vector_load %arg6[%get3A_956, %get3A_957, %get3A_958] {strides = array<i32>} : memref<16x4x512xf32, #tpu.memory_space<vmem>>, vector<1x1x16xf32>,
      %get3A_960 = vector.shape_cast %get3A_959 : vector<1x1x16xf32> to vector<16xf32>
      %swap3A_961 = arith.constant 1 : i32
      %swap3A_962 = arith.index_cast %swap3A_961 : i32 to index
      %swap3A_963 = arith.index_cast %scan3A_306 : i32 to index
      %swap3A_964 = arith.constant 288 : index
      %swap3A_965 = tpu.vector_load %arg8[%swap3A_962, %swap3A_963, %swap3A_964] {strides = array<i32>} : memref<4x16x512xf32, #tpu.memory_space<vmem>>, vector<1x1x16xf32>,
      %swap3A_966 = vector.shape_cast %swap3A_965 : vector<1x1x16xf32> to vector<16xf32>
      %swap3A_967 = vector.shape_cast %get3A_960 : vector<16xf32> to vector<1x1x16xf32>
      tpu.vector_store %arg8[%swap3A_962, %swap3A_963, %swap3A_964], %swap3A_967 {strides = array<i32>} : memref<4x16x512xf32, #tpu.memory_space<vmem>>, vector<1x1x16xf32>,
      %get3A_968 = arith.constant 1 : i32
      %get3A_969 = arith.index_cast %scan3A_306 : i32 to index
      %get3A_970 = arith.index_cast %get3A_968 : i32 to index
      %get3A_971 = arith.constant 304 : index
      %get3A_972 = tpu.vector_load %arg6[%get3A_969, %get3A_970, %get3A_971] {strides = array<i32>} : memref<16x4x512xf32, #tpu.memory_space<vmem>>, vector<1x1x16xf32>,
      %get3A_973 = vector.shape_cast %get3A_972 : vector<1x1x16xf32> to vector<16xf32>
      %swap3A_974 = arith.constant 1 : i32
      %swap3A_975 = arith.index_cast %swap3A_974 : i32 to index
      %swap3A_976 = arith.index_cast %scan3A_306 : i32 to index
      %swap3A_977 = arith.constant 304 : index
      %swap3A_978 = tpu.vector_load %arg8[%swap3A_975, %swap3A_976, %swap3A_977] {strides = array<i32>} : memref<4x16x512xf32, #tpu.memory_space<vmem>>, vector<1x1x16xf32>,
      %swap3A_979 = vector.shape_cast %swap3A_978 : vector<1x1x16xf32> to vector<16xf32>
      %swap3A_980 = vector.shape_cast %get3A_973 : vector<16xf32> to vector<1x1x16xf32>
      tpu.vector_store %arg8[%swap3A_975, %swap3A_976, %swap3A_977], %swap3A_980 {strides = array<i32>} : memref<4x16x512xf32, #tpu.memory_space<vmem>>, vector<1x1x16xf32>,
      %get3A_981 = arith.constant 1 : i32
      %get3A_982 = arith.index_cast %scan3A_306 : i32 to index
      %get3A_983 = arith.index_cast %get3A_981 : i32 to index
      %get3A_984 = arith.constant 320 : index
      %get3A_985 = tpu.vector_load %arg6[%get3A_982, %get3A_983, %get3A_984] {strides = array<i32>} : memref<16x4x512xf32, #tpu.memory_space<vmem>>, vector<1x1x16xf32>,
      %get3A_986 = vector.shape_cast %get3A_985 : vector<1x1x16xf32> to vector<16xf32>
      %swap3A_987 = arith.constant 1 : i32
      %swap3A_988 = arith.index_cast %swap3A_987 : i32 to index
      %swap3A_989 = arith.index_cast %scan3A_306 : i32 to index
      %swap3A_990 = arith.constant 320 : index
      %swap3A_991 = tpu.vector_load %arg8[%swap3A_988, %swap3A_989, %swap3A_990] {strides = array<i32>} : memref<4x16x512xf32, #tpu.memory_space<vmem>>, vector<1x1x16xf32>,
      %swap3A_992 = vector.shape_cast %swap3A_991 : vector<1x1x16xf32> to vector<16xf32>
      %swap3A_993 = vector.shape_cast %get3A_986 : vector<16xf32> to vector<1x1x16xf32>
      tpu.vector_store %arg8[%swap3A_988, %swap3A_989, %swap3A_990], %swap3A_993 {strides = array<i32>} : memref<4x16x512xf32, #tpu.memory_space<vmem>>, vector<1x1x16xf32>,
      %get3A_994 = arith.constant 1 : i32
      %get3A_995 = arith.index_cast %scan3A_306 : i32 to index
      %get3A_996 = arith.index_cast %get3A_994 : i32 to index
      %get3A_997 = arith.constant 336 : index
      %get3A_998 = tpu.vector_load %arg6[%get3A_995, %get3A_996, %get3A_997] {strides = array<i32>} : memref<16x4x512xf32, #tpu.memory_space<vmem>>, vector<1x1x16xf32>,
      %get3A_999 = vector.shape_cast %get3A_998 : vector<1x1x16xf32> to vector<16xf32>
      %swap3A_1000 = arith.constant 1 : i32
      %swap3A_1001 = arith.index_cast %swap3A_1000 : i32 to index
      %swap3A_1002 = arith.index_cast %scan3A_306 : i32 to index
      %swap3A_1003 = arith.constant 336 : index
      %swap3A_1004 = tpu.vector_load %arg8[%swap3A_1001, %swap3A_1002, %swap3A_1003] {strides = array<i32>} : memref<4x16x512xf32, #tpu.memory_space<vmem>>, vector<1x1x16xf32>,
      %swap3A_1005 = vector.shape_cast %swap3A_1004 : vector<1x1x16xf32> to vector<16xf32>
      %swap3A_1006 = vector.shape_cast %get3A_999 : vector<16xf32> to vector<1x1x16xf32>
      tpu.vector_store %arg8[%swap3A_1001, %swap3A_1002, %swap3A_1003], %swap3A_1006 {strides = array<i32>} : memref<4x16x512xf32, #tpu.memory_space<vmem>>, vector<1x1x16xf32>,
      %get3A_1007 = arith.constant 1 : i32
      %get3A_1008 = arith.index_cast %scan3A_306 : i32 to index
      %get3A_1009 = arith.index_cast %get3A_1007 : i32 to index
      %get3A_1010 = arith.constant 352 : index
      %get3A_1011 = tpu.vector_load %arg6[%get3A_1008, %get3A_1009, %get3A_1010] {strides = array<i32>} : memref<16x4x512xf32, #tpu.memory_space<vmem>>, vector<1x1x16xf32>,
      %get3A_1012 = vector.shape_cast %get3A_1011 : vector<1x1x16xf32> to vector<16xf32>
      %swap3A_1013 = arith.constant 1 : i32
      %swap3A_1014 = arith.index_cast %swap3A_1013 : i32 to index
      %swap3A_1015 = arith.index_cast %scan3A_306 : i32 to index
      %swap3A_1016 = arith.constant 352 : index
      %swap3A_1017 = tpu.vector_load %arg8[%swap3A_1014, %swap3A_1015, %swap3A_1016] {strides = array<i32>} : memref<4x16x512xf32, #tpu.memory_space<vmem>>, vector<1x1x16xf32>,
      %swap3A_1018 = vector.shape_cast %swap3A_1017 : vector<1x1x16xf32> to vector<16xf32>
      %swap3A_1019 = vector.shape_cast %get3A_1012 : vector<16xf32> to vector<1x1x16xf32>
      tpu.vector_store %arg8[%swap3A_1014, %swap3A_1015, %swap3A_1016], %swap3A_1019 {strides = array<i32>} : memref<4x16x512xf32, #tpu.memory_space<vmem>>, vector<1x1x16xf32>,
      %get3A_1020 = arith.constant 1 : i32
      %get3A_1021 = arith.index_cast %scan3A_306 : i32 to index
      %get3A_1022 = arith.index_cast %get3A_1020 : i32 to index
      %get3A_1023 = arith.constant 368 : index
      %get3A_1024 = tpu.vector_load %arg6[%get3A_1021, %get3A_1022, %get3A_1023] {strides = array<i32>} : memref<16x4x512xf32, #tpu.memory_space<vmem>>, vector<1x1x16xf32>,
      %get3A_1025 = vector.shape_cast %get3A_1024 : vector<1x1x16xf32> to vector<16xf32>
      %swap3A_1026 = arith.constant 1 : i32
      %swap3A_1027 = arith.index_cast %swap3A_1026 : i32 to index
      %swap3A_1028 = arith.index_cast %scan3A_306 : i32 to index
      %swap3A_1029 = arith.constant 368 : index
      %swap3A_1030 = tpu.vector_load %arg8[%swap3A_1027, %swap3A_1028, %swap3A_1029] {strides = array<i32>} : memref<4x16x512xf32, #tpu.memory_space<vmem>>, vector<1x1x16xf32>,
      %swap3A_1031 = vector.shape_cast %swap3A_1030 : vector<1x1x16xf32> to vector<16xf32>
      %swap3A_1032 = vector.shape_cast %get3A_1025 : vector<16xf32> to vector<1x1x16xf32>
      tpu.vector_store %arg8[%swap3A_1027, %swap3A_1028, %swap3A_1029], %swap3A_1032 {strides = array<i32>} : memref<4x16x512xf32, #tpu.memory_space<vmem>>, vector<1x1x16xf32>,
      %get3A_1033 = arith.constant 1 : i32
      %get3A_1034 = arith.index_cast %scan3A_306 : i32 to index
      %get3A_1035 = arith.index_cast %get3A_1033 : i32 to index
      %get3A_1036 = arith.constant 384 : index
      %get3A_1037 = tpu.vector_load %arg6[%get3A_1034, %get3A_1035, %get3A_1036] {strides = array<i32>} : memref<16x4x512xf32, #tpu.memory_space<vmem>>, vector<1x1x16xf32>,
      %get3A_1038 = vector.shape_cast %get3A_1037 : vector<1x1x16xf32> to vector<16xf32>
      %swap3A_1039 = arith.constant 1 : i32
      %swap3A_1040 = arith.index_cast %swap3A_1039 : i32 to index
      %swap3A_1041 = arith.index_cast %scan3A_306 : i32 to index
      %swap3A_1042 = arith.constant 384 : index
      %swap3A_1043 = tpu.vector_load %arg8[%swap3A_1040, %swap3A_1041, %swap3A_1042] {strides = array<i32>} : memref<4x16x512xf32, #tpu.memory_space<vmem>>, vector<1x1x16xf32>,
      %swap3A_1044 = vector.shape_cast %swap3A_1043 : vector<1x1x16xf32> to vector<16xf32>
      %swap3A_1045 = vector.shape_cast %get3A_1038 : vector<16xf32> to vector<1x1x16xf32>
      tpu.vector_store %arg8[%swap3A_1040, %swap3A_1041, %swap3A_1042], %swap3A_1045 {strides = array<i32>} : memref<4x16x512xf32, #tpu.memory_space<vmem>>, vector<1x1x16xf32>,
      %get3A_1046 = arith.constant 1 : i32
      %get3A_1047 = arith.index_cast %scan3A_306 : i32 to index
      %get3A_1048 = arith.index_cast %get3A_1046 : i32 to index
      %get3A_1049 = arith.constant 400 : index
      %get3A_1050 = tpu.vector_load %arg6[%get3A_1047, %get3A_1048, %get3A_1049] {strides = array<i32>} : memref<16x4x512xf32, #tpu.memory_space<vmem>>, vector<1x1x16xf32>,
      %get3A_1051 = vector.shape_cast %get3A_1050 : vector<1x1x16xf32> to vector<16xf32>
      %swap3A_1052 = arith.constant 1 : i32
      %swap3A_1053 = arith.index_cast %swap3A_1052 : i32 to index
      %swap3A_1054 = arith.index_cast %scan3A_306 : i32 to index
      %swap3A_1055 = arith.constant 400 : index
      %swap3A_1056 = tpu.vector_load %arg8[%swap3A_1053, %swap3A_1054, %swap3A_1055] {strides = array<i32>} : memref<4x16x512xf32, #tpu.memory_space<vmem>>, vector<1x1x16xf32>,
      %swap3A_1057 = vector.shape_cast %swap3A_1056 : vector<1x1x16xf32> to vector<16xf32>
      %swap3A_1058 = vector.shape_cast %get3A_1051 : vector<16xf32> to vector<1x1x16xf32>
      tpu.vector_store %arg8[%swap3A_1053, %swap3A_1054, %swap3A_1055], %swap3A_1058 {strides = array<i32>} : memref<4x16x512xf32, #tpu.memory_space<vmem>>, vector<1x1x16xf32>,
      %get3A_1059 = arith.constant 1 : i32
      %get3A_1060 = arith.index_cast %scan3A_306 : i32 to index
      %get3A_1061 = arith.index_cast %get3A_1059 : i32 to index
      %get3A_1062 = arith.constant 416 : index
      %get3A_1063 = tpu.vector_load %arg6[%get3A_1060, %get3A_1061, %get3A_1062] {strides = array<i32>} : memref<16x4x512xf32, #tpu.memory_space<vmem>>, vector<1x1x16xf32>,
      %get3A_1064 = vector.shape_cast %get3A_1063 : vector<1x1x16xf32> to vector<16xf32>
      %swap3A_1065 = arith.constant 1 : i32
      %swap3A_1066 = arith.index_cast %swap3A_1065 : i32 to index
      %swap3A_1067 = arith.index_cast %scan3A_306 : i32 to index
      %swap3A_1068 = arith.constant 416 : index
      %swap3A_1069 = tpu.vector_load %arg8[%swap3A_1066, %swap3A_1067, %swap3A_1068] {strides = array<i32>} : memref<4x16x512xf32, #tpu.memory_space<vmem>>, vector<1x1x16xf32>,
      %swap3A_1070 = vector.shape_cast %swap3A_1069 : vector<1x1x16xf32> to vector<16xf32>
      %swap3A_1071 = vector.shape_cast %get3A_1064 : vector<16xf32> to vector<1x1x16xf32>
      tpu.vector_store %arg8[%swap3A_1066, %swap3A_1067, %swap3A_1068], %swap3A_1071 {strides = array<i32>} : memref<4x16x512xf32, #tpu.memory_space<vmem>>, vector<1x1x16xf32>,
      %get3A_1072 = arith.constant 1 : i32
      %get3A_1073 = arith.index_cast %scan3A_306 : i32 to index
      %get3A_1074 = arith.index_cast %get3A_1072 : i32 to index
      %get3A_1075 = arith.constant 432 : index
      %get3A_1076 = tpu.vector_load %arg6[%get3A_1073, %get3A_1074, %get3A_1075] {strides = array<i32>} : memref<16x4x512xf32, #tpu.memory_space<vmem>>, vector<1x1x16xf32>,
      %get3A_1077 = vector.shape_cast %get3A_1076 : vector<1x1x16xf32> to vector<16xf32>
      %swap3A_1078 = arith.constant 1 : i32
      %swap3A_1079 = arith.index_cast %swap3A_1078 : i32 to index
      %swap3A_1080 = arith.index_cast %scan3A_306 : i32 to index
      %swap3A_1081 = arith.constant 432 : index
      %swap3A_1082 = tpu.vector_load %arg8[%swap3A_1079, %swap3A_1080, %swap3A_1081] {strides = array<i32>} : memref<4x16x512xf32, #tpu.memory_space<vmem>>, vector<1x1x16xf32>,
      %swap3A_1083 = vector.shape_cast %swap3A_1082 : vector<1x1x16xf32> to vector<16xf32>
      %swap3A_1084 = vector.shape_cast %get3A_1077 : vector<16xf32> to vector<1x1x16xf32>
      tpu.vector_store %arg8[%swap3A_1079, %swap3A_1080, %swap3A_1081], %swap3A_1084 {strides = array<i32>} : memref<4x16x512xf32, #tpu.memory_space<vmem>>, vector<1x1x16xf32>,
      %get3A_1085 = arith.constant 1 : i32
      %get3A_1086 = arith.index_cast %scan3A_306 : i32 to index
      %get3A_1087 = arith.index_cast %get3A_1085 : i32 to index
      %get3A_1088 = arith.constant 448 : index
      %get3A_1089 = tpu.vector_load %arg6[%get3A_1086, %get3A_1087, %get3A_1088] {strides = array<i32>} : memref<16x4x512xf32, #tpu.memory_space<vmem>>, vector<1x1x16xf32>,
      %get3A_1090 = vector.shape_cast %get3A_1089 : vector<1x1x16xf32> to vector<16xf32>
      %swap3A_1091 = arith.constant 1 : i32
      %swap3A_1092 = arith.index_cast %swap3A_1091 : i32 to index
      %swap3A_1093 = arith.index_cast %scan3A_306 : i32 to index
      %swap3A_1094 = arith.constant 448 : index
      %swap3A_1095 = tpu.vector_load %arg8[%swap3A_1092, %swap3A_1093, %swap3A_1094] {strides = array<i32>} : memref<4x16x512xf32, #tpu.memory_space<vmem>>, vector<1x1x16xf32>,
      %swap3A_1096 = vector.shape_cast %swap3A_1095 : vector<1x1x16xf32> to vector<16xf32>
      %swap3A_1097 = vector.shape_cast %get3A_1090 : vector<16xf32> to vector<1x1x16xf32>
      tpu.vector_store %arg8[%swap3A_1092, %swap3A_1093, %swap3A_1094], %swap3A_1097 {strides = array<i32>} : memref<4x16x512xf32, #tpu.memory_space<vmem>>, vector<1x1x16xf32>,
      %get3A_1098 = arith.constant 1 : i32
      %get3A_1099 = arith.index_cast %scan3A_306 : i32 to index
      %get3A_1100 = arith.index_cast %get3A_1098 : i32 to index
      %get3A_1101 = arith.constant 464 : index
      %get3A_1102 = tpu.vector_load %arg6[%get3A_1099, %get3A_1100, %get3A_1101] {strides = array<i32>} : memref<16x4x512xf32, #tpu.memory_space<vmem>>, vector<1x1x16xf32>,
      %get3A_1103 = vector.shape_cast %get3A_1102 : vector<1x1x16xf32> to vector<16xf32>
      %swap3A_1104 = arith.constant 1 : i32
      %swap3A_1105 = arith.index_cast %swap3A_1104 : i32 to index
      %swap3A_1106 = arith.index_cast %scan3A_306 : i32 to index
      %swap3A_1107 = arith.constant 464 : index
      %swap3A_1108 = tpu.vector_load %arg8[%swap3A_1105, %swap3A_1106, %swap3A_1107] {strides = array<i32>} : memref<4x16x512xf32, #tpu.memory_space<vmem>>, vector<1x1x16xf32>,
      %swap3A_1109 = vector.shape_cast %swap3A_1108 : vector<1x1x16xf32> to vector<16xf32>
      %swap3A_1110 = vector.shape_cast %get3A_1103 : vector<16xf32> to vector<1x1x16xf32>
      tpu.vector_store %arg8[%swap3A_1105, %swap3A_1106, %swap3A_1107], %swap3A_1110 {strides = array<i32>} : memref<4x16x512xf32, #tpu.memory_space<vmem>>, vector<1x1x16xf32>,
      %get3A_1111 = arith.constant 1 : i32
      %get3A_1112 = arith.index_cast %scan3A_306 : i32 to index
      %get3A_1113 = arith.index_cast %get3A_1111 : i32 to index
      %get3A_1114 = arith.constant 480 : index
      %get3A_1115 = tpu.vector_load %arg6[%get3A_1112, %get3A_1113, %get3A_1114] {strides = array<i32>} : memref<16x4x512xf32, #tpu.memory_space<vmem>>, vector<1x1x16xf32>,
      %get3A_1116 = vector.shape_cast %get3A_1115 : vector<1x1x16xf32> to vector<16xf32>
      %swap3A_1117 = arith.constant 1 : i32
      %swap3A_1118 = arith.index_cast %swap3A_1117 : i32 to index
      %swap3A_1119 = arith.index_cast %scan3A_306 : i32 to index
      %swap3A_1120 = arith.constant 480 : index
      %swap3A_1121 = tpu.vector_load %arg8[%swap3A_1118, %swap3A_1119, %swap3A_1120] {strides = array<i32>} : memref<4x16x512xf32, #tpu.memory_space<vmem>>, vector<1x1x16xf32>,
      %swap3A_1122 = vector.shape_cast %swap3A_1121 : vector<1x1x16xf32> to vector<16xf32>
      %swap3A_1123 = vector.shape_cast %get3A_1116 : vector<16xf32> to vector<1x1x16xf32>
      tpu.vector_store %arg8[%swap3A_1118, %swap3A_1119, %swap3A_1120], %swap3A_1123 {strides = array<i32>} : memref<4x16x512xf32, #tpu.memory_space<vmem>>, vector<1x1x16xf32>,
      %get3A_1124 = arith.constant 1 : i32
      %get3A_1125 = arith.index_cast %scan3A_306 : i32 to index
      %get3A_1126 = arith.index_cast %get3A_1124 : i32 to index
      %get3A_1127 = arith.constant 496 : index
      %get3A_1128 = tpu.vector_load %arg6[%get3A_1125, %get3A_1126, %get3A_1127] {strides = array<i32>} : memref<16x4x512xf32, #tpu.memory_space<vmem>>, vector<1x1x16xf32>,
      %get3A_1129 = vector.shape_cast %get3A_1128 : vector<1x1x16xf32> to vector<16xf32>
      %swap3A_1130 = arith.constant 1 : i32
      %swap3A_1131 = arith.index_cast %swap3A_1130 : i32 to index
      %swap3A_1132 = arith.index_cast %scan3A_306 : i32 to index
      %swap3A_1133 = arith.constant 496 : index
      %swap3A_1134 = tpu.vector_load %arg8[%swap3A_1131, %swap3A_1132, %swap3A_1133] {strides = array<i32>} : memref<4x16x512xf32, #tpu.memory_space<vmem>>, vector<1x1x16xf32>,
      %swap3A_1135 = vector.shape_cast %swap3A_1134 : vector<1x1x16xf32> to vector<16xf32>
      %swap3A_1136 = vector.shape_cast %get3A_1129 : vector<16xf32> to vector<1x1x16xf32>
      tpu.vector_store %arg8[%swap3A_1131, %swap3A_1132, %swap3A_1133], %swap3A_1136 {strides = array<i32>} : memref<4x16x512xf32, #tpu.memory_space<vmem>>, vector<1x1x16xf32>,
      %get3A_1137 = arith.constant 2 : i32
      %get3A_1138 = arith.index_cast %scan3A_306 : i32 to index
      %get3A_1139 = arith.index_cast %get3A_1137 : i32 to index
      %get3A_1140 = arith.constant 0 : index
      %get3A_1141 = tpu.vector_load %arg6[%get3A_1138, %get3A_1139, %get3A_1140] {strides = array<i32>} : memref<16x4x512xf32, #tpu.memory_space<vmem>>, vector<1x1x16xf32>,
      %get3A_1142 = vector.shape_cast %get3A_1141 : vector<1x1x16xf32> to vector<16xf32>
      %swap3A_1143 = arith.constant 2 : i32
      %swap3A_1144 = arith.index_cast %swap3A_1143 : i32 to index
      %swap3A_1145 = arith.index_cast %scan3A_306 : i32 to index
      %swap3A_1146 = arith.constant 0 : index
      %swap3A_1147 = tpu.vector_load %arg8[%swap3A_1144, %swap3A_1145, %swap3A_1146] {strides = array<i32>} : memref<4x16x512xf32, #tpu.memory_space<vmem>>, vector<1x1x16xf32>,
      %swap3A_1148 = vector.shape_cast %swap3A_1147 : vector<1x1x16xf32> to vector<16xf32>
      %swap3A_1149 = vector.shape_cast %get3A_1142 : vector<16xf32> to vector<1x1x16xf32>
      tpu.vector_store %arg8[%swap3A_1144, %swap3A_1145, %swap3A_1146], %swap3A_1149 {strides = array<i32>} : memref<4x16x512xf32, #tpu.memory_space<vmem>>, vector<1x1x16xf32>,
      %get3A_1150 = arith.constant 2 : i32
      %get3A_1151 = arith.index_cast %scan3A_306 : i32 to index
      %get3A_1152 = arith.index_cast %get3A_1150 : i32 to index
      %get3A_1153 = arith.constant 16 : index
      %get3A_1154 = tpu.vector_load %arg6[%get3A_1151, %get3A_1152, %get3A_1153] {strides = array<i32>} : memref<16x4x512xf32, #tpu.memory_space<vmem>>, vector<1x1x16xf32>,
      %get3A_1155 = vector.shape_cast %get3A_1154 : vector<1x1x16xf32> to vector<16xf32>
      %swap3A_1156 = arith.constant 2 : i32
      %swap3A_1157 = arith.index_cast %swap3A_1156 : i32 to index
      %swap3A_1158 = arith.index_cast %scan3A_306 : i32 to index
      %swap3A_1159 = arith.constant 16 : index
      %swap3A_1160 = tpu.vector_load %arg8[%swap3A_1157, %swap3A_1158, %swap3A_1159] {strides = array<i32>} : memref<4x16x512xf32, #tpu.memory_space<vmem>>, vector<1x1x16xf32>,
      %swap3A_1161 = vector.shape_cast %swap3A_1160 : vector<1x1x16xf32> to vector<16xf32>
      %swap3A_1162 = vector.shape_cast %get3A_1155 : vector<16xf32> to vector<1x1x16xf32>
      tpu.vector_store %arg8[%swap3A_1157, %swap3A_1158, %swap3A_1159], %swap3A_1162 {strides = array<i32>} : memref<4x16x512xf32, #tpu.memory_space<vmem>>, vector<1x1x16xf32>,
      %get3A_1163 = arith.constant 2 : i32
      %get3A_1164 = arith.index_cast %scan3A_306 : i32 to index
      %get3A_1165 = arith.index_cast %get3A_1163 : i32 to index
      %get3A_1166 = arith.constant 32 : index
      %get3A_1167 = tpu.vector_load %arg6[%get3A_1164, %get3A_1165, %get3A_1166] {strides = array<i32>} : memref<16x4x512xf32, #tpu.memory_space<vmem>>, vector<1x1x16xf32>,
      %get3A_1168 = vector.shape_cast %get3A_1167 : vector<1x1x16xf32> to vector<16xf32>
      %swap3A_1169 = arith.constant 2 : i32
      %swap3A_1170 = arith.index_cast %swap3A_1169 : i32 to index
      %swap3A_1171 = arith.index_cast %scan3A_306 : i32 to index
      %swap3A_1172 = arith.constant 32 : index
      %swap3A_1173 = tpu.vector_load %arg8[%swap3A_1170, %swap3A_1171, %swap3A_1172] {strides = array<i32>} : memref<4x16x512xf32, #tpu.memory_space<vmem>>, vector<1x1x16xf32>,
      %swap3A_1174 = vector.shape_cast %swap3A_1173 : vector<1x1x16xf32> to vector<16xf32>
      %swap3A_1175 = vector.shape_cast %get3A_1168 : vector<16xf32> to vector<1x1x16xf32>
      tpu.vector_store %arg8[%swap3A_1170, %swap3A_1171, %swap3A_1172], %swap3A_1175 {strides = array<i32>} : memref<4x16x512xf32, #tpu.memory_space<vmem>>, vector<1x1x16xf32>,
      %get3A_1176 = arith.constant 2 : i32
      %get3A_1177 = arith.index_cast %scan3A_306 : i32 to index
      %get3A_1178 = arith.index_cast %get3A_1176 : i32 to index
      %get3A_1179 = arith.constant 48 : index
      %get3A_1180 = tpu.vector_load %arg6[%get3A_1177, %get3A_1178, %get3A_1179] {strides = array<i32>} : memref<16x4x512xf32, #tpu.memory_space<vmem>>, vector<1x1x16xf32>,
      %get3A_1181 = vector.shape_cast %get3A_1180 : vector<1x1x16xf32> to vector<16xf32>
      %swap3A_1182 = arith.constant 2 : i32
      %swap3A_1183 = arith.index_cast %swap3A_1182 : i32 to index
      %swap3A_1184 = arith.index_cast %scan3A_306 : i32 to index
      %swap3A_1185 = arith.constant 48 : index
      %swap3A_1186 = tpu.vector_load %arg8[%swap3A_1183, %swap3A_1184, %swap3A_1185] {strides = array<i32>} : memref<4x16x512xf32, #tpu.memory_space<vmem>>, vector<1x1x16xf32>,
      %swap3A_1187 = vector.shape_cast %swap3A_1186 : vector<1x1x16xf32> to vector<16xf32>
      %swap3A_1188 = vector.shape_cast %get3A_1181 : vector<16xf32> to vector<1x1x16xf32>
      tpu.vector_store %arg8[%swap3A_1183, %swap3A_1184, %swap3A_1185], %swap3A_1188 {strides = array<i32>} : memref<4x16x512xf32, #tpu.memory_space<vmem>>, vector<1x1x16xf32>,
      %get3A_1189 = arith.constant 2 : i32
      %get3A_1190 = arith.index_cast %scan3A_306 : i32 to index
      %get3A_1191 = arith.index_cast %get3A_1189 : i32 to index
      %get3A_1192 = arith.constant 64 : index
      %get3A_1193 = tpu.vector_load %arg6[%get3A_1190, %get3A_1191, %get3A_1192] {strides = array<i32>} : memref<16x4x512xf32, #tpu.memory_space<vmem>>, vector<1x1x16xf32>,
      %get3A_1194 = vector.shape_cast %get3A_1193 : vector<1x1x16xf32> to vector<16xf32>
      %swap3A_1195 = arith.constant 2 : i32
      %swap3A_1196 = arith.index_cast %swap3A_1195 : i32 to index
      %swap3A_1197 = arith.index_cast %scan3A_306 : i32 to index
      %swap3A_1198 = arith.constant 64 : index
      %swap3A_1199 = tpu.vector_load %arg8[%swap3A_1196, %swap3A_1197, %swap3A_1198] {strides = array<i32>} : memref<4x16x512xf32, #tpu.memory_space<vmem>>, vector<1x1x16xf32>,
      %swap3A_1200 = vector.shape_cast %swap3A_1199 : vector<1x1x16xf32> to vector<16xf32>
      %swap3A_1201 = vector.shape_cast %get3A_1194 : vector<16xf32> to vector<1x1x16xf32>
      tpu.vector_store %arg8[%swap3A_1196, %swap3A_1197, %swap3A_1198], %swap3A_1201 {strides = array<i32>} : memref<4x16x512xf32, #tpu.memory_space<vmem>>, vector<1x1x16xf32>,
      %get3A_1202 = arith.constant 2 : i32
      %get3A_1203 = arith.index_cast %scan3A_306 : i32 to index
      %get3A_1204 = arith.index_cast %get3A_1202 : i32 to index
      %get3A_1205 = arith.constant 80 : index
      %get3A_1206 = tpu.vector_load %arg6[%get3A_1203, %get3A_1204, %get3A_1205] {strides = array<i32>} : memref<16x4x512xf32, #tpu.memory_space<vmem>>, vector<1x1x16xf32>,
      %get3A_1207 = vector.shape_cast %get3A_1206 : vector<1x1x16xf32> to vector<16xf32>
      %swap3A_1208 = arith.constant 2 : i32
      %swap3A_1209 = arith.index_cast %swap3A_1208 : i32 to index
      %swap3A_1210 = arith.index_cast %scan3A_306 : i32 to index
      %swap3A_1211 = arith.constant 80 : index
      %swap3A_1212 = tpu.vector_load %arg8[%swap3A_1209, %swap3A_1210, %swap3A_1211] {strides = array<i32>} : memref<4x16x512xf32, #tpu.memory_space<vmem>>, vector<1x1x16xf32>,
      %swap3A_1213 = vector.shape_cast %swap3A_1212 : vector<1x1x16xf32> to vector<16xf32>
      %swap3A_1214 = vector.shape_cast %get3A_1207 : vector<16xf32> to vector<1x1x16xf32>
      tpu.vector_store %arg8[%swap3A_1209, %swap3A_1210, %swap3A_1211], %swap3A_1214 {strides = array<i32>} : memref<4x16x512xf32, #tpu.memory_space<vmem>>, vector<1x1x16xf32>,
      %get3A_1215 = arith.constant 2 : i32
      %get3A_1216 = arith.index_cast %scan3A_306 : i32 to index
      %get3A_1217 = arith.index_cast %get3A_1215 : i32 to index
      %get3A_1218 = arith.constant 96 : index
      %get3A_1219 = tpu.vector_load %arg6[%get3A_1216, %get3A_1217, %get3A_1218] {strides = array<i32>} : memref<16x4x512xf32, #tpu.memory_space<vmem>>, vector<1x1x16xf32>,
      %get3A_1220 = vector.shape_cast %get3A_1219 : vector<1x1x16xf32> to vector<16xf32>
      %swap3A_1221 = arith.constant 2 : i32
      %swap3A_1222 = arith.index_cast %swap3A_1221 : i32 to index
      %swap3A_1223 = arith.index_cast %scan3A_306 : i32 to index
      %swap3A_1224 = arith.constant 96 : index
      %swap3A_1225 = tpu.vector_load %arg8[%swap3A_1222, %swap3A_1223, %swap3A_1224] {strides = array<i32>} : memref<4x16x512xf32, #tpu.memory_space<vmem>>, vector<1x1x16xf32>,
      %swap3A_1226 = vector.shape_cast %swap3A_1225 : vector<1x1x16xf32> to vector<16xf32>
      %swap3A_1227 = vector.shape_cast %get3A_1220 : vector<16xf32> to vector<1x1x16xf32>
      tpu.vector_store %arg8[%swap3A_1222, %swap3A_1223, %swap3A_1224], %swap3A_1227 {strides = array<i32>} : memref<4x16x512xf32, #tpu.memory_space<vmem>>, vector<1x1x16xf32>,
      %get3A_1228 = arith.constant 2 : i32
      %get3A_1229 = arith.index_cast %scan3A_306 : i32 to index
      %get3A_1230 = arith.index_cast %get3A_1228 : i32 to index
      %get3A_1231 = arith.constant 112 : index
      %get3A_1232 = tpu.vector_load %arg6[%get3A_1229, %get3A_1230, %get3A_1231] {strides = array<i32>} : memref<16x4x512xf32, #tpu.memory_space<vmem>>, vector<1x1x16xf32>,
      %get3A_1233 = vector.shape_cast %get3A_1232 : vector<1x1x16xf32> to vector<16xf32>
      %swap3A_1234 = arith.constant 2 : i32
      %swap3A_1235 = arith.index_cast %swap3A_1234 : i32 to index
      %swap3A_1236 = arith.index_cast %scan3A_306 : i32 to index
      %swap3A_1237 = arith.constant 112 : index
      %swap3A_1238 = tpu.vector_load %arg8[%swap3A_1235, %swap3A_1236, %swap3A_1237] {strides = array<i32>} : memref<4x16x512xf32, #tpu.memory_space<vmem>>, vector<1x1x16xf32>,
      %swap3A_1239 = vector.shape_cast %swap3A_1238 : vector<1x1x16xf32> to vector<16xf32>
      %swap3A_1240 = vector.shape_cast %get3A_1233 : vector<16xf32> to vector<1x1x16xf32>
      tpu.vector_store %arg8[%swap3A_1235, %swap3A_1236, %swap3A_1237], %swap3A_1240 {strides = array<i32>} : memref<4x16x512xf32, #tpu.memory_space<vmem>>, vector<1x1x16xf32>,
      %get3A_1241 = arith.constant 2 : i32
      %get3A_1242 = arith.index_cast %scan3A_306 : i32 to index
      %get3A_1243 = arith.index_cast %get3A_1241 : i32 to index
      %get3A_1244 = arith.constant 128 : index
      %get3A_1245 = tpu.vector_load %arg6[%get3A_1242, %get3A_1243, %get3A_1244] {strides = array<i32>} : memref<16x4x512xf32, #tpu.memory_space<vmem>>, vector<1x1x16xf32>,
      %get3A_1246 = vector.shape_cast %get3A_1245 : vector<1x1x16xf32> to vector<16xf32>
      %swap3A_1247 = arith.constant 2 : i32
      %swap3A_1248 = arith.index_cast %swap3A_1247 : i32 to index
      %swap3A_1249 = arith.index_cast %scan3A_306 : i32 to index
      %swap3A_1250 = arith.constant 128 : index
      %swap3A_1251 = tpu.vector_load %arg8[%swap3A_1248, %swap3A_1249, %swap3A_1250] {strides = array<i32>} : memref<4x16x512xf32, #tpu.memory_space<vmem>>, vector<1x1x16xf32>,
      %swap3A_1252 = vector.shape_cast %swap3A_1251 : vector<1x1x16xf32> to vector<16xf32>
      %swap3A_1253 = vector.shape_cast %get3A_1246 : vector<16xf32> to vector<1x1x16xf32>
      tpu.vector_store %arg8[%swap3A_1248, %swap3A_1249, %swap3A_1250], %swap3A_1253 {strides = array<i32>} : memref<4x16x512xf32, #tpu.memory_space<vmem>>, vector<1x1x16xf32>,
      %get3A_1254 = arith.constant 2 : i32
      %get3A_1255 = arith.index_cast %scan3A_306 : i32 to index
      %get3A_1256 = arith.index_cast %get3A_1254 : i32 to index
      %get3A_1257 = arith.constant 144 : index
      %get3A_1258 = tpu.vector_load %arg6[%get3A_1255, %get3A_1256, %get3A_1257] {strides = array<i32>} : memref<16x4x512xf32, #tpu.memory_space<vmem>>, vector<1x1x16xf32>,
      %get3A_1259 = vector.shape_cast %get3A_1258 : vector<1x1x16xf32> to vector<16xf32>
      %swap3A_1260 = arith.constant 2 : i32
      %swap3A_1261 = arith.index_cast %swap3A_1260 : i32 to index
      %swap3A_1262 = arith.index_cast %scan3A_306 : i32 to index
      %swap3A_1263 = arith.constant 144 : index
      %swap3A_1264 = tpu.vector_load %arg8[%swap3A_1261, %swap3A_1262, %swap3A_1263] {strides = array<i32>} : memref<4x16x512xf32, #tpu.memory_space<vmem>>, vector<1x1x16xf32>,
      %swap3A_1265 = vector.shape_cast %swap3A_1264 : vector<1x1x16xf32> to vector<16xf32>
      %swap3A_1266 = vector.shape_cast %get3A_1259 : vector<16xf32> to vector<1x1x16xf32>
      tpu.vector_store %arg8[%swap3A_1261, %swap3A_1262, %swap3A_1263], %swap3A_1266 {strides = array<i32>} : memref<4x16x512xf32, #tpu.memory_space<vmem>>, vector<1x1x16xf32>,
      %get3A_1267 = arith.constant 2 : i32
      %get3A_1268 = arith.index_cast %scan3A_306 : i32 to index
      %get3A_1269 = arith.index_cast %get3A_1267 : i32 to index
      %get3A_1270 = arith.constant 160 : index
      %get3A_1271 = tpu.vector_load %arg6[%get3A_1268, %get3A_1269, %get3A_1270] {strides = array<i32>} : memref<16x4x512xf32, #tpu.memory_space<vmem>>, vector<1x1x16xf32>,
      %get3A_1272 = vector.shape_cast %get3A_1271 : vector<1x1x16xf32> to vector<16xf32>
      %swap3A_1273 = arith.constant 2 : i32
      %swap3A_1274 = arith.index_cast %swap3A_1273 : i32 to index
      %swap3A_1275 = arith.index_cast %scan3A_306 : i32 to index
      %swap3A_1276 = arith.constant 160 : index
      %swap3A_1277 = tpu.vector_load %arg8[%swap3A_1274, %swap3A_1275, %swap3A_1276] {strides = array<i32>} : memref<4x16x512xf32, #tpu.memory_space<vmem>>, vector<1x1x16xf32>,
      %swap3A_1278 = vector.shape_cast %swap3A_1277 : vector<1x1x16xf32> to vector<16xf32>
      %swap3A_1279 = vector.shape_cast %get3A_1272 : vector<16xf32> to vector<1x1x16xf32>
      tpu.vector_store %arg8[%swap3A_1274, %swap3A_1275, %swap3A_1276], %swap3A_1279 {strides = array<i32>} : memref<4x16x512xf32, #tpu.memory_space<vmem>>, vector<1x1x16xf32>,
      %get3A_1280 = arith.constant 2 : i32
      %get3A_1281 = arith.index_cast %scan3A_306 : i32 to index
      %get3A_1282 = arith.index_cast %get3A_1280 : i32 to index
      %get3A_1283 = arith.constant 176 : index
      %get3A_1284 = tpu.vector_load %arg6[%get3A_1281, %get3A_1282, %get3A_1283] {strides = array<i32>} : memref<16x4x512xf32, #tpu.memory_space<vmem>>, vector<1x1x16xf32>,
      %get3A_1285 = vector.shape_cast %get3A_1284 : vector<1x1x16xf32> to vector<16xf32>
      %swap3A_1286 = arith.constant 2 : i32
      %swap3A_1287 = arith.index_cast %swap3A_1286 : i32 to index
      %swap3A_1288 = arith.index_cast %scan3A_306 : i32 to index
      %swap3A_1289 = arith.constant 176 : index
      %swap3A_1290 = tpu.vector_load %arg8[%swap3A_1287, %swap3A_1288, %swap3A_1289] {strides = array<i32>} : memref<4x16x512xf32, #tpu.memory_space<vmem>>, vector<1x1x16xf32>,
      %swap3A_1291 = vector.shape_cast %swap3A_1290 : vector<1x1x16xf32> to vector<16xf32>
      %swap3A_1292 = vector.shape_cast %get3A_1285 : vector<16xf32> to vector<1x1x16xf32>
      tpu.vector_store %arg8[%swap3A_1287, %swap3A_1288, %swap3A_1289], %swap3A_1292 {strides = array<i32>} : memref<4x16x512xf32, #tpu.memory_space<vmem>>, vector<1x1x16xf32>,
      %get3A_1293 = arith.constant 2 : i32
      %get3A_1294 = arith.index_cast %scan3A_306 : i32 to index
      %get3A_1295 = arith.index_cast %get3A_1293 : i32 to index
      %get3A_1296 = arith.constant 192 : index
      %get3A_1297 = tpu.vector_load %arg6[%get3A_1294, %get3A_1295, %get3A_1296] {strides = array<i32>} : memref<16x4x512xf32, #tpu.memory_space<vmem>>, vector<1x1x16xf32>,
      %get3A_1298 = vector.shape_cast %get3A_1297 : vector<1x1x16xf32> to vector<16xf32>
      %swap3A_1299 = arith.constant 2 : i32
      %swap3A_1300 = arith.index_cast %swap3A_1299 : i32 to index
      %swap3A_1301 = arith.index_cast %scan3A_306 : i32 to index
      %swap3A_1302 = arith.constant 192 : index
      %swap3A_1303 = tpu.vector_load %arg8[%swap3A_1300, %swap3A_1301, %swap3A_1302] {strides = array<i32>} : memref<4x16x512xf32, #tpu.memory_space<vmem>>, vector<1x1x16xf32>,
      %swap3A_1304 = vector.shape_cast %swap3A_1303 : vector<1x1x16xf32> to vector<16xf32>
      %swap3A_1305 = vector.shape_cast %get3A_1298 : vector<16xf32> to vector<1x1x16xf32>
      tpu.vector_store %arg8[%swap3A_1300, %swap3A_1301, %swap3A_1302], %swap3A_1305 {strides = array<i32>} : memref<4x16x512xf32, #tpu.memory_space<vmem>>, vector<1x1x16xf32>,
      %get3A_1306 = arith.constant 2 : i32
      %get3A_1307 = arith.index_cast %scan3A_306 : i32 to index
      %get3A_1308 = arith.index_cast %get3A_1306 : i32 to index
      %get3A_1309 = arith.constant 208 : index
      %get3A_1310 = tpu.vector_load %arg6[%get3A_1307, %get3A_1308, %get3A_1309] {strides = array<i32>} : memref<16x4x512xf32, #tpu.memory_space<vmem>>, vector<1x1x16xf32>,
      %get3A_1311 = vector.shape_cast %get3A_1310 : vector<1x1x16xf32> to vector<16xf32>
      %swap3A_1312 = arith.constant 2 : i32
      %swap3A_1313 = arith.index_cast %swap3A_1312 : i32 to index
      %swap3A_1314 = arith.index_cast %scan3A_306 : i32 to index
      %swap3A_1315 = arith.constant 208 : index
      %swap3A_1316 = tpu.vector_load %arg8[%swap3A_1313, %swap3A_1314, %swap3A_1315] {strides = array<i32>} : memref<4x16x512xf32, #tpu.memory_space<vmem>>, vector<1x1x16xf32>,
      %swap3A_1317 = vector.shape_cast %swap3A_1316 : vector<1x1x16xf32> to vector<16xf32>
      %swap3A_1318 = vector.shape_cast %get3A_1311 : vector<16xf32> to vector<1x1x16xf32>
      tpu.vector_store %arg8[%swap3A_1313, %swap3A_1314, %swap3A_1315], %swap3A_1318 {strides = array<i32>} : memref<4x16x512xf32, #tpu.memory_space<vmem>>, vector<1x1x16xf32>,
      %get3A_1319 = arith.constant 2 : i32
      %get3A_1320 = arith.index_cast %scan3A_306 : i32 to index
      %get3A_1321 = arith.index_cast %get3A_1319 : i32 to index
      %get3A_1322 = arith.constant 224 : index
      %get3A_1323 = tpu.vector_load %arg6[%get3A_1320, %get3A_1321, %get3A_1322] {strides = array<i32>} : memref<16x4x512xf32, #tpu.memory_space<vmem>>, vector<1x1x16xf32>,
      %get3A_1324 = vector.shape_cast %get3A_1323 : vector<1x1x16xf32> to vector<16xf32>
      %swap3A_1325 = arith.constant 2 : i32
      %swap3A_1326 = arith.index_cast %swap3A_1325 : i32 to index
      %swap3A_1327 = arith.index_cast %scan3A_306 : i32 to index
      %swap3A_1328 = arith.constant 224 : index
      %swap3A_1329 = tpu.vector_load %arg8[%swap3A_1326, %swap3A_1327, %swap3A_1328] {strides = array<i32>} : memref<4x16x512xf32, #tpu.memory_space<vmem>>, vector<1x1x16xf32>,
      %swap3A_1330 = vector.shape_cast %swap3A_1329 : vector<1x1x16xf32> to vector<16xf32>
      %swap3A_1331 = vector.shape_cast %get3A_1324 : vector<16xf32> to vector<1x1x16xf32>
      tpu.vector_store %arg8[%swap3A_1326, %swap3A_1327, %swap3A_1328], %swap3A_1331 {strides = array<i32>} : memref<4x16x512xf32, #tpu.memory_space<vmem>>, vector<1x1x16xf32>,
      %get3A_1332 = arith.constant 2 : i32
      %get3A_1333 = arith.index_cast %scan3A_306 : i32 to index
      %get3A_1334 = arith.index_cast %get3A_1332 : i32 to index
      %get3A_1335 = arith.constant 240 : index
      %get3A_1336 = tpu.vector_load %arg6[%get3A_1333, %get3A_1334, %get3A_1335] {strides = array<i32>} : memref<16x4x512xf32, #tpu.memory_space<vmem>>, vector<1x1x16xf32>,
      %get3A_1337 = vector.shape_cast %get3A_1336 : vector<1x1x16xf32> to vector<16xf32>
      %swap3A_1338 = arith.constant 2 : i32
      %swap3A_1339 = arith.index_cast %swap3A_1338 : i32 to index
      %swap3A_1340 = arith.index_cast %scan3A_306 : i32 to index
      %swap3A_1341 = arith.constant 240 : index
      %swap3A_1342 = tpu.vector_load %arg8[%swap3A_1339, %swap3A_1340, %swap3A_1341] {strides = array<i32>} : memref<4x16x512xf32, #tpu.memory_space<vmem>>, vector<1x1x16xf32>,
      %swap3A_1343 = vector.shape_cast %swap3A_1342 : vector<1x1x16xf32> to vector<16xf32>
      %swap3A_1344 = vector.shape_cast %get3A_1337 : vector<16xf32> to vector<1x1x16xf32>
      tpu.vector_store %arg8[%swap3A_1339, %swap3A_1340, %swap3A_1341], %swap3A_1344 {strides = array<i32>} : memref<4x16x512xf32, #tpu.memory_space<vmem>>, vector<1x1x16xf32>,
      %get3A_1345 = arith.constant 2 : i32
      %get3A_1346 = arith.index_cast %scan3A_306 : i32 to index
      %get3A_1347 = arith.index_cast %get3A_1345 : i32 to index
      %get3A_1348 = arith.constant 256 : index
      %get3A_1349 = tpu.vector_load %arg6[%get3A_1346, %get3A_1347, %get3A_1348] {strides = array<i32>} : memref<16x4x512xf32, #tpu.memory_space<vmem>>, vector<1x1x16xf32>,
      %get3A_1350 = vector.shape_cast %get3A_1349 : vector<1x1x16xf32> to vector<16xf32>
      %swap3A_1351 = arith.constant 2 : i32
      %swap3A_1352 = arith.index_cast %swap3A_1351 : i32 to index
      %swap3A_1353 = arith.index_cast %scan3A_306 : i32 to index
      %swap3A_1354 = arith.constant 256 : index
      %swap3A_1355 = tpu.vector_load %arg8[%swap3A_1352, %swap3A_1353, %swap3A_1354] {strides = array<i32>} : memref<4x16x512xf32, #tpu.memory_space<vmem>>, vector<1x1x16xf32>,
      %swap3A_1356 = vector.shape_cast %swap3A_1355 : vector<1x1x16xf32> to vector<16xf32>
      %swap3A_1357 = vector.shape_cast %get3A_1350 : vector<16xf32> to vector<1x1x16xf32>
      tpu.vector_store %arg8[%swap3A_1352, %swap3A_1353, %swap3A_1354], %swap3A_1357 {strides = array<i32>} : memref<4x16x512xf32, #tpu.memory_space<vmem>>, vector<1x1x16xf32>,
      %get3A_1358 = arith.constant 2 : i32
      %get3A_1359 = arith.index_cast %scan3A_306 : i32 to index
      %get3A_1360 = arith.index_cast %get3A_1358 : i32 to index
      %get3A_1361 = arith.constant 272 : index
      %get3A_1362 = tpu.vector_load %arg6[%get3A_1359, %get3A_1360, %get3A_1361] {strides = array<i32>} : memref<16x4x512xf32, #tpu.memory_space<vmem>>, vector<1x1x16xf32>,
      %get3A_1363 = vector.shape_cast %get3A_1362 : vector<1x1x16xf32> to vector<16xf32>
      %swap3A_1364 = arith.constant 2 : i32
      %swap3A_1365 = arith.index_cast %swap3A_1364 : i32 to index
      %swap3A_1366 = arith.index_cast %scan3A_306 : i32 to index
      %swap3A_1367 = arith.constant 272 : index
      %swap3A_1368 = tpu.vector_load %arg8[%swap3A_1365, %swap3A_1366, %swap3A_1367] {strides = array<i32>} : memref<4x16x512xf32, #tpu.memory_space<vmem>>, vector<1x1x16xf32>,
      %swap3A_1369 = vector.shape_cast %swap3A_1368 : vector<1x1x16xf32> to vector<16xf32>
      %swap3A_1370 = vector.shape_cast %get3A_1363 : vector<16xf32> to vector<1x1x16xf32>
      tpu.vector_store %arg8[%swap3A_1365, %swap3A_1366, %swap3A_1367], %swap3A_1370 {strides = array<i32>} : memref<4x16x512xf32, #tpu.memory_space<vmem>>, vector<1x1x16xf32>,
      %get3A_1371 = arith.constant 2 : i32
      %get3A_1372 = arith.index_cast %scan3A_306 : i32 to index
      %get3A_1373 = arith.index_cast %get3A_1371 : i32 to index
      %get3A_1374 = arith.constant 288 : index
      %get3A_1375 = tpu.vector_load %arg6[%get3A_1372, %get3A_1373, %get3A_1374] {strides = array<i32>} : memref<16x4x512xf32, #tpu.memory_space<vmem>>, vector<1x1x16xf32>,
      %get3A_1376 = vector.shape_cast %get3A_1375 : vector<1x1x16xf32> to vector<16xf32>
      %swap3A_1377 = arith.constant 2 : i32
      %swap3A_1378 = arith.index_cast %swap3A_1377 : i32 to index
      %swap3A_1379 = arith.index_cast %scan3A_306 : i32 to index
      %swap3A_1380 = arith.constant 288 : index
      %swap3A_1381 = tpu.vector_load %arg8[%swap3A_1378, %swap3A_1379, %swap3A_1380] {strides = array<i32>} : memref<4x16x512xf32, #tpu.memory_space<vmem>>, vector<1x1x16xf32>,
      %swap3A_1382 = vector.shape_cast %swap3A_1381 : vector<1x1x16xf32> to vector<16xf32>
      %swap3A_1383 = vector.shape_cast %get3A_1376 : vector<16xf32> to vector<1x1x16xf32>
      tpu.vector_store %arg8[%swap3A_1378, %swap3A_1379, %swap3A_1380], %swap3A_1383 {strides = array<i32>} : memref<4x16x512xf32, #tpu.memory_space<vmem>>, vector<1x1x16xf32>,
      %get3A_1384 = arith.constant 2 : i32
      %get3A_1385 = arith.index_cast %scan3A_306 : i32 to index
      %get3A_1386 = arith.index_cast %get3A_1384 : i32 to index
      %get3A_1387 = arith.constant 304 : index
      %get3A_1388 = tpu.vector_load %arg6[%get3A_1385, %get3A_1386, %get3A_1387] {strides = array<i32>} : memref<16x4x512xf32, #tpu.memory_space<vmem>>, vector<1x1x16xf32>,
      %get3A_1389 = vector.shape_cast %get3A_1388 : vector<1x1x16xf32> to vector<16xf32>
      %swap3A_1390 = arith.constant 2 : i32
      %swap3A_1391 = arith.index_cast %swap3A_1390 : i32 to index
      %swap3A_1392 = arith.index_cast %scan3A_306 : i32 to index
      %swap3A_1393 = arith.constant 304 : index
      %swap3A_1394 = tpu.vector_load %arg8[%swap3A_1391, %swap3A_1392, %swap3A_1393] {strides = array<i32>} : memref<4x16x512xf32, #tpu.memory_space<vmem>>, vector<1x1x16xf32>,
      %swap3A_1395 = vector.shape_cast %swap3A_1394 : vector<1x1x16xf32> to vector<16xf32>
      %swap3A_1396 = vector.shape_cast %get3A_1389 : vector<16xf32> to vector<1x1x16xf32>
      tpu.vector_store %arg8[%swap3A_1391, %swap3A_1392, %swap3A_1393], %swap3A_1396 {strides = array<i32>} : memref<4x16x512xf32, #tpu.memory_space<vmem>>, vector<1x1x16xf32>,
      %get3A_1397 = arith.constant 2 : i32
      %get3A_1398 = arith.index_cast %scan3A_306 : i32 to index
      %get3A_1399 = arith.index_cast %get3A_1397 : i32 to index
      %get3A_1400 = arith.constant 320 : index
      %get3A_1401 = tpu.vector_load %arg6[%get3A_1398, %get3A_1399, %get3A_1400] {strides = array<i32>} : memref<16x4x512xf32, #tpu.memory_space<vmem>>, vector<1x1x16xf32>,
      %get3A_1402 = vector.shape_cast %get3A_1401 : vector<1x1x16xf32> to vector<16xf32>
      %swap3A_1403 = arith.constant 2 : i32
      %swap3A_1404 = arith.index_cast %swap3A_1403 : i32 to index
      %swap3A_1405 = arith.index_cast %scan3A_306 : i32 to index
      %swap3A_1406 = arith.constant 320 : index
      %swap3A_1407 = tpu.vector_load %arg8[%swap3A_1404, %swap3A_1405, %swap3A_1406] {strides = array<i32>} : memref<4x16x512xf32, #tpu.memory_space<vmem>>, vector<1x1x16xf32>,
      %swap3A_1408 = vector.shape_cast %swap3A_1407 : vector<1x1x16xf32> to vector<16xf32>
      %swap3A_1409 = vector.shape_cast %get3A_1402 : vector<16xf32> to vector<1x1x16xf32>
      tpu.vector_store %arg8[%swap3A_1404, %swap3A_1405, %swap3A_1406], %swap3A_1409 {strides = array<i32>} : memref<4x16x512xf32, #tpu.memory_space<vmem>>, vector<1x1x16xf32>,
      %get3A_1410 = arith.constant 2 : i32
      %get3A_1411 = arith.index_cast %scan3A_306 : i32 to index
      %get3A_1412 = arith.index_cast %get3A_1410 : i32 to index
      %get3A_1413 = arith.constant 336 : index
      %get3A_1414 = tpu.vector_load %arg6[%get3A_1411, %get3A_1412, %get3A_1413] {strides = array<i32>} : memref<16x4x512xf32, #tpu.memory_space<vmem>>, vector<1x1x16xf32>,
      %get3A_1415 = vector.shape_cast %get3A_1414 : vector<1x1x16xf32> to vector<16xf32>
      %swap3A_1416 = arith.constant 2 : i32
      %swap3A_1417 = arith.index_cast %swap3A_1416 : i32 to index
      %swap3A_1418 = arith.index_cast %scan3A_306 : i32 to index
      %swap3A_1419 = arith.constant 336 : index
      %swap3A_1420 = tpu.vector_load %arg8[%swap3A_1417, %swap3A_1418, %swap3A_1419] {strides = array<i32>} : memref<4x16x512xf32, #tpu.memory_space<vmem>>, vector<1x1x16xf32>,
      %swap3A_1421 = vector.shape_cast %swap3A_1420 : vector<1x1x16xf32> to vector<16xf32>
      %swap3A_1422 = vector.shape_cast %get3A_1415 : vector<16xf32> to vector<1x1x16xf32>
      tpu.vector_store %arg8[%swap3A_1417, %swap3A_1418, %swap3A_1419], %swap3A_1422 {strides = array<i32>} : memref<4x16x512xf32, #tpu.memory_space<vmem>>, vector<1x1x16xf32>,
      %get3A_1423 = arith.constant 2 : i32
      %get3A_1424 = arith.index_cast %scan3A_306 : i32 to index
      %get3A_1425 = arith.index_cast %get3A_1423 : i32 to index
      %get3A_1426 = arith.constant 352 : index
      %get3A_1427 = tpu.vector_load %arg6[%get3A_1424, %get3A_1425, %get3A_1426] {strides = array<i32>} : memref<16x4x512xf32, #tpu.memory_space<vmem>>, vector<1x1x16xf32>,
      %get3A_1428 = vector.shape_cast %get3A_1427 : vector<1x1x16xf32> to vector<16xf32>
      %swap3A_1429 = arith.constant 2 : i32
      %swap3A_1430 = arith.index_cast %swap3A_1429 : i32 to index
      %swap3A_1431 = arith.index_cast %scan3A_306 : i32 to index
      %swap3A_1432 = arith.constant 352 : index
      %swap3A_1433 = tpu.vector_load %arg8[%swap3A_1430, %swap3A_1431, %swap3A_1432] {strides = array<i32>} : memref<4x16x512xf32, #tpu.memory_space<vmem>>, vector<1x1x16xf32>,
      %swap3A_1434 = vector.shape_cast %swap3A_1433 : vector<1x1x16xf32> to vector<16xf32>
      %swap3A_1435 = vector.shape_cast %get3A_1428 : vector<16xf32> to vector<1x1x16xf32>
      tpu.vector_store %arg8[%swap3A_1430, %swap3A_1431, %swap3A_1432], %swap3A_1435 {strides = array<i32>} : memref<4x16x512xf32, #tpu.memory_space<vmem>>, vector<1x1x16xf32>,
      %get3A_1436 = arith.constant 2 : i32
      %get3A_1437 = arith.index_cast %scan3A_306 : i32 to index
      %get3A_1438 = arith.index_cast %get3A_1436 : i32 to index
      %get3A_1439 = arith.constant 368 : index
      %get3A_1440 = tpu.vector_load %arg6[%get3A_1437, %get3A_1438, %get3A_1439] {strides = array<i32>} : memref<16x4x512xf32, #tpu.memory_space<vmem>>, vector<1x1x16xf32>,
      %get3A_1441 = vector.shape_cast %get3A_1440 : vector<1x1x16xf32> to vector<16xf32>
      %swap3A_1442 = arith.constant 2 : i32
      %swap3A_1443 = arith.index_cast %swap3A_1442 : i32 to index
      %swap3A_1444 = arith.index_cast %scan3A_306 : i32 to index
      %swap3A_1445 = arith.constant 368 : index
      %swap3A_1446 = tpu.vector_load %arg8[%swap3A_1443, %swap3A_1444, %swap3A_1445] {strides = array<i32>} : memref<4x16x512xf32, #tpu.memory_space<vmem>>, vector<1x1x16xf32>,
      %swap3A_1447 = vector.shape_cast %swap3A_1446 : vector<1x1x16xf32> to vector<16xf32>
      %swap3A_1448 = vector.shape_cast %get3A_1441 : vector<16xf32> to vector<1x1x16xf32>
      tpu.vector_store %arg8[%swap3A_1443, %swap3A_1444, %swap3A_1445], %swap3A_1448 {strides = array<i32>} : memref<4x16x512xf32, #tpu.memory_space<vmem>>, vector<1x1x16xf32>,
      %get3A_1449 = arith.constant 2 : i32
      %get3A_1450 = arith.index_cast %scan3A_306 : i32 to index
      %get3A_1451 = arith.index_cast %get3A_1449 : i32 to index
      %get3A_1452 = arith.constant 384 : index
      %get3A_1453 = tpu.vector_load %arg6[%get3A_1450, %get3A_1451, %get3A_1452] {strides = array<i32>} : memref<16x4x512xf32, #tpu.memory_space<vmem>>, vector<1x1x16xf32>,
      %get3A_1454 = vector.shape_cast %get3A_1453 : vector<1x1x16xf32> to vector<16xf32>
      %swap3A_1455 = arith.constant 2 : i32
      %swap3A_1456 = arith.index_cast %swap3A_1455 : i32 to index
      %swap3A_1457 = arith.index_cast %scan3A_306 : i32 to index
      %swap3A_1458 = arith.constant 384 : index
      %swap3A_1459 = tpu.vector_load %arg8[%swap3A_1456, %swap3A_1457, %swap3A_1458] {strides = array<i32>} : memref<4x16x512xf32, #tpu.memory_space<vmem>>, vector<1x1x16xf32>,
      %swap3A_1460 = vector.shape_cast %swap3A_1459 : vector<1x1x16xf32> to vector<16xf32>
      %swap3A_1461 = vector.shape_cast %get3A_1454 : vector<16xf32> to vector<1x1x16xf32>
      tpu.vector_store %arg8[%swap3A_1456, %swap3A_1457, %swap3A_1458], %swap3A_1461 {strides = array<i32>} : memref<4x16x512xf32, #tpu.memory_space<vmem>>, vector<1x1x16xf32>,
      %get3A_1462 = arith.constant 2 : i32
      %get3A_1463 = arith.index_cast %scan3A_306 : i32 to index
      %get3A_1464 = arith.index_cast %get3A_1462 : i32 to index
      %get3A_1465 = arith.constant 400 : index
      %get3A_1466 = tpu.vector_load %arg6[%get3A_1463, %get3A_1464, %get3A_1465] {strides = array<i32>} : memref<16x4x512xf32, #tpu.memory_space<vmem>>, vector<1x1x16xf32>,
      %get3A_1467 = vector.shape_cast %get3A_1466 : vector<1x1x16xf32> to vector<16xf32>
      %swap3A_1468 = arith.constant 2 : i32
      %swap3A_1469 = arith.index_cast %swap3A_1468 : i32 to index
      %swap3A_1470 = arith.index_cast %scan3A_306 : i32 to index
      %swap3A_1471 = arith.constant 400 : index
      %swap3A_1472 = tpu.vector_load %arg8[%swap3A_1469, %swap3A_1470, %swap3A_1471] {strides = array<i32>} : memref<4x16x512xf32, #tpu.memory_space<vmem>>, vector<1x1x16xf32>,
      %swap3A_1473 = vector.shape_cast %swap3A_1472 : vector<1x1x16xf32> to vector<16xf32>
      %swap3A_1474 = vector.shape_cast %get3A_1467 : vector<16xf32> to vector<1x1x16xf32>
      tpu.vector_store %arg8[%swap3A_1469, %swap3A_1470, %swap3A_1471], %swap3A_1474 {strides = array<i32>} : memref<4x16x512xf32, #tpu.memory_space<vmem>>, vector<1x1x16xf32>,
      %get3A_1475 = arith.constant 2 : i32
      %get3A_1476 = arith.index_cast %scan3A_306 : i32 to index
      %get3A_1477 = arith.index_cast %get3A_1475 : i32 to index
      %get3A_1478 = arith.constant 416 : index
      %get3A_1479 = tpu.vector_load %arg6[%get3A_1476, %get3A_1477, %get3A_1478] {strides = array<i32>} : memref<16x4x512xf32, #tpu.memory_space<vmem>>, vector<1x1x16xf32>,
      %get3A_1480 = vector.shape_cast %get3A_1479 : vector<1x1x16xf32> to vector<16xf32>
      %swap3A_1481 = arith.constant 2 : i32
      %swap3A_1482 = arith.index_cast %swap3A_1481 : i32 to index
      %swap3A_1483 = arith.index_cast %scan3A_306 : i32 to index
      %swap3A_1484 = arith.constant 416 : index
      %swap3A_1485 = tpu.vector_load %arg8[%swap3A_1482, %swap3A_1483, %swap3A_1484] {strides = array<i32>} : memref<4x16x512xf32, #tpu.memory_space<vmem>>, vector<1x1x16xf32>,
      %swap3A_1486 = vector.shape_cast %swap3A_1485 : vector<1x1x16xf32> to vector<16xf32>
      %swap3A_1487 = vector.shape_cast %get3A_1480 : vector<16xf32> to vector<1x1x16xf32>
      tpu.vector_store %arg8[%swap3A_1482, %swap3A_1483, %swap3A_1484], %swap3A_1487 {strides = array<i32>} : memref<4x16x512xf32, #tpu.memory_space<vmem>>, vector<1x1x16xf32>,
      %get3A_1488 = arith.constant 2 : i32
      %get3A_1489 = arith.index_cast %scan3A_306 : i32 to index
      %get3A_1490 = arith.index_cast %get3A_1488 : i32 to index
      %get3A_1491 = arith.constant 432 : index
      %get3A_1492 = tpu.vector_load %arg6[%get3A_1489, %get3A_1490, %get3A_1491] {strides = array<i32>} : memref<16x4x512xf32, #tpu.memory_space<vmem>>, vector<1x1x16xf32>,
      %get3A_1493 = vector.shape_cast %get3A_1492 : vector<1x1x16xf32> to vector<16xf32>
      %swap3A_1494 = arith.constant 2 : i32
      %swap3A_1495 = arith.index_cast %swap3A_1494 : i32 to index
      %swap3A_1496 = arith.index_cast %scan3A_306 : i32 to index
      %swap3A_1497 = arith.constant 432 : index
      %swap3A_1498 = tpu.vector_load %arg8[%swap3A_1495, %swap3A_1496, %swap3A_1497] {strides = array<i32>} : memref<4x16x512xf32, #tpu.memory_space<vmem>>, vector<1x1x16xf32>,
      %swap3A_1499 = vector.shape_cast %swap3A_1498 : vector<1x1x16xf32> to vector<16xf32>
      %swap3A_1500 = vector.shape_cast %get3A_1493 : vector<16xf32> to vector<1x1x16xf32>
      tpu.vector_store %arg8[%swap3A_1495, %swap3A_1496, %swap3A_1497], %swap3A_1500 {strides = array<i32>} : memref<4x16x512xf32, #tpu.memory_space<vmem>>, vector<1x1x16xf32>,
      %get3A_1501 = arith.constant 2 : i32
      %get3A_1502 = arith.index_cast %scan3A_306 : i32 to index
      %get3A_1503 = arith.index_cast %get3A_1501 : i32 to index
      %get3A_1504 = arith.constant 448 : index
      %get3A_1505 = tpu.vector_load %arg6[%get3A_1502, %get3A_1503, %get3A_1504] {strides = array<i32>} : memref<16x4x512xf32, #tpu.memory_space<vmem>>, vector<1x1x16xf32>,
      %get3A_1506 = vector.shape_cast %get3A_1505 : vector<1x1x16xf32> to vector<16xf32>
      %swap3A_1507 = arith.constant 2 : i32
      %swap3A_1508 = arith.index_cast %swap3A_1507 : i32 to index
      %swap3A_1509 = arith.index_cast %scan3A_306 : i32 to index
      %swap3A_1510 = arith.constant 448 : index
      %swap3A_1511 = tpu.vector_load %arg8[%swap3A_1508, %swap3A_1509, %swap3A_1510] {strides = array<i32>} : memref<4x16x512xf32, #tpu.memory_space<vmem>>, vector<1x1x16xf32>,
      %swap3A_1512 = vector.shape_cast %swap3A_1511 : vector<1x1x16xf32> to vector<16xf32>
      %swap3A_1513 = vector.shape_cast %get3A_1506 : vector<16xf32> to vector<1x1x16xf32>
      tpu.vector_store %arg8[%swap3A_1508, %swap3A_1509, %swap3A_1510], %swap3A_1513 {strides = array<i32>} : memref<4x16x512xf32, #tpu.memory_space<vmem>>, vector<1x1x16xf32>,
      %get3A_1514 = arith.constant 2 : i32
      %get3A_1515 = arith.index_cast %scan3A_306 : i32 to index
      %get3A_1516 = arith.index_cast %get3A_1514 : i32 to index
      %get3A_1517 = arith.constant 464 : index
      %get3A_1518 = tpu.vector_load %arg6[%get3A_1515, %get3A_1516, %get3A_1517] {strides = array<i32>} : memref<16x4x512xf32, #tpu.memory_space<vmem>>, vector<1x1x16xf32>,
      %get3A_1519 = vector.shape_cast %get3A_1518 : vector<1x1x16xf32> to vector<16xf32>
      %swap3A_1520 = arith.constant 2 : i32
      %swap3A_1521 = arith.index_cast %swap3A_1520 : i32 to index
      %swap3A_1522 = arith.index_cast %scan3A_306 : i32 to index
      %swap3A_1523 = arith.constant 464 : index
      %swap3A_1524 = tpu.vector_load %arg8[%swap3A_1521, %swap3A_1522, %swap3A_1523] {strides = array<i32>} : memref<4x16x512xf32, #tpu.memory_space<vmem>>, vector<1x1x16xf32>,
      %swap3A_1525 = vector.shape_cast %swap3A_1524 : vector<1x1x16xf32> to vector<16xf32>
      %swap3A_1526 = vector.shape_cast %get3A_1519 : vector<16xf32> to vector<1x1x16xf32>
      tpu.vector_store %arg8[%swap3A_1521, %swap3A_1522, %swap3A_1523], %swap3A_1526 {strides = array<i32>} : memref<4x16x512xf32, #tpu.memory_space<vmem>>, vector<1x1x16xf32>,
      %get3A_1527 = arith.constant 2 : i32
      %get3A_1528 = arith.index_cast %scan3A_306 : i32 to index
      %get3A_1529 = arith.index_cast %get3A_1527 : i32 to index
      %get3A_1530 = arith.constant 480 : index
      %get3A_1531 = tpu.vector_load %arg6[%get3A_1528, %get3A_1529, %get3A_1530] {strides = array<i32>} : memref<16x4x512xf32, #tpu.memory_space<vmem>>, vector<1x1x16xf32>,
      %get3A_1532 = vector.shape_cast %get3A_1531 : vector<1x1x16xf32> to vector<16xf32>
      %swap3A_1533 = arith.constant 2 : i32
      %swap3A_1534 = arith.index_cast %swap3A_1533 : i32 to index
      %swap3A_1535 = arith.index_cast %scan3A_306 : i32 to index
      %swap3A_1536 = arith.constant 480 : index
      %swap3A_1537 = tpu.vector_load %arg8[%swap3A_1534, %swap3A_1535, %swap3A_1536] {strides = array<i32>} : memref<4x16x512xf32, #tpu.memory_space<vmem>>, vector<1x1x16xf32>,
      %swap3A_1538 = vector.shape_cast %swap3A_1537 : vector<1x1x16xf32> to vector<16xf32>
      %swap3A_1539 = vector.shape_cast %get3A_1532 : vector<16xf32> to vector<1x1x16xf32>
      tpu.vector_store %arg8[%swap3A_1534, %swap3A_1535, %swap3A_1536], %swap3A_1539 {strides = array<i32>} : memref<4x16x512xf32, #tpu.memory_space<vmem>>, vector<1x1x16xf32>,
      %get3A_1540 = arith.constant 2 : i32
      %get3A_1541 = arith.index_cast %scan3A_306 : i32 to index
      %get3A_1542 = arith.index_cast %get3A_1540 : i32 to index
      %get3A_1543 = arith.constant 496 : index
      %get3A_1544 = tpu.vector_load %arg6[%get3A_1541, %get3A_1542, %get3A_1543] {strides = array<i32>} : memref<16x4x512xf32, #tpu.memory_space<vmem>>, vector<1x1x16xf32>,
      %get3A_1545 = vector.shape_cast %get3A_1544 : vector<1x1x16xf32> to vector<16xf32>
      %swap3A_1546 = arith.constant 2 : i32
      %swap3A_1547 = arith.index_cast %swap3A_1546 : i32 to index
      %swap3A_1548 = arith.index_cast %scan3A_306 : i32 to index
      %swap3A_1549 = arith.constant 496 : index
      %swap3A_1550 = tpu.vector_load %arg8[%swap3A_1547, %swap3A_1548, %swap3A_1549] {strides = array<i32>} : memref<4x16x512xf32, #tpu.memory_space<vmem>>, vector<1x1x16xf32>,
      %swap3A_1551 = vector.shape_cast %swap3A_1550 : vector<1x1x16xf32> to vector<16xf32>
      %swap3A_1552 = vector.shape_cast %get3A_1545 : vector<16xf32> to vector<1x1x16xf32>
      tpu.vector_store %arg8[%swap3A_1547, %swap3A_1548, %swap3A_1549], %swap3A_1552 {strides = array<i32>} : memref<4x16x512xf32, #tpu.memory_space<vmem>>, vector<1x1x16xf32>,
      %get3A_1553 = arith.constant 3 : i32
      %get3A_1554 = arith.index_cast %scan3A_306 : i32 to index
      %get3A_1555 = arith.index_cast %get3A_1553 : i32 to index
      %get3A_1556 = arith.constant 0 : index
      %get3A_1557 = tpu.vector_load %arg6[%get3A_1554, %get3A_1555, %get3A_1556] {strides = array<i32>} : memref<16x4x512xf32, #tpu.memory_space<vmem>>, vector<1x1x16xf32>,
      %get3A_1558 = vector.shape_cast %get3A_1557 : vector<1x1x16xf32> to vector<16xf32>
      %swap3A_1559 = arith.constant 3 : i32
      %swap3A_1560 = arith.index_cast %swap3A_1559 : i32 to index
      %swap3A_1561 = arith.index_cast %scan3A_306 : i32 to index
      %swap3A_1562 = arith.constant 0 : index
      %swap3A_1563 = tpu.vector_load %arg8[%swap3A_1560, %swap3A_1561, %swap3A_1562] {strides = array<i32>} : memref<4x16x512xf32, #tpu.memory_space<vmem>>, vector<1x1x16xf32>,
      %swap3A_1564 = vector.shape_cast %swap3A_1563 : vector<1x1x16xf32> to vector<16xf32>
      %swap3A_1565 = vector.shape_cast %get3A_1558 : vector<16xf32> to vector<1x1x16xf32>
      tpu.vector_store %arg8[%swap3A_1560, %swap3A_1561, %swap3A_1562], %swap3A_1565 {strides = array<i32>} : memref<4x16x512xf32, #tpu.memory_space<vmem>>, vector<1x1x16xf32>,
      %get3A_1566 = arith.constant 3 : i32
      %get3A_1567 = arith.index_cast %scan3A_306 : i32 to index
      %get3A_1568 = arith.index_cast %get3A_1566 : i32 to index
      %get3A_1569 = arith.constant 16 : index
      %get3A_1570 = tpu.vector_load %arg6[%get3A_1567, %get3A_1568, %get3A_1569] {strides = array<i32>} : memref<16x4x512xf32, #tpu.memory_space<vmem>>, vector<1x1x16xf32>,
      %get3A_1571 = vector.shape_cast %get3A_1570 : vector<1x1x16xf32> to vector<16xf32>
      %swap3A_1572 = arith.constant 3 : i32
      %swap3A_1573 = arith.index_cast %swap3A_1572 : i32 to index
      %swap3A_1574 = arith.index_cast %scan3A_306 : i32 to index
      %swap3A_1575 = arith.constant 16 : index
      %swap3A_1576 = tpu.vector_load %arg8[%swap3A_1573, %swap3A_1574, %swap3A_1575] {strides = array<i32>} : memref<4x16x512xf32, #tpu.memory_space<vmem>>, vector<1x1x16xf32>,
      %swap3A_1577 = vector.shape_cast %swap3A_1576 : vector<1x1x16xf32> to vector<16xf32>
      %swap3A_1578 = vector.shape_cast %get3A_1571 : vector<16xf32> to vector<1x1x16xf32>
      tpu.vector_store %arg8[%swap3A_1573, %swap3A_1574, %swap3A_1575], %swap3A_1578 {strides = array<i32>} : memref<4x16x512xf32, #tpu.memory_space<vmem>>, vector<1x1x16xf32>,
      %get3A_1579 = arith.constant 3 : i32
      %get3A_1580 = arith.index_cast %scan3A_306 : i32 to index
      %get3A_1581 = arith.index_cast %get3A_1579 : i32 to index
      %get3A_1582 = arith.constant 32 : index
      %get3A_1583 = tpu.vector_load %arg6[%get3A_1580, %get3A_1581, %get3A_1582] {strides = array<i32>} : memref<16x4x512xf32, #tpu.memory_space<vmem>>, vector<1x1x16xf32>,
      %get3A_1584 = vector.shape_cast %get3A_1583 : vector<1x1x16xf32> to vector<16xf32>
      %swap3A_1585 = arith.constant 3 : i32
      %swap3A_1586 = arith.index_cast %swap3A_1585 : i32 to index
      %swap3A_1587 = arith.index_cast %scan3A_306 : i32 to index
      %swap3A_1588 = arith.constant 32 : index
      %swap3A_1589 = tpu.vector_load %arg8[%swap3A_1586, %swap3A_1587, %swap3A_1588] {strides = array<i32>} : memref<4x16x512xf32, #tpu.memory_space<vmem>>, vector<1x1x16xf32>,
      %swap3A_1590 = vector.shape_cast %swap3A_1589 : vector<1x1x16xf32> to vector<16xf32>
      %swap3A_1591 = vector.shape_cast %get3A_1584 : vector<16xf32> to vector<1x1x16xf32>
      tpu.vector_store %arg8[%swap3A_1586, %swap3A_1587, %swap3A_1588], %swap3A_1591 {strides = array<i32>} : memref<4x16x512xf32, #tpu.memory_space<vmem>>, vector<1x1x16xf32>,
      %get3A_1592 = arith.constant 3 : i32
      %get3A_1593 = arith.index_cast %scan3A_306 : i32 to index
      %get3A_1594 = arith.index_cast %get3A_1592 : i32 to index
      %get3A_1595 = arith.constant 48 : index
      %get3A_1596 = tpu.vector_load %arg6[%get3A_1593, %get3A_1594, %get3A_1595] {strides = array<i32>} : memref<16x4x512xf32, #tpu.memory_space<vmem>>, vector<1x1x16xf32>,
      %get3A_1597 = vector.shape_cast %get3A_1596 : vector<1x1x16xf32> to vector<16xf32>
      %swap3A_1598 = arith.constant 3 : i32
      %swap3A_1599 = arith.index_cast %swap3A_1598 : i32 to index
      %swap3A_1600 = arith.index_cast %scan3A_306 : i32 to index
      %swap3A_1601 = arith.constant 48 : index
      %swap3A_1602 = tpu.vector_load %arg8[%swap3A_1599, %swap3A_1600, %swap3A_1601] {strides = array<i32>} : memref<4x16x512xf32, #tpu.memory_space<vmem>>, vector<1x1x16xf32>,
      %swap3A_1603 = vector.shape_cast %swap3A_1602 : vector<1x1x16xf32> to vector<16xf32>
      %swap3A_1604 = vector.shape_cast %get3A_1597 : vector<16xf32> to vector<1x1x16xf32>
      tpu.vector_store %arg8[%swap3A_1599, %swap3A_1600, %swap3A_1601], %swap3A_1604 {strides = array<i32>} : memref<4x16x512xf32, #tpu.memory_space<vmem>>, vector<1x1x16xf32>,
      %get3A_1605 = arith.constant 3 : i32
      %get3A_1606 = arith.index_cast %scan3A_306 : i32 to index
      %get3A_1607 = arith.index_cast %get3A_1605 : i32 to index
      %get3A_1608 = arith.constant 64 : index
      %get3A_1609 = tpu.vector_load %arg6[%get3A_1606, %get3A_1607, %get3A_1608] {strides = array<i32>} : memref<16x4x512xf32, #tpu.memory_space<vmem>>, vector<1x1x16xf32>,
      %get3A_1610 = vector.shape_cast %get3A_1609 : vector<1x1x16xf32> to vector<16xf32>
      %swap3A_1611 = arith.constant 3 : i32
      %swap3A_1612 = arith.index_cast %swap3A_1611 : i32 to index
      %swap3A_1613 = arith.index_cast %scan3A_306 : i32 to index
      %swap3A_1614 = arith.constant 64 : index
      %swap3A_1615 = tpu.vector_load %arg8[%swap3A_1612, %swap3A_1613, %swap3A_1614] {strides = array<i32>} : memref<4x16x512xf32, #tpu.memory_space<vmem>>, vector<1x1x16xf32>,
      %swap3A_1616 = vector.shape_cast %swap3A_1615 : vector<1x1x16xf32> to vector<16xf32>
      %swap3A_1617 = vector.shape_cast %get3A_1610 : vector<16xf32> to vector<1x1x16xf32>
      tpu.vector_store %arg8[%swap3A_1612, %swap3A_1613, %swap3A_1614], %swap3A_1617 {strides = array<i32>} : memref<4x16x512xf32, #tpu.memory_space<vmem>>, vector<1x1x16xf32>,
      %get3A_1618 = arith.constant 3 : i32
      %get3A_1619 = arith.index_cast %scan3A_306 : i32 to index
      %get3A_1620 = arith.index_cast %get3A_1618 : i32 to index
      %get3A_1621 = arith.constant 80 : index
      %get3A_1622 = tpu.vector_load %arg6[%get3A_1619, %get3A_1620, %get3A_1621] {strides = array<i32>} : memref<16x4x512xf32, #tpu.memory_space<vmem>>, vector<1x1x16xf32>,
      %get3A_1623 = vector.shape_cast %get3A_1622 : vector<1x1x16xf32> to vector<16xf32>
      %swap3A_1624 = arith.constant 3 : i32
      %swap3A_1625 = arith.index_cast %swap3A_1624 : i32 to index
      %swap3A_1626 = arith.index_cast %scan3A_306 : i32 to index
      %swap3A_1627 = arith.constant 80 : index
      %swap3A_1628 = tpu.vector_load %arg8[%swap3A_1625, %swap3A_1626, %swap3A_1627] {strides = array<i32>} : memref<4x16x512xf32, #tpu.memory_space<vmem>>, vector<1x1x16xf32>,
      %swap3A_1629 = vector.shape_cast %swap3A_1628 : vector<1x1x16xf32> to vector<16xf32>
      %swap3A_1630 = vector.shape_cast %get3A_1623 : vector<16xf32> to vector<1x1x16xf32>
      tpu.vector_store %arg8[%swap3A_1625, %swap3A_1626, %swap3A_1627], %swap3A_1630 {strides = array<i32>} : memref<4x16x512xf32, #tpu.memory_space<vmem>>, vector<1x1x16xf32>,
      %get3A_1631 = arith.constant 3 : i32
      %get3A_1632 = arith.index_cast %scan3A_306 : i32 to index
      %get3A_1633 = arith.index_cast %get3A_1631 : i32 to index
      %get3A_1634 = arith.constant 96 : index
      %get3A_1635 = tpu.vector_load %arg6[%get3A_1632, %get3A_1633, %get3A_1634] {strides = array<i32>} : memref<16x4x512xf32, #tpu.memory_space<vmem>>, vector<1x1x16xf32>,
      %get3A_1636 = vector.shape_cast %get3A_1635 : vector<1x1x16xf32> to vector<16xf32>
      %swap3A_1637 = arith.constant 3 : i32
      %swap3A_1638 = arith.index_cast %swap3A_1637 : i32 to index
      %swap3A_1639 = arith.index_cast %scan3A_306 : i32 to index
      %swap3A_1640 = arith.constant 96 : index
      %swap3A_1641 = tpu.vector_load %arg8[%swap3A_1638, %swap3A_1639, %swap3A_1640] {strides = array<i32>} : memref<4x16x512xf32, #tpu.memory_space<vmem>>, vector<1x1x16xf32>,
      %swap3A_1642 = vector.shape_cast %swap3A_1641 : vector<1x1x16xf32> to vector<16xf32>
      %swap3A_1643 = vector.shape_cast %get3A_1636 : vector<16xf32> to vector<1x1x16xf32>
      tpu.vector_store %arg8[%swap3A_1638, %swap3A_1639, %swap3A_1640], %swap3A_1643 {strides = array<i32>} : memref<4x16x512xf32, #tpu.memory_space<vmem>>, vector<1x1x16xf32>,
      %get3A_1644 = arith.constant 3 : i32
      %get3A_1645 = arith.index_cast %scan3A_306 : i32 to index
      %get3A_1646 = arith.index_cast %get3A_1644 : i32 to index
      %get3A_1647 = arith.constant 112 : index
      %get3A_1648 = tpu.vector_load %arg6[%get3A_1645, %get3A_1646, %get3A_1647] {strides = array<i32>} : memref<16x4x512xf32, #tpu.memory_space<vmem>>, vector<1x1x16xf32>,
      %get3A_1649 = vector.shape_cast %get3A_1648 : vector<1x1x16xf32> to vector<16xf32>
      %swap3A_1650 = arith.constant 3 : i32
      %swap3A_1651 = arith.index_cast %swap3A_1650 : i32 to index
      %swap3A_1652 = arith.index_cast %scan3A_306 : i32 to index
      %swap3A_1653 = arith.constant 112 : index
      %swap3A_1654 = tpu.vector_load %arg8[%swap3A_1651, %swap3A_1652, %swap3A_1653] {strides = array<i32>} : memref<4x16x512xf32, #tpu.memory_space<vmem>>, vector<1x1x16xf32>,
      %swap3A_1655 = vector.shape_cast %swap3A_1654 : vector<1x1x16xf32> to vector<16xf32>
      %swap3A_1656 = vector.shape_cast %get3A_1649 : vector<16xf32> to vector<1x1x16xf32>
      tpu.vector_store %arg8[%swap3A_1651, %swap3A_1652, %swap3A_1653], %swap3A_1656 {strides = array<i32>} : memref<4x16x512xf32, #tpu.memory_space<vmem>>, vector<1x1x16xf32>,
      %get3A_1657 = arith.constant 3 : i32
      %get3A_1658 = arith.index_cast %scan3A_306 : i32 to index
      %get3A_1659 = arith.index_cast %get3A_1657 : i32 to index
      %get3A_1660 = arith.constant 128 : index
      %get3A_1661 = tpu.vector_load %arg6[%get3A_1658, %get3A_1659, %get3A_1660] {strides = array<i32>} : memref<16x4x512xf32, #tpu.memory_space<vmem>>, vector<1x1x16xf32>,
      %get3A_1662 = vector.shape_cast %get3A_1661 : vector<1x1x16xf32> to vector<16xf32>
      %swap3A_1663 = arith.constant 3 : i32
      %swap3A_1664 = arith.index_cast %swap3A_1663 : i32 to index
      %swap3A_1665 = arith.index_cast %scan3A_306 : i32 to index
      %swap3A_1666 = arith.constant 128 : index
      %swap3A_1667 = tpu.vector_load %arg8[%swap3A_1664, %swap3A_1665, %swap3A_1666] {strides = array<i32>} : memref<4x16x512xf32, #tpu.memory_space<vmem>>, vector<1x1x16xf32>,
      %swap3A_1668 = vector.shape_cast %swap3A_1667 : vector<1x1x16xf32> to vector<16xf32>
      %swap3A_1669 = vector.shape_cast %get3A_1662 : vector<16xf32> to vector<1x1x16xf32>
      tpu.vector_store %arg8[%swap3A_1664, %swap3A_1665, %swap3A_1666], %swap3A_1669 {strides = array<i32>} : memref<4x16x512xf32, #tpu.memory_space<vmem>>, vector<1x1x16xf32>,
      %get3A_1670 = arith.constant 3 : i32
      %get3A_1671 = arith.index_cast %scan3A_306 : i32 to index
      %get3A_1672 = arith.index_cast %get3A_1670 : i32 to index
      %get3A_1673 = arith.constant 144 : index
      %get3A_1674 = tpu.vector_load %arg6[%get3A_1671, %get3A_1672, %get3A_1673] {strides = array<i32>} : memref<16x4x512xf32, #tpu.memory_space<vmem>>, vector<1x1x16xf32>,
      %get3A_1675 = vector.shape_cast %get3A_1674 : vector<1x1x16xf32> to vector<16xf32>
      %swap3A_1676 = arith.constant 3 : i32
      %swap3A_1677 = arith.index_cast %swap3A_1676 : i32 to index
      %swap3A_1678 = arith.index_cast %scan3A_306 : i32 to index
      %swap3A_1679 = arith.constant 144 : index
      %swap3A_1680 = tpu.vector_load %arg8[%swap3A_1677, %swap3A_1678, %swap3A_1679] {strides = array<i32>} : memref<4x16x512xf32, #tpu.memory_space<vmem>>, vector<1x1x16xf32>,
      %swap3A_1681 = vector.shape_cast %swap3A_1680 : vector<1x1x16xf32> to vector<16xf32>
      %swap3A_1682 = vector.shape_cast %get3A_1675 : vector<16xf32> to vector<1x1x16xf32>
      tpu.vector_store %arg8[%swap3A_1677, %swap3A_1678, %swap3A_1679], %swap3A_1682 {strides = array<i32>} : memref<4x16x512xf32, #tpu.memory_space<vmem>>, vector<1x1x16xf32>,
      %get3A_1683 = arith.constant 3 : i32
      %get3A_1684 = arith.index_cast %scan3A_306 : i32 to index
      %get3A_1685 = arith.index_cast %get3A_1683 : i32 to index
      %get3A_1686 = arith.constant 160 : index
      %get3A_1687 = tpu.vector_load %arg6[%get3A_1684, %get3A_1685, %get3A_1686] {strides = array<i32>} : memref<16x4x512xf32, #tpu.memory_space<vmem>>, vector<1x1x16xf32>,
      %get3A_1688 = vector.shape_cast %get3A_1687 : vector<1x1x16xf32> to vector<16xf32>
      %swap3A_1689 = arith.constant 3 : i32
      %swap3A_1690 = arith.index_cast %swap3A_1689 : i32 to index
      %swap3A_1691 = arith.index_cast %scan3A_306 : i32 to index
      %swap3A_1692 = arith.constant 160 : index
      %swap3A_1693 = tpu.vector_load %arg8[%swap3A_1690, %swap3A_1691, %swap3A_1692] {strides = array<i32>} : memref<4x16x512xf32, #tpu.memory_space<vmem>>, vector<1x1x16xf32>,
      %swap3A_1694 = vector.shape_cast %swap3A_1693 : vector<1x1x16xf32> to vector<16xf32>
      %swap3A_1695 = vector.shape_cast %get3A_1688 : vector<16xf32> to vector<1x1x16xf32>
      tpu.vector_store %arg8[%swap3A_1690, %swap3A_1691, %swap3A_1692], %swap3A_1695 {strides = array<i32>} : memref<4x16x512xf32, #tpu.memory_space<vmem>>, vector<1x1x16xf32>,
      %get3A_1696 = arith.constant 3 : i32
      %get3A_1697 = arith.index_cast %scan3A_306 : i32 to index
      %get3A_1698 = arith.index_cast %get3A_1696 : i32 to index
      %get3A_1699 = arith.constant 176 : index
      %get3A_1700 = tpu.vector_load %arg6[%get3A_1697, %get3A_1698, %get3A_1699] {strides = array<i32>} : memref<16x4x512xf32, #tpu.memory_space<vmem>>, vector<1x1x16xf32>,
      %get3A_1701 = vector.shape_cast %get3A_1700 : vector<1x1x16xf32> to vector<16xf32>
      %swap3A_1702 = arith.constant 3 : i32
      %swap3A_1703 = arith.index_cast %swap3A_1702 : i32 to index
      %swap3A_1704 = arith.index_cast %scan3A_306 : i32 to index
      %swap3A_1705 = arith.constant 176 : index
      %swap3A_1706 = tpu.vector_load %arg8[%swap3A_1703, %swap3A_1704, %swap3A_1705] {strides = array<i32>} : memref<4x16x512xf32, #tpu.memory_space<vmem>>, vector<1x1x16xf32>,
      %swap3A_1707 = vector.shape_cast %swap3A_1706 : vector<1x1x16xf32> to vector<16xf32>
      %swap3A_1708 = vector.shape_cast %get3A_1701 : vector<16xf32> to vector<1x1x16xf32>
      tpu.vector_store %arg8[%swap3A_1703, %swap3A_1704, %swap3A_1705], %swap3A_1708 {strides = array<i32>} : memref<4x16x512xf32, #tpu.memory_space<vmem>>, vector<1x1x16xf32>,
      %get3A_1709 = arith.constant 3 : i32
      %get3A_1710 = arith.index_cast %scan3A_306 : i32 to index
      %get3A_1711 = arith.index_cast %get3A_1709 : i32 to index
      %get3A_1712 = arith.constant 192 : index
      %get3A_1713 = tpu.vector_load %arg6[%get3A_1710, %get3A_1711, %get3A_1712] {strides = array<i32>} : memref<16x4x512xf32, #tpu.memory_space<vmem>>, vector<1x1x16xf32>,
      %get3A_1714 = vector.shape_cast %get3A_1713 : vector<1x1x16xf32> to vector<16xf32>
      %swap3A_1715 = arith.constant 3 : i32
      %swap3A_1716 = arith.index_cast %swap3A_1715 : i32 to index
      %swap3A_1717 = arith.index_cast %scan3A_306 : i32 to index
      %swap3A_1718 = arith.constant 192 : index
      %swap3A_1719 = tpu.vector_load %arg8[%swap3A_1716, %swap3A_1717, %swap3A_1718] {strides = array<i32>} : memref<4x16x512xf32, #tpu.memory_space<vmem>>, vector<1x1x16xf32>,
      %swap3A_1720 = vector.shape_cast %swap3A_1719 : vector<1x1x16xf32> to vector<16xf32>
      %swap3A_1721 = vector.shape_cast %get3A_1714 : vector<16xf32> to vector<1x1x16xf32>
      tpu.vector_store %arg8[%swap3A_1716, %swap3A_1717, %swap3A_1718], %swap3A_1721 {strides = array<i32>} : memref<4x16x512xf32, #tpu.memory_space<vmem>>, vector<1x1x16xf32>,
      %get3A_1722 = arith.constant 3 : i32
      %get3A_1723 = arith.index_cast %scan3A_306 : i32 to index
      %get3A_1724 = arith.index_cast %get3A_1722 : i32 to index
      %get3A_1725 = arith.constant 208 : index
      %get3A_1726 = tpu.vector_load %arg6[%get3A_1723, %get3A_1724, %get3A_1725] {strides = array<i32>} : memref<16x4x512xf32, #tpu.memory_space<vmem>>, vector<1x1x16xf32>,
      %get3A_1727 = vector.shape_cast %get3A_1726 : vector<1x1x16xf32> to vector<16xf32>
      %swap3A_1728 = arith.constant 3 : i32
      %swap3A_1729 = arith.index_cast %swap3A_1728 : i32 to index
      %swap3A_1730 = arith.index_cast %scan3A_306 : i32 to index
      %swap3A_1731 = arith.constant 208 : index
      %swap3A_1732 = tpu.vector_load %arg8[%swap3A_1729, %swap3A_1730, %swap3A_1731] {strides = array<i32>} : memref<4x16x512xf32, #tpu.memory_space<vmem>>, vector<1x1x16xf32>,
      %swap3A_1733 = vector.shape_cast %swap3A_1732 : vector<1x1x16xf32> to vector<16xf32>
      %swap3A_1734 = vector.shape_cast %get3A_1727 : vector<16xf32> to vector<1x1x16xf32>
      tpu.vector_store %arg8[%swap3A_1729, %swap3A_1730, %swap3A_1731], %swap3A_1734 {strides = array<i32>} : memref<4x16x512xf32, #tpu.memory_space<vmem>>, vector<1x1x16xf32>,
      %get3A_1735 = arith.constant 3 : i32
      %get3A_1736 = arith.index_cast %scan3A_306 : i32 to index
      %get3A_1737 = arith.index_cast %get3A_1735 : i32 to index
      %get3A_1738 = arith.constant 224 : index
      %get3A_1739 = tpu.vector_load %arg6[%get3A_1736, %get3A_1737, %get3A_1738] {strides = array<i32>} : memref<16x4x512xf32, #tpu.memory_space<vmem>>, vector<1x1x16xf32>,
      %get3A_1740 = vector.shape_cast %get3A_1739 : vector<1x1x16xf32> to vector<16xf32>
      %swap3A_1741 = arith.constant 3 : i32
      %swap3A_1742 = arith.index_cast %swap3A_1741 : i32 to index
      %swap3A_1743 = arith.index_cast %scan3A_306 : i32 to index
      %swap3A_1744 = arith.constant 224 : index
      %swap3A_1745 = tpu.vector_load %arg8[%swap3A_1742, %swap3A_1743, %swap3A_1744] {strides = array<i32>} : memref<4x16x512xf32, #tpu.memory_space<vmem>>, vector<1x1x16xf32>,
      %swap3A_1746 = vector.shape_cast %swap3A_1745 : vector<1x1x16xf32> to vector<16xf32>
      %swap3A_1747 = vector.shape_cast %get3A_1740 : vector<16xf32> to vector<1x1x16xf32>
      tpu.vector_store %arg8[%swap3A_1742, %swap3A_1743, %swap3A_1744], %swap3A_1747 {strides = array<i32>} : memref<4x16x512xf32, #tpu.memory_space<vmem>>, vector<1x1x16xf32>,
      %get3A_1748 = arith.constant 3 : i32
      %get3A_1749 = arith.index_cast %scan3A_306 : i32 to index
      %get3A_1750 = arith.index_cast %get3A_1748 : i32 to index
      %get3A_1751 = arith.constant 240 : index
      %get3A_1752 = tpu.vector_load %arg6[%get3A_1749, %get3A_1750, %get3A_1751] {strides = array<i32>} : memref<16x4x512xf32, #tpu.memory_space<vmem>>, vector<1x1x16xf32>,
      %get3A_1753 = vector.shape_cast %get3A_1752 : vector<1x1x16xf32> to vector<16xf32>
      %swap3A_1754 = arith.constant 3 : i32
      %swap3A_1755 = arith.index_cast %swap3A_1754 : i32 to index
      %swap3A_1756 = arith.index_cast %scan3A_306 : i32 to index
      %swap3A_1757 = arith.constant 240 : index
      %swap3A_1758 = tpu.vector_load %arg8[%swap3A_1755, %swap3A_1756, %swap3A_1757] {strides = array<i32>} : memref<4x16x512xf32, #tpu.memory_space<vmem>>, vector<1x1x16xf32>,
      %swap3A_1759 = vector.shape_cast %swap3A_1758 : vector<1x1x16xf32> to vector<16xf32>
      %swap3A_1760 = vector.shape_cast %get3A_1753 : vector<16xf32> to vector<1x1x16xf32>
      tpu.vector_store %arg8[%swap3A_1755, %swap3A_1756, %swap3A_1757], %swap3A_1760 {strides = array<i32>} : memref<4x16x512xf32, #tpu.memory_space<vmem>>, vector<1x1x16xf32>,
      %get3A_1761 = arith.constant 3 : i32
      %get3A_1762 = arith.index_cast %scan3A_306 : i32 to index
      %get3A_1763 = arith.index_cast %get3A_1761 : i32 to index
      %get3A_1764 = arith.constant 256 : index
      %get3A_1765 = tpu.vector_load %arg6[%get3A_1762, %get3A_1763, %get3A_1764] {strides = array<i32>} : memref<16x4x512xf32, #tpu.memory_space<vmem>>, vector<1x1x16xf32>,
      %get3A_1766 = vector.shape_cast %get3A_1765 : vector<1x1x16xf32> to vector<16xf32>
      %swap3A_1767 = arith.constant 3 : i32
      %swap3A_1768 = arith.index_cast %swap3A_1767 : i32 to index
      %swap3A_1769 = arith.index_cast %scan3A_306 : i32 to index
      %swap3A_1770 = arith.constant 256 : index
      %swap3A_1771 = tpu.vector_load %arg8[%swap3A_1768, %swap3A_1769, %swap3A_1770] {strides = array<i32>} : memref<4x16x512xf32, #tpu.memory_space<vmem>>, vector<1x1x16xf32>,
      %swap3A_1772 = vector.shape_cast %swap3A_1771 : vector<1x1x16xf32> to vector<16xf32>
      %swap3A_1773 = vector.shape_cast %get3A_1766 : vector<16xf32> to vector<1x1x16xf32>
      tpu.vector_store %arg8[%swap3A_1768, %swap3A_1769, %swap3A_1770], %swap3A_1773 {strides = array<i32>} : memref<4x16x512xf32, #tpu.memory_space<vmem>>, vector<1x1x16xf32>,
      %get3A_1774 = arith.constant 3 : i32
      %get3A_1775 = arith.index_cast %scan3A_306 : i32 to index
      %get3A_1776 = arith.index_cast %get3A_1774 : i32 to index
      %get3A_1777 = arith.constant 272 : index
      %get3A_1778 = tpu.vector_load %arg6[%get3A_1775, %get3A_1776, %get3A_1777] {strides = array<i32>} : memref<16x4x512xf32, #tpu.memory_space<vmem>>, vector<1x1x16xf32>,
      %get3A_1779 = vector.shape_cast %get3A_1778 : vector<1x1x16xf32> to vector<16xf32>
      %swap3A_1780 = arith.constant 3 : i32
      %swap3A_1781 = arith.index_cast %swap3A_1780 : i32 to index
      %swap3A_1782 = arith.index_cast %scan3A_306 : i32 to index
      %swap3A_1783 = arith.constant 272 : index
      %swap3A_1784 = tpu.vector_load %arg8[%swap3A_1781, %swap3A_1782, %swap3A_1783] {strides = array<i32>} : memref<4x16x512xf32, #tpu.memory_space<vmem>>, vector<1x1x16xf32>,
      %swap3A_1785 = vector.shape_cast %swap3A_1784 : vector<1x1x16xf32> to vector<16xf32>
      %swap3A_1786 = vector.shape_cast %get3A_1779 : vector<16xf32> to vector<1x1x16xf32>
      tpu.vector_store %arg8[%swap3A_1781, %swap3A_1782, %swap3A_1783], %swap3A_1786 {strides = array<i32>} : memref<4x16x512xf32, #tpu.memory_space<vmem>>, vector<1x1x16xf32>,
      %get3A_1787 = arith.constant 3 : i32
      %get3A_1788 = arith.index_cast %scan3A_306 : i32 to index
      %get3A_1789 = arith.index_cast %get3A_1787 : i32 to index
      %get3A_1790 = arith.constant 288 : index
      %get3A_1791 = tpu.vector_load %arg6[%get3A_1788, %get3A_1789, %get3A_1790] {strides = array<i32>} : memref<16x4x512xf32, #tpu.memory_space<vmem>>, vector<1x1x16xf32>,
      %get3A_1792 = vector.shape_cast %get3A_1791 : vector<1x1x16xf32> to vector<16xf32>
      %swap3A_1793 = arith.constant 3 : i32
      %swap3A_1794 = arith.index_cast %swap3A_1793 : i32 to index
      %swap3A_1795 = arith.index_cast %scan3A_306 : i32 to index
      %swap3A_1796 = arith.constant 288 : index
      %swap3A_1797 = tpu.vector_load %arg8[%swap3A_1794, %swap3A_1795, %swap3A_1796] {strides = array<i32>} : memref<4x16x512xf32, #tpu.memory_space<vmem>>, vector<1x1x16xf32>,
      %swap3A_1798 = vector.shape_cast %swap3A_1797 : vector<1x1x16xf32> to vector<16xf32>
      %swap3A_1799 = vector.shape_cast %get3A_1792 : vector<16xf32> to vector<1x1x16xf32>
      tpu.vector_store %arg8[%swap3A_1794, %swap3A_1795, %swap3A_1796], %swap3A_1799 {strides = array<i32>} : memref<4x16x512xf32, #tpu.memory_space<vmem>>, vector<1x1x16xf32>,
      %get3A_1800 = arith.constant 3 : i32
      %get3A_1801 = arith.index_cast %scan3A_306 : i32 to index
      %get3A_1802 = arith.index_cast %get3A_1800 : i32 to index
      %get3A_1803 = arith.constant 304 : index
      %get3A_1804 = tpu.vector_load %arg6[%get3A_1801, %get3A_1802, %get3A_1803] {strides = array<i32>} : memref<16x4x512xf32, #tpu.memory_space<vmem>>, vector<1x1x16xf32>,
      %get3A_1805 = vector.shape_cast %get3A_1804 : vector<1x1x16xf32> to vector<16xf32>
      %swap3A_1806 = arith.constant 3 : i32
      %swap3A_1807 = arith.index_cast %swap3A_1806 : i32 to index
      %swap3A_1808 = arith.index_cast %scan3A_306 : i32 to index
      %swap3A_1809 = arith.constant 304 : index
      %swap3A_1810 = tpu.vector_load %arg8[%swap3A_1807, %swap3A_1808, %swap3A_1809] {strides = array<i32>} : memref<4x16x512xf32, #tpu.memory_space<vmem>>, vector<1x1x16xf32>,
      %swap3A_1811 = vector.shape_cast %swap3A_1810 : vector<1x1x16xf32> to vector<16xf32>
      %swap3A_1812 = vector.shape_cast %get3A_1805 : vector<16xf32> to vector<1x1x16xf32>
      tpu.vector_store %arg8[%swap3A_1807, %swap3A_1808, %swap3A_1809], %swap3A_1812 {strides = array<i32>} : memref<4x16x512xf32, #tpu.memory_space<vmem>>, vector<1x1x16xf32>,
      %get3A_1813 = arith.constant 3 : i32
      %get3A_1814 = arith.index_cast %scan3A_306 : i32 to index
      %get3A_1815 = arith.index_cast %get3A_1813 : i32 to index
      %get3A_1816 = arith.constant 320 : index
      %get3A_1817 = tpu.vector_load %arg6[%get3A_1814, %get3A_1815, %get3A_1816] {strides = array<i32>} : memref<16x4x512xf32, #tpu.memory_space<vmem>>, vector<1x1x16xf32>,
      %get3A_1818 = vector.shape_cast %get3A_1817 : vector<1x1x16xf32> to vector<16xf32>
      %swap3A_1819 = arith.constant 3 : i32
      %swap3A_1820 = arith.index_cast %swap3A_1819 : i32 to index
      %swap3A_1821 = arith.index_cast %scan3A_306 : i32 to index
      %swap3A_1822 = arith.constant 320 : index
      %swap3A_1823 = tpu.vector_load %arg8[%swap3A_1820, %swap3A_1821, %swap3A_1822] {strides = array<i32>} : memref<4x16x512xf32, #tpu.memory_space<vmem>>, vector<1x1x16xf32>,
      %swap3A_1824 = vector.shape_cast %swap3A_1823 : vector<1x1x16xf32> to vector<16xf32>
      %swap3A_1825 = vector.shape_cast %get3A_1818 : vector<16xf32> to vector<1x1x16xf32>
      tpu.vector_store %arg8[%swap3A_1820, %swap3A_1821, %swap3A_1822], %swap3A_1825 {strides = array<i32>} : memref<4x16x512xf32, #tpu.memory_space<vmem>>, vector<1x1x16xf32>,
      %get3A_1826 = arith.constant 3 : i32
      %get3A_1827 = arith.index_cast %scan3A_306 : i32 to index
      %get3A_1828 = arith.index_cast %get3A_1826 : i32 to index
      %get3A_1829 = arith.constant 336 : index
      %get3A_1830 = tpu.vector_load %arg6[%get3A_1827, %get3A_1828, %get3A_1829] {strides = array<i32>} : memref<16x4x512xf32, #tpu.memory_space<vmem>>, vector<1x1x16xf32>,
      %get3A_1831 = vector.shape_cast %get3A_1830 : vector<1x1x16xf32> to vector<16xf32>
      %swap3A_1832 = arith.constant 3 : i32
      %swap3A_1833 = arith.index_cast %swap3A_1832 : i32 to index
      %swap3A_1834 = arith.index_cast %scan3A_306 : i32 to index
      %swap3A_1835 = arith.constant 336 : index
      %swap3A_1836 = tpu.vector_load %arg8[%swap3A_1833, %swap3A_1834, %swap3A_1835] {strides = array<i32>} : memref<4x16x512xf32, #tpu.memory_space<vmem>>, vector<1x1x16xf32>,
      %swap3A_1837 = vector.shape_cast %swap3A_1836 : vector<1x1x16xf32> to vector<16xf32>
      %swap3A_1838 = vector.shape_cast %get3A_1831 : vector<16xf32> to vector<1x1x16xf32>
      tpu.vector_store %arg8[%swap3A_1833, %swap3A_1834, %swap3A_1835], %swap3A_1838 {strides = array<i32>} : memref<4x16x512xf32, #tpu.memory_space<vmem>>, vector<1x1x16xf32>,
      %get3A_1839 = arith.constant 3 : i32
      %get3A_1840 = arith.index_cast %scan3A_306 : i32 to index
      %get3A_1841 = arith.index_cast %get3A_1839 : i32 to index
      %get3A_1842 = arith.constant 352 : index
      %get3A_1843 = tpu.vector_load %arg6[%get3A_1840, %get3A_1841, %get3A_1842] {strides = array<i32>} : memref<16x4x512xf32, #tpu.memory_space<vmem>>, vector<1x1x16xf32>,
      %get3A_1844 = vector.shape_cast %get3A_1843 : vector<1x1x16xf32> to vector<16xf32>
      %swap3A_1845 = arith.constant 3 : i32
      %swap3A_1846 = arith.index_cast %swap3A_1845 : i32 to index
      %swap3A_1847 = arith.index_cast %scan3A_306 : i32 to index
      %swap3A_1848 = arith.constant 352 : index
      %swap3A_1849 = tpu.vector_load %arg8[%swap3A_1846, %swap3A_1847, %swap3A_1848] {strides = array<i32>} : memref<4x16x512xf32, #tpu.memory_space<vmem>>, vector<1x1x16xf32>,
      %swap3A_1850 = vector.shape_cast %swap3A_1849 : vector<1x1x16xf32> to vector<16xf32>
      %swap3A_1851 = vector.shape_cast %get3A_1844 : vector<16xf32> to vector<1x1x16xf32>
      tpu.vector_store %arg8[%swap3A_1846, %swap3A_1847, %swap3A_1848], %swap3A_1851 {strides = array<i32>} : memref<4x16x512xf32, #tpu.memory_space<vmem>>, vector<1x1x16xf32>,
      %get3A_1852 = arith.constant 3 : i32
      %get3A_1853 = arith.index_cast %scan3A_306 : i32 to index
      %get3A_1854 = arith.index_cast %get3A_1852 : i32 to index
      %get3A_1855 = arith.constant 368 : index
      %get3A_1856 = tpu.vector_load %arg6[%get3A_1853, %get3A_1854, %get3A_1855] {strides = array<i32>} : memref<16x4x512xf32, #tpu.memory_space<vmem>>, vector<1x1x16xf32>,
      %get3A_1857 = vector.shape_cast %get3A_1856 : vector<1x1x16xf32> to vector<16xf32>
      %swap3A_1858 = arith.constant 3 : i32
      %swap3A_1859 = arith.index_cast %swap3A_1858 : i32 to index
      %swap3A_1860 = arith.index_cast %scan3A_306 : i32 to index
      %swap3A_1861 = arith.constant 368 : index
      %swap3A_1862 = tpu.vector_load %arg8[%swap3A_1859, %swap3A_1860, %swap3A_1861] {strides = array<i32>} : memref<4x16x512xf32, #tpu.memory_space<vmem>>, vector<1x1x16xf32>,
      %swap3A_1863 = vector.shape_cast %swap3A_1862 : vector<1x1x16xf32> to vector<16xf32>
      %swap3A_1864 = vector.shape_cast %get3A_1857 : vector<16xf32> to vector<1x1x16xf32>
      tpu.vector_store %arg8[%swap3A_1859, %swap3A_1860, %swap3A_1861], %swap3A_1864 {strides = array<i32>} : memref<4x16x512xf32, #tpu.memory_space<vmem>>, vector<1x1x16xf32>,
      %get3A_1865 = arith.constant 3 : i32
      %get3A_1866 = arith.index_cast %scan3A_306 : i32 to index
      %get3A_1867 = arith.index_cast %get3A_1865 : i32 to index
      %get3A_1868 = arith.constant 384 : index
      %get3A_1869 = tpu.vector_load %arg6[%get3A_1866, %get3A_1867, %get3A_1868] {strides = array<i32>} : memref<16x4x512xf32, #tpu.memory_space<vmem>>, vector<1x1x16xf32>,
      %get3A_1870 = vector.shape_cast %get3A_1869 : vector<1x1x16xf32> to vector<16xf32>
      %swap3A_1871 = arith.constant 3 : i32
      %swap3A_1872 = arith.index_cast %swap3A_1871 : i32 to index
      %swap3A_1873 = arith.index_cast %scan3A_306 : i32 to index
      %swap3A_1874 = arith.constant 384 : index
      %swap3A_1875 = tpu.vector_load %arg8[%swap3A_1872, %swap3A_1873, %swap3A_1874] {strides = array<i32>} : memref<4x16x512xf32, #tpu.memory_space<vmem>>, vector<1x1x16xf32>,
      %swap3A_1876 = vector.shape_cast %swap3A_1875 : vector<1x1x16xf32> to vector<16xf32>
      %swap3A_1877 = vector.shape_cast %get3A_1870 : vector<16xf32> to vector<1x1x16xf32>
      tpu.vector_store %arg8[%swap3A_1872, %swap3A_1873, %swap3A_1874], %swap3A_1877 {strides = array<i32>} : memref<4x16x512xf32, #tpu.memory_space<vmem>>, vector<1x1x16xf32>,
      %get3A_1878 = arith.constant 3 : i32
      %get3A_1879 = arith.index_cast %scan3A_306 : i32 to index
      %get3A_1880 = arith.index_cast %get3A_1878 : i32 to index
      %get3A_1881 = arith.constant 400 : index
      %get3A_1882 = tpu.vector_load %arg6[%get3A_1879, %get3A_1880, %get3A_1881] {strides = array<i32>} : memref<16x4x512xf32, #tpu.memory_space<vmem>>, vector<1x1x16xf32>,
      %get3A_1883 = vector.shape_cast %get3A_1882 : vector<1x1x16xf32> to vector<16xf32>
      %swap3A_1884 = arith.constant 3 : i32
      %swap3A_1885 = arith.index_cast %swap3A_1884 : i32 to index
      %swap3A_1886 = arith.index_cast %scan3A_306 : i32 to index
      %swap3A_1887 = arith.constant 400 : index
      %swap3A_1888 = tpu.vector_load %arg8[%swap3A_1885, %swap3A_1886, %swap3A_1887] {strides = array<i32>} : memref<4x16x512xf32, #tpu.memory_space<vmem>>, vector<1x1x16xf32>,
      %swap3A_1889 = vector.shape_cast %swap3A_1888 : vector<1x1x16xf32> to vector<16xf32>
      %swap3A_1890 = vector.shape_cast %get3A_1883 : vector<16xf32> to vector<1x1x16xf32>
      tpu.vector_store %arg8[%swap3A_1885, %swap3A_1886, %swap3A_1887], %swap3A_1890 {strides = array<i32>} : memref<4x16x512xf32, #tpu.memory_space<vmem>>, vector<1x1x16xf32>,
      %get3A_1891 = arith.constant 3 : i32
      %get3A_1892 = arith.index_cast %scan3A_306 : i32 to index
      %get3A_1893 = arith.index_cast %get3A_1891 : i32 to index
      %get3A_1894 = arith.constant 416 : index
      %get3A_1895 = tpu.vector_load %arg6[%get3A_1892, %get3A_1893, %get3A_1894] {strides = array<i32>} : memref<16x4x512xf32, #tpu.memory_space<vmem>>, vector<1x1x16xf32>,
      %get3A_1896 = vector.shape_cast %get3A_1895 : vector<1x1x16xf32> to vector<16xf32>
      %swap3A_1897 = arith.constant 3 : i32
      %swap3A_1898 = arith.index_cast %swap3A_1897 : i32 to index
      %swap3A_1899 = arith.index_cast %scan3A_306 : i32 to index
      %swap3A_1900 = arith.constant 416 : index
      %swap3A_1901 = tpu.vector_load %arg8[%swap3A_1898, %swap3A_1899, %swap3A_1900] {strides = array<i32>} : memref<4x16x512xf32, #tpu.memory_space<vmem>>, vector<1x1x16xf32>,
      %swap3A_1902 = vector.shape_cast %swap3A_1901 : vector<1x1x16xf32> to vector<16xf32>
      %swap3A_1903 = vector.shape_cast %get3A_1896 : vector<16xf32> to vector<1x1x16xf32>
      tpu.vector_store %arg8[%swap3A_1898, %swap3A_1899, %swap3A_1900], %swap3A_1903 {strides = array<i32>} : memref<4x16x512xf32, #tpu.memory_space<vmem>>, vector<1x1x16xf32>,
      %get3A_1904 = arith.constant 3 : i32
      %get3A_1905 = arith.index_cast %scan3A_306 : i32 to index
      %get3A_1906 = arith.index_cast %get3A_1904 : i32 to index
      %get3A_1907 = arith.constant 432 : index
      %get3A_1908 = tpu.vector_load %arg6[%get3A_1905, %get3A_1906, %get3A_1907] {strides = array<i32>} : memref<16x4x512xf32, #tpu.memory_space<vmem>>, vector<1x1x16xf32>,
      %get3A_1909 = vector.shape_cast %get3A_1908 : vector<1x1x16xf32> to vector<16xf32>
      %swap3A_1910 = arith.constant 3 : i32
      %swap3A_1911 = arith.index_cast %swap3A_1910 : i32 to index
      %swap3A_1912 = arith.index_cast %scan3A_306 : i32 to index
      %swap3A_1913 = arith.constant 432 : index
      %swap3A_1914 = tpu.vector_load %arg8[%swap3A_1911, %swap3A_1912, %swap3A_1913] {strides = array<i32>} : memref<4x16x512xf32, #tpu.memory_space<vmem>>, vector<1x1x16xf32>,
      %swap3A_1915 = vector.shape_cast %swap3A_1914 : vector<1x1x16xf32> to vector<16xf32>
      %swap3A_1916 = vector.shape_cast %get3A_1909 : vector<16xf32> to vector<1x1x16xf32>
      tpu.vector_store %arg8[%swap3A_1911, %swap3A_1912, %swap3A_1913], %swap3A_1916 {strides = array<i32>} : memref<4x16x512xf32, #tpu.memory_space<vmem>>, vector<1x1x16xf32>,
      %get3A_1917 = arith.constant 3 : i32
      %get3A_1918 = arith.index_cast %scan3A_306 : i32 to index
      %get3A_1919 = arith.index_cast %get3A_1917 : i32 to index
      %get3A_1920 = arith.constant 448 : index
      %get3A_1921 = tpu.vector_load %arg6[%get3A_1918, %get3A_1919, %get3A_1920] {strides = array<i32>} : memref<16x4x512xf32, #tpu.memory_space<vmem>>, vector<1x1x16xf32>,
      %get3A_1922 = vector.shape_cast %get3A_1921 : vector<1x1x16xf32> to vector<16xf32>
      %swap3A_1923 = arith.constant 3 : i32
      %swap3A_1924 = arith.index_cast %swap3A_1923 : i32 to index
      %swap3A_1925 = arith.index_cast %scan3A_306 : i32 to index
      %swap3A_1926 = arith.constant 448 : index
      %swap3A_1927 = tpu.vector_load %arg8[%swap3A_1924, %swap3A_1925, %swap3A_1926] {strides = array<i32>} : memref<4x16x512xf32, #tpu.memory_space<vmem>>, vector<1x1x16xf32>,
      %swap3A_1928 = vector.shape_cast %swap3A_1927 : vector<1x1x16xf32> to vector<16xf32>
      %swap3A_1929 = vector.shape_cast %get3A_1922 : vector<16xf32> to vector<1x1x16xf32>
      tpu.vector_store %arg8[%swap3A_1924, %swap3A_1925, %swap3A_1926], %swap3A_1929 {strides = array<i32>} : memref<4x16x512xf32, #tpu.memory_space<vmem>>, vector<1x1x16xf32>,
      %get3A_1930 = arith.constant 3 : i32
      %get3A_1931 = arith.index_cast %scan3A_306 : i32 to index
      %get3A_1932 = arith.index_cast %get3A_1930 : i32 to index
      %get3A_1933 = arith.constant 464 : index
      %get3A_1934 = tpu.vector_load %arg6[%get3A_1931, %get3A_1932, %get3A_1933] {strides = array<i32>} : memref<16x4x512xf32, #tpu.memory_space<vmem>>, vector<1x1x16xf32>,
      %get3A_1935 = vector.shape_cast %get3A_1934 : vector<1x1x16xf32> to vector<16xf32>
      %swap3A_1936 = arith.constant 3 : i32
      %swap3A_1937 = arith.index_cast %swap3A_1936 : i32 to index
      %swap3A_1938 = arith.index_cast %scan3A_306 : i32 to index
      %swap3A_1939 = arith.constant 464 : index
      %swap3A_1940 = tpu.vector_load %arg8[%swap3A_1937, %swap3A_1938, %swap3A_1939] {strides = array<i32>} : memref<4x16x512xf32, #tpu.memory_space<vmem>>, vector<1x1x16xf32>,
      %swap3A_1941 = vector.shape_cast %swap3A_1940 : vector<1x1x16xf32> to vector<16xf32>
      %swap3A_1942 = vector.shape_cast %get3A_1935 : vector<16xf32> to vector<1x1x16xf32>
      tpu.vector_store %arg8[%swap3A_1937, %swap3A_1938, %swap3A_1939], %swap3A_1942 {strides = array<i32>} : memref<4x16x512xf32, #tpu.memory_space<vmem>>, vector<1x1x16xf32>,
      %get3A_1943 = arith.constant 3 : i32
      %get3A_1944 = arith.index_cast %scan3A_306 : i32 to index
      %get3A_1945 = arith.index_cast %get3A_1943 : i32 to index
      %get3A_1946 = arith.constant 480 : index
      %get3A_1947 = tpu.vector_load %arg6[%get3A_1944, %get3A_1945, %get3A_1946] {strides = array<i32>} : memref<16x4x512xf32, #tpu.memory_space<vmem>>, vector<1x1x16xf32>,
      %get3A_1948 = vector.shape_cast %get3A_1947 : vector<1x1x16xf32> to vector<16xf32>
      %swap3A_1949 = arith.constant 3 : i32
      %swap3A_1950 = arith.index_cast %swap3A_1949 : i32 to index
      %swap3A_1951 = arith.index_cast %scan3A_306 : i32 to index
      %swap3A_1952 = arith.constant 480 : index
      %swap3A_1953 = tpu.vector_load %arg8[%swap3A_1950, %swap3A_1951, %swap3A_1952] {strides = array<i32>} : memref<4x16x512xf32, #tpu.memory_space<vmem>>, vector<1x1x16xf32>,
      %swap3A_1954 = vector.shape_cast %swap3A_1953 : vector<1x1x16xf32> to vector<16xf32>
      %swap3A_1955 = vector.shape_cast %get3A_1948 : vector<16xf32> to vector<1x1x16xf32>
      tpu.vector_store %arg8[%swap3A_1950, %swap3A_1951, %swap3A_1952], %swap3A_1955 {strides = array<i32>} : memref<4x16x512xf32, #tpu.memory_space<vmem>>, vector<1x1x16xf32>,
      %get3A_1956 = arith.constant 3 : i32
      %get3A_1957 = arith.index_cast %scan3A_306 : i32 to index
      %get3A_1958 = arith.index_cast %get3A_1956 : i32 to index
      %get3A_1959 = arith.constant 496 : index
      %get3A_1960 = tpu.vector_load %arg6[%get3A_1957, %get3A_1958, %get3A_1959] {strides = array<i32>} : memref<16x4x512xf32, #tpu.memory_space<vmem>>, vector<1x1x16xf32>,
      %get3A_1961 = vector.shape_cast %get3A_1960 : vector<1x1x16xf32> to vector<16xf32>
      %swap3A_1962 = arith.constant 3 : i32
      %swap3A_1963 = arith.index_cast %swap3A_1962 : i32 to index
      %swap3A_1964 = arith.index_cast %scan3A_306 : i32 to index
      %swap3A_1965 = arith.constant 496 : index
      %swap3A_1966 = tpu.vector_load %arg8[%swap3A_1963, %swap3A_1964, %swap3A_1965] {strides = array<i32>} : memref<4x16x512xf32, #tpu.memory_space<vmem>>, vector<1x1x16xf32>,
      %swap3A_1967 = vector.shape_cast %swap3A_1966 : vector<1x1x16xf32> to vector<16xf32>
      %swap3A_1968 = vector.shape_cast %get3A_1961 : vector<16xf32> to vector<1x1x16xf32>
      tpu.vector_store %arg8[%swap3A_1963, %swap3A_1964, %swap3A_1965], %swap3A_1968 {strides = array<i32>} : memref<4x16x512xf32, #tpu.memory_space<vmem>>, vector<1x1x16xf32>,
    }
    %scan3A_105 = arith.constant 16 : i32
    %add3A_106 = arith.constant 16 : i32
    %add3A_107 = arith.addi %mul3A_2, %add3A_106 : i32
    %dma_start3A_108 = arith.constant 0 : i32
    %dma_start3A_109 = arith.constant 0 : i32
    %dma_start3A_110 = arith.constant 0 : i32
    %dma_start3A_111 = arith.constant 0 : i32
    %dma_start3A_112 = tpu.memref_slice %arg8[%dma_start3A_108, %dma_start3A_110, %dma_start3A_111] : memref<4x16x512xf32, #tpu.memory_space<vmem>> -> memref<1x16x512xf32, #tpu.memory_space<vmem>>
    %dma_start3A_113 = tpu.memref_squeeze %dma_start3A_112 : memref<1x16x512xf32, #tpu.memory_space<vmem>> -> memref<16x512xf32, #tpu.memory_space<vmem>>
    %dma_start3A_114 = arith.constant 0 : i32
    %dma_start3A_115 = tpu.memref_slice %arg4[%dma_start3A_109, %add3A_107, %dma_start3A_114] : memref<4x1024x512xf32, #tpu.memory_space<hbm>> -> memref<1x16x512xf32, #tpu.memory_space<hbm>>
    %dma_start3A_116 = tpu.memref_squeeze %dma_start3A_115 : memref<1x16x512xf32, #tpu.memory_space<hbm>> -> memref<16x512xf32, #tpu.memory_space<hbm>>
    %dma_start3A_117 = arith.constant 0 : i32
    %dma_start3A_118 = tpu.memref_slice %arg4[%dma_start3A_109, %add3A_107, %dma_start3A_117] : memref<4x1024x512xf32, #tpu.memory_space<hbm>> -> memref<1x16x512xf32, #tpu.memory_space<hbm>>
    %dma_start3A_119 = tpu.memref_squeeze %dma_start3A_118 : memref<1x16x512xf32, #tpu.memory_space<hbm>> -> memref<16x512xf32, #tpu.memory_space<hbm>>
    %dma_start3A_120 = arith.constant 0 : i32
    %dma_start3A_121 = arith.constant 0 : i32
    %dma_start3A_122 = tpu.memref_slice %arg8[%dma_start3A_108, %dma_start3A_120, %dma_start3A_121] : memref<4x16x512xf32, #tpu.memory_space<vmem>> -> memref<1x16x512xf32, #tpu.memory_space<vmem>>
    %dma_start3A_123 = tpu.memref_squeeze %dma_start3A_122 : memref<1x16x512xf32, #tpu.memory_space<vmem>> -> memref<16x512xf32, #tpu.memory_space<vmem>>
    tpu.enqueue_dma source(%dma_start3A_123 : memref<16x512xf32, #tpu.memory_space<vmem>>) target(%dma_start3A_119 : memref<16x512xf32, #tpu.memory_space<hbm>>) target_semaphore(%arg10 : memref<!tpu.dma_semaphore, #tpu.memory_space<semaphore_mem>>)
    %add3A_124 = arith.constant 16 : i32
    %add3A_125 = arith.addi %mul3A_2, %add3A_124 : i32
    %dma_start3A_126 = arith.constant 1 : i32
    %dma_start3A_127 = arith.constant 1 : i32
    %dma_start3A_128 = arith.constant 0 : i32
    %dma_start3A_129 = arith.constant 0 : i32
    %dma_start3A_130 = tpu.memref_slice %arg8[%dma_start3A_126, %dma_start3A_128, %dma_start3A_129] : memref<4x16x512xf32, #tpu.memory_space<vmem>> -> memref<1x16x512xf32, #tpu.memory_space<vmem>>
    %dma_start3A_131 = tpu.memref_squeeze %dma_start3A_130 : memref<1x16x512xf32, #tpu.memory_space<vmem>> -> memref<16x512xf32, #tpu.memory_space<vmem>>
    %dma_start3A_132 = arith.constant 0 : i32
    %dma_start3A_133 = tpu.memref_slice %arg4[%dma_start3A_127, %add3A_125, %dma_start3A_132] : memref<4x1024x512xf32, #tpu.memory_space<hbm>> -> memref<1x16x512xf32, #tpu.memory_space<hbm>>
    %dma_start3A_134 = tpu.memref_squeeze %dma_start3A_133 : memref<1x16x512xf32, #tpu.memory_space<hbm>> -> memref<16x512xf32, #tpu.memory_space<hbm>>
    %dma_start3A_135 = arith.constant 0 : i32
    %dma_start3A_136 = tpu.memref_slice %arg4[%dma_start3A_127, %add3A_125, %dma_start3A_135] : memref<4x1024x512xf32, #tpu.memory_space<hbm>> -> memref<1x16x512xf32, #tpu.memory_space<hbm>>
    %dma_start3A_137 = tpu.memref_squeeze %dma_start3A_136 : memref<1x16x512xf32, #tpu.memory_space<hbm>> -> memref<16x512xf32, #tpu.memory_space<hbm>>
    %dma_start3A_138 = arith.constant 0 : i32
    %dma_start3A_139 = arith.constant 0 : i32
    %dma_start3A_140 = tpu.memref_slice %arg8[%dma_start3A_126, %dma_start3A_138, %dma_start3A_139] : memref<4x16x512xf32, #tpu.memory_space<vmem>> -> memref<1x16x512xf32, #tpu.memory_space<vmem>>
    %dma_start3A_141 = tpu.memref_squeeze %dma_start3A_140 : memref<1x16x512xf32, #tpu.memory_space<vmem>> -> memref<16x512xf32, #tpu.memory_space<vmem>>
    tpu.enqueue_dma source(%dma_start3A_141 : memref<16x512xf32, #tpu.memory_space<vmem>>) target(%dma_start3A_137 : memref<16x512xf32, #tpu.memory_space<hbm>>) target_semaphore(%arg10 : memref<!tpu.dma_semaphore, #tpu.memory_space<semaphore_mem>>)
    %add3A_142 = arith.constant 16 : i32
    %add3A_143 = arith.addi %mul3A_2, %add3A_142 : i32
    %dma_start3A_144 = arith.constant 2 : i32
    %dma_start3A_145 = arith.constant 2 : i32
    %dma_start3A_146 = arith.constant 0 : i32
    %dma_start3A_147 = arith.constant 0 : i32
    %dma_start3A_148 = tpu.memref_slice %arg8[%dma_start3A_144, %dma_start3A_146, %dma_start3A_147] : memref<4x16x512xf32, #tpu.memory_space<vmem>> -> memref<1x16x512xf32, #tpu.memory_space<vmem>>
    %dma_start3A_149 = tpu.memref_squeeze %dma_start3A_148 : memref<1x16x512xf32, #tpu.memory_space<vmem>> -> memref<16x512xf32, #tpu.memory_space<vmem>>
    %dma_start3A_150 = arith.constant 0 : i32
    %dma_start3A_151 = tpu.memref_slice %arg4[%dma_start3A_145, %add3A_143, %dma_start3A_150] : memref<4x1024x512xf32, #tpu.memory_space<hbm>> -> memref<1x16x512xf32, #tpu.memory_space<hbm>>
    %dma_start3A_152 = tpu.memref_squeeze %dma_start3A_151 : memref<1x16x512xf32, #tpu.memory_space<hbm>> -> memref<16x512xf32, #tpu.memory_space<hbm>>
    %dma_start3A_153 = arith.constant 0 : i32
    %dma_start3A_154 = tpu.memref_slice %arg4[%dma_start3A_145, %add3A_143, %dma_start3A_153] : memref<4x1024x512xf32, #tpu.memory_space<hbm>> -> memref<1x16x512xf32, #tpu.memory_space<hbm>>
    %dma_start3A_155 = tpu.memref_squeeze %dma_start3A_154 : memref<1x16x512xf32, #tpu.memory_space<hbm>> -> memref<16x512xf32, #tpu.memory_space<hbm>>
    %dma_start3A_156 = arith.constant 0 : i32
    %dma_start3A_157 = arith.constant 0 : i32
    %dma_start3A_158 = tpu.memref_slice %arg8[%dma_start3A_144, %dma_start3A_156, %dma_start3A_157] : memref<4x16x512xf32, #tpu.memory_space<vmem>> -> memref<1x16x512xf32, #tpu.memory_space<vmem>>
    %dma_start3A_159 = tpu.memref_squeeze %dma_start3A_158 : memref<1x16x512xf32, #tpu.memory_space<vmem>> -> memref<16x512xf32, #tpu.memory_space<vmem>>
    tpu.enqueue_dma source(%dma_start3A_159 : memref<16x512xf32, #tpu.memory_space<vmem>>) target(%dma_start3A_155 : memref<16x512xf32, #tpu.memory_space<hbm>>) target_semaphore(%arg10 : memref<!tpu.dma_semaphore, #tpu.memory_space<semaphore_mem>>)
    %add3A_160 = arith.constant 16 : i32
    %add3A_161 = arith.addi %mul3A_2, %add3A_160 : i32
    %dma_start3A_162 = arith.constant 3 : i32
    %dma_start3A_163 = arith.constant 3 : i32
    %dma_start3A_164 = arith.constant 0 : i32
    %dma_start3A_165 = arith.constant 0 : i32
    %dma_start3A_166 = tpu.memref_slice %arg8[%dma_start3A_162, %dma_start3A_164, %dma_start3A_165] : memref<4x16x512xf32, #tpu.memory_space<vmem>> -> memref<1x16x512xf32, #tpu.memory_space<vmem>>
    %dma_start3A_167 = tpu.memref_squeeze %dma_start3A_166 : memref<1x16x512xf32, #tpu.memory_space<vmem>> -> memref<16x512xf32, #tpu.memory_space<vmem>>
    %dma_start3A_168 = arith.constant 0 : i32
    %dma_start3A_169 = tpu.memref_slice %arg4[%dma_start3A_163, %add3A_161, %dma_start3A_168] : memref<4x1024x512xf32, #tpu.memory_space<hbm>> -> memref<1x16x512xf32, #tpu.memory_space<hbm>>
    %dma_start3A_170 = tpu.memref_squeeze %dma_start3A_169 : memref<1x16x512xf32, #tpu.memory_space<hbm>> -> memref<16x512xf32, #tpu.memory_space<hbm>>
    %dma_start3A_171 = arith.constant 0 : i32
    %dma_start3A_172 = tpu.memref_slice %arg4[%dma_start3A_163, %add3A_161, %dma_start3A_171] : memref<4x1024x512xf32, #tpu.memory_space<hbm>> -> memref<1x16x512xf32, #tpu.memory_space<hbm>>
    %dma_start3A_173 = tpu.memref_squeeze %dma_start3A_172 : memref<1x16x512xf32, #tpu.memory_space<hbm>> -> memref<16x512xf32, #tpu.memory_space<hbm>>
    %dma_start3A_174 = arith.constant 0 : i32
    %dma_start3A_175 = arith.constant 0 : i32
    %dma_start3A_176 = tpu.memref_slice %arg8[%dma_start3A_162, %dma_start3A_174, %dma_start3A_175] : memref<4x16x512xf32, #tpu.memory_space<vmem>> -> memref<1x16x512xf32, #tpu.memory_space<vmem>>
    %dma_start3A_177 = tpu.memref_squeeze %dma_start3A_176 : memref<1x16x512xf32, #tpu.memory_space<vmem>> -> memref<16x512xf32, #tpu.memory_space<vmem>>
    tpu.enqueue_dma source(%dma_start3A_177 : memref<16x512xf32, #tpu.memory_space<vmem>>) target(%dma_start3A_173 : memref<16x512xf32, #tpu.memory_space<hbm>>) target_semaphore(%arg10 : memref<!tpu.dma_semaphore, #tpu.memory_space<semaphore_mem>>)
    %dma_wait3A_178 = arith.constant 0 : i32
    %dma_wait3A_179 = arith.constant 0 : i32
    %dma_wait3A_180 = arith.constant 0 : i32
    %dma_wait3A_181 = arith.constant 0 : i32
    %dma_wait3A_182 = tpu.memref_slice %arg7[%dma_wait3A_178, %dma_wait3A_180, %dma_wait3A_181] : memref<4x16x512xf32, #tpu.memory_space<vmem>> -> memref<1x16x512xf32, #tpu.memory_space<vmem>>
    %dma_wait3A_183 = tpu.memref_squeeze %dma_wait3A_182 : memref<1x16x512xf32, #tpu.memory_space<vmem>> -> memref<16x512xf32, #tpu.memory_space<vmem>>
    %dma_wait3A_184 = arith.constant 0 : i32
    %dma_wait3A_185 = tpu.memref_slice %arg4[%dma_wait3A_179, %mul3A_2, %dma_wait3A_184] : memref<4x1024x512xf32, #tpu.memory_space<hbm>> -> memref<1x16x512xf32, #tpu.memory_space<hbm>>
    %dma_wait3A_186 = tpu.memref_squeeze %dma_wait3A_185 : memref<1x16x512xf32, #tpu.memory_space<hbm>> -> memref<16x512xf32, #tpu.memory_space<hbm>>
    %dma_wait3A_187 = arith.constant 0 : i32
    %dma_wait3A_188 = tpu.memref_slice %arg4[%dma_wait3A_179, %mul3A_2, %dma_wait3A_187] : memref<4x1024x512xf32, #tpu.memory_space<hbm>> -> memref<1x16x512xf32, #tpu.memory_space<hbm>>
    %dma_wait3A_189 = tpu.memref_squeeze %dma_wait3A_188 : memref<1x16x512xf32, #tpu.memory_space<hbm>> -> memref<16x512xf32, #tpu.memory_space<hbm>>
    %dma_wait3A_190 = arith.constant 0 : i32
    %dma_wait3A_191 = arith.constant 0 : i32
    %dma_wait3A_192 = tpu.memref_slice %arg7[%dma_wait3A_178, %dma_wait3A_190, %dma_wait3A_191] : memref<4x16x512xf32, #tpu.memory_space<vmem>> -> memref<1x16x512xf32, #tpu.memory_space<vmem>>
    %dma_wait3A_193 = tpu.memref_squeeze %dma_wait3A_192 : memref<1x16x512xf32, #tpu.memory_space<vmem>> -> memref<16x512xf32, #tpu.memory_space<vmem>>
    tpu.wait_dma2 semaphore(%arg10 : memref<!tpu.dma_semaphore, #tpu.memory_space<semaphore_mem>>) src(%dma_wait3A_193 : memref<16x512xf32, #tpu.memory_space<vmem>>) dst(%dma_wait3A_189 : memref<16x512xf32, #tpu.memory_space<hbm>>)
    %dma_wait3A_194 = arith.constant 1 : i32
    %dma_wait3A_195 = arith.constant 1 : i32
    %dma_wait3A_196 = arith.constant 0 : i32
    %dma_wait3A_197 = arith.constant 0 : i32
    %dma_wait3A_198 = tpu.memref_slice %arg7[%dma_wait3A_194, %dma_wait3A_196, %dma_wait3A_197] : memref<4x16x512xf32, #tpu.memory_space<vmem>> -> memref<1x16x512xf32, #tpu.memory_space<vmem>>
    %dma_wait3A_199 = tpu.memref_squeeze %dma_wait3A_198 : memref<1x16x512xf32, #tpu.memory_space<vmem>> -> memref<16x512xf32, #tpu.memory_space<vmem>>
    %dma_wait3A_200 = arith.constant 0 : i32
    %dma_wait3A_201 = tpu.memref_slice %arg4[%dma_wait3A_195, %mul3A_2, %dma_wait3A_200] : memref<4x1024x512xf32, #tpu.memory_space<hbm>> -> memref<1x16x512xf32, #tpu.memory_space<hbm>>
    %dma_wait3A_202 = tpu.memref_squeeze %dma_wait3A_201 : memref<1x16x512xf32, #tpu.memory_space<hbm>> -> memref<16x512xf32, #tpu.memory_space<hbm>>
    %dma_wait3A_203 = arith.constant 0 : i32
    %dma_wait3A_204 = tpu.memref_slice %arg4[%dma_wait3A_195, %mul3A_2, %dma_wait3A_203] : memref<4x1024x512xf32, #tpu.memory_space<hbm>> -> memref<1x16x512xf32, #tpu.memory_space<hbm>>
    %dma_wait3A_205 = tpu.memref_squeeze %dma_wait3A_204 : memref<1x16x512xf32, #tpu.memory_space<hbm>> -> memref<16x512xf32, #tpu.memory_space<hbm>>
    %dma_wait3A_206 = arith.constant 0 : i32
    %dma_wait3A_207 = arith.constant 0 : i32
    %dma_wait3A_208 = tpu.memref_slice %arg7[%dma_wait3A_194, %dma_wait3A_206, %dma_wait3A_207] : memref<4x16x512xf32, #tpu.memory_space<vmem>> -> memref<1x16x512xf32, #tpu.memory_space<vmem>>
    %dma_wait3A_209 = tpu.memref_squeeze %dma_wait3A_208 : memref<1x16x512xf32, #tpu.memory_space<vmem>> -> memref<16x512xf32, #tpu.memory_space<vmem>>
    tpu.wait_dma2 semaphore(%arg10 : memref<!tpu.dma_semaphore, #tpu.memory_space<semaphore_mem>>) src(%dma_wait3A_209 : memref<16x512xf32, #tpu.memory_space<vmem>>) dst(%dma_wait3A_205 : memref<16x512xf32, #tpu.memory_space<hbm>>)
    %dma_wait3A_210 = arith.constant 2 : i32
    %dma_wait3A_211 = arith.constant 2 : i32
    %dma_wait3A_212 = arith.constant 0 : i32
    %dma_wait3A_213 = arith.constant 0 : i32
    %dma_wait3A_214 = tpu.memref_slice %arg7[%dma_wait3A_210, %dma_wait3A_212, %dma_wait3A_213] : memref<4x16x512xf32, #tpu.memory_space<vmem>> -> memref<1x16x512xf32, #tpu.memory_space<vmem>>
    %dma_wait3A_215 = tpu.memref_squeeze %dma_wait3A_214 : memref<1x16x512xf32, #tpu.memory_space<vmem>> -> memref<16x512xf32, #tpu.memory_space<vmem>>
    %dma_wait3A_216 = arith.constant 0 : i32
    %dma_wait3A_217 = tpu.memref_slice %arg4[%dma_wait3A_211, %mul3A_2, %dma_wait3A_216] : memref<4x1024x512xf32, #tpu.memory_space<hbm>> -> memref<1x16x512xf32, #tpu.memory_space<hbm>>
    %dma_wait3A_218 = tpu.memref_squeeze %dma_wait3A_217 : memref<1x16x512xf32, #tpu.memory_space<hbm>> -> memref<16x512xf32, #tpu.memory_space<hbm>>
    %dma_wait3A_219 = arith.constant 0 : i32
    %dma_wait3A_220 = tpu.memref_slice %arg4[%dma_wait3A_211, %mul3A_2, %dma_wait3A_219] : memref<4x1024x512xf32, #tpu.memory_space<hbm>> -> memref<1x16x512xf32, #tpu.memory_space<hbm>>
    %dma_wait3A_221 = tpu.memref_squeeze %dma_wait3A_220 : memref<1x16x512xf32, #tpu.memory_space<hbm>> -> memref<16x512xf32, #tpu.memory_space<hbm>>
    %dma_wait3A_222 = arith.constant 0 : i32
    %dma_wait3A_223 = arith.constant 0 : i32
    %dma_wait3A_224 = tpu.memref_slice %arg7[%dma_wait3A_210, %dma_wait3A_222, %dma_wait3A_223] : memref<4x16x512xf32, #tpu.memory_space<vmem>> -> memref<1x16x512xf32, #tpu.memory_space<vmem>>
    %dma_wait3A_225 = tpu.memref_squeeze %dma_wait3A_224 : memref<1x16x512xf32, #tpu.memory_space<vmem>> -> memref<16x512xf32, #tpu.memory_space<vmem>>
    tpu.wait_dma2 semaphore(%arg10 : memref<!tpu.dma_semaphore, #tpu.memory_space<semaphore_mem>>) src(%dma_wait3A_225 : memref<16x512xf32, #tpu.memory_space<vmem>>) dst(%dma_wait3A_221 : memref<16x512xf32, #tpu.memory_space<hbm>>)
    %dma_wait3A_226 = arith.constant 3 : i32
    %dma_wait3A_227 = arith.constant 3 : i32
    %dma_wait3A_228 = arith.constant 0 : i32
    %dma_wait3A_229 = arith.constant 0 : i32
    %dma_wait3A_230 = tpu.memref_slice %arg7[%dma_wait3A_226, %dma_wait3A_228, %dma_wait3A_229] : memref<4x16x512xf32, #tpu.memory_space<vmem>> -> memref<1x16x512xf32, #tpu.memory_space<vmem>>
    %dma_wait3A_231 = tpu.memref_squeeze %dma_wait3A_230 : memref<1x16x512xf32, #tpu.memory_space<vmem>> -> memref<16x512xf32, #tpu.memory_space<vmem>>
    %dma_wait3A_232 = arith.constant 0 : i32
    %dma_wait3A_233 = tpu.memref_slice %arg4[%dma_wait3A_227, %mul3A_2, %dma_wait3A_232] : memref<4x1024x512xf32, #tpu.memory_space<hbm>> -> memref<1x16x512xf32, #tpu.memory_space<hbm>>
    %dma_wait3A_234 = tpu.memref_squeeze %dma_wait3A_233 : memref<1x16x512xf32, #tpu.memory_space<hbm>> -> memref<16x512xf32, #tpu.memory_space<hbm>>
    %dma_wait3A_235 = arith.constant 0 : i32
    %dma_wait3A_236 = tpu.memref_slice %arg4[%dma_wait3A_227, %mul3A_2, %dma_wait3A_235] : memref<4x1024x512xf32, #tpu.memory_space<hbm>> -> memref<1x16x512xf32, #tpu.memory_space<hbm>>
    %dma_wait3A_237 = tpu.memref_squeeze %dma_wait3A_236 : memref<1x16x512xf32, #tpu.memory_space<hbm>> -> memref<16x512xf32, #tpu.memory_space<hbm>>
    %dma_wait3A_238 = arith.constant 0 : i32
    %dma_wait3A_239 = arith.constant 0 : i32
    %dma_wait3A_240 = tpu.memref_slice %arg7[%dma_wait3A_226, %dma_wait3A_238, %dma_wait3A_239] : memref<4x16x512xf32, #tpu.memory_space<vmem>> -> memref<1x16x512xf32, #tpu.memory_space<vmem>>
    %dma_wait3A_241 = tpu.memref_squeeze %dma_wait3A_240 : memref<1x16x512xf32, #tpu.memory_space<vmem>> -> memref<16x512xf32, #tpu.memory_space<vmem>>
    tpu.wait_dma2 semaphore(%arg10 : memref<!tpu.dma_semaphore, #tpu.memory_space<semaphore_mem>>) src(%dma_wait3A_241 : memref<16x512xf32, #tpu.memory_space<vmem>>) dst(%dma_wait3A_237 : memref<16x512xf32, #tpu.memory_space<hbm>>)
    %dma_wait3A_242 = arith.constant 0 : i32
    %dma_wait3A_243 = arith.constant 0 : i32
    %dma_wait3A_244 = arith.constant 0 : i32
    %dma_wait3A_245 = arith.constant 0 : i32
    %dma_wait3A_246 = tpu.memref_slice %arg8[%dma_wait3A_242, %dma_wait3A_244, %dma_wait3A_245] : memref<4x16x512xf32, #tpu.memory_space<vmem>> -> memref<1x16x512xf32, #tpu.memory_space<vmem>>
    %dma_wait3A_247 = tpu.memref_squeeze %dma_wait3A_246 : memref<1x16x512xf32, #tpu.memory_space<vmem>> -> memref<16x512xf32, #tpu.memory_space<vmem>>
    %dma_wait3A_248 = arith.constant 0 : i32
    %dma_wait3A_249 = tpu.memref_slice %arg4[%dma_wait3A_243, %mul3A_2, %dma_wait3A_248] : memref<4x1024x512xf32, #tpu.memory_space<hbm>> -> memref<1x16x512xf32, #tpu.memory_space<hbm>>
    %dma_wait3A_250 = tpu.memref_squeeze %dma_wait3A_249 : memref<1x16x512xf32, #tpu.memory_space<hbm>> -> memref<16x512xf32, #tpu.memory_space<hbm>>
    %dma_wait3A_251 = arith.constant 0 : i32
    %dma_wait3A_252 = tpu.memref_slice %arg4[%dma_wait3A_243, %mul3A_2, %dma_wait3A_251] : memref<4x1024x512xf32, #tpu.memory_space<hbm>> -> memref<1x16x512xf32, #tpu.memory_space<hbm>>
    %dma_wait3A_253 = tpu.memref_squeeze %dma_wait3A_252 : memref<1x16x512xf32, #tpu.memory_space<hbm>> -> memref<16x512xf32, #tpu.memory_space<hbm>>
    %dma_wait3A_254 = arith.constant 0 : i32
    %dma_wait3A_255 = arith.constant 0 : i32
    %dma_wait3A_256 = tpu.memref_slice %arg8[%dma_wait3A_242, %dma_wait3A_254, %dma_wait3A_255] : memref<4x16x512xf32, #tpu.memory_space<vmem>> -> memref<1x16x512xf32, #tpu.memory_space<vmem>>
    %dma_wait3A_257 = tpu.memref_squeeze %dma_wait3A_256 : memref<1x16x512xf32, #tpu.memory_space<vmem>> -> memref<16x512xf32, #tpu.memory_space<vmem>>
    tpu.wait_dma2 semaphore(%arg10 : memref<!tpu.dma_semaphore, #tpu.memory_space<semaphore_mem>>) src(%dma_wait3A_257 : memref<16x512xf32, #tpu.memory_space<vmem>>) dst(%dma_wait3A_253 : memref<16x512xf32, #tpu.memory_space<hbm>>)
    %dma_wait3A_258 = arith.constant 1 : i32
    %dma_wait3A_259 = arith.constant 1 : i32
    %dma_wait3A_260 = arith.constant 0 : i32
    %dma_wait3A_261 = arith.constant 0 : i32
    %dma_wait3A_262 = tpu.memref_slice %arg8[%dma_wait3A_258, %dma_wait3A_260, %dma_wait3A_261] : memref<4x16x512xf32, #tpu.memory_space<vmem>> -> memref<1x16x512xf32, #tpu.memory_space<vmem>>
    %dma_wait3A_263 = tpu.memref_squeeze %dma_wait3A_262 : memref<1x16x512xf32, #tpu.memory_space<vmem>> -> memref<16x512xf32, #tpu.memory_space<vmem>>
    %dma_wait3A_264 = arith.constant 0 : i32
    %dma_wait3A_265 = tpu.memref_slice %arg4[%dma_wait3A_259, %mul3A_2, %dma_wait3A_264] : memref<4x1024x512xf32, #tpu.memory_space<hbm>> -> memref<1x16x512xf32, #tpu.memory_space<hbm>>
    %dma_wait3A_266 = tpu.memref_squeeze %dma_wait3A_265 : memref<1x16x512xf32, #tpu.memory_space<hbm>> -> memref<16x512xf32, #tpu.memory_space<hbm>>
    %dma_wait3A_267 = arith.constant 0 : i32
    %dma_wait3A_268 = tpu.memref_slice %arg4[%dma_wait3A_259, %mul3A_2, %dma_wait3A_267] : memref<4x1024x512xf32, #tpu.memory_space<hbm>> -> memref<1x16x512xf32, #tpu.memory_space<hbm>>
    %dma_wait3A_269 = tpu.memref_squeeze %dma_wait3A_268 : memref<1x16x512xf32, #tpu.memory_space<hbm>> -> memref<16x512xf32, #tpu.memory_space<hbm>>
    %dma_wait3A_270 = arith.constant 0 : i32
    %dma_wait3A_271 = arith.constant 0 : i32
    %dma_wait3A_272 = tpu.memref_slice %arg8[%dma_wait3A_258, %dma_wait3A_270, %dma_wait3A_271] : memref<4x16x512xf32, #tpu.memory_space<vmem>> -> memref<1x16x512xf32, #tpu.memory_space<vmem>>
    %dma_wait3A_273 = tpu.memref_squeeze %dma_wait3A_272 : memref<1x16x512xf32, #tpu.memory_space<vmem>> -> memref<16x512xf32, #tpu.memory_space<vmem>>
    tpu.wait_dma2 semaphore(%arg10 : memref<!tpu.dma_semaphore, #tpu.memory_space<semaphore_mem>>) src(%dma_wait3A_273 : memref<16x512xf32, #tpu.memory_space<vmem>>) dst(%dma_wait3A_269 : memref<16x512xf32, #tpu.memory_space<hbm>>)
    %dma_wait3A_274 = arith.constant 2 : i32
    %dma_wait3A_275 = arith.constant 2 : i32
    %dma_wait3A_276 = arith.constant 0 : i32
    %dma_wait3A_277 = arith.constant 0 : i32
    %dma_wait3A_278 = tpu.memref_slice %arg8[%dma_wait3A_274, %dma_wait3A_276, %dma_wait3A_277] : memref<4x16x512xf32, #tpu.memory_space<vmem>> -> memref<1x16x512xf32, #tpu.memory_space<vmem>>
    %dma_wait3A_279 = tpu.memref_squeeze %dma_wait3A_278 : memref<1x16x512xf32, #tpu.memory_space<vmem>> -> memref<16x512xf32, #tpu.memory_space<vmem>>
    %dma_wait3A_280 = arith.constant 0 : i32
    %dma_wait3A_281 = tpu.memref_slice %arg4[%dma_wait3A_275, %mul3A_2, %dma_wait3A_280] : memref<4x1024x512xf32, #tpu.memory_space<hbm>> -> memref<1x16x512xf32, #tpu.memory_space<hbm>>
    %dma_wait3A_282 = tpu.memref_squeeze %dma_wait3A_281 : memref<1x16x512xf32, #tpu.memory_space<hbm>> -> memref<16x512xf32, #tpu.memory_space<hbm>>
    %dma_wait3A_283 = arith.constant 0 : i32
    %dma_wait3A_284 = tpu.memref_slice %arg4[%dma_wait3A_275, %mul3A_2, %dma_wait3A_283] : memref<4x1024x512xf32, #tpu.memory_space<hbm>> -> memref<1x16x512xf32, #tpu.memory_space<hbm>>
    %dma_wait3A_285 = tpu.memref_squeeze %dma_wait3A_284 : memref<1x16x512xf32, #tpu.memory_space<hbm>> -> memref<16x512xf32, #tpu.memory_space<hbm>>
    %dma_wait3A_286 = arith.constant 0 : i32
    %dma_wait3A_287 = arith.constant 0 : i32
    %dma_wait3A_288 = tpu.memref_slice %arg8[%dma_wait3A_274, %dma_wait3A_286, %dma_wait3A_287] : memref<4x16x512xf32, #tpu.memory_space<vmem>> -> memref<1x16x512xf32, #tpu.memory_space<vmem>>
    %dma_wait3A_289 = tpu.memref_squeeze %dma_wait3A_288 : memref<1x16x512xf32, #tpu.memory_space<vmem>> -> memref<16x512xf32, #tpu.memory_space<vmem>>
    tpu.wait_dma2 semaphore(%arg10 : memref<!tpu.dma_semaphore, #tpu.memory_space<semaphore_mem>>) src(%dma_wait3A_289 : memref<16x512xf32, #tpu.memory_space<vmem>>) dst(%dma_wait3A_285 : memref<16x512xf32, #tpu.memory_space<hbm>>)
    %dma_wait3A_290 = arith.constant 3 : i32
    %dma_wait3A_291 = arith.constant 3 : i32
    %dma_wait3A_292 = arith.constant 0 : i32
    %dma_wait3A_293 = arith.constant 0 : i32
    %dma_wait3A_294 = tpu.memref_slice %arg8[%dma_wait3A_290, %dma_wait3A_292, %dma_wait3A_293] : memref<4x16x512xf32, #tpu.memory_space<vmem>> -> memref<1x16x512xf32, #tpu.memory_space<vmem>>
    %dma_wait3A_295 = tpu.memref_squeeze %dma_wait3A_294 : memref<1x16x512xf32, #tpu.memory_space<vmem>> -> memref<16x512xf32, #tpu.memory_space<vmem>>
    %dma_wait3A_296 = arith.constant 0 : i32
    %dma_wait3A_297 = tpu.memref_slice %arg4[%dma_wait3A_291, %mul3A_2, %dma_wait3A_296] : memref<4x1024x512xf32, #tpu.memory_space<hbm>> -> memref<1x16x512xf32, #tpu.memory_space<hbm>>
    %dma_wait3A_298 = tpu.memref_squeeze %dma_wait3A_297 : memref<1x16x512xf32, #tpu.memory_space<hbm>> -> memref<16x512xf32, #tpu.memory_space<hbm>>
    %dma_wait3A_299 = arith.constant 0 : i32
    %dma_wait3A_300 = tpu.memref_slice %arg4[%dma_wait3A_291, %mul3A_2, %dma_wait3A_299] : memref<4x1024x512xf32, #tpu.memory_space<hbm>> -> memref<1x16x512xf32, #tpu.memory_space<hbm>>
    %dma_wait3A_301 = tpu.memref_squeeze %dma_wait3A_300 : memref<1x16x512xf32, #tpu.memory_space<hbm>> -> memref<16x512xf32, #tpu.memory_space<hbm>>
    %dma_wait3A_302 = arith.constant 0 : i32
    %dma_wait3A_303 = arith.constant 0 : i32
    %dma_wait3A_304 = tpu.memref_slice %arg8[%dma_wait3A_290, %dma_wait3A_302, %dma_wait3A_303] : memref<4x16x512xf32, #tpu.memory_space<vmem>> -> memref<1x16x512xf32, #tpu.memory_space<vmem>>
    %dma_wait3A_305 = tpu.memref_squeeze %dma_wait3A_304 : memref<1x16x512xf32, #tpu.memory_space<vmem>> -> memref<16x512xf32, #tpu.memory_space<vmem>>
    tpu.wait_dma2 semaphore(%arg10 : memref<!tpu.dma_semaphore, #tpu.memory_space<semaphore_mem>>) src(%dma_wait3A_305 : memref<16x512xf32, #tpu.memory_space<vmem>>) dst(%dma_wait3A_301 : memref<16x512xf32, #tpu.memory_space<hbm>>)
    return
  }
}

module attributes {stable_mosaic.version = 14 : i64} {
  func.func @_tc_splice_body(%arg0: i32, %arg1: memref<1x1024x512xf32, #tpu.memory_space<vmem>>, %arg2: memref<77x1024x512xf32, #tpu.memory_space<any>>, %arg3: memref<1x1024x512xf32, #tpu.memory_space<vmem>>) attributes {dimension_semantics = [#tpu.dimension_semantics<arbitrary>], iteration_bounds = array<i64: 4>, scalar_prefetch = 0 : i64, scratch_operands = 0 : i64, tpu.core_type = #tpu.core_type<tc>, window_params = [{transform_indices = @transform_0, window_bounds = array<i64: 1, 1024, 512>}, {}, {transform_indices = @transform_2, window_bounds = array<i64: 1, 1024, 512>}]} {
    %get3A = arith.constant 0 : index
    %get3A_0 = arith.constant 0 : index
    %get3A_1 = arith.constant 0 : index
    %get3A_2 = vector.load %arg1[%get3A, %get3A_0, %get3A_1] : memref<1x1024x512xf32, #tpu.memory_space<vmem>>, vector<1x1024x512xf32>
    %get3A_3 = vector.shape_cast %get3A_2 : vector<1x1024x512xf32> to vector<1024x512xf32>
    %swap3A = arith.constant 0 : index
    %swap3A_4 = arith.constant 0 : index
    %swap3A_5 = arith.constant 0 : index
    %swap3A_6 = vector.load %arg3[%swap3A, %swap3A_4, %swap3A_5] : memref<1x1024x512xf32, #tpu.memory_space<vmem>>, vector<1x1024x512xf32>
    %swap3A_7 = vector.shape_cast %swap3A_6 : vector<1x1024x512xf32> to vector<1024x512xf32>
    %swap3A_8 = vector.shape_cast %get3A_3 : vector<1024x512xf32> to vector<1x1024x512xf32>
    tpu.vector_store %arg3[%swap3A, %swap3A_4, %swap3A_5], %swap3A_8 {strides = array<i32>} : memref<1x1024x512xf32, #tpu.memory_space<vmem>>, vector<1x1024x512xf32>,
    return
  }
  func.func @transform_0(%arg0: i32) -> (i32, i32, i32) {
    %c0_i32 = arith.constant 0 : i32
    %c0_i32_0 = arith.constant 0 : i32
    %c0_i32_1 = arith.constant 0 : i32
    return %arg0, %c0_i32, %c0_i32_0 : i32, i32, i32
  }
  func.func @transform_2(%arg0: i32) -> (i32, i32, i32) {
    %add3A = arith.constant 5 : i32
    %add3A_0 = arith.addi %arg0, %add3A : i32
    %c0_i32 = arith.constant 0 : i32
    %c0_i32_1 = arith.constant 0 : i32
    %c0_i32_2 = arith.constant 0 : i32
    return %add3A_0, %c0_i32, %c0_i32_1 : i32, i32, i32
  }
}

module attributes {stable_mosaic.version = 14 : i64} {
  func.func @_tc_broadcast_body(%arg0: i32, %arg1: memref<7x1x512xf32, #tpu.memory_space<vmem>>, %arg2: memref<7x1024x512xf32, #tpu.memory_space<vmem>>) attributes {dimension_semantics = [#tpu.dimension_semantics<arbitrary>], iteration_bounds = array<i64: 11>, scalar_prefetch = 0 : i64, scratch_operands = 0 : i64, tpu.core_type = #tpu.core_type<tc>, window_params = [{transform_indices = @transform_0, window_bounds = array<i64: 7, 1, 512>}, {transform_indices = @transform_1, window_bounds = array<i64: 7, 1024, 512>}]} {
    %get3A = arith.constant 0 : index
    %get3A_0 = arith.constant 0 : index
    %get3A_1 = arith.constant 0 : index
    %get3A_2 = vector.load %arg1[%get3A, %get3A_0, %get3A_1] : memref<7x1x512xf32, #tpu.memory_space<vmem>>, vector<7x1x512xf32>
    %broadcast_in_dim3A = vector.shape_cast %get3A_2 : vector<7x1x512xf32> to vector<7x1x512xf32>
    %broadcast_in_dim3A_3 = vector.broadcast %broadcast_in_dim3A : vector<7x1x512xf32> to vector<7x1024x512xf32>
    %swap3A = arith.constant 0 : index
    %swap3A_4 = arith.constant 0 : index
    %swap3A_5 = arith.constant 0 : index
    %swap3A_6 = vector.load %arg2[%swap3A, %swap3A_4, %swap3A_5] : memref<7x1024x512xf32, #tpu.memory_space<vmem>>, vector<7x1024x512xf32>
    tpu.vector_store %arg2[%swap3A, %swap3A_4, %swap3A_5], %broadcast_in_dim3A_3 {strides = array<i32>} : memref<7x1024x512xf32, #tpu.memory_space<vmem>>, vector<7x1024x512xf32>,
    return
  }
  func.func @transform_0(%arg0: i32) -> (i32, i32, i32) {
    %c0_i32 = arith.constant 0 : i32
    %c0_i32_0 = arith.constant 0 : i32
    %c0_i32_1 = arith.constant 0 : i32
    return %arg0, %c0_i32, %c0_i32_0 : i32, i32, i32
  }
  func.func @transform_1(%arg0: i32) -> (i32, i32, i32) {
    %c0_i32 = arith.constant 0 : i32
    %c0_i32_0 = arith.constant 0 : i32
    %c0_i32_1 = arith.constant 0 : i32
    return %arg0, %c0_i32, %c0_i32_0 : i32, i32, i32
  }
}

</mosaic_0001>

<sc_bundles>
// kernel: kernel.5.cloned.1.call-start
scs
__scs_entry_jumppad:
0x0: {  	(pc) =	sbr.rel $0x88, $3  }
0x1: {  	(tag) =	ssettag $0x0;
	lr =	simm.s32 $0x1  }
0x2: {  	[smem:$0x3F9D] =	sst lr;
	_ =	strace $0xD0000000  }
0x3: {  	_ = 	snop  }
0x4: {  	_ = 	snop  }
0x5: {  	_ = 	snop  }
0x6: {  	_ = 	snop  }
0x7: {  	_ = 	snop  }
__scs_overlays_trampoline_lowered:
0x8: {  	[smem:$0x3FAC] =	sst s0  }
0x9: {  	[smem:$0x3FAD] =	sst s1  }
0xa: {  	[smem:$0x3FAE] =	sst s2  }
0xb: {  	[smem:$0x3FAF] =	sst s3  }
0xc: {  	[smem:$0x3FB0] =	sst s4  }
0xd: {  	[smem:$0x3FB1] =	sst s5  }
0xe: {  	[smem:$0x3FB2] =	sst s6  }
0xf: {  	[smem:$0x3FB3] =	sst s7  }
0x10: {  	[smem:$0x3FB4] =	sst s8  }
0x11: {  	[smem:$0x3FB5] =	sst s9;
	s0 =	simm.s32 @!p0 $0x0  }
0x12: {  	s1 =	sld [smem:$0x3F9B];
	s0 =	simm.s32 @p0 $0x1  }
0x13: {  	[smem:$0x3FB6] =	sst s0;
	s0 =	simm.s32 @!p1 $0x0  }
0x14: {  	s2 =	sld [smem:$0x3F9A];
	s0 =	simm.s32 @p1 $0x1  }
0x15: {  	[smem:$0x3FB7] =	sst s0;
	s0 =	simm.s32 @!p2 $0x0  }
0x16: {  	s3 =	sld [smem:$0x3FDB];
	s0 =	simm.s32 @p2 $0x1  }
0x17: {  	s4 =	simm.s32 $0x1BF5;
	[smem:$0x3FB9] =	sst s0  }
0x18: {  	s0 =	sld [smem:$0x3F9C];
	_ =	swait.ge [sflag:s4], $0x0  }
0x19: {  	s7 =	sld [smem:$0x3F9D]  }
0x1a: {  	s8 =	sadd.s32 $0xFFFFE003, lr  }
0x1b: {  	s9 =	sadd.s32 $0xFFFFFEF7, lr;
	s5 =	simm.s32 $0xFFFFFFFF;
	p2 =	slt.u32 s8, $0xFFFFF086  }
0x1c: {  	p1 =	slt.u32 s9, $0xF7A;
	s5 =	simm.s32 @!p2 $0x0  }
0x1d: {  	s5 =	simm.s32 @p1 $0x1;
	p0 =	seq.s32 s7, s2  }
0x1e: {  	s7 =	smul.u32 @!p0 $0xF7A, s2;
	p2 =	seq.s32 @!p0 s5, $0x0  }
0x1f: {  	s9 =	smul.u32 $0xF7A, s1;
	s8 =	simm.s32 @!p0 $0x1BF5;
	p2 =	por !p2, p0  }
0x20: {  	[sflag:s8] =	ssyncset.s32 @!p0 $0xFFFFF086;
	s6 =	sadd.s32 @!p0 s3, s7;
	s7 =	simm.s32 @!p0 $0x108  }
0x21: {  	s3 =	sadd.s32 s3, s9;
	s6 =	sadd.s32 @!p0 $0x88, s6;
	s7 =	simm.s32 @p2 $0x1082  }
0x22: {  	[simem:s7], [sflag:s8] =	dma.local @!p0 [hbm:s6], $0xF7A  }
0x23: {  	s9 =	sor.u32 $0xD0000000, s2;
	s6 =	simm.s32 $0x108;
	_ =	swait.ge @!p0 [sflag:s8], $0x0  }
0x24: {  	s3 =	sadd.s32 $0x88, s3;
	s6 =	simm.s32 @!p1 $0x1082;
	[sflag:s4] =	ssyncset.s32 $0xFFFFF086  }
0x25: {  	[simem:s6], [sflag:s4] =	dma.local [hbm:s3], $0xF7A  }
0x26: {  	[smem:$0x3F9D] =	sst s1;
	(tag) =	ssettag s2;
	_ =	strace s9  }
0x27: {  	s1 =	sld [smem:$0x3FAD]  }
0x28: {  	s2 =	sld [smem:$0x3FAE]  }
0x29: {  	s4 =	sld [smem:$0x3FB0]  }
0x2a: {  	p0 =	seq.s32 s5, $0x0;
	s5 =	sld [smem:$0x3FB1]  }
0x2b: {  	s6 =	sld [smem:$0x3FB2]  }
0x2c: {  	s7 =	sld [smem:$0x3FB3]  }
0x2d: {  	s3 =	simm.s32 $0x108;
	s8 =	sld [smem:$0x3FB4]  }
0x2e: {  	s3 =	simm.s32 @!p0 $0x1082;
	s9 =	sld [smem:$0x3FB5]  }
0x2f: {  	lr =	sadd.s32 s0, s3;
	s0 =	sld [smem:$0x3FAC]  }
0x30: {  	s3 =	sld [smem:$0x3FAF]  }
0x31: {  	[smem:$0x3FB8] =	sst s10  }
0x32: {  	s10 =	sld [smem:$0x3FB6];
	_ =	sdelay $0x3  }
0x33: {  	p0 =	seq.s32 s10, $0x1;
	s10 =	sld [smem:$0x3FB8];
	_ =	sdelay $0x3  }
0x34: {  	[smem:$0x3FB8] =	sst s10  }
0x35: {  	s10 =	sld [smem:$0x3FB7];
	_ =	sdelay $0x3  }
0x36: {  	p1 =	seq.s32 s10, $0x1;
	s10 =	sld [smem:$0x3FB8];
	_ =	sdelay $0x3  }
0x37: {  	[smem:$0x3FB8] =	sst s10  }
0x38: {  	s10 =	sld [smem:$0x3FB9]  }
0x39: {  	_ = 	snop;
	(pc) =	sbr.ind lr, $3  }
0x3a: {  	_ = 	snop  }
0x3b: {  	_ = 	snop  }
0x3c: {  	p2 =	seq.s32 s10, $0x1;
	s10 =	sld [smem:$0x3FB8]  }
0x3d: {  	_ =	shalt  }
0x3e: {  	_ =	shalt  }
0x3f: {  	_ =	shalt  }
0x40: {  	_ =	shalt  }
0x41: {  	_ =	shalt  }
0x42: {  	_ =	shalt  }
0x43: {  	_ =	shalt  }
0x44: {  	_ =	shalt  }
0x45: {  	_ =	shalt  }
0x46: {  	_ =	shalt  }
0x47: {  	_ =	shalt  }
0x48: {  	_ =	shalt  }
0x49: {  	_ =	shalt  }
0x4a: {  	_ =	shalt  }
0x4b: {  	_ =	shalt  }
0x4c: {  	_ =	shalt  }
0x4d: {  	_ =	shalt  }
0x4e: {  	_ =	shalt  }
0x4f: {  	_ =	shalt  }
0x50: {  	_ =	shalt  }
0x51: {  	_ =	shalt  }
0x52: {  	_ =	shalt  }
0x53: {  	_ =	shalt  }
0x54: {  	_ =	shalt  }
0x55: {  	_ =	shalt  }
0x56: {  	_ =	shalt  }
0x57: {  	_ =	shalt  }
0x58: {  	_ =	shalt  }
0x59: {  	_ =	shalt  }
0x5a: {  	_ =	shalt  }
0x5b: {  	_ =	shalt  }
0x5c: {  	_ =	shalt  }
0x5d: {  	_ =	shalt  }
0x5e: {  	_ =	shalt  }
0x5f: {  	_ =	shalt  }
0x60: {  	_ =	shalt  }
0x61: {  	_ =	shalt  }
0x62: {  	_ =	shalt  }
0x63: {  	_ =	shalt  }
0x64: {  	_ =	shalt  }
0x65: {  	_ =	shalt  }
0x66: {  	_ =	shalt  }
0x67: {  	_ =	shalt  }
0x68: {  	_ =	shalt  }
0x69: {  	_ =	shalt  }
0x6a: {  	_ =	shalt  }
0x6b: {  	_ =	shalt  }
0x6c: {  	_ =	shalt  }
0x6d: {  	_ =	shalt  }
0x6e: {  	_ =	shalt  }
0x6f: {  	_ =	shalt  }
0x70: {  	_ =	shalt  }
0x71: {  	_ =	shalt  }
0x72: {  	_ =	shalt  }
0x73: {  	_ =	shalt  }
0x74: {  	_ =	shalt  }
0x75: {  	_ =	shalt  }
0x76: {  	_ =	shalt  }
0x77: {  	_ =	shalt  }
0x78: {  	_ =	shalt  }
0x79: {  	_ =	shalt  }
0x7a: {  	_ =	shalt  }
0x7b: {  	_ =	shalt  }
0x7c: {  	_ =	shalt  }
0x7d: {  	_ =	shalt  }
0x7e: {  	_ =	shalt  }
0x7f: {  	_ =	shalt  }
0x80: {  	_ =	shalt  }
0x81: {  	_ =	shalt  }
0x82: {  	_ =	shalt  }
0x83: {  	_ =	shalt  }
0x84: {  	_ =	shalt  }
0x85: {  	_ =	shalt  }
0x86: {  	_ =	shalt  }
0x87: {  	_ =	shalt  }
.Lfunc_end0:
.L_simem_size_0:
called_computation_lowered:
.L_overlay_start_0:
0x88: {  	s2 =	sld [smem:$0x3FD9]  }
0x89: {  	s3 =	sld [smem:$0x3FFE];
	_ =	sdelay $0x1  }
0x8a: {  	s1 =	srdreg.scid  }
0x8b: {  	s0 =	sand.u32 $0x1, s1  }
0x8c: {  	s17 =	sshll.u32 s0, $0xA;
	s2 =	sadd.s32 s3, s2  }
0x8d: {  	s2 =	sadd.s32 s2, s17  }
0x8e: {  	[smem:$0x3FC4] =	sst s2  }
0x8f: {  	_ = 	snop  }
0x90: {  	s2 =	sld [smem:$0x3FC9]  }
0x91: {  	s18 =	sld [smem:$0x3FC8];
	(tm) =	ssettm $0x1  }
0x92: {  	s4 =	sld [smem:$0x3FFB];
	_ =	sdelay $0x3  }
0x93: {  	_ =	strace s4  }
0x94: {  	s4 =	sld [smem:$0x3FFC];
	_ =	sdelay $0x3  }
0x95: {  	_ =	strace s4  }
0x96: {  	s4 =	sld [smem:$0x3FFD];
	_ =	sdelay $0x3  }
0x97: {  	_ =	strace s4  }
0x98: {  	_ =	strace $0x8FFFFFFF  }
0x99: {  	s19 =	sld [smem:$0x3FDB];
	_ =	sdelay $0x1  }
0x9a: {  	s5 =	simm.s32 $_scs_section_size  }
0x9b: {  	s6 =	simm.s32 $_size__tile_overlayer_lowered;
	s7 =	simm.s32 $_tile_overlayer_lowered  }
0x9c: {  	s22 =	simm.s32 $0x1BFF;
	s21 =	sshll.u32 s7, $0x1;
	s4 =	sadd.s32 s5, s19  }
0x9d: {  	s8 =	simm.s32 $0x0;
	s20 =	sshll.u32 s6, $0x1;
	s6 =	sadd.s32 s21, s4  }
0x9e: {  	[timem:s8], [sflag:s22] =	dma.local [hbm:s6], s20  }
0x9f: {  	_ =	swait.ge [sflag:s22], s20  }
0xa0: {  	s5 =	ssub.s32 $0x0, s20;
	[sflag:s22] =	ssyncset.done $0x0  }
0xa1: {  	[sflag:s22] =	ssyncadd.s32 s5;
	_ =	sdelay $0x1  }
0xa2: {  	s23 =	simm.s32 $0x1B8B  }
0xa3: {  	_ =	swait.ge [sflag:s23], $0x1  }
0xa4: {  	[sflag:s23] =	ssyncset.done $0x0  }
0xa5: {  	s25 =	simm.s32 $0x1B8E;
	s24 =	sld [smem:$0x3FFE];
	[sflag:s23] =	ssyncadd.s32 $0xFFFFFFFF  }
0xa6: {  	s26 =	simm.s32 $execute0_lowered;
	[smem:$0x3FD2] =	sst s25  }
0xa7: {  	s6 =	sshll.u32 s26, $0x1;
	_ =	strace $0x80000046;
	[dreg:$0x1] =	wrdreg $0xFFFFFFFF  }
0xa8: {  	s28 =	simm.s32 $_size_execute0_lowered;
	s4 =	sadd.s32 s4, s6;
	[dreg:$0x0] =	wrdreg $0x0  }
0xa9: {  	s6 =	sshll.u32 s28, $0x1;
	[dreg:$0x2] =	wrdreg s4  }
0xaa: {  	[dreg:$0x3] =	wrdreg s6  }
0xab: {  	[dreg:$0x4] =	wrdreg $0xC0  }
0xac: {  	_ =	task [dreg:s8], $0x5FFFF  }
0xad: {  	[dreg:$0x1] =	wrdreg $0xFFFFFFFF  }
0xae: {  	[dreg:$0x0] =	wrdreg $0x60  }
0xaf: {  	[dreg:$0x2] =	wrdreg s2  }
0xb0: {  	[dreg:$0x3] =	wrdreg s18  }
0xb1: {  	[dreg:$0x4] =	wrdreg s24  }
0xb2: {  	[dreg:$0x5] =	wrdreg $0x9  }
0xb3: {  	_ =	task.clear_ibuf [dreg:s8], $0x6FFFF;
	_ =	strace $0x90000046  }
0xb4: {  	s29 =	simm.s32 $0x9;
	_ =	strace $0x80000048  }
0xb5: {  	_ =	swait.ge [sflag:s29], $0x1  }
0xb6: {  	[sflag:s29] =	ssyncadd.s32 $0xFFFFFFFF  }
0xb7: {  	_ =	strace $0x90000048  }
0xb8: {  	_ =	sfence  }
0xb9: {  	s30 =	sld [smem:$0x0];
	_ =	sdelay $0x2  }
0xba: {  	s31 =	sshll.u32 s1, $0xD;
	s1 =	sshrl.u32 s1, $0x2  }
0xbb: {  	s3 =	sand.u32 $0x4000, s31;
	s1 =	sadd.s32 s1, s30  }
0xbc: {  	s0 =	sor.u32 s3, s0;
	s1 =	sshll.u32 s1, $0x11  }
0xbd: {  	s0 =	sor.u32 s1, s0  }
0xbe: {  	s0 =	sadd.s32 $0x8F2B, s0  }
0xbf: {  	[sflag:s0] =	ssyncadd.remote.s32 $0x1  }
0xc0: {  	_ =	sfence.sel $0xFFFF  }
0xc1: {  	[dreg:$0x0] =	wrdreg $0xFFFFFFFF;
	(pc) =	sbr.abs _section_cstart, $3  }
0xc2: {  	[dreg:$0x1] =	wrdreg $0xFFFFFFFF  }
0xc3: {  	_ =	task.clear_ibuf [dreg:s8], $0x2FFFF;
	_ =	strace $0x9FFFFFFF  }
0xc4: {  	(tm) =	ssettm $0x7FFFFFFF  }
0xc5: {  	_ =	shalt  }
tec
execute0_lowered:
.L_overlay_start_1:
0x0: {  	(tag) =	ssettag $0x1  }
0x1: {  	s0 =	rddreg [dreg:$0x0]  }
0x2: {  	s2 =	rddreg [dreg:$0x1]  }
0x3: {  	s4 =	rddreg [dreg:$0x2]  }
0x4: {  	s3 =	srdreg.scid;
	s1 =	stileid.u32  }
0x5: {  	s14 =	simm.s32 $0x3;
	s15 =	simm.s32 $0x80;
	s16 =	simm.s32 $0x1  }
0x6: {  	s17 =	simm.s32 $0x8080;
	s18 =	simm.s32 $0xA080;
	s19 =	simm.s32 $0xC080  }
0x7: {  	s20 =	simm.s32 $0xE080;
	s21 =	simm.s32 $0x10080;
	s22 =	simm.s32 $0x12080  }
0x8: {  	s23 =	simm.s32 $0x14080;
	s24 =	simm.s32 $0x16080;
	s25 =	simm.s32 $0x2  }
0x9: {  	s26 =	simm.s32 $0x0;
	s5 =	sand.u32 $0x1, s3;
	s3 =	simm.s32 $0x0  }
0xa: {  	s6 =	sshll.u32 s1, $0x6;
	s7 =	sshll.u32 s5, $0x5;
	[smem:$0x7FF] =	sst s3  }
0xb: {  	s5 =	ssub.s32 $0x2, s5;
	s6 =	sor.u32 s7, s6;
	_ =	strace $0x80000047  }
0xc: {  	s31 =	sshrl.u32 s5, $0x1;
	s7 =	sshll.u32 s6, $0x6;
	s6 =	sshrl.u32 s6, $0x3  }
0xd: {  	s13 =	ssub.s32 s5, s31;
	s12 =	sadd.s32 s7, s4;
	s4 =	sadd.s32 s0, s6  }
0xe: {  	s13 =	smax.u32 s13, $0x1;
	s5 =	sadd.s32 $0xE00, s12;
	s6 =	sadd.s32 $0x10E00, s12  }
0xf: {  	s7 =	sadd.s32 $0x20E00, s12;
	s8 =	sadd.s32 $0x30E00, s12;
	s9 =	sadd.s32 $0x1200, s12  }
0x10: {  	v0 =	vlaneseq.u32;
	vm0 =	vmmov $0xffff;
	s10 =	sadd.s32 $0x11200, s12;
	s11 =	sadd.s32 $0x21200, s12;
	s12 =	sadd.s32 $0x31200, s12  }
.LBB2_1:
0x11: {  	[tilespmem:s3], [sflag:$0x3] =	stream.linear.gather [hbm4b:s4+s3], $0x20, $0x38;
	[tilespmem:$0x18080] =	vst v63  }
0x12: {  	_ =	swait.ge [sflag:s14], $0x20  }
0x13: {  	[sflag:s14] =	ssyncset.done $0x0  }
0x14: {  	[sflag:s14] =	ssyncadd.s32 $0xFFFFFFE0  }
0x15: {  	v1 =	vld [tilespmem:$0x0];
	_ =	sdelay $0x4  }
0x16: {  	v1 =	vshll.u32 v1, $0xB  }
0x17: {  	v1 =	vperm.xlane v1, v0;
	_ =	sdelay $0x5  }
0x18: {  	[tilespmem:s15], [sflag:$0x1] =	stream.indirect_vreg.gather [hbm4b:s2+s3], $0x800, v1, vm0, $0x38;
	[tilespmem:$0x18080] =	vst v63  }
0x19: {  	_ =	swait.ge [sflag:s16], $0x8000  }
0x1a: {  	s28 =	simm.s32 $0x480;
	[sflag:s16] =	ssyncset.done $0x0  }
0x1b: {  	s29 =	simm.s32 $0x0;
	s30 =	simm.s32 $0x0;
	[sflag:s16] =	ssyncadd.s32 $0xFFFF8000  }
.LBB2_2:
0x1c: {  	v1 =	vld [tilespmem:s28+$0xFFFFFC00];
	_ =	sdelay $0x2  }
0x1d: {  	s0 =	sand.u32 $0x1000, s30;
	s31 =	sand.u32 $0x380, s29  }
0x1e: {  	s31 =	sor.u32 s31, s0  }
0x1f: {  	[tilespmem:s31+$0x8080] =	vst v1  }
0x20: {  	v1 =	vld [tilespmem:s28+$0xFFFFFC10];
	_ =	sdelay $0x4  }
0x21: {  	[tilespmem:s31+$0x8090] =	vst v1  }
0x22: {  	v1 =	vld [tilespmem:s28+$0xFFFFFC20];
	_ =	sdelay $0x4  }
0x23: {  	[tilespmem:s31+$0x80A0] =	vst v1  }
0x24: {  	v1 =	vld [tilespmem:s28+$0xFFFFFC30];
	_ =	sdelay $0x4  }
0x25: {  	[tilespmem:s31+$0x80B0] =	vst v1  }
0x26: {  	v1 =	vld [tilespmem:s28+$0xFFFFFC40];
	_ =	sdelay $0x4  }
0x27: {  	[tilespmem:s31+$0x80C0] =	vst v1  }
0x28: {  	v1 =	vld [tilespmem:s28+$0xFFFFFC50];
	_ =	sdelay $0x4  }
0x29: {  	[tilespmem:s31+$0x80D0] =	vst v1  }
0x2a: {  	v1 =	vld [tilespmem:s28+$0xFFFFFC60];
	_ =	sdelay $0x4  }
0x2b: {  	[tilespmem:s31+$0x80E0] =	vst v1  }
0x2c: {  	v1 =	vld [tilespmem:s28+$0xFFFFFC70];
	_ =	sdelay $0x4  }
0x2d: {  	[tilespmem:s31+$0x80F0] =	vst v1  }
0x2e: {  	v1 =	vld [tilespmem:s28+$0xFFFFFE00];
	_ =	sdelay $0x4  }
0x2f: {  	[tilespmem:s31+$0x8480] =	vst v1  }
0x30: {  	v1 =	vld [tilespmem:s28+$0xFFFFFE10];
	_ =	sdelay $0x4  }
0x31: {  	[tilespmem:s31+$0x8490] =	vst v1  }
0x32: {  	v1 =	vld [tilespmem:s28+$0xFFFFFE20];
	_ =	sdelay $0x4  }
0x33: {  	[tilespmem:s31+$0x84A0] =	vst v1  }
0x34: {  	v1 =	vld [tilespmem:s28+$0xFFFFFE30];
	_ =	sdelay $0x4  }
0x35: {  	[tilespmem:s31+$0x84B0] =	vst v1  }
0x36: {  	v1 =	vld [tilespmem:s28+$0xFFFFFE40];
	_ =	sdelay $0x4  }
0x37: {  	[tilespmem:s31+$0x84C0] =	vst v1  }
0x38: {  	v1 =	vld [tilespmem:s28+$0xFFFFFE50];
	_ =	sdelay $0x4  }
0x39: {  	[tilespmem:s31+$0x84D0] =	vst v1  }
0x3a: {  	v1 =	vld [tilespmem:s28+$0xFFFFFE60];
	_ =	sdelay $0x4  }
0x3b: {  	[tilespmem:s31+$0x84E0] =	vst v1  }
0x3c: {  	v1 =	vld [tilespmem:s28+$0xFFFFFE70];
	_ =	sdelay $0x4  }
0x3d: {  	[tilespmem:s31+$0x84F0] =	vst v1  }
0x3e: {  	v1 =	vld [tilespmem:s28+$0x0];
	_ =	sdelay $0x4  }
0x3f: {  	[tilespmem:s31+$0x8880] =	vst v1  }
0x40: {  	v1 =	vld [tilespmem:s28+$0x10];
	_ =	sdelay $0x4  }
0x41: {  	[tilespmem:s31+$0x8890] =	vst v1  }
0x42: {  	v1 =	vld [tilespmem:s28+$0x20];
	_ =	sdelay $0x4  }
0x43: {  	[tilespmem:s31+$0x88A0] =	vst v1  }
0x44: {  	v1 =	vld [tilespmem:s28+$0x30];
	_ =	sdelay $0x4  }
0x45: {  	[tilespmem:s31+$0x88B0] =	vst v1  }
0x46: {  	v1 =	vld [tilespmem:s28+$0x40];
	_ =	sdelay $0x4  }
0x47: {  	[tilespmem:s31+$0x88C0] =	vst v1  }
0x48: {  	v1 =	vld [tilespmem:s28+$0x50];
	_ =	sdelay $0x4  }
0x49: {  	[tilespmem:s31+$0x88D0] =	vst v1  }
0x4a: {  	v1 =	vld [tilespmem:s28+$0x60];
	_ =	sdelay $0x4  }
0x4b: {  	[tilespmem:s31+$0x88E0] =	vst v1  }
0x4c: {  	v1 =	vld [tilespmem:s28+$0x70];
	_ =	sdelay $0x4  }
0x4d: {  	[tilespmem:s31+$0x88F0] =	vst v1  }
0x4e: {  	v1 =	vld [tilespmem:s28+$0x200];
	_ =	sdelay $0x4  }
0x4f: {  	[tilespmem:s31+$0x8C80] =	vst v1  }
0x50: {  	v1 =	vld [tilespmem:s28+$0x210];
	_ =	sdelay $0x4  }
0x51: {  	[tilespmem:s31+$0x8C90] =	vst v1  }
0x52: {  	v1 =	vld [tilespmem:s28+$0x220];
	_ =	sdelay $0x4  }
0x53: {  	[tilespmem:s31+$0x8CA0] =	vst v1  }
0x54: {  	v1 =	vld [tilespmem:s28+$0x230];
	_ =	sdelay $0x4  }
0x55: {  	[tilespmem:s31+$0x8CB0] =	vst v1  }
0x56: {  	v1 =	vld [tilespmem:s28+$0x240];
	_ =	sdelay $0x4  }
0x57: {  	[tilespmem:s31+$0x8CC0] =	vst v1  }
0x58: {  	v1 =	vld [tilespmem:s28+$0x250];
	_ =	sdelay $0x4  }
0x59: {  	[tilespmem:s31+$0x8CD0] =	vst v1  }
0x5a: {  	v1 =	vld [tilespmem:s28+$0x260];
	_ =	sdelay $0x4  }
0x5b: {  	[tilespmem:s31+$0x8CE0] =	vst v1  }
0x5c: {  	v1 =	vld [tilespmem:s28+$0x270];
	_ =	sdelay $0x4  }
0x5d: {  	[tilespmem:s31+$0x8CF0] =	vst v1  }
0x5e: {  	v1 =	vld [tilespmem:s28+$0xFFFFFC80];
	_ =	sdelay $0x4  }
0x5f: {  	[tilespmem:s31+$0xA080] =	vst v1  }
0x60: {  	v1 =	vld [tilespmem:s28+$0xFFFFFC90];
	_ =	sdelay $0x4  }
0x61: {  	[tilespmem:s31+$0xA090] =	vst v1  }
0x62: {  	v1 =	vld [tilespmem:s28+$0xFFFFFCA0];
	_ =	sdelay $0x4  }
0x63: {  	[tilespmem:s31+$0xA0A0] =	vst v1  }
0x64: {  	v1 =	vld [tilespmem:s28+$0xFFFFFCB0];
	_ =	sdelay $0x4  }
0x65: {  	[tilespmem:s31+$0xA0B0] =	vst v1  }
0x66: {  	v1 =	vld [tilespmem:s28+$0xFFFFFCC0];
	_ =	sdelay $0x4  }
0x67: {  	[tilespmem:s31+$0xA0C0] =	vst v1  }
0x68: {  	v1 =	vld [tilespmem:s28+$0xFFFFFCD0];
	_ =	sdelay $0x4  }
0x69: {  	[tilespmem:s31+$0xA0D0] =	vst v1  }
0x6a: {  	v1 =	vld [tilespmem:s28+$0xFFFFFCE0];
	_ =	sdelay $0x4  }
0x6b: {  	[tilespmem:s31+$0xA0E0] =	vst v1  }
0x6c: {  	v1 =	vld [tilespmem:s28+$0xFFFFFCF0];
	_ =	sdelay $0x4  }
0x6d: {  	[tilespmem:s31+$0xA0F0] =	vst v1  }
0x6e: {  	v1 =	vld [tilespmem:s28+$0xFFFFFE80];
	_ =	sdelay $0x1  }
0x6f: {  	s1 =	sand.u32 $0xFFFFF000, s30  }
0x70: {  	s0 =	sadd.s32 s1, s29  }
0x71: {  	s1 =	sor.u32 $0x2400, s0  }
0x72: {  	[tilespmem:s1+$0x8080] =	vst v1  }
0x73: {  	v1 =	vld [tilespmem:s28+$0xFFFFFE90];
	_ =	sdelay $0x4  }
0x74: {  	[tilespmem:s1+$0x8090] =	vst v1  }
0x75: {  	v1 =	vld [tilespmem:s28+$0xFFFFFEA0];
	_ =	sdelay $0x4  }
0x76: {  	[tilespmem:s1+$0x80A0] =	vst v1  }
0x77: {  	v1 =	vld [tilespmem:s28+$0xFFFFFEB0];
	_ =	sdelay $0x4  }
0x78: {  	[tilespmem:s1+$0x80B0] =	vst v1  }
0x79: {  	v1 =	vld [tilespmem:s28+$0xFFFFFEC0];
	_ =	sdelay $0x4  }
0x7a: {  	[tilespmem:s1+$0x80C0] =	vst v1  }
0x7b: {  	v1 =	vld [tilespmem:s28+$0xFFFFFED0];
	_ =	sdelay $0x4  }
0x7c: {  	[tilespmem:s1+$0x80D0] =	vst v1  }
0x7d: {  	v1 =	vld [tilespmem:s28+$0xFFFFFEE0];
	_ =	sdelay $0x4  }
0x7e: {  	[tilespmem:s1+$0x80E0] =	vst v1  }
0x7f: {  	v1 =	vld [tilespmem:s28+$0xFFFFFEF0];
	_ =	sdelay $0x4  }
0x80: {  	[tilespmem:s1+$0x80F0] =	vst v1  }
0x81: {  	v1 =	vld [tilespmem:s28+$0x80];
	_ =	sdelay $0x4  }
0x82: {  	[tilespmem:s31+$0xA880] =	vst v1  }
0x83: {  	v1 =	vld [tilespmem:s28+$0x90];
	_ =	sdelay $0x4  }
0x84: {  	[tilespmem:s31+$0xA890] =	vst v1  }
0x85: {  	v1 =	vld [tilespmem:s28+$0xA0];
	_ =	sdelay $0x4  }
0x86: {  	[tilespmem:s31+$0xA8A0] =	vst v1  }
0x87: {  	v1 =	vld [tilespmem:s28+$0xB0];
	_ =	sdelay $0x4  }
0x88: {  	[tilespmem:s31+$0xA8B0] =	vst v1  }
0x89: {  	v1 =	vld [tilespmem:s28+$0xC0];
	_ =	sdelay $0x4  }
0x8a: {  	[tilespmem:s31+$0xA8C0] =	vst v1  }
0x8b: {  	v1 =	vld [tilespmem:s28+$0xD0];
	_ =	sdelay $0x4  }
0x8c: {  	[tilespmem:s31+$0xA8D0] =	vst v1  }
0x8d: {  	v1 =	vld [tilespmem:s28+$0xE0];
	_ =	sdelay $0x4  }
0x8e: {  	[tilespmem:s31+$0xA8E0] =	vst v1  }
0x8f: {  	v1 =	vld [tilespmem:s28+$0xF0];
	_ =	sdelay $0x4  }
0x90: {  	[tilespmem:s31+$0xA8F0] =	vst v1  }
0x91: {  	v1 =	vld [tilespmem:s28+$0x280];
	_ =	sdelay $0x3  }
0x92: {  	s1 =	sor.u32 $0x2C00, s0  }
0x93: {  	[tilespmem:s1+$0x8080] =	vst v1  }
0x94: {  	v1 =	vld [tilespmem:s28+$0x290];
	_ =	sdelay $0x4  }
0x95: {  	[tilespmem:s1+$0x8090] =	vst v1  }
0x96: {  	v1 =	vld [tilespmem:s28+$0x2A0];
	_ =	sdelay $0x4  }
0x97: {  	[tilespmem:s1+$0x80A0] =	vst v1  }
0x98: {  	v1 =	vld [tilespmem:s28+$0x2B0];
	_ =	sdelay $0x4  }
0x99: {  	[tilespmem:s1+$0x80B0] =	vst v1  }
0x9a: {  	v1 =	vld [tilespmem:s28+$0x2C0];
	_ =	sdelay $0x4  }
0x9b: {  	[tilespmem:s1+$0x80C0] =	vst v1  }
0x9c: {  	v1 =	vld [tilespmem:s28+$0x2D0];
	_ =	sdelay $0x4  }
0x9d: {  	[tilespmem:s1+$0x80D0] =	vst v1  }
0x9e: {  	v1 =	vld [tilespmem:s28+$0x2E0];
	_ =	sdelay $0x4  }
0x9f: {  	[tilespmem:s1+$0x80E0] =	vst v1  }
0xa0: {  	v1 =	vld [tilespmem:s28+$0x2F0];
	_ =	sdelay $0x4  }
0xa1: {  	[tilespmem:s1+$0x80F0] =	vst v1  }
0xa2: {  	v1 =	vld [tilespmem:s28+$0xFFFFFD00];
	_ =	sdelay $0x4  }
0xa3: {  	[tilespmem:s31+$0xC080] =	vst v1  }
0xa4: {  	v1 =	vld [tilespmem:s28+$0xFFFFFD10];
	_ =	sdelay $0x4  }
0xa5: {  	[tilespmem:s31+$0xC090] =	vst v1  }
0xa6: {  	v1 =	vld [tilespmem:s28+$0xFFFFFD20];
	_ =	sdelay $0x4  }
0xa7: {  	[tilespmem:s31+$0xC0A0] =	vst v1  }
0xa8: {  	v1 =	vld [tilespmem:s28+$0xFFFFFD30];
	_ =	sdelay $0x4  }
0xa9: {  	[tilespmem:s31+$0xC0B0] =	vst v1  }
0xaa: {  	v1 =	vld [tilespmem:s28+$0xFFFFFD40];
	_ =	sdelay $0x4  }
0xab: {  	[tilespmem:s31+$0xC0C0] =	vst v1  }
0xac: {  	v1 =	vld [tilespmem:s28+$0xFFFFFD50];
	_ =	sdelay $0x4  }
0xad: {  	[tilespmem:s31+$0xC0D0] =	vst v1  }
0xae: {  	v1 =	vld [tilespmem:s28+$0xFFFFFD60];
	_ =	sdelay $0x4  }
0xaf: {  	[tilespmem:s31+$0xC0E0] =	vst v1  }
0xb0: {  	v1 =	vld [tilespmem:s28+$0xFFFFFD70];
	_ =	sdelay $0x4  }
0xb1: {  	[tilespmem:s31+$0xC0F0] =	vst v1  }
0xb2: {  	v1 =	vld [tilespmem:s28+$0xFFFFFF00];
	_ =	sdelay $0x3  }
0xb3: {  	s1 =	sor.u32 $0x4400, s0  }
0xb4: {  	[tilespmem:s1+$0x8080] =	vst v1  }
0xb5: {  	v1 =	vld [tilespmem:s28+$0xFFFFFF10];
	_ =	sdelay $0x4  }
0xb6: {  	[tilespmem:s1+$0x8090] =	vst v1  }
0xb7: {  	v1 =	vld [tilespmem:s28+$0xFFFFFF20];
	_ =	sdelay $0x4  }
0xb8: {  	[tilespmem:s1+$0x80A0] =	vst v1  }
0xb9: {  	v1 =	vld [tilespmem:s28+$0xFFFFFF30];
	_ =	sdelay $0x4  }
0xba: {  	[tilespmem:s1+$0x80B0] =	vst v1  }
0xbb: {  	v1 =	vld [tilespmem:s28+$0xFFFFFF40];
	_ =	sdelay $0x4  }
0xbc: {  	[tilespmem:s1+$0x80C0] =	vst v1  }
0xbd: {  	v1 =	vld [tilespmem:s28+$0xFFFFFF50];
	_ =	sdelay $0x4  }
0xbe: {  	[tilespmem:s1+$0x80D0] =	vst v1  }
0xbf: {  	v1 =	vld [tilespmem:s28+$0xFFFFFF60];
	_ =	sdelay $0x4  }
0xc0: {  	[tilespmem:s1+$0x80E0] =	vst v1  }
0xc1: {  	v1 =	vld [tilespmem:s28+$0xFFFFFF70];
	_ =	sdelay $0x4  }
0xc2: {  	[tilespmem:s1+$0x80F0] =	vst v1  }
0xc3: {  	v1 =	vld [tilespmem:s28+$0x100];
	_ =	sdelay $0x4  }
0xc4: {  	[tilespmem:s31+$0xC880] =	vst v1  }
0xc5: {  	v1 =	vld [tilespmem:s28+$0x110];
	_ =	sdelay $0x4  }
0xc6: {  	[tilespmem:s31+$0xC890] =	vst v1  }
0xc7: {  	v1 =	vld [tilespmem:s28+$0x120];
	_ =	sdelay $0x4  }
0xc8: {  	[tilespmem:s31+$0xC8A0] =	vst v1  }
0xc9: {  	v1 =	vld [tilespmem:s28+$0x130];
	_ =	sdelay $0x4  }
0xca: {  	[tilespmem:s31+$0xC8B0] =	vst v1  }
0xcb: {  	v1 =	vld [tilespmem:s28+$0x140];
	_ =	sdelay $0x4  }
0xcc: {  	[tilespmem:s31+$0xC8C0] =	vst v1  }
0xcd: {  	v1 =	vld [tilespmem:s28+$0x150];
	_ =	sdelay $0x4  }
0xce: {  	[tilespmem:s31+$0xC8D0] =	vst v1  }
0xcf: {  	v1 =	vld [tilespmem:s28+$0x160];
	_ =	sdelay $0x4  }
0xd0: {  	[tilespmem:s31+$0xC8E0] =	vst v1  }
0xd1: {  	v1 =	vld [tilespmem:s28+$0x170];
	_ =	sdelay $0x4  }
0xd2: {  	[tilespmem:s31+$0xC8F0] =	vst v1  }
0xd3: {  	v1 =	vld [tilespmem:s28+$0x300];
	_ =	sdelay $0x3  }
0xd4: {  	s1 =	sor.u32 $0x4C00, s0  }
0xd5: {  	[tilespmem:s1+$0x8080] =	vst v1  }
0xd6: {  	v1 =	vld [tilespmem:s28+$0x310];
	_ =	sdelay $0x4  }
0xd7: {  	[tilespmem:s1+$0x8090] =	vst v1  }
0xd8: {  	v1 =	vld [tilespmem:s28+$0x320];
	_ =	sdelay $0x4  }
0xd9: {  	[tilespmem:s1+$0x80A0] =	vst v1  }
0xda: {  	v1 =	vld [tilespmem:s28+$0x330];
	_ =	sdelay $0x4  }
0xdb: {  	[tilespmem:s1+$0x80B0] =	vst v1  }
0xdc: {  	v1 =	vld [tilespmem:s28+$0x340];
	_ =	sdelay $0x4  }
0xdd: {  	[tilespmem:s1+$0x80C0] =	vst v1  }
0xde: {  	v1 =	vld [tilespmem:s28+$0x350];
	_ =	sdelay $0x4  }
0xdf: {  	[tilespmem:s1+$0x80D0] =	vst v1  }
0xe0: {  	v1 =	vld [tilespmem:s28+$0x360];
	_ =	sdelay $0x4  }
0xe1: {  	[tilespmem:s1+$0x80E0] =	vst v1  }
0xe2: {  	v1 =	vld [tilespmem:s28+$0x370];
	_ =	sdelay $0x4  }
0xe3: {  	[tilespmem:s1+$0x80F0] =	vst v1  }
0xe4: {  	v1 =	vld [tilespmem:s28+$0xFFFFFD80];
	_ =	sdelay $0x4  }
0xe5: {  	[tilespmem:s31+$0xE080] =	vst v1  }
0xe6: {  	v1 =	vld [tilespmem:s28+$0xFFFFFD90];
	_ =	sdelay $0x4  }
0xe7: {  	[tilespmem:s31+$0xE090] =	vst v1  }
0xe8: {  	v1 =	vld [tilespmem:s28+$0xFFFFFDA0];
	_ =	sdelay $0x4  }
0xe9: {  	[tilespmem:s31+$0xE0A0] =	vst v1  }
0xea: {  	v1 =	vld [tilespmem:s28+$0xFFFFFDB0];
	_ =	sdelay $0x4  }
0xeb: {  	[tilespmem:s31+$0xE0B0] =	vst v1  }
0xec: {  	v1 =	vld [tilespmem:s28+$0xFFFFFDC0];
	_ =	sdelay $0x4  }
0xed: {  	[tilespmem:s31+$0xE0C0] =	vst v1  }
0xee: {  	v1 =	vld [tilespmem:s28+$0xFFFFFDD0];
	_ =	sdelay $0x4  }
0xef: {  	[tilespmem:s31+$0xE0D0] =	vst v1  }
0xf0: {  	v1 =	vld [tilespmem:s28+$0xFFFFFDE0];
	_ =	sdelay $0x4  }
0xf1: {  	[tilespmem:s31+$0xE0E0] =	vst v1  }
0xf2: {  	v1 =	vld [tilespmem:s28+$0xFFFFFDF0];
	_ =	sdelay $0x4  }
0xf3: {  	[tilespmem:s31+$0xE0F0] =	vst v1  }
0xf4: {  	v1 =	vld [tilespmem:s28+$0xFFFFFF80];
	_ =	sdelay $0x3  }
0xf5: {  	s1 =	sor.u32 $0x6400, s0  }
0xf6: {  	[tilespmem:s1+$0x8080] =	vst v1  }
0xf7: {  	v1 =	vld [tilespmem:s28+$0xFFFFFF90];
	_ =	sdelay $0x4  }
0xf8: {  	[tilespmem:s1+$0x8090] =	vst v1  }
0xf9: {  	v1 =	vld [tilespmem:s28+$0xFFFFFFA0];
	_ =	sdelay $0x4  }
0xfa: {  	[tilespmem:s1+$0x80A0] =	vst v1  }
0xfb: {  	v1 =	vld [tilespmem:s28+$0xFFFFFFB0];
	_ =	sdelay $0x4  }
0xfc: {  	[tilespmem:s1+$0x80B0] =	vst v1  }
0xfd: {  	v1 =	vld [tilespmem:s28+$0xFFFFFFC0];
	_ =	sdelay $0x4  }
0xfe: {  	[tilespmem:s1+$0x80C0] =	vst v1  }
0xff: {  	v1 =	vld [tilespmem:s28+$0xFFFFFFD0];
	_ =	sdelay $0x4  }
0x100: {  	[tilespmem:s1+$0x80D0] =	vst v1  }
0x101: {  	v1 =	vld [tilespmem:s28+$0xFFFFFFE0];
	_ =	sdelay $0x4  }
0x102: {  	[tilespmem:s1+$0x80E0] =	vst v1  }
0x103: {  	v1 =	vld [tilespmem:s28+$0xFFFFFFF0];
	_ =	sdelay $0x4  }
0x104: {  	[tilespmem:s1+$0x80F0] =	vst v1  }
0x105: {  	v1 =	vld [tilespmem:s28+$0x180];
	_ =	sdelay $0x4  }
0x106: {  	[tilespmem:s31+$0xE880] =	vst v1  }
0x107: {  	v1 =	vld [tilespmem:s28+$0x190];
	_ =	sdelay $0x4  }
0x108: {  	[tilespmem:s31+$0xE890] =	vst v1  }
0x109: {  	v1 =	vld [tilespmem:s28+$0x1A0];
	_ =	sdelay $0x4  }
0x10a: {  	[tilespmem:s31+$0xE8A0] =	vst v1  }
0x10b: {  	v1 =	vld [tilespmem:s28+$0x1B0];
	_ =	sdelay $0x4  }
0x10c: {  	[tilespmem:s31+$0xE8B0] =	vst v1  }
0x10d: {  	v1 =	vld [tilespmem:s28+$0x1C0];
	_ =	sdelay $0x4  }
0x10e: {  	[tilespmem:s31+$0xE8C0] =	vst v1  }
0x10f: {  	v1 =	vld [tilespmem:s28+$0x1D0];
	_ =	sdelay $0x4  }
0x110: {  	[tilespmem:s31+$0xE8D0] =	vst v1  }
0x111: {  	v1 =	vld [tilespmem:s28+$0x1E0];
	_ =	sdelay $0x4  }
0x112: {  	[tilespmem:s31+$0xE8E0] =	vst v1  }
0x113: {  	v1 =	vld [tilespmem:s28+$0x1F0];
	_ =	sdelay $0x4  }
0x114: {  	[tilespmem:s31+$0xE8F0] =	vst v1  }
0x115: {  	v1 =	vld [tilespmem:s28+$0x380];
	_ =	sdelay $0x3  }
0x116: {  	s0 =	sor.u32 $0x6C00, s0  }
0x117: {  	[tilespmem:s0+$0x8080] =	vst v1  }
0x118: {  	v1 =	vld [tilespmem:s28+$0x390];
	_ =	sdelay $0x4  }
0x119: {  	[tilespmem:s0+$0x8090] =	vst v1  }
0x11a: {  	v1 =	vld [tilespmem:s28+$0x3A0];
	_ =	sdelay $0x4  }
0x11b: {  	[tilespmem:s0+$0x80A0] =	vst v1  }
0x11c: {  	v1 =	vld [tilespmem:s28+$0x3B0];
	_ =	sdelay $0x4  }
0x11d: {  	[tilespmem:s0+$0x80B0] =	vst v1  }
0x11e: {  	v1 =	vld [tilespmem:s28+$0x3C0];
	_ =	sdelay $0x4  }
0x11f: {  	[tilespmem:s0+$0x80C0] =	vst v1  }
0x120: {  	v1 =	vld [tilespmem:s28+$0x3D0];
	_ =	sdelay $0x4  }
0x121: {  	[tilespmem:s0+$0x80D0] =	vst v1  }
0x122: {  	v1 =	vld [tilespmem:s28+$0x3E0];
	_ =	sdelay $0x4  }
0x123: {  	[tilespmem:s0+$0x80E0] =	vst v1  }
0x124: {  	p0 =	sne.s32 s30, $0x1E00;
	v1 =	vld [tilespmem:s28+$0x3F0]  }
.Ltmp0:
0x125: {  	_ = 	snop;
	(pc) =	sbr.rel @p0 .LBB2_2-.Ltmp0, $2  }
0x126: {  	_ =	sdelay $0x2  }
0x127: {  	s30 =	sadd.s32 $0x200, s30;
	s29 =	sadd.s32 $0x80, s29;
	s28 =	sadd.s32 $0x800, s28;
	[tilespmem:s0+$0x80F0] =	vst v1  }
0x128: {  	s28 =	simm.s32 $0x0  }
0x129: {  	[hbm4b:s5+s28] =	stream.linear.scatter [tilespmem:s17], [sflag:$0x2], $0x2000, $0x38;
	[tilespmem:$0x18080] =	vst v63  }
0x12a: {  	_ = 	snop  }
0x12b: {  	[hbm4b:s6+s28] =	stream.linear.scatter [tilespmem:s18], [sflag:$0x2], $0x2000, $0x38;
	[tilespmem:$0x18080] =	vst v63  }
0x12c: {  	_ = 	snop  }
0x12d: {  	[hbm4b:s7+s28] =	stream.linear.scatter [tilespmem:s19], [sflag:$0x2], $0x2000, $0x38;
	[tilespmem:$0x18080] =	vst v63  }
0x12e: {  	_ = 	snop  }
0x12f: {  	[hbm4b:s8+s28] =	stream.linear.scatter [tilespmem:s20], [sflag:$0x2], $0x2000, $0x38;
	[tilespmem:$0x18080] =	vst v63  }
0x130: {  	v1 =	vld [tilespmem:$0x10];
	_ =	sdelay $0x4  }
0x131: {  	v1 =	vshll.u32 v1, $0xB  }
0x132: {  	v1 =	vperm.xlane v1, v0;
	_ =	sdelay $0x5  }
0x133: {  	[tilespmem:s15], [sflag:$0x1] =	stream.indirect_vreg.gather [hbm4b:s2+s28], $0x800, v1, vm0, $0x38;
	[tilespmem:$0x18080] =	vst v63  }
0x134: {  	_ =	swait.ge [sflag:s16], $0x8000  }
0x135: {  	[sflag:s16] =	ssyncset.done $0x0  }
0x136: {  	s29 =	simm.s32 $0x480;
	s30 =	simm.s32 $0x0;
	[sflag:s16] =	ssyncadd.s32 $0xFFFF8000  }
.LBB2_4:
0x137: {  	v1 =	vld [tilespmem:s29+$0xFFFFFC00];
	_ =	sdelay $0x2  }
0x138: {  	s0 =	sand.u32 $0x1000, s30;
	s1 =	sand.u32 $0x380, s28  }
0x139: {  	s0 =	sor.u32 s1, s0  }
0x13a: {  	[tilespmem:s0+$0x10080] =	vst v1  }
0x13b: {  	v1 =	vld [tilespmem:s29+$0xFFFFFC10];
	_ =	sdelay $0x3  }
0x13c: {  	s31 =	sadd.s32 $0x10080, s0  }
0x13d: {  	[tilespmem:s31+$0x10] =	vst v1  }
0x13e: {  	v1 =	vld [tilespmem:s29+$0xFFFFFC20];
	_ =	sdelay $0x4  }
0x13f: {  	[tilespmem:s31+$0x20] =	vst v1  }
0x140: {  	v1 =	vld [tilespmem:s29+$0xFFFFFC30];
	_ =	sdelay $0x4  }
0x141: {  	[tilespmem:s31+$0x30] =	vst v1  }
0x142: {  	v1 =	vld [tilespmem:s29+$0xFFFFFC40];
	_ =	sdelay $0x4  }
0x143: {  	[tilespmem:s31+$0x40] =	vst v1  }
0x144: {  	v1 =	vld [tilespmem:s29+$0xFFFFFC50];
	_ =	sdelay $0x4  }
0x145: {  	[tilespmem:s31+$0x50] =	vst v1  }
0x146: {  	v1 =	vld [tilespmem:s29+$0xFFFFFC60];
	_ =	sdelay $0x4  }
0x147: {  	[tilespmem:s31+$0x60] =	vst v1  }
0x148: {  	v1 =	vld [tilespmem:s29+$0xFFFFFC70];
	_ =	sdelay $0x4  }
0x149: {  	[tilespmem:s31+$0x70] =	vst v1  }
0x14a: {  	v1 =	vld [tilespmem:s29+$0xFFFFFE00];
	_ =	sdelay $0x4  }
0x14b: {  	[tilespmem:s31+$0x400] =	vst v1  }
0x14c: {  	v1 =	vld [tilespmem:s29+$0xFFFFFE10];
	_ =	sdelay $0x4  }
0x14d: {  	[tilespmem:s31+$0x410] =	vst v1  }
0x14e: {  	v1 =	vld [tilespmem:s29+$0xFFFFFE20];
	_ =	sdelay $0x4  }
0x14f: {  	[tilespmem:s31+$0x420] =	vst v1  }
0x150: {  	v1 =	vld [tilespmem:s29+$0xFFFFFE30];
	_ =	sdelay $0x4  }
0x151: {  	[tilespmem:s31+$0x430] =	vst v1  }
0x152: {  	v1 =	vld [tilespmem:s29+$0xFFFFFE40];
	_ =	sdelay $0x4  }
0x153: {  	[tilespmem:s31+$0x440] =	vst v1  }
0x154: {  	v1 =	vld [tilespmem:s29+$0xFFFFFE50];
	_ =	sdelay $0x4  }
0x155: {  	[tilespmem:s31+$0x450] =	vst v1  }
0x156: {  	v1 =	vld [tilespmem:s29+$0xFFFFFE60];
	_ =	sdelay $0x4  }
0x157: {  	[tilespmem:s31+$0x460] =	vst v1  }
0x158: {  	v1 =	vld [tilespmem:s29+$0xFFFFFE70];
	_ =	sdelay $0x4  }
0x159: {  	[tilespmem:s31+$0x470] =	vst v1  }
0x15a: {  	v1 =	vld [tilespmem:s29+$0x0];
	_ =	sdelay $0x4  }
0x15b: {  	[tilespmem:s31+$0x800] =	vst v1  }
0x15c: {  	v1 =	vld [tilespmem:s29+$0x10];
	_ =	sdelay $0x4  }
0x15d: {  	[tilespmem:s31+$0x810] =	vst v1  }
0x15e: {  	v1 =	vld [tilespmem:s29+$0x20];
	_ =	sdelay $0x4  }
0x15f: {  	[tilespmem:s31+$0x820] =	vst v1  }
0x160: {  	v1 =	vld [tilespmem:s29+$0x30];
	_ =	sdelay $0x4  }
0x161: {  	[tilespmem:s31+$0x830] =	vst v1  }
0x162: {  	v1 =	vld [tilespmem:s29+$0x40];
	_ =	sdelay $0x4  }
0x163: {  	[tilespmem:s31+$0x840] =	vst v1  }
0x164: {  	v1 =	vld [tilespmem:s29+$0x50];
	_ =	sdelay $0x4  }
0x165: {  	[tilespmem:s31+$0x850] =	vst v1  }
0x166: {  	v1 =	vld [tilespmem:s29+$0x60];
	_ =	sdelay $0x4  }
0x167: {  	[tilespmem:s31+$0x860] =	vst v1  }
0x168: {  	v1 =	vld [tilespmem:s29+$0x70];
	_ =	sdelay $0x4  }
0x169: {  	[tilespmem:s31+$0x870] =	vst v1  }
0x16a: {  	v1 =	vld [tilespmem:s29+$0x200];
	_ =	sdelay $0x4  }
0x16b: {  	[tilespmem:s31+$0xC00] =	vst v1  }
0x16c: {  	v1 =	vld [tilespmem:s29+$0x210];
	_ =	sdelay $0x4  }
0x16d: {  	[tilespmem:s31+$0xC10] =	vst v1  }
0x16e: {  	v1 =	vld [tilespmem:s29+$0x220];
	_ =	sdelay $0x4  }
0x16f: {  	[tilespmem:s31+$0xC20] =	vst v1  }
0x170: {  	v1 =	vld [tilespmem:s29+$0x230];
	_ =	sdelay $0x4  }
0x171: {  	[tilespmem:s31+$0xC30] =	vst v1  }
0x172: {  	v1 =	vld [tilespmem:s29+$0x240];
	_ =	sdelay $0x4  }
0x173: {  	[tilespmem:s31+$0xC40] =	vst v1  }
0x174: {  	v1 =	vld [tilespmem:s29+$0x250];
	_ =	sdelay $0x4  }
0x175: {  	[tilespmem:s31+$0xC50] =	vst v1  }
0x176: {  	v1 =	vld [tilespmem:s29+$0x260];
	_ =	sdelay $0x4  }
0x177: {  	[tilespmem:s31+$0xC60] =	vst v1  }
0x178: {  	v1 =	vld [tilespmem:s29+$0x270];
	_ =	sdelay $0x4  }
0x179: {  	[tilespmem:s31+$0xC70] =	vst v1  }
0x17a: {  	v1 =	vld [tilespmem:s29+$0xFFFFFC80];
	_ =	sdelay $0x4  }
0x17b: {  	[tilespmem:s31+$0x2000] =	vst v1  }
0x17c: {  	v1 =	vld [tilespmem:s29+$0xFFFFFC90];
	_ =	sdelay $0x4  }
0x17d: {  	[tilespmem:s31+$0x2010] =	vst v1  }
0x17e: {  	v1 =	vld [tilespmem:s29+$0xFFFFFCA0];
	_ =	sdelay $0x4  }
0x17f: {  	[tilespmem:s31+$0x2020] =	vst v1  }
0x180: {  	v1 =	vld [tilespmem:s29+$0xFFFFFCB0];
	_ =	sdelay $0x4  }
0x181: {  	[tilespmem:s31+$0x2030] =	vst v1  }
0x182: {  	v1 =	vld [tilespmem:s29+$0xFFFFFCC0];
	_ =	sdelay $0x4  }
0x183: {  	[tilespmem:s31+$0x2040] =	vst v1  }
0x184: {  	v1 =	vld [tilespmem:s29+$0xFFFFFCD0];
	_ =	sdelay $0x4  }
0x185: {  	[tilespmem:s31+$0x2050] =	vst v1  }
0x186: {  	v1 =	vld [tilespmem:s29+$0xFFFFFCE0];
	_ =	sdelay $0x4  }
0x187: {  	[tilespmem:s31+$0x2060] =	vst v1  }
0x188: {  	v1 =	vld [tilespmem:s29+$0xFFFFFCF0];
	_ =	sdelay $0x4  }
0x189: {  	[tilespmem:s31+$0x2070] =	vst v1  }
0x18a: {  	v1 =	vld [tilespmem:s29+$0xFFFFFE80];
	_ =	sdelay $0x1  }
0x18b: {  	s1 =	sand.u32 $0xFFFFF000, s30  }
0x18c: {  	s0 =	sadd.s32 s1, s28  }
0x18d: {  	s1 =	sor.u32 $0x2400, s0  }
0x18e: {  	[tilespmem:s1+$0x10080] =	vst v1  }
0x18f: {  	v1 =	vld [tilespmem:s29+$0xFFFFFE90];
	_ =	sdelay $0x4  }
0x190: {  	[tilespmem:s1+$0x10090] =	vst v1  }
0x191: {  	v1 =	vld [tilespmem:s29+$0xFFFFFEA0];
	_ =	sdelay $0x4  }
0x192: {  	[tilespmem:s1+$0x100A0] =	vst v1  }
0x193: {  	v1 =	vld [tilespmem:s29+$0xFFFFFEB0];
	_ =	sdelay $0x4  }
0x194: {  	[tilespmem:s1+$0x100B0] =	vst v1  }
0x195: {  	v1 =	vld [tilespmem:s29+$0xFFFFFEC0];
	_ =	sdelay $0x4  }
0x196: {  	[tilespmem:s1+$0x100C0] =	vst v1  }
0x197: {  	v1 =	vld [tilespmem:s29+$0xFFFFFED0];
	_ =	sdelay $0x4  }
0x198: {  	[tilespmem:s1+$0x100D0] =	vst v1  }
0x199: {  	v1 =	vld [tilespmem:s29+$0xFFFFFEE0];
	_ =	sdelay $0x4  }
0x19a: {  	[tilespmem:s1+$0x100E0] =	vst v1  }
0x19b: {  	v1 =	vld [tilespmem:s29+$0xFFFFFEF0];
	_ =	sdelay $0x4  }
0x19c: {  	[tilespmem:s1+$0x100F0] =	vst v1  }
0x19d: {  	v1 =	vld [tilespmem:s29+$0x80];
	_ =	sdelay $0x4  }
0x19e: {  	[tilespmem:s31+$0x2800] =	vst v1  }
0x19f: {  	v1 =	vld [tilespmem:s29+$0x90];
	_ =	sdelay $0x4  }
0x1a0: {  	[tilespmem:s31+$0x2810] =	vst v1  }
0x1a1: {  	v1 =	vld [tilespmem:s29+$0xA0];
	_ =	sdelay $0x4  }
0x1a2: {  	[tilespmem:s31+$0x2820] =	vst v1  }
0x1a3: {  	v1 =	vld [tilespmem:s29+$0xB0];
	_ =	sdelay $0x4  }
0x1a4: {  	[tilespmem:s31+$0x2830] =	vst v1  }
0x1a5: {  	v1 =	vld [tilespmem:s29+$0xC0];
	_ =	sdelay $0x4  }
0x1a6: {  	[tilespmem:s31+$0x2840] =	vst v1  }
0x1a7: {  	v1 =	vld [tilespmem:s29+$0xD0];
	_ =	sdelay $0x4  }
0x1a8: {  	[tilespmem:s31+$0x2850] =	vst v1  }
0x1a9: {  	v1 =	vld [tilespmem:s29+$0xE0];
	_ =	sdelay $0x4  }
0x1aa: {  	[tilespmem:s31+$0x2860] =	vst v1  }
0x1ab: {  	v1 =	vld [tilespmem:s29+$0xF0];
	_ =	sdelay $0x4  }
0x1ac: {  	[tilespmem:s31+$0x2870] =	vst v1  }
0x1ad: {  	v1 =	vld [tilespmem:s29+$0x280];
	_ =	sdelay $0x3  }
0x1ae: {  	s1 =	sor.u32 $0x2C00, s0  }
0x1af: {  	[tilespmem:s1+$0x10080] =	vst v1  }
0x1b0: {  	v1 =	vld [tilespmem:s29+$0x290];
	_ =	sdelay $0x4  }
0x1b1: {  	[tilespmem:s1+$0x10090] =	vst v1  }
0x1b2: {  	v1 =	vld [tilespmem:s29+$0x2A0];
	_ =	sdelay $0x4  }
0x1b3: {  	[tilespmem:s1+$0x100A0] =	vst v1  }
0x1b4: {  	v1 =	vld [tilespmem:s29+$0x2B0];
	_ =	sdelay $0x4  }
0x1b5: {  	[tilespmem:s1+$0x100B0] =	vst v1  }
0x1b6: {  	v1 =	vld [tilespmem:s29+$0x2C0];
	_ =	sdelay $0x4  }
0x1b7: {  	[tilespmem:s1+$0x100C0] =	vst v1  }
0x1b8: {  	v1 =	vld [tilespmem:s29+$0x2D0];
	_ =	sdelay $0x4  }
0x1b9: {  	[tilespmem:s1+$0x100D0] =	vst v1  }
0x1ba: {  	v1 =	vld [tilespmem:s29+$0x2E0];
	_ =	sdelay $0x4  }
0x1bb: {  	[tilespmem:s1+$0x100E0] =	vst v1  }
0x1bc: {  	v1 =	vld [tilespmem:s29+$0x2F0];
	_ =	sdelay $0x4  }
0x1bd: {  	[tilespmem:s1+$0x100F0] =	vst v1  }
0x1be: {  	v1 =	vld [tilespmem:s29+$0xFFFFFD00];
	_ =	sdelay $0x4  }
0x1bf: {  	[tilespmem:s31+$0x4000] =	vst v1  }
0x1c0: {  	v1 =	vld [tilespmem:s29+$0xFFFFFD10];
	_ =	sdelay $0x4  }
0x1c1: {  	[tilespmem:s31+$0x4010] =	vst v1  }
0x1c2: {  	v1 =	vld [tilespmem:s29+$0xFFFFFD20];
	_ =	sdelay $0x4  }
0x1c3: {  	[tilespmem:s31+$0x4020] =	vst v1  }
0x1c4: {  	v1 =	vld [tilespmem:s29+$0xFFFFFD30];
	_ =	sdelay $0x4  }
0x1c5: {  	[tilespmem:s31+$0x4030] =	vst v1  }
0x1c6: {  	v1 =	vld [tilespmem:s29+$0xFFFFFD40];
	_ =	sdelay $0x4  }
0x1c7: {  	[tilespmem:s31+$0x4040] =	vst v1  }
0x1c8: {  	v1 =	vld [tilespmem:s29+$0xFFFFFD50];
	_ =	sdelay $0x4  }
0x1c9: {  	[tilespmem:s31+$0x4050] =	vst v1  }
0x1ca: {  	v1 =	vld [tilespmem:s29+$0xFFFFFD60];
	_ =	sdelay $0x4  }
0x1cb: {  	[tilespmem:s31+$0x4060] =	vst v1  }
0x1cc: {  	v1 =	vld [tilespmem:s29+$0xFFFFFD70];
	_ =	sdelay $0x4  }
0x1cd: {  	[tilespmem:s31+$0x4070] =	vst v1  }
0x1ce: {  	v1 =	vld [tilespmem:s29+$0xFFFFFF00];
	_ =	sdelay $0x3  }
0x1cf: {  	s1 =	sor.u32 $0x4400, s0  }
0x1d0: {  	[tilespmem:s1+$0x10080] =	vst v1  }
0x1d1: {  	v1 =	vld [tilespmem:s29+$0xFFFFFF10];
	_ =	sdelay $0x4  }
0x1d2: {  	[tilespmem:s1+$0x10090] =	vst v1  }
0x1d3: {  	v1 =	vld [tilespmem:s29+$0xFFFFFF20];
	_ =	sdelay $0x4  }
0x1d4: {  	[tilespmem:s1+$0x100A0] =	vst v1  }
0x1d5: {  	v1 =	vld [tilespmem:s29+$0xFFFFFF30];
	_ =	sdelay $0x4  }
0x1d6: {  	[tilespmem:s1+$0x100B0] =	vst v1  }
0x1d7: {  	v1 =	vld [tilespmem:s29+$0xFFFFFF40];
	_ =	sdelay $0x4  }
0x1d8: {  	[tilespmem:s1+$0x100C0] =	vst v1  }
0x1d9: {  	v1 =	vld [tilespmem:s29+$0xFFFFFF50];
	_ =	sdelay $0x4  }
0x1da: {  	[tilespmem:s1+$0x100D0] =	vst v1  }
0x1db: {  	v1 =	vld [tilespmem:s29+$0xFFFFFF60];
	_ =	sdelay $0x4  }
0x1dc: {  	[tilespmem:s1+$0x100E0] =	vst v1  }
0x1dd: {  	v1 =	vld [tilespmem:s29+$0xFFFFFF70];
	_ =	sdelay $0x4  }
0x1de: {  	[tilespmem:s1+$0x100F0] =	vst v1  }
0x1df: {  	v1 =	vld [tilespmem:s29+$0x100];
	_ =	sdelay $0x4  }
0x1e0: {  	[tilespmem:s31+$0x4800] =	vst v1  }
0x1e1: {  	v1 =	vld [tilespmem:s29+$0x110];
	_ =	sdelay $0x4  }
0x1e2: {  	[tilespmem:s31+$0x4810] =	vst v1  }
0x1e3: {  	v1 =	vld [tilespmem:s29+$0x120];
	_ =	sdelay $0x4  }
0x1e4: {  	[tilespmem:s31+$0x4820] =	vst v1  }
0x1e5: {  	v1 =	vld [tilespmem:s29+$0x130];
	_ =	sdelay $0x4  }
0x1e6: {  	[tilespmem:s31+$0x4830] =	vst v1  }
0x1e7: {  	v1 =	vld [tilespmem:s29+$0x140];
	_ =	sdelay $0x4  }
0x1e8: {  	[tilespmem:s31+$0x4840] =	vst v1  }
0x1e9: {  	v1 =	vld [tilespmem:s29+$0x150];
	_ =	sdelay $0x4  }
0x1ea: {  	[tilespmem:s31+$0x4850] =	vst v1  }
0x1eb: {  	v1 =	vld [tilespmem:s29+$0x160];
	_ =	sdelay $0x4  }
0x1ec: {  	[tilespmem:s31+$0x4860] =	vst v1  }
0x1ed: {  	v1 =	vld [tilespmem:s29+$0x170];
	_ =	sdelay $0x4  }
0x1ee: {  	[tilespmem:s31+$0x4870] =	vst v1  }
0x1ef: {  	v1 =	vld [tilespmem:s29+$0x300];
	_ =	sdelay $0x3  }
0x1f0: {  	s1 =	sor.u32 $0x4C00, s0  }
0x1f1: {  	[tilespmem:s1+$0x10080] =	vst v1  }
0x1f2: {  	v1 =	vld [tilespmem:s29+$0x310];
	_ =	sdelay $0x4  }
0x1f3: {  	[tilespmem:s1+$0x10090] =	vst v1  }
0x1f4: {  	v1 =	vld [tilespmem:s29+$0x320];
	_ =	sdelay $0x4  }
0x1f5: {  	[tilespmem:s1+$0x100A0] =	vst v1  }
0x1f6: {  	v1 =	vld [tilespmem:s29+$0x330];
	_ =	sdelay $0x4  }
0x1f7: {  	[tilespmem:s1+$0x100B0] =	vst v1  }
0x1f8: {  	v1 =	vld [tilespmem:s29+$0x340];
	_ =	sdelay $0x4  }
0x1f9: {  	[tilespmem:s1+$0x100C0] =	vst v1  }
0x1fa: {  	v1 =	vld [tilespmem:s29+$0x350];
	_ =	sdelay $0x4  }
0x1fb: {  	[tilespmem:s1+$0x100D0] =	vst v1  }
0x1fc: {  	v1 =	vld [tilespmem:s29+$0x360];
	_ =	sdelay $0x4  }
0x1fd: {  	[tilespmem:s1+$0x100E0] =	vst v1  }
0x1fe: {  	v1 =	vld [tilespmem:s29+$0x370];
	_ =	sdelay $0x4  }
0x1ff: {  	[tilespmem:s1+$0x100F0] =	vst v1  }
0x200: {  	v1 =	vld [tilespmem:s29+$0xFFFFFD80];
	_ =	sdelay $0x4  }
0x201: {  	[tilespmem:s31+$0x6000] =	vst v1  }
0x202: {  	v1 =	vld [tilespmem:s29+$0xFFFFFD90];
	_ =	sdelay $0x4  }
0x203: {  	[tilespmem:s31+$0x6010] =	vst v1  }
0x204: {  	v1 =	vld [tilespmem:s29+$0xFFFFFDA0];
	_ =	sdelay $0x4  }
0x205: {  	[tilespmem:s31+$0x6020] =	vst v1  }
0x206: {  	v1 =	vld [tilespmem:s29+$0xFFFFFDB0];
	_ =	sdelay $0x4  }
0x207: {  	[tilespmem:s31+$0x6030] =	vst v1  }
0x208: {  	v1 =	vld [tilespmem:s29+$0xFFFFFDC0];
	_ =	sdelay $0x4  }
0x209: {  	[tilespmem:s31+$0x6040] =	vst v1  }
0x20a: {  	v1 =	vld [tilespmem:s29+$0xFFFFFDD0];
	_ =	sdelay $0x4  }
0x20b: {  	[tilespmem:s31+$0x6050] =	vst v1  }
0x20c: {  	v1 =	vld [tilespmem:s29+$0xFFFFFDE0];
	_ =	sdelay $0x4  }
0x20d: {  	[tilespmem:s31+$0x6060] =	vst v1  }
0x20e: {  	v1 =	vld [tilespmem:s29+$0xFFFFFDF0];
	_ =	sdelay $0x4  }
0x20f: {  	[tilespmem:s31+$0x6070] =	vst v1  }
0x210: {  	v1 =	vld [tilespmem:s29+$0xFFFFFF80];
	_ =	sdelay $0x3  }
0x211: {  	s1 =	sor.u32 $0x6400, s0  }
0x212: {  	[tilespmem:s1+$0x10080] =	vst v1  }
0x213: {  	v1 =	vld [tilespmem:s29+$0xFFFFFF90];
	_ =	sdelay $0x4  }
0x214: {  	[tilespmem:s1+$0x10090] =	vst v1  }
0x215: {  	v1 =	vld [tilespmem:s29+$0xFFFFFFA0];
	_ =	sdelay $0x4  }
0x216: {  	[tilespmem:s1+$0x100A0] =	vst v1  }
0x217: {  	v1 =	vld [tilespmem:s29+$0xFFFFFFB0];
	_ =	sdelay $0x4  }
0x218: {  	[tilespmem:s1+$0x100B0] =	vst v1  }
0x219: {  	v1 =	vld [tilespmem:s29+$0xFFFFFFC0];
	_ =	sdelay $0x4  }
0x21a: {  	[tilespmem:s1+$0x100C0] =	vst v1  }
0x21b: {  	v1 =	vld [tilespmem:s29+$0xFFFFFFD0];
	_ =	sdelay $0x4  }
0x21c: {  	[tilespmem:s1+$0x100D0] =	vst v1  }
0x21d: {  	v1 =	vld [tilespmem:s29+$0xFFFFFFE0];
	_ =	sdelay $0x4  }
0x21e: {  	[tilespmem:s1+$0x100E0] =	vst v1  }
0x21f: {  	v1 =	vld [tilespmem:s29+$0xFFFFFFF0];
	_ =	sdelay $0x4  }
0x220: {  	[tilespmem:s1+$0x100F0] =	vst v1  }
0x221: {  	v1 =	vld [tilespmem:s29+$0x180];
	_ =	sdelay $0x4  }
0x222: {  	[tilespmem:s31+$0x6800] =	vst v1  }
0x223: {  	v1 =	vld [tilespmem:s29+$0x190];
	_ =	sdelay $0x4  }
0x224: {  	[tilespmem:s31+$0x6810] =	vst v1  }
0x225: {  	v1 =	vld [tilespmem:s29+$0x1A0];
	_ =	sdelay $0x4  }
0x226: {  	[tilespmem:s31+$0x6820] =	vst v1  }
0x227: {  	v1 =	vld [tilespmem:s29+$0x1B0];
	_ =	sdelay $0x4  }
0x228: {  	[tilespmem:s31+$0x6830] =	vst v1  }
0x229: {  	v1 =	vld [tilespmem:s29+$0x1C0];
	_ =	sdelay $0x4  }
0x22a: {  	[tilespmem:s31+$0x6840] =	vst v1  }
0x22b: {  	v1 =	vld [tilespmem:s29+$0x1D0];
	_ =	sdelay $0x4  }
0x22c: {  	[tilespmem:s31+$0x6850] =	vst v1  }
0x22d: {  	v1 =	vld [tilespmem:s29+$0x1E0];
	_ =	sdelay $0x4  }
0x22e: {  	[tilespmem:s31+$0x6860] =	vst v1  }
0x22f: {  	v1 =	vld [tilespmem:s29+$0x1F0];
	_ =	sdelay $0x4  }
0x230: {  	[tilespmem:s31+$0x6870] =	vst v1  }
0x231: {  	v1 =	vld [tilespmem:s29+$0x380];
	_ =	sdelay $0x3  }
0x232: {  	s0 =	sor.u32 $0x6C00, s0  }
0x233: {  	[tilespmem:s0+$0x10080] =	vst v1  }
0x234: {  	v1 =	vld [tilespmem:s29+$0x390];
	_ =	sdelay $0x4  }
0x235: {  	[tilespmem:s0+$0x10090] =	vst v1  }
0x236: {  	v1 =	vld [tilespmem:s29+$0x3A0];
	_ =	sdelay $0x4  }
0x237: {  	[tilespmem:s0+$0x100A0] =	vst v1  }
0x238: {  	v1 =	vld [tilespmem:s29+$0x3B0];
	_ =	sdelay $0x4  }
0x239: {  	[tilespmem:s0+$0x100B0] =	vst v1  }
0x23a: {  	v1 =	vld [tilespmem:s29+$0x3C0];
	_ =	sdelay $0x4  }
0x23b: {  	[tilespmem:s0+$0x100C0] =	vst v1  }
0x23c: {  	v1 =	vld [tilespmem:s29+$0x3D0];
	_ =	sdelay $0x4  }
0x23d: {  	[tilespmem:s0+$0x100D0] =	vst v1  }
0x23e: {  	v1 =	vld [tilespmem:s29+$0x3E0];
	_ =	sdelay $0x4  }
0x23f: {  	[tilespmem:s0+$0x100E0] =	vst v1  }
0x240: {  	p0 =	sne.s32 s30, $0x1E00;
	v1 =	vld [tilespmem:s29+$0x3F0]  }
.Ltmp1:
0x241: {  	_ = 	snop;
	(pc) =	sbr.rel @p0 .LBB2_4-.Ltmp1, $2  }
0x242: {  	_ =	sdelay $0x2  }
0x243: {  	s30 =	sadd.s32 $0x200, s30;
	s28 =	sadd.s32 $0x80, s28;
	s29 =	sadd.s32 $0x800, s29;
	[tilespmem:s0+$0x100F0] =	vst v1  }
0x244: {  	[hbm4b:s9+s3] =	stream.linear.scatter [tilespmem:s21], [sflag:$0x2], $0x2000, $0x38;
	[tilespmem:$0x18080] =	vst v63  }
0x245: {  	_ = 	snop  }
0x246: {  	[hbm4b:s10+s3] =	stream.linear.scatter [tilespmem:s22], [sflag:$0x2], $0x2000, $0x38;
	[tilespmem:$0x18080] =	vst v63  }
0x247: {  	_ = 	snop  }
0x248: {  	[hbm4b:s11+s3] =	stream.linear.scatter [tilespmem:s23], [sflag:$0x2], $0x2000, $0x38;
	[tilespmem:$0x18080] =	vst v63  }
0x249: {  	_ = 	snop  }
0x24a: {  	[hbm4b:s12+s3] =	stream.linear.scatter [tilespmem:s24], [sflag:$0x2], $0x2000, $0x38;
	[tilespmem:$0x18080] =	vst v63  }
0x24b: {  	_ =	swait.ge [sflag:s25], $0x2000  }
0x24c: {  	[sflag:s25] =	ssyncset.done $0x0  }
0x24d: {  	[sflag:s25] =	ssyncadd.s32 $0xFFFFE000  }
0x24e: {  	_ =	swait.ge [sflag:s25], $0x2000  }
0x24f: {  	[sflag:s25] =	ssyncset.done $0x0  }
0x250: {  	[sflag:s25] =	ssyncadd.s32 $0xFFFFE000  }
0x251: {  	_ =	swait.ge [sflag:s25], $0x2000  }
0x252: {  	[sflag:s25] =	ssyncset.done $0x0  }
0x253: {  	[sflag:s25] =	ssyncadd.s32 $0xFFFFE000  }
0x254: {  	_ =	swait.ge [sflag:s25], $0x2000  }
0x255: {  	[sflag:s25] =	ssyncset.done $0x0  }
0x256: {  	[sflag:s25] =	ssyncadd.s32 $0xFFFFE000  }
0x257: {  	_ =	swait.ge [sflag:s25], $0x2000  }
0x258: {  	[sflag:s25] =	ssyncset.done $0x0  }
0x259: {  	[sflag:s25] =	ssyncadd.s32 $0xFFFFE000  }
0x25a: {  	_ =	swait.ge [sflag:s25], $0x2000  }
0x25b: {  	[sflag:s25] =	ssyncset.done $0x0  }
0x25c: {  	s26 =	sadd.s32 $0x1, s26;
	[sflag:s25] =	ssyncadd.s32 $0xFFFFE000  }
0x25d: {  	p0 =	sne.s32 s26, s13;
	_ =	swait.ge [sflag:s25], $0x2000  }
.Ltmp2:
0x25e: {  	[sflag:s25] =	ssyncset.done $0x0;
	(pc) =	sbr.rel @p0 .LBB2_1-.Ltmp2, $4  }
0x25f: {  	[sflag:s25] =	ssyncadd.s32 $0xFFFFE000  }
0x260: {  	_ =	swait.ge [sflag:s25], $0x2000  }
0x261: {  	[sflag:s25] =	ssyncset.done $0x0  }
0x262: {  	[sflag:s25] =	ssyncadd.s32 $0xFFFFE000  }
0x263: {  	_ =	sfence.sel $0x180000  }
0x264: {  	[bflag:$0x0] =	sbarrier.arrive $0xFFFF  }
0x265: {  	_ =	strace $0x90000047  }
0x266: {  	s0 =	stileid.u32;
	[bflag:$0x2] =	sbarrier.arrive $0xFFFF  }
0x267: {  	p0 =	sne.s32 s0, $0x0;
	s0 =	rddreg [dreg:$0x3]  }
0x268: {  	s0 =	sadd.s32 @!p0 $0x100000, s0  }
0x269: {  	[sflag:s0] =	ssyncadd.tile.s32 @!p0 $0x1;
	_ =	shalt  }
.Lfunc_end2:
_tile_overlayer_lowered:
.L_overlay_start_2:
0x26a: {  	(tag) =	ssettag $0x2  }
0x26b: {  	s0 =	rddreg [dreg:$0x0];
	s2 =	stileid.u32  }
0x26c: {  	s1 =	rddreg [dreg:$0x1];
	p0 =	sne.s32 s2, $0x0  }
0x26d: {  	s3 =	rddreg [dreg:$0x2];
	[bflag:$0x3] =	sbarrier.arrive $0xFFFF;
	s2 =	simm.s32 @!p0 $0x1C03  }
0x26e: {  	[timem:s3], [sflag:s2] =	dma.local @!p0 [hbm:s0], s1  }
0x26f: {  	s0 =	simm.s32 @!p0 $0x3  }
0x270: {  	_ =	swait.ge @!p0 [sflag:s0], s1  }
0x271: {  	s1 =	ssub.s32 @!p0 $0x0, s1;
	[sflag:s0] =	ssyncset.done @!p0 $0x0  }
0x272: {  	[sflag:s0] =	ssyncadd.s32 @!p0 s1  }
0x273: {  	[bflag:$0x3] =	sbarrier.arrive $0xFFFF  }
0x274: {  	_ =	shalt  }

</sc_bundles>
